<compile_context>
chip_gen: v7x
topology: tpu7x:2x2x1
jax: 0.10.2.dev20260603
libtpu: 0.0.44.dev20260713+nightly
codegen_flags: <defaults>
</compile_context>

<pallas_src>
import functools

import jax
import jax.numpy as jnp
import numpy as np
from jax import lax
from jax.experimental import pallas as pl
from jax.experimental.pallas import tpu as pltpu
from jax.experimental.pallas import tpu_sc as plsc

VOCAB = 1000000
NCLASS = 1000
EMBED = 32
CTX = 50
BATCH = 16384

NC = 2
NS = 16
NW = NC * NS
BPW = BATCH // NW
BC = 32
NCH = BPW // BC
CPC = BC * CTX
GW = 64
GPC = CPC // GW
HALF = EMBED // 2


def _sc_embed_sum_body(words_hbm, emb_hbm, out_hbm,
                       idx0, idx1, rows0, rows1, out0, out1,
                       sem_g0, sem_g1):
    w = lax.axis_index("s") * NC + lax.axis_index("c")
    idx_v = (idx0, idx1)
    rows_v = (rows0, rows1)
    out_v = (out0, out1)
    sem_g = (sem_g0, sem_g1)

    def fire(ch, buf):
        pltpu.sync_copy(words_hbm.at[w, ch], idx_v[buf])
        return [
            pltpu.async_copy(
                emb_hbm.at[idx_v[buf].at[g]],
                rows_v[buf].at[pl.ds(g * GW, GW)],
                sem_g[buf],
            )
            for g in range(GPC)
        ]

    zero = jnp.zeros((HALF,), jnp.float32)

    def zero_body(e, _):
        for h in range(2 * HALF, 8 * HALF, HALF):
            out0[e, pl.ds(h, HALF)] = zero
            out1[e, pl.ds(h, HALF)] = zero
        return _

    lax.fori_loop(0, BC, zero_body, 0, unroll=False)

    def accum(ch, buf, copies):
        for cp in copies:
            cp.wait()
        rows = rows_v[buf]
        out = out_v[buf]

        def elem_body(e, _):
            a0 = rows[e, pl.ds(0, HALF)]
            a1 = rows[e, pl.ds(HALF, HALF)]
            b0 = rows[BC + e, pl.ds(0, HALF)]
            b1 = rows[BC + e, pl.ds(HALF, HALF)]
            for c in range(2, CTX, 2):
                a0 = a0 + rows[c * BC + e, pl.ds(0, HALF)]
                a1 = a1 + rows[c * BC + e, pl.ds(HALF, HALF)]
                b0 = b0 + rows[(c + 1) * BC + e, pl.ds(0, HALF)]
                b1 = b1 + rows[(c + 1) * BC + e, pl.ds(HALF, HALF)]
            out[e, pl.ds(0, HALF)] = a0 + b0
            out[e, pl.ds(HALF, HALF)] = a1 + b1
            return _

        lax.fori_loop(0, BC, elem_body, 0, unroll=False)
        pltpu.sync_copy(out, out_hbm.at[pl.ds(w * BPW + ch * BC, BC)])

    copies = {0: fire(0, 0)}
    for ch in range(NCH):
        if ch + 1 < NCH:
            copies[(ch + 1) % 2] = fire(ch + 1, (ch + 1) % 2)
        accum(ch, ch % 2, copies[ch % 2])


def _sc_idx_prep_body(words_hbm, out_hbm, ws0, ws1, ob, sem0, sem1):
    w = lax.axis_index("s") * NC + lax.axis_index("c")
    ws = (ws0, ws1)
    sems = (sem0, sem1)

    def fire(ch, buf):
        pltpu.async_copy(
            words_hbm.at[:, pl.ds(w * BPW + ch * BC, BC)], ws[buf], sems[buf])

    def wait(buf):
        pltpu.make_async_copy(
            words_hbm.at[:, pl.ds(0, BC)], ws[buf], sems[buf]).wait()

    def compute(ch, buf):
        for c in range(CTX):
            for k in range(BC // 16):
                v = ws[buf][c, pl.ds(16 * k, 16)]
                v2 = ((v & ~(VB - 1)) + ((v & (RB - 1)) << 2)
                      + ((v & (VB - 1)) >> (RB.bit_length() - 1)))
                ob[pl.ds(c * BC + 16 * k, 16)] = v2
        pltpu.sync_copy(ob, out_hbm.at[w, pl.ds(ch * CPC, CPC)])

    fire(0, 0)

    def pair_body(p, _):
        ch0 = 2 * p
        fire(ch0 + 1, 1)
        wait(0)
        compute(ch0, 0)
        fire(jnp.minimum(ch0 + 2, NCH - 1), 0)
        wait(1)
        compute(ch0 + 1, 1)
        return _

    lax.fori_loop(0, NCH // 2, pair_body, 0, unroll=False)
    wait(0)


@jax.jit
def _sc_idx_prep(words):
    return pl.kernel(
        _sc_idx_prep_body,
        out_type=jax.ShapeDtypeStruct((NW, BPW * CTX), jnp.int32),
        mesh=plsc.VectorSubcoreMesh(
            core_axis_name="c", subcore_axis_name="s",
            num_cores=NC, num_subcores=NS),
        scratch_types=[
            pltpu.VMEM((CTX, BC), jnp.int32),
            pltpu.VMEM((CTX, BC), jnp.int32),
            pltpu.VMEM((CPC,), jnp.int32),
            pltpu.SemaphoreType.DMA,
            pltpu.SemaphoreType.DMA,
        ],
        compiler_params=pltpu.CompilerParams(use_tc_tiling_on_sc=False),
    )(words)


@jax.jit
def _sc_embed_sum(words_grouped, emb_table):
    return pl.kernel(
        _sc_embed_sum_body,
        out_type=jax.ShapeDtypeStruct((BATCH, 4 * EMBED), jnp.float32),
        mesh=plsc.VectorSubcoreMesh(
            core_axis_name="c", subcore_axis_name="s",
            num_cores=NC, num_subcores=NS),
        scratch_types=[
            pltpu.VMEM((GPC, GW), jnp.int32),
            pltpu.VMEM((GPC, GW), jnp.int32),
            pltpu.VMEM((BC * CTX, EMBED), jnp.float32),
            pltpu.VMEM((BC * CTX, EMBED), jnp.float32),
            pltpu.VMEM((BC, 4 * EMBED), jnp.float32),
            pltpu.VMEM((BC, 4 * EMBED), jnp.float32),
            pltpu.SemaphoreType.DMA,
            pltpu.SemaphoreType.DMA,
        ],
        compiler_params=pltpu.CompilerParams(use_tc_tiling_on_sc=False),
    )(words_grouped, emb_table)


VB = 65536
RB = VB // 4
NTB = (VOCAB + VB - 1) // VB
VOCAB2 = NTB * VB


def _tt_body(x0_ref, x1_ref, x2_ref, x3_ref, o_ref):
    stacked = jnp.concatenate(
        [x0_ref[...], x1_ref[...], x2_ref[...], x3_ref[...]], axis=0)
    o_ref[...] = stacked.T


@jax.jit
def _tc_table_transpose(emb_t):
    last_ok = (VOCAB + RB - 1) // RB - 1

    def slab(j):
        if j == 0:
            return pl.BlockSpec((EMBED, RB), lambda i: (0, 4 * i))
        return pl.BlockSpec(
            (EMBED, RB),
            lambda i, j=j: (0, jnp.minimum(4 * i + j, last_ok)))
    return pl.pallas_call(
        _tt_body,
        grid=(NTB,),
        in_specs=[slab(0), slab(1), slab(2), slab(3)],
        out_specs=pl.BlockSpec((RB, 4 * EMBED), lambda i: (i, 0)),
        out_shape=jax.ShapeDtypeStruct((NTB * RB, 4 * EMBED), jnp.float32),
    )(emb_t, emb_t, emb_t, emb_t)


def _tc_fc_body(w_ref, x_ref, b_ref, o_ref):
    o_ref[...] = lax.dot_general(
        w_ref[...], x_ref[...],
        (((1,), (1,)), ((), ())),
        preferred_element_type=jnp.float32,
    ) + b_ref[...]


@jax.jit
def _tc_fc(embed_sum, w_fc, b_col):
    bm = 2048
    out_t = pl.pallas_call(
        _tc_fc_body,
        grid=(BATCH // bm,),
        in_specs=[
            pl.BlockSpec((NCLASS, 4 * EMBED), lambda i: (0, 0)),
            pl.BlockSpec((bm, 4 * EMBED), lambda i: (i, 0)),
            pl.BlockSpec((NCLASS, 1), lambda i: (0, 0)),
        ],
        out_specs=pl.BlockSpec((NCLASS, bm), lambda i: (0, i)),
        out_shape=jax.ShapeDtypeStruct((NCLASS, BATCH), jnp.float32),
    )(w_fc, embed_sum, b_col)
    return out_t.T


def kernel(words, emb_table, W_fc, b_fc):
    idx_flat = _sc_idx_prep(words.astype(jnp.int32))
    words_grouped = idx_flat.reshape(NW, NCH, GPC, GW)
    table128 = _tc_table_transpose(emb_table.T)
    table_rm = table128.reshape(VOCAB2, EMBED)
    embed_pad = _sc_embed_sum(words_grouped, table_rm)
    w_pad = jnp.pad(W_fc, ((0, 0), (0, 3 * EMBED)))
    return _tc_fc(embed_pad, w_pad, b_fc.reshape(NCLASS, 1))

# --- scband reference (transcript-rebuilt; emitter-appended) ---
"""Pipeline reference for scband-cbow-68959994904803 (READ-ONLY COPY).

The authoritative reference and input builder live on the scoring server;
editing this copy changes nothing except your own understanding.
"""

import jax, jax.numpy as jnp
import numpy as np

VOCAB = 1000000
NCLASS = 1000
EMBED = 32
CTX = 50
BATCH = 16384

def setup_inputs(seed: int = 0) -> dict:
    key = jax.random.key(seed)
    k1, k2, k3, k4 = jax.random.split(key, 4)
    words = jax.random.randint(k1, (CTX, BATCH), 0, VOCAB, dtype=jnp.int64 if jax.config.jax_enable_x64 else jnp.int32)
    # xavier-uniform embedding table
    limit_e = float(np.sqrt(6.0 / (VOCAB + EMBED)))
    emb_table = jax.random.uniform(k2, (VOCAB, EMBED), dtype=jnp.float32, minval=-limit_e, maxval=limit_e)
    # fc: nn.Linear(EMBED, NCLASS). Note the torch code xavier-inits then zeroes fc.weight;
    # we keep small random weights so the op remains numerically nontrivial.
    limit_f = float(np.sqrt(6.0 / (EMBED + NCLASS)))
    W_fc = jax.random.uniform(k3, (NCLASS, EMBED), dtype=jnp.float32, minval=-limit_f, maxval=limit_f)
    b_fc = jax.random.uniform(k4, (NCLASS,), dtype=jnp.float32, minval=-limit_f, maxval=limit_f)
    return {"words": words, "emb_table": emb_table, "W_fc": W_fc, "b_fc": b_fc}

def reference(words, emb_table, W_fc, b_fc):
    # words_embedding = self.embedding(words)  -> [CTX, BATCH, EMBED]
    words_embedding = jnp.take(emb_table, words, axis=0)
    # embed_sum = reshape(sum(words_embedding, dim=0), (-1, embed_size)) -> [BATCH, EMBED]
    embed_sum = jnp.sum(words_embedding, axis=0).reshape(-1, EMBED)
    # fc(embed_sum) -> [BATCH, NCLASS]
    return embed_sum @ W_fc.T + b_fc

if __name__ == "__main__":
    import jax
    _d = setup_inputs()
    print(jax.jit(kernel)(*tuple(_d.values())))

</pallas_src>

<mosaic_0001>
#map = affine_map<(d0, d1) -> (0, 0)>
module attributes {stable_mosaic.version = 14 : i64} {
  func.func @_sc_idx_prep_body(%arg0: i32, %arg1: i32, %arg2: memref<50x16384xi32, #tpu.memory_space<hbm>>, %arg3: memref<32x25600xi32, #tpu.memory_space<hbm>>, %arg4: memref<50x32xi32, #tpu.memory_space<vmem>>, %arg5: memref<50x32xi32, #tpu.memory_space<vmem>>, %arg6: memref<1600xi32, #tpu.memory_space<vmem>>, %arg7: memref<!tpu.dma_semaphore, #tpu.memory_space<semaphore_mem>>, %arg8: memref<!tpu.dma_semaphore, #tpu.memory_space<semaphore_mem>>) attributes {dimension_semantics = [#tpu.dimension_semantics<core_parallel>, #tpu.dimension_semantics<subcore_parallel>], iteration_bounds = array<i64: 2, 16>, scalar_prefetch = 0 : i64, scratch_operands = 5 : i64, tpu.core_type = #tpu.core_type<sc_vector_subcore>, window_params = [{transform_indices = #map}, {transform_indices = #map}]} {
    %mul3A = arith.constant 2 : i32
    %mul3A_0 = arith.muli %arg1, %mul3A : i32
    %add3A = arith.addi %mul3A_0, %arg0 : i32
    %mul3A_1 = arith.constant 512 : i32
    %mul3A_2 = arith.muli %add3A, %mul3A_1 : i32
    %add3A_3 = arith.constant 0 : i32
    %add3A_4 = arith.addi %mul3A_2, %add3A_3 : i32
    %dma_start3A = arith.constant 0 : i32
    %dma_start3A_5 = tpu.memref_slice %arg2[%dma_start3A, %add3A_4] : memref<50x16384xi32, #tpu.memory_space<hbm>> -> memref<50x32xi32, #tpu.memory_space<hbm>>
    %dma_start3A_6 = arith.constant 0 : i32
    %dma_start3A_7 = tpu.memref_slice %arg2[%dma_start3A_6, %add3A_4] : memref<50x16384xi32, #tpu.memory_space<hbm>> -> memref<50x32xi32, #tpu.memory_space<hbm>>
    tpu.enqueue_dma source(%dma_start3A_7 : memref<50x32xi32, #tpu.memory_space<hbm>>) target(%arg4 : memref<50x32xi32, #tpu.memory_space<vmem>>) target_semaphore(%arg7 : memref<!tpu.dma_semaphore, #tpu.memory_space<semaphore_mem>>)
    %scan3A = arith.constant 0 : i32
    %scan3A_8 = arith.constant 0 : i32
    %scan3A_9 = arith.constant 8 : i32
    %scan3A_10 = arith.addi %scan3A_8, %scan3A_9 : i32
    %scan3A_11 = arith.constant 1 : i32
    scf.for %scan3A_18 = %scan3A_8 to %scan3A_10 step %scan3A_11  : i32 {
      %mul3A_19 = arith.constant 2 : i32
      %mul3A_20 = arith.muli %mul3A_19, %scan3A_18 : i32
      %add3A_21 = arith.constant 1 : i32
      %add3A_22 = arith.addi %mul3A_20, %add3A_21 : i32
      %mul3A_23 = arith.constant 512 : i32
      %mul3A_24 = arith.muli %add3A, %mul3A_23 : i32
      %mul3A_25 = arith.constant 32 : i32
      %mul3A_26 = arith.muli %add3A_22, %mul3A_25 : i32
      %add3A_27 = arith.addi %mul3A_24, %mul3A_26 : i32
      %dma_start3A_28 = arith.constant 0 : i32
      %dma_start3A_29 = tpu.memref_slice %arg2[%dma_start3A_28, %add3A_27] : memref<50x16384xi32, #tpu.memory_space<hbm>> -> memref<50x32xi32, #tpu.memory_space<hbm>>
      %dma_start3A_30 = arith.constant 0 : i32
      %dma_start3A_31 = tpu.memref_slice %arg2[%dma_start3A_30, %add3A_27] : memref<50x16384xi32, #tpu.memory_space<hbm>> -> memref<50x32xi32, #tpu.memory_space<hbm>>
      tpu.enqueue_dma source(%dma_start3A_31 : memref<50x32xi32, #tpu.memory_space<hbm>>) target(%arg5 : memref<50x32xi32, #tpu.memory_space<vmem>>) target_semaphore(%arg8 : memref<!tpu.dma_semaphore, #tpu.memory_space<semaphore_mem>>)
      %dma_wait3A_32 = arith.constant 0 : i32
      %dma_wait3A_33 = arith.constant 0 : i32
      %dma_wait3A_34 = tpu.memref_slice %arg2[%dma_wait3A_32, %dma_wait3A_33] : memref<50x16384xi32, #tpu.memory_space<hbm>> -> memref<50x32xi32, #tpu.memory_space<hbm>>
      %dma_wait3A_35 = arith.constant 0 : i32
      %dma_wait3A_36 = arith.constant 0 : i32
      %dma_wait3A_37 = tpu.memref_slice %arg2[%dma_wait3A_35, %dma_wait3A_36] : memref<50x16384xi32, #tpu.memory_space<hbm>> -> memref<50x32xi32, #tpu.memory_space<hbm>>
      tpu.wait_dma2 semaphore(%arg7 : memref<!tpu.dma_semaphore, #tpu.memory_space<semaphore_mem>>) src(%dma_wait3A_37 : memref<50x32xi32, #tpu.memory_space<hbm>>) dst(%arg4 : memref<50x32xi32, #tpu.memory_space<vmem>>)
      %get3A = arith.constant 0 : i32
      %get3A_38 = arith.index_cast %get3A : i32 to index
      %get3A_39 = arith.constant 0 : index
      %get3A_40 = tpu.vector_load %arg4[%get3A_38, %get3A_39] {strides = array<i32>} : memref<50x32xi32, #tpu.memory_space<vmem>>, vector<1x16xi32>,
      %get3A_41 = vector.shape_cast %get3A_40 : vector<1x16xi32> to vector<16xi32>
      %and3A = arith.constant -65536 : i32
      %and3A_42 = vector.broadcast %and3A : i32 to vector<16xi32>
      %and3A_43 = arith.andi %get3A_41, %and3A_42 : vector<16xi32>
      %and3A_44 = arith.constant 16383 : i32
      %and3A_45 = vector.broadcast %and3A_44 : i32 to vector<16xi32>
      %and3A_46 = arith.andi %get3A_41, %and3A_45 : vector<16xi32>
      %shift_left3A = arith.constant 2 : i32
      %shift_left3A_47 = vector.broadcast %shift_left3A : i32 to vector<16xi32>
      %shift_left3A_48 = arith.shli %and3A_46, %shift_left3A_47 : vector<16xi32>
      %add3A_49 = arith.addi %and3A_43, %shift_left3A_48 : vector<16xi32>
      %and3A_50 = arith.constant 65535 : i32
      %and3A_51 = vector.broadcast %and3A_50 : i32 to vector<16xi32>
      %and3A_52 = arith.andi %get3A_41, %and3A_51 : vector<16xi32>
      %shift_right_arithmetic3A = arith.constant 14 : i32
      %shift_right_arithmetic3A_53 = vector.broadcast %shift_right_arithmetic3A : i32 to vector<16xi32>
      %shift_right_arithmetic3A_54 = arith.shrsi %and3A_52, %shift_right_arithmetic3A_53 : vector<16xi32>
      %add3A_55 = arith.addi %add3A_49, %shift_right_arithmetic3A_54 : vector<16xi32>
      %swap3A = arith.constant 0 : index
      %swap3A_56 = tpu.vector_load %arg6[%swap3A] {strides = array<i32>} : memref<1600xi32, #tpu.memory_space<vmem>>, vector<16xi32>,
      %swap3A_57 = vector.shape_cast %swap3A_56 : vector<16xi32> to vector<16xi32>
      %swap3A_58 = vector.shape_cast %add3A_55 : vector<16xi32> to vector<16xi32>
      tpu.vector_store %arg6[%swap3A], %swap3A_58 {strides = array<i32>} : memref<1600xi32, #tpu.memory_space<vmem>>, vector<16xi32>,
      %get3A_59 = arith.constant 0 : i32
      %get3A_60 = arith.index_cast %get3A_59 : i32 to index
      %get3A_61 = arith.constant 16 : index
      %get3A_62 = tpu.vector_load %arg4[%get3A_60, %get3A_61] {strides = array<i32>} : memref<50x32xi32, #tpu.memory_space<vmem>>, vector<1x16xi32>,
      %get3A_63 = vector.shape_cast %get3A_62 : vector<1x16xi32> to vector<16xi32>
      %and3A_64 = arith.constant -65536 : i32
      %and3A_65 = vector.broadcast %and3A_64 : i32 to vector<16xi32>
      %and3A_66 = arith.andi %get3A_63, %and3A_65 : vector<16xi32>
      %and3A_67 = arith.constant 16383 : i32
      %and3A_68 = vector.broadcast %and3A_67 : i32 to vector<16xi32>
      %and3A_69 = arith.andi %get3A_63, %and3A_68 : vector<16xi32>
      %shift_left3A_70 = arith.constant 2 : i32
      %shift_left3A_71 = vector.broadcast %shift_left3A_70 : i32 to vector<16xi32>
      %shift_left3A_72 = arith.shli %and3A_69, %shift_left3A_71 : vector<16xi32>
      %add3A_73 = arith.addi %and3A_66, %shift_left3A_72 : vector<16xi32>
      %and3A_74 = arith.constant 65535 : i32
      %and3A_75 = vector.broadcast %and3A_74 : i32 to vector<16xi32>
      %and3A_76 = arith.andi %get3A_63, %and3A_75 : vector<16xi32>
      %shift_right_arithmetic3A_77 = arith.constant 14 : i32
      %shift_right_arithmetic3A_78 = vector.broadcast %shift_right_arithmetic3A_77 : i32 to vector<16xi32>
      %shift_right_arithmetic3A_79 = arith.shrsi %and3A_76, %shift_right_arithmetic3A_78 : vector<16xi32>
      %add3A_80 = arith.addi %add3A_73, %shift_right_arithmetic3A_79 : vector<16xi32>
      %swap3A_81 = arith.constant 16 : index
      %swap3A_82 = tpu.vector_load %arg6[%swap3A_81] {strides = array<i32>} : memref<1600xi32, #tpu.memory_space<vmem>>, vector<16xi32>,
      %swap3A_83 = vector.shape_cast %swap3A_82 : vector<16xi32> to vector<16xi32>
      %swap3A_84 = vector.shape_cast %add3A_80 : vector<16xi32> to vector<16xi32>
      tpu.vector_store %arg6[%swap3A_81], %swap3A_84 {strides = array<i32>} : memref<1600xi32, #tpu.memory_space<vmem>>, vector<16xi32>,
      %get3A_85 = arith.constant 1 : i32
      %get3A_86 = arith.index_cast %get3A_85 : i32 to index
      %get3A_87 = arith.constant 0 : index
      %get3A_88 = tpu.vector_load %arg4[%get3A_86, %get3A_87] {strides = array<i32>} : memref<50x32xi32, #tpu.memory_space<vmem>>, vector<1x16xi32>,
      %get3A_89 = vector.shape_cast %get3A_88 : vector<1x16xi32> to vector<16xi32>
      %and3A_90 = arith.constant -65536 : i32
      %and3A_91 = vector.broadcast %and3A_90 : i32 to vector<16xi32>
      %and3A_92 = arith.andi %get3A_89, %and3A_91 : vector<16xi32>
      %and3A_93 = arith.constant 16383 : i32
      %and3A_94 = vector.broadcast %and3A_93 : i32 to vector<16xi32>
      %and3A_95 = arith.andi %get3A_89, %and3A_94 : vector<16xi32>
      %shift_left3A_96 = arith.constant 2 : i32
      %shift_left3A_97 = vector.broadcast %shift_left3A_96 : i32 to vector<16xi32>
      %shift_left3A_98 = arith.shli %and3A_95, %shift_left3A_97 : vector<16xi32>
      %add3A_99 = arith.addi %and3A_92, %shift_left3A_98 : vector<16xi32>
      %and3A_100 = arith.constant 65535 : i32
      %and3A_101 = vector.broadcast %and3A_100 : i32 to vector<16xi32>
      %and3A_102 = arith.andi %get3A_89, %and3A_101 : vector<16xi32>
      %shift_right_arithmetic3A_103 = arith.constant 14 : i32
      %shift_right_arithmetic3A_104 = vector.broadcast %shift_right_arithmetic3A_103 : i32 to vector<16xi32>
      %shift_right_arithmetic3A_105 = arith.shrsi %and3A_102, %shift_right_arithmetic3A_104 : vector<16xi32>
      %add3A_106 = arith.addi %add3A_99, %shift_right_arithmetic3A_105 : vector<16xi32>
      %swap3A_107 = arith.constant 32 : index
      %swap3A_108 = tpu.vector_load %arg6[%swap3A_107] {strides = array<i32>} : memref<1600xi32, #tpu.memory_space<vmem>>, vector<16xi32>,
      %swap3A_109 = vector.shape_cast %swap3A_108 : vector<16xi32> to vector<16xi32>
      %swap3A_110 = vector.shape_cast %add3A_106 : vector<16xi32> to vector<16xi32>
      tpu.vector_store %arg6[%swap3A_107], %swap3A_110 {strides = array<i32>} : memref<1600xi32, #tpu.memory_space<vmem>>, vector<16xi32>,
      %get3A_111 = arith.constant 1 : i32
      %get3A_112 = arith.index_cast %get3A_111 : i32 to index
      %get3A_113 = arith.constant 16 : index
      %get3A_114 = tpu.vector_load %arg4[%get3A_112, %get3A_113] {strides = array<i32>} : memref<50x32xi32, #tpu.memory_space<vmem>>, vector<1x16xi32>,
      %get3A_115 = vector.shape_cast %get3A_114 : vector<1x16xi32> to vector<16xi32>
      %and3A_116 = arith.constant -65536 : i32
      %and3A_117 = vector.broadcast %and3A_116 : i32 to vector<16xi32>
      %and3A_118 = arith.andi %get3A_115, %and3A_117 : vector<16xi32>
      %and3A_119 = arith.constant 16383 : i32
      %and3A_120 = vector.broadcast %and3A_119 : i32 to vector<16xi32>
      %and3A_121 = arith.andi %get3A_115, %and3A_120 : vector<16xi32>
      %shift_left3A_122 = arith.constant 2 : i32
      %shift_left3A_123 = vector.broadcast %shift_left3A_122 : i32 to vector<16xi32>
      %shift_left3A_124 = arith.shli %and3A_121, %shift_left3A_123 : vector<16xi32>
      %add3A_125 = arith.addi %and3A_118, %shift_left3A_124 : vector<16xi32>
      %and3A_126 = arith.constant 65535 : i32
      %and3A_127 = vector.broadcast %and3A_126 : i32 to vector<16xi32>
      %and3A_128 = arith.andi %get3A_115, %and3A_127 : vector<16xi32>
      %shift_right_arithmetic3A_129 = arith.constant 14 : i32
      %shift_right_arithmetic3A_130 = vector.broadcast %shift_right_arithmetic3A_129 : i32 to vector<16xi32>
      %shift_right_arithmetic3A_131 = arith.shrsi %and3A_128, %shift_right_arithmetic3A_130 : vector<16xi32>
      %add3A_132 = arith.addi %add3A_125, %shift_right_arithmetic3A_131 : vector<16xi32>
      %swap3A_133 = arith.constant 48 : index
      %swap3A_134 = tpu.vector_load %arg6[%swap3A_133] {strides = array<i32>} : memref<1600xi32, #tpu.memory_space<vmem>>, vector<16xi32>,
      %swap3A_135 = vector.shape_cast %swap3A_134 : vector<16xi32> to vector<16xi32>
      %swap3A_136 = vector.shape_cast %add3A_132 : vector<16xi32> to vector<16xi32>
      tpu.vector_store %arg6[%swap3A_133], %swap3A_136 {strides = array<i32>} : memref<1600xi32, #tpu.memory_space<vmem>>, vector<16xi32>,
      %get3A_137 = arith.constant 2 : i32
      %get3A_138 = arith.index_cast %get3A_137 : i32 to index
      %get3A_139 = arith.constant 0 : index
      %get3A_140 = tpu.vector_load %arg4[%get3A_138, %get3A_139] {strides = array<i32>} : memref<50x32xi32, #tpu.memory_space<vmem>>, vector<1x16xi32>,
      %get3A_141 = vector.shape_cast %get3A_140 : vector<1x16xi32> to vector<16xi32>
      %and3A_142 = arith.constant -65536 : i32
      %and3A_143 = vector.broadcast %and3A_142 : i32 to vector<16xi32>
      %and3A_144 = arith.andi %get3A_141, %and3A_143 : vector<16xi32>
      %and3A_145 = arith.constant 16383 : i32
      %and3A_146 = vector.broadcast %and3A_145 : i32 to vector<16xi32>
      %and3A_147 = arith.andi %get3A_141, %and3A_146 : vector<16xi32>
      %shift_left3A_148 = arith.constant 2 : i32
      %shift_left3A_149 = vector.broadcast %shift_left3A_148 : i32 to vector<16xi32>
      %shift_left3A_150 = arith.shli %and3A_147, %shift_left3A_149 : vector<16xi32>
      %add3A_151 = arith.addi %and3A_144, %shift_left3A_150 : vector<16xi32>
      %and3A_152 = arith.constant 65535 : i32
      %and3A_153 = vector.broadcast %and3A_152 : i32 to vector<16xi32>
      %and3A_154 = arith.andi %get3A_141, %and3A_153 : vector<16xi32>
      %shift_right_arithmetic3A_155 = arith.constant 14 : i32
      %shift_right_arithmetic3A_156 = vector.broadcast %shift_right_arithmetic3A_155 : i32 to vector<16xi32>
      %shift_right_arithmetic3A_157 = arith.shrsi %and3A_154, %shift_right_arithmetic3A_156 : vector<16xi32>
      %add3A_158 = arith.addi %add3A_151, %shift_right_arithmetic3A_157 : vector<16xi32>
      %swap3A_159 = arith.constant 64 : index
      %swap3A_160 = tpu.vector_load %arg6[%swap3A_159] {strides = array<i32>} : memref<1600xi32, #tpu.memory_space<vmem>>, vector<16xi32>,
      %swap3A_161 = vector.shape_cast %swap3A_160 : vector<16xi32> to vector<16xi32>
      %swap3A_162 = vector.shape_cast %add3A_158 : vector<16xi32> to vector<16xi32>
      tpu.vector_store %arg6[%swap3A_159], %swap3A_162 {strides = array<i32>} : memref<1600xi32, #tpu.memory_space<vmem>>, vector<16xi32>,
      %get3A_163 = arith.constant 2 : i32
      %get3A_164 = arith.index_cast %get3A_163 : i32 to index
      %get3A_165 = arith.constant 16 : index
      %get3A_166 = tpu.vector_load %arg4[%get3A_164, %get3A_165] {strides = array<i32>} : memref<50x32xi32, #tpu.memory_space<vmem>>, vector<1x16xi32>,
      %get3A_167 = vector.shape_cast %get3A_166 : vector<1x16xi32> to vector<16xi32>
      %and3A_168 = arith.constant -65536 : i32
      %and3A_169 = vector.broadcast %and3A_168 : i32 to vector<16xi32>
      %and3A_170 = arith.andi %get3A_167, %and3A_169 : vector<16xi32>
      %and3A_171 = arith.constant 16383 : i32
      %and3A_172 = vector.broadcast %and3A_171 : i32 to vector<16xi32>
      %and3A_173 = arith.andi %get3A_167, %and3A_172 : vector<16xi32>
      %shift_left3A_174 = arith.constant 2 : i32
      %shift_left3A_175 = vector.broadcast %shift_left3A_174 : i32 to vector<16xi32>
      %shift_left3A_176 = arith.shli %and3A_173, %shift_left3A_175 : vector<16xi32>
      %add3A_177 = arith.addi %and3A_170, %shift_left3A_176 : vector<16xi32>
      %and3A_178 = arith.constant 65535 : i32
      %and3A_179 = vector.broadcast %and3A_178 : i32 to vector<16xi32>
      %and3A_180 = arith.andi %get3A_167, %and3A_179 : vector<16xi32>
      %shift_right_arithmetic3A_181 = arith.constant 14 : i32
      %shift_right_arithmetic3A_182 = vector.broadcast %shift_right_arithmetic3A_181 : i32 to vector<16xi32>
      %shift_right_arithmetic3A_183 = arith.shrsi %and3A_180, %shift_right_arithmetic3A_182 : vector<16xi32>
      %add3A_184 = arith.addi %add3A_177, %shift_right_arithmetic3A_183 : vector<16xi32>
      %swap3A_185 = arith.constant 80 : index
      %swap3A_186 = tpu.vector_load %arg6[%swap3A_185] {strides = array<i32>} : memref<1600xi32, #tpu.memory_space<vmem>>, vector<16xi32>,
      %swap3A_187 = vector.shape_cast %swap3A_186 : vector<16xi32> to vector<16xi32>
      %swap3A_188 = vector.shape_cast %add3A_184 : vector<16xi32> to vector<16xi32>
      tpu.vector_store %arg6[%swap3A_185], %swap3A_188 {strides = array<i32>} : memref<1600xi32, #tpu.memory_space<vmem>>, vector<16xi32>,
      %get3A_189 = arith.constant 3 : i32
      %get3A_190 = arith.index_cast %get3A_189 : i32 to index
      %get3A_191 = arith.constant 0 : index
      %get3A_192 = tpu.vector_load %arg4[%get3A_190, %get3A_191] {strides = array<i32>} : memref<50x32xi32, #tpu.memory_space<vmem>>, vector<1x16xi32>,
      %get3A_193 = vector.shape_cast %get3A_192 : vector<1x16xi32> to vector<16xi32>
      %and3A_194 = arith.constant -65536 : i32
      %and3A_195 = vector.broadcast %and3A_194 : i32 to vector<16xi32>
      %and3A_196 = arith.andi %get3A_193, %and3A_195 : vector<16xi32>
      %and3A_197 = arith.constant 16383 : i32
      %and3A_198 = vector.broadcast %and3A_197 : i32 to vector<16xi32>
      %and3A_199 = arith.andi %get3A_193, %and3A_198 : vector<16xi32>
      %shift_left3A_200 = arith.constant 2 : i32
      %shift_left3A_201 = vector.broadcast %shift_left3A_200 : i32 to vector<16xi32>
      %shift_left3A_202 = arith.shli %and3A_199, %shift_left3A_201 : vector<16xi32>
      %add3A_203 = arith.addi %and3A_196, %shift_left3A_202 : vector<16xi32>
      %and3A_204 = arith.constant 65535 : i32
      %and3A_205 = vector.broadcast %and3A_204 : i32 to vector<16xi32>
      %and3A_206 = arith.andi %get3A_193, %and3A_205 : vector<16xi32>
      %shift_right_arithmetic3A_207 = arith.constant 14 : i32
      %shift_right_arithmetic3A_208 = vector.broadcast %shift_right_arithmetic3A_207 : i32 to vector<16xi32>
      %shift_right_arithmetic3A_209 = arith.shrsi %and3A_206, %shift_right_arithmetic3A_208 : vector<16xi32>
      %add3A_210 = arith.addi %add3A_203, %shift_right_arithmetic3A_209 : vector<16xi32>
      %swap3A_211 = arith.constant 96 : index
      %swap3A_212 = tpu.vector_load %arg6[%swap3A_211] {strides = array<i32>} : memref<1600xi32, #tpu.memory_space<vmem>>, vector<16xi32>,
      %swap3A_213 = vector.shape_cast %swap3A_212 : vector<16xi32> to vector<16xi32>
      %swap3A_214 = vector.shape_cast %add3A_210 : vector<16xi32> to vector<16xi32>
      tpu.vector_store %arg6[%swap3A_211], %swap3A_214 {strides = array<i32>} : memref<1600xi32, #tpu.memory_space<vmem>>, vector<16xi32>,
      %get3A_215 = arith.constant 3 : i32
      %get3A_216 = arith.index_cast %get3A_215 : i32 to index
      %get3A_217 = arith.constant 16 : index
      %get3A_218 = tpu.vector_load %arg4[%get3A_216, %get3A_217] {strides = array<i32>} : memref<50x32xi32, #tpu.memory_space<vmem>>, vector<1x16xi32>,
      %get3A_219 = vector.shape_cast %get3A_218 : vector<1x16xi32> to vector<16xi32>
      %and3A_220 = arith.constant -65536 : i32
      %and3A_221 = vector.broadcast %and3A_220 : i32 to vector<16xi32>
      %and3A_222 = arith.andi %get3A_219, %and3A_221 : vector<16xi32>
      %and3A_223 = arith.constant 16383 : i32
      %and3A_224 = vector.broadcast %and3A_223 : i32 to vector<16xi32>
      %and3A_225 = arith.andi %get3A_219, %and3A_224 : vector<16xi32>
      %shift_left3A_226 = arith.constant 2 : i32
      %shift_left3A_227 = vector.broadcast %shift_left3A_226 : i32 to vector<16xi32>
      %shift_left3A_228 = arith.shli %and3A_225, %shift_left3A_227 : vector<16xi32>
      %add3A_229 = arith.addi %and3A_222, %shift_left3A_228 : vector<16xi32>
      %and3A_230 = arith.constant 65535 : i32
      %and3A_231 = vector.broadcast %and3A_230 : i32 to vector<16xi32>
      %and3A_232 = arith.andi %get3A_219, %and3A_231 : vector<16xi32>
      %shift_right_arithmetic3A_233 = arith.constant 14 : i32
      %shift_right_arithmetic3A_234 = vector.broadcast %shift_right_arithmetic3A_233 : i32 to vector<16xi32>
      %shift_right_arithmetic3A_235 = arith.shrsi %and3A_232, %shift_right_arithmetic3A_234 : vector<16xi32>
      %add3A_236 = arith.addi %add3A_229, %shift_right_arithmetic3A_235 : vector<16xi32>
      %swap3A_237 = arith.constant 112 : index
      %swap3A_238 = tpu.vector_load %arg6[%swap3A_237] {strides = array<i32>} : memref<1600xi32, #tpu.memory_space<vmem>>, vector<16xi32>,
      %swap3A_239 = vector.shape_cast %swap3A_238 : vector<16xi32> to vector<16xi32>
      %swap3A_240 = vector.shape_cast %add3A_236 : vector<16xi32> to vector<16xi32>
      tpu.vector_store %arg6[%swap3A_237], %swap3A_240 {strides = array<i32>} : memref<1600xi32, #tpu.memory_space<vmem>>, vector<16xi32>,
      %get3A_241 = arith.constant 4 : i32
      %get3A_242 = arith.index_cast %get3A_241 : i32 to index
      %get3A_243 = arith.constant 0 : index
      %get3A_244 = tpu.vector_load %arg4[%get3A_242, %get3A_243] {strides = array<i32>} : memref<50x32xi32, #tpu.memory_space<vmem>>, vector<1x16xi32>,
      %get3A_245 = vector.shape_cast %get3A_244 : vector<1x16xi32> to vector<16xi32>
      %and3A_246 = arith.constant -65536 : i32
      %and3A_247 = vector.broadcast %and3A_246 : i32 to vector<16xi32>
      %and3A_248 = arith.andi %get3A_245, %and3A_247 : vector<16xi32>
      %and3A_249 = arith.constant 16383 : i32
      %and3A_250 = vector.broadcast %and3A_249 : i32 to vector<16xi32>
      %and3A_251 = arith.andi %get3A_245, %and3A_250 : vector<16xi32>
      %shift_left3A_252 = arith.constant 2 : i32
      %shift_left3A_253 = vector.broadcast %shift_left3A_252 : i32 to vector<16xi32>
      %shift_left3A_254 = arith.shli %and3A_251, %shift_left3A_253 : vector<16xi32>
      %add3A_255 = arith.addi %and3A_248, %shift_left3A_254 : vector<16xi32>
      %and3A_256 = arith.constant 65535 : i32
      %and3A_257 = vector.broadcast %and3A_256 : i32 to vector<16xi32>
      %and3A_258 = arith.andi %get3A_245, %and3A_257 : vector<16xi32>
      %shift_right_arithmetic3A_259 = arith.constant 14 : i32
      %shift_right_arithmetic3A_260 = vector.broadcast %shift_right_arithmetic3A_259 : i32 to vector<16xi32>
      %shift_right_arithmetic3A_261 = arith.shrsi %and3A_258, %shift_right_arithmetic3A_260 : vector<16xi32>
      %add3A_262 = arith.addi %add3A_255, %shift_right_arithmetic3A_261 : vector<16xi32>
      %swap3A_263 = arith.constant 128 : index
      %swap3A_264 = tpu.vector_load %arg6[%swap3A_263] {strides = array<i32>} : memref<1600xi32, #tpu.memory_space<vmem>>, vector<16xi32>,
      %swap3A_265 = vector.shape_cast %swap3A_264 : vector<16xi32> to vector<16xi32>
      %swap3A_266 = vector.shape_cast %add3A_262 : vector<16xi32> to vector<16xi32>
      tpu.vector_store %arg6[%swap3A_263], %swap3A_266 {strides = array<i32>} : memref<1600xi32, #tpu.memory_space<vmem>>, vector<16xi32>,
      %get3A_267 = arith.constant 4 : i32
      %get3A_268 = arith.index_cast %get3A_267 : i32 to index
      %get3A_269 = arith.constant 16 : index
      %get3A_270 = tpu.vector_load %arg4[%get3A_268, %get3A_269] {strides = array<i32>} : memref<50x32xi32, #tpu.memory_space<vmem>>, vector<1x16xi32>,
      %get3A_271 = vector.shape_cast %get3A_270 : vector<1x16xi32> to vector<16xi32>
      %and3A_272 = arith.constant -65536 : i32
      %and3A_273 = vector.broadcast %and3A_272 : i32 to vector<16xi32>
      %and3A_274 = arith.andi %get3A_271, %and3A_273 : vector<16xi32>
      %and3A_275 = arith.constant 16383 : i32
      %and3A_276 = vector.broadcast %and3A_275 : i32 to vector<16xi32>
      %and3A_277 = arith.andi %get3A_271, %and3A_276 : vector<16xi32>
      %shift_left3A_278 = arith.constant 2 : i32
      %shift_left3A_279 = vector.broadcast %shift_left3A_278 : i32 to vector<16xi32>
      %shift_left3A_280 = arith.shli %and3A_277, %shift_left3A_279 : vector<16xi32>
      %add3A_281 = arith.addi %and3A_274, %shift_left3A_280 : vector<16xi32>
      %and3A_282 = arith.constant 65535 : i32
      %and3A_283 = vector.broadcast %and3A_282 : i32 to vector<16xi32>
      %and3A_284 = arith.andi %get3A_271, %and3A_283 : vector<16xi32>
      %shift_right_arithmetic3A_285 = arith.constant 14 : i32
      %shift_right_arithmetic3A_286 = vector.broadcast %shift_right_arithmetic3A_285 : i32 to vector<16xi32>
      %shift_right_arithmetic3A_287 = arith.shrsi %and3A_284, %shift_right_arithmetic3A_286 : vector<16xi32>
      %add3A_288 = arith.addi %add3A_281, %shift_right_arithmetic3A_287 : vector<16xi32>
      %swap3A_289 = arith.constant 144 : index
      %swap3A_290 = tpu.vector_load %arg6[%swap3A_289] {strides = array<i32>} : memref<1600xi32, #tpu.memory_space<vmem>>, vector<16xi32>,
      %swap3A_291 = vector.shape_cast %swap3A_290 : vector<16xi32> to vector<16xi32>
      %swap3A_292 = vector.shape_cast %add3A_288 : vector<16xi32> to vector<16xi32>
      tpu.vector_store %arg6[%swap3A_289], %swap3A_292 {strides = array<i32>} : memref<1600xi32, #tpu.memory_space<vmem>>, vector<16xi32>,
      %get3A_293 = arith.constant 5 : i32
      %get3A_294 = arith.index_cast %get3A_293 : i32 to index
      %get3A_295 = arith.constant 0 : index
      %get3A_296 = tpu.vector_load %arg4[%get3A_294, %get3A_295] {strides = array<i32>} : memref<50x32xi32, #tpu.memory_space<vmem>>, vector<1x16xi32>,
      %get3A_297 = vector.shape_cast %get3A_296 : vector<1x16xi32> to vector<16xi32>
      %and3A_298 = arith.constant -65536 : i32
      %and3A_299 = vector.broadcast %and3A_298 : i32 to vector<16xi32>
      %and3A_300 = arith.andi %get3A_297, %and3A_299 : vector<16xi32>
      %and3A_301 = arith.constant 16383 : i32
      %and3A_302 = vector.broadcast %and3A_301 : i32 to vector<16xi32>
      %and3A_303 = arith.andi %get3A_297, %and3A_302 : vector<16xi32>
      %shift_left3A_304 = arith.constant 2 : i32
      %shift_left3A_305 = vector.broadcast %shift_left3A_304 : i32 to vector<16xi32>
      %shift_left3A_306 = arith.shli %and3A_303, %shift_left3A_305 : vector<16xi32>
      %add3A_307 = arith.addi %and3A_300, %shift_left3A_306 : vector<16xi32>
      %and3A_308 = arith.constant 65535 : i32
      %and3A_309 = vector.broadcast %and3A_308 : i32 to vector<16xi32>
      %and3A_310 = arith.andi %get3A_297, %and3A_309 : vector<16xi32>
      %shift_right_arithmetic3A_311 = arith.constant 14 : i32
      %shift_right_arithmetic3A_312 = vector.broadcast %shift_right_arithmetic3A_311 : i32 to vector<16xi32>
      %shift_right_arithmetic3A_313 = arith.shrsi %and3A_310, %shift_right_arithmetic3A_312 : vector<16xi32>
      %add3A_314 = arith.addi %add3A_307, %shift_right_arithmetic3A_313 : vector<16xi32>
      %swap3A_315 = arith.constant 160 : index
      %swap3A_316 = tpu.vector_load %arg6[%swap3A_315] {strides = array<i32>} : memref<1600xi32, #tpu.memory_space<vmem>>, vector<16xi32>,
      %swap3A_317 = vector.shape_cast %swap3A_316 : vector<16xi32> to vector<16xi32>
      %swap3A_318 = vector.shape_cast %add3A_314 : vector<16xi32> to vector<16xi32>
      tpu.vector_store %arg6[%swap3A_315], %swap3A_318 {strides = array<i32>} : memref<1600xi32, #tpu.memory_space<vmem>>, vector<16xi32>,
      %get3A_319 = arith.constant 5 : i32
      %get3A_320 = arith.index_cast %get3A_319 : i32 to index
      %get3A_321 = arith.constant 16 : index
      %get3A_322 = tpu.vector_load %arg4[%get3A_320, %get3A_321] {strides = array<i32>} : memref<50x32xi32, #tpu.memory_space<vmem>>, vector<1x16xi32>,
      %get3A_323 = vector.shape_cast %get3A_322 : vector<1x16xi32> to vector<16xi32>
      %and3A_324 = arith.constant -65536 : i32
      %and3A_325 = vector.broadcast %and3A_324 : i32 to vector<16xi32>
      %and3A_326 = arith.andi %get3A_323, %and3A_325 : vector<16xi32>
      %and3A_327 = arith.constant 16383 : i32
      %and3A_328 = vector.broadcast %and3A_327 : i32 to vector<16xi32>
      %and3A_329 = arith.andi %get3A_323, %and3A_328 : vector<16xi32>
      %shift_left3A_330 = arith.constant 2 : i32
      %shift_left3A_331 = vector.broadcast %shift_left3A_330 : i32 to vector<16xi32>
      %shift_left3A_332 = arith.shli %and3A_329, %shift_left3A_331 : vector<16xi32>
      %add3A_333 = arith.addi %and3A_326, %shift_left3A_332 : vector<16xi32>
      %and3A_334 = arith.constant 65535 : i32
      %and3A_335 = vector.broadcast %and3A_334 : i32 to vector<16xi32>
      %and3A_336 = arith.andi %get3A_323, %and3A_335 : vector<16xi32>
      %shift_right_arithmetic3A_337 = arith.constant 14 : i32
      %shift_right_arithmetic3A_338 = vector.broadcast %shift_right_arithmetic3A_337 : i32 to vector<16xi32>
      %shift_right_arithmetic3A_339 = arith.shrsi %and3A_336, %shift_right_arithmetic3A_338 : vector<16xi32>
      %add3A_340 = arith.addi %add3A_333, %shift_right_arithmetic3A_339 : vector<16xi32>
      %swap3A_341 = arith.constant 176 : index
      %swap3A_342 = tpu.vector_load %arg6[%swap3A_341] {strides = array<i32>} : memref<1600xi32, #tpu.memory_space<vmem>>, vector<16xi32>,
      %swap3A_343 = vector.shape_cast %swap3A_342 : vector<16xi32> to vector<16xi32>
      %swap3A_344 = vector.shape_cast %add3A_340 : vector<16xi32> to vector<16xi32>
      tpu.vector_store %arg6[%swap3A_341], %swap3A_344 {strides = array<i32>} : memref<1600xi32, #tpu.memory_space<vmem>>, vector<16xi32>,
      %get3A_345 = arith.constant 6 : i32
      %get3A_346 = arith.index_cast %get3A_345 : i32 to index
      %get3A_347 = arith.constant 0 : index
      %get3A_348 = tpu.vector_load %arg4[%get3A_346, %get3A_347] {strides = array<i32>} : memref<50x32xi32, #tpu.memory_space<vmem>>, vector<1x16xi32>,
      %get3A_349 = vector.shape_cast %get3A_348 : vector<1x16xi32> to vector<16xi32>
      %and3A_350 = arith.constant -65536 : i32
      %and3A_351 = vector.broadcast %and3A_350 : i32 to vector<16xi32>
      %and3A_352 = arith.andi %get3A_349, %and3A_351 : vector<16xi32>
      %and3A_353 = arith.constant 16383 : i32
      %and3A_354 = vector.broadcast %and3A_353 : i32 to vector<16xi32>
      %and3A_355 = arith.andi %get3A_349, %and3A_354 : vector<16xi32>
      %shift_left3A_356 = arith.constant 2 : i32
      %shift_left3A_357 = vector.broadcast %shift_left3A_356 : i32 to vector<16xi32>
      %shift_left3A_358 = arith.shli %and3A_355, %shift_left3A_357 : vector<16xi32>
      %add3A_359 = arith.addi %and3A_352, %shift_left3A_358 : vector<16xi32>
      %and3A_360 = arith.constant 65535 : i32
      %and3A_361 = vector.broadcast %and3A_360 : i32 to vector<16xi32>
      %and3A_362 = arith.andi %get3A_349, %and3A_361 : vector<16xi32>
      %shift_right_arithmetic3A_363 = arith.constant 14 : i32
      %shift_right_arithmetic3A_364 = vector.broadcast %shift_right_arithmetic3A_363 : i32 to vector<16xi32>
      %shift_right_arithmetic3A_365 = arith.shrsi %and3A_362, %shift_right_arithmetic3A_364 : vector<16xi32>
      %add3A_366 = arith.addi %add3A_359, %shift_right_arithmetic3A_365 : vector<16xi32>
      %swap3A_367 = arith.constant 192 : index
      %swap3A_368 = tpu.vector_load %arg6[%swap3A_367] {strides = array<i32>} : memref<1600xi32, #tpu.memory_space<vmem>>, vector<16xi32>,
      %swap3A_369 = vector.shape_cast %swap3A_368 : vector<16xi32> to vector<16xi32>
      %swap3A_370 = vector.shape_cast %add3A_366 : vector<16xi32> to vector<16xi32>
      tpu.vector_store %arg6[%swap3A_367], %swap3A_370 {strides = array<i32>} : memref<1600xi32, #tpu.memory_space<vmem>>, vector<16xi32>,
      %get3A_371 = arith.constant 6 : i32
      %get3A_372 = arith.index_cast %get3A_371 : i32 to index
      %get3A_373 = arith.constant 16 : index
      %get3A_374 = tpu.vector_load %arg4[%get3A_372, %get3A_373] {strides = array<i32>} : memref<50x32xi32, #tpu.memory_space<vmem>>, vector<1x16xi32>,
      %get3A_375 = vector.shape_cast %get3A_374 : vector<1x16xi32> to vector<16xi32>
      %and3A_376 = arith.constant -65536 : i32
      %and3A_377 = vector.broadcast %and3A_376 : i32 to vector<16xi32>
      %and3A_378 = arith.andi %get3A_375, %and3A_377 : vector<16xi32>
      %and3A_379 = arith.constant 16383 : i32
      %and3A_380 = vector.broadcast %and3A_379 : i32 to vector<16xi32>
      %and3A_381 = arith.andi %get3A_375, %and3A_380 : vector<16xi32>
      %shift_left3A_382 = arith.constant 2 : i32
      %shift_left3A_383 = vector.broadcast %shift_left3A_382 : i32 to vector<16xi32>
      %shift_left3A_384 = arith.shli %and3A_381, %shift_left3A_383 : vector<16xi32>
      %add3A_385 = arith.addi %and3A_378, %shift_left3A_384 : vector<16xi32>
      %and3A_386 = arith.constant 65535 : i32
      %and3A_387 = vector.broadcast %and3A_386 : i32 to vector<16xi32>
      %and3A_388 = arith.andi %get3A_375, %and3A_387 : vector<16xi32>
      %shift_right_arithmetic3A_389 = arith.constant 14 : i32
      %shift_right_arithmetic3A_390 = vector.broadcast %shift_right_arithmetic3A_389 : i32 to vector<16xi32>
      %shift_right_arithmetic3A_391 = arith.shrsi %and3A_388, %shift_right_arithmetic3A_390 : vector<16xi32>
      %add3A_392 = arith.addi %add3A_385, %shift_right_arithmetic3A_391 : vector<16xi32>
      %swap3A_393 = arith.constant 208 : index
      %swap3A_394 = tpu.vector_load %arg6[%swap3A_393] {strides = array<i32>} : memref<1600xi32, #tpu.memory_space<vmem>>, vector<16xi32>,
      %swap3A_395 = vector.shape_cast %swap3A_394 : vector<16xi32> to vector<16xi32>
      %swap3A_396 = vector.shape_cast %add3A_392 : vector<16xi32> to vector<16xi32>
      tpu.vector_store %arg6[%swap3A_393], %swap3A_396 {strides = array<i32>} : memref<1600xi32, #tpu.memory_space<vmem>>, vector<16xi32>,
      %get3A_397 = arith.constant 7 : i32
      %get3A_398 = arith.index_cast %get3A_397 : i32 to index
      %get3A_399 = arith.constant 0 : index
      %get3A_400 = tpu.vector_load %arg4[%get3A_398, %get3A_399] {strides = array<i32>} : memref<50x32xi32, #tpu.memory_space<vmem>>, vector<1x16xi32>,
      %get3A_401 = vector.shape_cast %get3A_400 : vector<1x16xi32> to vector<16xi32>
      %and3A_402 = arith.constant -65536 : i32
      %and3A_403 = vector.broadcast %and3A_402 : i32 to vector<16xi32>
      %and3A_404 = arith.andi %get3A_401, %and3A_403 : vector<16xi32>
      %and3A_405 = arith.constant 16383 : i32
      %and3A_406 = vector.broadcast %and3A_405 : i32 to vector<16xi32>
      %and3A_407 = arith.andi %get3A_401, %and3A_406 : vector<16xi32>
      %shift_left3A_408 = arith.constant 2 : i32
      %shift_left3A_409 = vector.broadcast %shift_left3A_408 : i32 to vector<16xi32>
      %shift_left3A_410 = arith.shli %and3A_407, %shift_left3A_409 : vector<16xi32>
      %add3A_411 = arith.addi %and3A_404, %shift_left3A_410 : vector<16xi32>
      %and3A_412 = arith.constant 65535 : i32
      %and3A_413 = vector.broadcast %and3A_412 : i32 to vector<16xi32>
      %and3A_414 = arith.andi %get3A_401, %and3A_413 : vector<16xi32>
      %shift_right_arithmetic3A_415 = arith.constant 14 : i32
      %shift_right_arithmetic3A_416 = vector.broadcast %shift_right_arithmetic3A_415 : i32 to vector<16xi32>
      %shift_right_arithmetic3A_417 = arith.shrsi %and3A_414, %shift_right_arithmetic3A_416 : vector<16xi32>
      %add3A_418 = arith.addi %add3A_411, %shift_right_arithmetic3A_417 : vector<16xi32>
      %swap3A_419 = arith.constant 224 : index
      %swap3A_420 = tpu.vector_load %arg6[%swap3A_419] {strides = array<i32>} : memref<1600xi32, #tpu.memory_space<vmem>>, vector<16xi32>,
      %swap3A_421 = vector.shape_cast %swap3A_420 : vector<16xi32> to vector<16xi32>
      %swap3A_422 = vector.shape_cast %add3A_418 : vector<16xi32> to vector<16xi32>
      tpu.vector_store %arg6[%swap3A_419], %swap3A_422 {strides = array<i32>} : memref<1600xi32, #tpu.memory_space<vmem>>, vector<16xi32>,
      %get3A_423 = arith.constant 7 : i32
      %get3A_424 = arith.index_cast %get3A_423 : i32 to index
      %get3A_425 = arith.constant 16 : index
      %get3A_426 = tpu.vector_load %arg4[%get3A_424, %get3A_425] {strides = array<i32>} : memref<50x32xi32, #tpu.memory_space<vmem>>, vector<1x16xi32>,
      %get3A_427 = vector.shape_cast %get3A_426 : vector<1x16xi32> to vector<16xi32>
      %and3A_428 = arith.constant -65536 : i32
      %and3A_429 = vector.broadcast %and3A_428 : i32 to vector<16xi32>
      %and3A_430 = arith.andi %get3A_427, %and3A_429 : vector<16xi32>
      %and3A_431 = arith.constant 16383 : i32
      %and3A_432 = vector.broadcast %and3A_431 : i32 to vector<16xi32>
      %and3A_433 = arith.andi %get3A_427, %and3A_432 : vector<16xi32>
      %shift_left3A_434 = arith.constant 2 : i32
      %shift_left3A_435 = vector.broadcast %shift_left3A_434 : i32 to vector<16xi32>
      %shift_left3A_436 = arith.shli %and3A_433, %shift_left3A_435 : vector<16xi32>
      %add3A_437 = arith.addi %and3A_430, %shift_left3A_436 : vector<16xi32>
      %and3A_438 = arith.constant 65535 : i32
      %and3A_439 = vector.broadcast %and3A_438 : i32 to vector<16xi32>
      %and3A_440 = arith.andi %get3A_427, %and3A_439 : vector<16xi32>
      %shift_right_arithmetic3A_441 = arith.constant 14 : i32
      %shift_right_arithmetic3A_442 = vector.broadcast %shift_right_arithmetic3A_441 : i32 to vector<16xi32>
      %shift_right_arithmetic3A_443 = arith.shrsi %and3A_440, %shift_right_arithmetic3A_442 : vector<16xi32>
      %add3A_444 = arith.addi %add3A_437, %shift_right_arithmetic3A_443 : vector<16xi32>
      %swap3A_445 = arith.constant 240 : index
      %swap3A_446 = tpu.vector_load %arg6[%swap3A_445] {strides = array<i32>} : memref<1600xi32, #tpu.memory_space<vmem>>, vector<16xi32>,
      %swap3A_447 = vector.shape_cast %swap3A_446 : vector<16xi32> to vector<16xi32>
      %swap3A_448 = vector.shape_cast %add3A_444 : vector<16xi32> to vector<16xi32>
      tpu.vector_store %arg6[%swap3A_445], %swap3A_448 {strides = array<i32>} : memref<1600xi32, #tpu.memory_space<vmem>>, vector<16xi32>,
      %get3A_449 = arith.constant 8 : i32
      %get3A_450 = arith.index_cast %get3A_449 : i32 to index
      %get3A_451 = arith.constant 0 : index
      %get3A_452 = tpu.vector_load %arg4[%get3A_450, %get3A_451] {strides = array<i32>} : memref<50x32xi32, #tpu.memory_space<vmem>>, vector<1x16xi32>,
      %get3A_453 = vector.shape_cast %get3A_452 : vector<1x16xi32> to vector<16xi32>
      %and3A_454 = arith.constant -65536 : i32
      %and3A_455 = vector.broadcast %and3A_454 : i32 to vector<16xi32>
      %and3A_456 = arith.andi %get3A_453, %and3A_455 : vector<16xi32>
      %and3A_457 = arith.constant 16383 : i32
      %and3A_458 = vector.broadcast %and3A_457 : i32 to vector<16xi32>
      %and3A_459 = arith.andi %get3A_453, %and3A_458 : vector<16xi32>
      %shift_left3A_460 = arith.constant 2 : i32
      %shift_left3A_461 = vector.broadcast %shift_left3A_460 : i32 to vector<16xi32>
      %shift_left3A_462 = arith.shli %and3A_459, %shift_left3A_461 : vector<16xi32>
      %add3A_463 = arith.addi %and3A_456, %shift_left3A_462 : vector<16xi32>
      %and3A_464 = arith.constant 65535 : i32
      %and3A_465 = vector.broadcast %and3A_464 : i32 to vector<16xi32>
      %and3A_466 = arith.andi %get3A_453, %and3A_465 : vector<16xi32>
      %shift_right_arithmetic3A_467 = arith.constant 14 : i32
      %shift_right_arithmetic3A_468 = vector.broadcast %shift_right_arithmetic3A_467 : i32 to vector<16xi32>
      %shift_right_arithmetic3A_469 = arith.shrsi %and3A_466, %shift_right_arithmetic3A_468 : vector<16xi32>
      %add3A_470 = arith.addi %add3A_463, %shift_right_arithmetic3A_469 : vector<16xi32>
      %swap3A_471 = arith.constant 256 : index
      %swap3A_472 = tpu.vector_load %arg6[%swap3A_471] {strides = array<i32>} : memref<1600xi32, #tpu.memory_space<vmem>>, vector<16xi32>,
      %swap3A_473 = vector.shape_cast %swap3A_472 : vector<16xi32> to vector<16xi32>
      %swap3A_474 = vector.shape_cast %add3A_470 : vector<16xi32> to vector<16xi32>
      tpu.vector_store %arg6[%swap3A_471], %swap3A_474 {strides = array<i32>} : memref<1600xi32, #tpu.memory_space<vmem>>, vector<16xi32>,
      %get3A_475 = arith.constant 8 : i32
      %get3A_476 = arith.index_cast %get3A_475 : i32 to index
      %get3A_477 = arith.constant 16 : index
      %get3A_478 = tpu.vector_load %arg4[%get3A_476, %get3A_477] {strides = array<i32>} : memref<50x32xi32, #tpu.memory_space<vmem>>, vector<1x16xi32>,
      %get3A_479 = vector.shape_cast %get3A_478 : vector<1x16xi32> to vector<16xi32>
      %and3A_480 = arith.constant -65536 : i32
      %and3A_481 = vector.broadcast %and3A_480 : i32 to vector<16xi32>
      %and3A_482 = arith.andi %get3A_479, %and3A_481 : vector<16xi32>
      %and3A_483 = arith.constant 16383 : i32
      %and3A_484 = vector.broadcast %and3A_483 : i32 to vector<16xi32>
      %and3A_485 = arith.andi %get3A_479, %and3A_484 : vector<16xi32>
      %shift_left3A_486 = arith.constant 2 : i32
      %shift_left3A_487 = vector.broadcast %shift_left3A_486 : i32 to vector<16xi32>
      %shift_left3A_488 = arith.shli %and3A_485, %shift_left3A_487 : vector<16xi32>
      %add3A_489 = arith.addi %and3A_482, %shift_left3A_488 : vector<16xi32>
      %and3A_490 = arith.constant 65535 : i32
      %and3A_491 = vector.broadcast %and3A_490 : i32 to vector<16xi32>
      %and3A_492 = arith.andi %get3A_479, %and3A_491 : vector<16xi32>
      %shift_right_arithmetic3A_493 = arith.constant 14 : i32
      %shift_right_arithmetic3A_494 = vector.broadcast %shift_right_arithmetic3A_493 : i32 to vector<16xi32>
      %shift_right_arithmetic3A_495 = arith.shrsi %and3A_492, %shift_right_arithmetic3A_494 : vector<16xi32>
      %add3A_496 = arith.addi %add3A_489, %shift_right_arithmetic3A_495 : vector<16xi32>
      %swap3A_497 = arith.constant 272 : index
      %swap3A_498 = tpu.vector_load %arg6[%swap3A_497] {strides = array<i32>} : memref<1600xi32, #tpu.memory_space<vmem>>, vector<16xi32>,
      %swap3A_499 = vector.shape_cast %swap3A_498 : vector<16xi32> to vector<16xi32>
      %swap3A_500 = vector.shape_cast %add3A_496 : vector<16xi32> to vector<16xi32>
      tpu.vector_store %arg6[%swap3A_497], %swap3A_500 {strides = array<i32>} : memref<1600xi32, #tpu.memory_space<vmem>>, vector<16xi32>,
      %get3A_501 = arith.constant 9 : i32
      %get3A_502 = arith.index_cast %get3A_501 : i32 to index
      %get3A_503 = arith.constant 0 : index
      %get3A_504 = tpu.vector_load %arg4[%get3A_502, %get3A_503] {strides = array<i32>} : memref<50x32xi32, #tpu.memory_space<vmem>>, vector<1x16xi32>,
      %get3A_505 = vector.shape_cast %get3A_504 : vector<1x16xi32> to vector<16xi32>
      %and3A_506 = arith.constant -65536 : i32
      %and3A_507 = vector.broadcast %and3A_506 : i32 to vector<16xi32>
      %and3A_508 = arith.andi %get3A_505, %and3A_507 : vector<16xi32>
      %and3A_509 = arith.constant 16383 : i32
      %and3A_510 = vector.broadcast %and3A_509 : i32 to vector<16xi32>
      %and3A_511 = arith.andi %get3A_505, %and3A_510 : vector<16xi32>
      %shift_left3A_512 = arith.constant 2 : i32
      %shift_left3A_513 = vector.broadcast %shift_left3A_512 : i32 to vector<16xi32>
      %shift_left3A_514 = arith.shli %and3A_511, %shift_left3A_513 : vector<16xi32>
      %add3A_515 = arith.addi %and3A_508, %shift_left3A_514 : vector<16xi32>
      %and3A_516 = arith.constant 65535 : i32
      %and3A_517 = vector.broadcast %and3A_516 : i32 to vector<16xi32>
      %and3A_518 = arith.andi %get3A_505, %and3A_517 : vector<16xi32>
      %shift_right_arithmetic3A_519 = arith.constant 14 : i32
      %shift_right_arithmetic3A_520 = vector.broadcast %shift_right_arithmetic3A_519 : i32 to vector<16xi32>
      %shift_right_arithmetic3A_521 = arith.shrsi %and3A_518, %shift_right_arithmetic3A_520 : vector<16xi32>
      %add3A_522 = arith.addi %add3A_515, %shift_right_arithmetic3A_521 : vector<16xi32>
      %swap3A_523 = arith.constant 288 : index
      %swap3A_524 = tpu.vector_load %arg6[%swap3A_523] {strides = array<i32>} : memref<1600xi32, #tpu.memory_space<vmem>>, vector<16xi32>,
      %swap3A_525 = vector.shape_cast %swap3A_524 : vector<16xi32> to vector<16xi32>
      %swap3A_526 = vector.shape_cast %add3A_522 : vector<16xi32> to vector<16xi32>
      tpu.vector_store %arg6[%swap3A_523], %swap3A_526 {strides = array<i32>} : memref<1600xi32, #tpu.memory_space<vmem>>, vector<16xi32>,
      %get3A_527 = arith.constant 9 : i32
      %get3A_528 = arith.index_cast %get3A_527 : i32 to index
      %get3A_529 = arith.constant 16 : index
      %get3A_530 = tpu.vector_load %arg4[%get3A_528, %get3A_529] {strides = array<i32>} : memref<50x32xi32, #tpu.memory_space<vmem>>, vector<1x16xi32>,
      %get3A_531 = vector.shape_cast %get3A_530 : vector<1x16xi32> to vector<16xi32>
      %and3A_532 = arith.constant -65536 : i32
      %and3A_533 = vector.broadcast %and3A_532 : i32 to vector<16xi32>
      %and3A_534 = arith.andi %get3A_531, %and3A_533 : vector<16xi32>
      %and3A_535 = arith.constant 16383 : i32
      %and3A_536 = vector.broadcast %and3A_535 : i32 to vector<16xi32>
      %and3A_537 = arith.andi %get3A_531, %and3A_536 : vector<16xi32>
      %shift_left3A_538 = arith.constant 2 : i32
      %shift_left3A_539 = vector.broadcast %shift_left3A_538 : i32 to vector<16xi32>
      %shift_left3A_540 = arith.shli %and3A_537, %shift_left3A_539 : vector<16xi32>
      %add3A_541 = arith.addi %and3A_534, %shift_left3A_540 : vector<16xi32>
      %and3A_542 = arith.constant 65535 : i32
      %and3A_543 = vector.broadcast %and3A_542 : i32 to vector<16xi32>
      %and3A_544 = arith.andi %get3A_531, %and3A_543 : vector<16xi32>
      %shift_right_arithmetic3A_545 = arith.constant 14 : i32
      %shift_right_arithmetic3A_546 = vector.broadcast %shift_right_arithmetic3A_545 : i32 to vector<16xi32>
      %shift_right_arithmetic3A_547 = arith.shrsi %and3A_544, %shift_right_arithmetic3A_546 : vector<16xi32>
      %add3A_548 = arith.addi %add3A_541, %shift_right_arithmetic3A_547 : vector<16xi32>
      %swap3A_549 = arith.constant 304 : index
      %swap3A_550 = tpu.vector_load %arg6[%swap3A_549] {strides = array<i32>} : memref<1600xi32, #tpu.memory_space<vmem>>, vector<16xi32>,
      %swap3A_551 = vector.shape_cast %swap3A_550 : vector<16xi32> to vector<16xi32>
      %swap3A_552 = vector.shape_cast %add3A_548 : vector<16xi32> to vector<16xi32>
      tpu.vector_store %arg6[%swap3A_549], %swap3A_552 {strides = array<i32>} : memref<1600xi32, #tpu.memory_space<vmem>>, vector<16xi32>,
      %get3A_553 = arith.constant 10 : i32
      %get3A_554 = arith.index_cast %get3A_553 : i32 to index
      %get3A_555 = arith.constant 0 : index
      %get3A_556 = tpu.vector_load %arg4[%get3A_554, %get3A_555] {strides = array<i32>} : memref<50x32xi32, #tpu.memory_space<vmem>>, vector<1x16xi32>,
      %get3A_557 = vector.shape_cast %get3A_556 : vector<1x16xi32> to vector<16xi32>
      %and3A_558 = arith.constant -65536 : i32
      %and3A_559 = vector.broadcast %and3A_558 : i32 to vector<16xi32>
      %and3A_560 = arith.andi %get3A_557, %and3A_559 : vector<16xi32>
      %and3A_561 = arith.constant 16383 : i32
      %and3A_562 = vector.broadcast %and3A_561 : i32 to vector<16xi32>
      %and3A_563 = arith.andi %get3A_557, %and3A_562 : vector<16xi32>
      %shift_left3A_564 = arith.constant 2 : i32
      %shift_left3A_565 = vector.broadcast %shift_left3A_564 : i32 to vector<16xi32>
      %shift_left3A_566 = arith.shli %and3A_563, %shift_left3A_565 : vector<16xi32>
      %add3A_567 = arith.addi %and3A_560, %shift_left3A_566 : vector<16xi32>
      %and3A_568 = arith.constant 65535 : i32
      %and3A_569 = vector.broadcast %and3A_568 : i32 to vector<16xi32>
      %and3A_570 = arith.andi %get3A_557, %and3A_569 : vector<16xi32>
      %shift_right_arithmetic3A_571 = arith.constant 14 : i32
      %shift_right_arithmetic3A_572 = vector.broadcast %shift_right_arithmetic3A_571 : i32 to vector<16xi32>
      %shift_right_arithmetic3A_573 = arith.shrsi %and3A_570, %shift_right_arithmetic3A_572 : vector<16xi32>
      %add3A_574 = arith.addi %add3A_567, %shift_right_arithmetic3A_573 : vector<16xi32>
      %swap3A_575 = arith.constant 320 : index
      %swap3A_576 = tpu.vector_load %arg6[%swap3A_575] {strides = array<i32>} : memref<1600xi32, #tpu.memory_space<vmem>>, vector<16xi32>,
      %swap3A_577 = vector.shape_cast %swap3A_576 : vector<16xi32> to vector<16xi32>
      %swap3A_578 = vector.shape_cast %add3A_574 : vector<16xi32> to vector<16xi32>
      tpu.vector_store %arg6[%swap3A_575], %swap3A_578 {strides = array<i32>} : memref<1600xi32, #tpu.memory_space<vmem>>, vector<16xi32>,
      %get3A_579 = arith.constant 10 : i32
      %get3A_580 = arith.index_cast %get3A_579 : i32 to index
      %get3A_581 = arith.constant 16 : index
      %get3A_582 = tpu.vector_load %arg4[%get3A_580, %get3A_581] {strides = array<i32>} : memref<50x32xi32, #tpu.memory_space<vmem>>, vector<1x16xi32>,
      %get3A_583 = vector.shape_cast %get3A_582 : vector<1x16xi32> to vector<16xi32>
      %and3A_584 = arith.constant -65536 : i32
      %and3A_585 = vector.broadcast %and3A_584 : i32 to vector<16xi32>
      %and3A_586 = arith.andi %get3A_583, %and3A_585 : vector<16xi32>
      %and3A_587 = arith.constant 16383 : i32
      %and3A_588 = vector.broadcast %and3A_587 : i32 to vector<16xi32>
      %and3A_589 = arith.andi %get3A_583, %and3A_588 : vector<16xi32>
      %shift_left3A_590 = arith.constant 2 : i32
      %shift_left3A_591 = vector.broadcast %shift_left3A_590 : i32 to vector<16xi32>
      %shift_left3A_592 = arith.shli %and3A_589, %shift_left3A_591 : vector<16xi32>
      %add3A_593 = arith.addi %and3A_586, %shift_left3A_592 : vector<16xi32>
      %and3A_594 = arith.constant 65535 : i32
      %and3A_595 = vector.broadcast %and3A_594 : i32 to vector<16xi32>
      %and3A_596 = arith.andi %get3A_583, %and3A_595 : vector<16xi32>
      %shift_right_arithmetic3A_597 = arith.constant 14 : i32
      %shift_right_arithmetic3A_598 = vector.broadcast %shift_right_arithmetic3A_597 : i32 to vector<16xi32>
      %shift_right_arithmetic3A_599 = arith.shrsi %and3A_596, %shift_right_arithmetic3A_598 : vector<16xi32>
      %add3A_600 = arith.addi %add3A_593, %shift_right_arithmetic3A_599 : vector<16xi32>
      %swap3A_601 = arith.constant 336 : index
      %swap3A_602 = tpu.vector_load %arg6[%swap3A_601] {strides = array<i32>} : memref<1600xi32, #tpu.memory_space<vmem>>, vector<16xi32>,
      %swap3A_603 = vector.shape_cast %swap3A_602 : vector<16xi32> to vector<16xi32>
      %swap3A_604 = vector.shape_cast %add3A_600 : vector<16xi32> to vector<16xi32>
      tpu.vector_store %arg6[%swap3A_601], %swap3A_604 {strides = array<i32>} : memref<1600xi32, #tpu.memory_space<vmem>>, vector<16xi32>,
      %get3A_605 = arith.constant 11 : i32
      %get3A_606 = arith.index_cast %get3A_605 : i32 to index
      %get3A_607 = arith.constant 0 : index
      %get3A_608 = tpu.vector_load %arg4[%get3A_606, %get3A_607] {strides = array<i32>} : memref<50x32xi32, #tpu.memory_space<vmem>>, vector<1x16xi32>,
      %get3A_609 = vector.shape_cast %get3A_608 : vector<1x16xi32> to vector<16xi32>
      %and3A_610 = arith.constant -65536 : i32
      %and3A_611 = vector.broadcast %and3A_610 : i32 to vector<16xi32>
      %and3A_612 = arith.andi %get3A_609, %and3A_611 : vector<16xi32>
      %and3A_613 = arith.constant 16383 : i32
      %and3A_614 = vector.broadcast %and3A_613 : i32 to vector<16xi32>
      %and3A_615 = arith.andi %get3A_609, %and3A_614 : vector<16xi32>
      %shift_left3A_616 = arith.constant 2 : i32
      %shift_left3A_617 = vector.broadcast %shift_left3A_616 : i32 to vector<16xi32>
      %shift_left3A_618 = arith.shli %and3A_615, %shift_left3A_617 : vector<16xi32>
      %add3A_619 = arith.addi %and3A_612, %shift_left3A_618 : vector<16xi32>
      %and3A_620 = arith.constant 65535 : i32
      %and3A_621 = vector.broadcast %and3A_620 : i32 to vector<16xi32>
      %and3A_622 = arith.andi %get3A_609, %and3A_621 : vector<16xi32>
      %shift_right_arithmetic3A_623 = arith.constant 14 : i32
      %shift_right_arithmetic3A_624 = vector.broadcast %shift_right_arithmetic3A_623 : i32 to vector<16xi32>
      %shift_right_arithmetic3A_625 = arith.shrsi %and3A_622, %shift_right_arithmetic3A_624 : vector<16xi32>
      %add3A_626 = arith.addi %add3A_619, %shift_right_arithmetic3A_625 : vector<16xi32>
      %swap3A_627 = arith.constant 352 : index
      %swap3A_628 = tpu.vector_load %arg6[%swap3A_627] {strides = array<i32>} : memref<1600xi32, #tpu.memory_space<vmem>>, vector<16xi32>,
      %swap3A_629 = vector.shape_cast %swap3A_628 : vector<16xi32> to vector<16xi32>
      %swap3A_630 = vector.shape_cast %add3A_626 : vector<16xi32> to vector<16xi32>
      tpu.vector_store %arg6[%swap3A_627], %swap3A_630 {strides = array<i32>} : memref<1600xi32, #tpu.memory_space<vmem>>, vector<16xi32>,
      %get3A_631 = arith.constant 11 : i32
      %get3A_632 = arith.index_cast %get3A_631 : i32 to index
      %get3A_633 = arith.constant 16 : index
      %get3A_634 = tpu.vector_load %arg4[%get3A_632, %get3A_633] {strides = array<i32>} : memref<50x32xi32, #tpu.memory_space<vmem>>, vector<1x16xi32>,
      %get3A_635 = vector.shape_cast %get3A_634 : vector<1x16xi32> to vector<16xi32>
      %and3A_636 = arith.constant -65536 : i32
      %and3A_637 = vector.broadcast %and3A_636 : i32 to vector<16xi32>
      %and3A_638 = arith.andi %get3A_635, %and3A_637 : vector<16xi32>
      %and3A_639 = arith.constant 16383 : i32
      %and3A_640 = vector.broadcast %and3A_639 : i32 to vector<16xi32>
      %and3A_641 = arith.andi %get3A_635, %and3A_640 : vector<16xi32>
      %shift_left3A_642 = arith.constant 2 : i32
      %shift_left3A_643 = vector.broadcast %shift_left3A_642 : i32 to vector<16xi32>
      %shift_left3A_644 = arith.shli %and3A_641, %shift_left3A_643 : vector<16xi32>
      %add3A_645 = arith.addi %and3A_638, %shift_left3A_644 : vector<16xi32>
      %and3A_646 = arith.constant 65535 : i32
      %and3A_647 = vector.broadcast %and3A_646 : i32 to vector<16xi32>
      %and3A_648 = arith.andi %get3A_635, %and3A_647 : vector<16xi32>
      %shift_right_arithmetic3A_649 = arith.constant 14 : i32
      %shift_right_arithmetic3A_650 = vector.broadcast %shift_right_arithmetic3A_649 : i32 to vector<16xi32>
      %shift_right_arithmetic3A_651 = arith.shrsi %and3A_648, %shift_right_arithmetic3A_650 : vector<16xi32>
      %add3A_652 = arith.addi %add3A_645, %shift_right_arithmetic3A_651 : vector<16xi32>
      %swap3A_653 = arith.constant 368 : index
      %swap3A_654 = tpu.vector_load %arg6[%swap3A_653] {strides = array<i32>} : memref<1600xi32, #tpu.memory_space<vmem>>, vector<16xi32>,
      %swap3A_655 = vector.shape_cast %swap3A_654 : vector<16xi32> to vector<16xi32>
      %swap3A_656 = vector.shape_cast %add3A_652 : vector<16xi32> to vector<16xi32>
      tpu.vector_store %arg6[%swap3A_653], %swap3A_656 {strides = array<i32>} : memref<1600xi32, #tpu.memory_space<vmem>>, vector<16xi32>,
      %get3A_657 = arith.constant 12 : i32
      %get3A_658 = arith.index_cast %get3A_657 : i32 to index
      %get3A_659 = arith.constant 0 : index
      %get3A_660 = tpu.vector_load %arg4[%get3A_658, %get3A_659] {strides = array<i32>} : memref<50x32xi32, #tpu.memory_space<vmem>>, vector<1x16xi32>,
      %get3A_661 = vector.shape_cast %get3A_660 : vector<1x16xi32> to vector<16xi32>
      %and3A_662 = arith.constant -65536 : i32
      %and3A_663 = vector.broadcast %and3A_662 : i32 to vector<16xi32>
      %and3A_664 = arith.andi %get3A_661, %and3A_663 : vector<16xi32>
      %and3A_665 = arith.constant 16383 : i32
      %and3A_666 = vector.broadcast %and3A_665 : i32 to vector<16xi32>
      %and3A_667 = arith.andi %get3A_661, %and3A_666 : vector<16xi32>
      %shift_left3A_668 = arith.constant 2 : i32
      %shift_left3A_669 = vector.broadcast %shift_left3A_668 : i32 to vector<16xi32>
      %shift_left3A_670 = arith.shli %and3A_667, %shift_left3A_669 : vector<16xi32>
      %add3A_671 = arith.addi %and3A_664, %shift_left3A_670 : vector<16xi32>
      %and3A_672 = arith.constant 65535 : i32
      %and3A_673 = vector.broadcast %and3A_672 : i32 to vector<16xi32>
      %and3A_674 = arith.andi %get3A_661, %and3A_673 : vector<16xi32>
      %shift_right_arithmetic3A_675 = arith.constant 14 : i32
      %shift_right_arithmetic3A_676 = vector.broadcast %shift_right_arithmetic3A_675 : i32 to vector<16xi32>
      %shift_right_arithmetic3A_677 = arith.shrsi %and3A_674, %shift_right_arithmetic3A_676 : vector<16xi32>
      %add3A_678 = arith.addi %add3A_671, %shift_right_arithmetic3A_677 : vector<16xi32>
      %swap3A_679 = arith.constant 384 : index
      %swap3A_680 = tpu.vector_load %arg6[%swap3A_679] {strides = array<i32>} : memref<1600xi32, #tpu.memory_space<vmem>>, vector<16xi32>,
      %swap3A_681 = vector.shape_cast %swap3A_680 : vector<16xi32> to vector<16xi32>
      %swap3A_682 = vector.shape_cast %add3A_678 : vector<16xi32> to vector<16xi32>
      tpu.vector_store %arg6[%swap3A_679], %swap3A_682 {strides = array<i32>} : memref<1600xi32, #tpu.memory_space<vmem>>, vector<16xi32>,
      %get3A_683 = arith.constant 12 : i32
      %get3A_684 = arith.index_cast %get3A_683 : i32 to index
      %get3A_685 = arith.constant 16 : index
      %get3A_686 = tpu.vector_load %arg4[%get3A_684, %get3A_685] {strides = array<i32>} : memref<50x32xi32, #tpu.memory_space<vmem>>, vector<1x16xi32>,
      %get3A_687 = vector.shape_cast %get3A_686 : vector<1x16xi32> to vector<16xi32>
      %and3A_688 = arith.constant -65536 : i32
      %and3A_689 = vector.broadcast %and3A_688 : i32 to vector<16xi32>
      %and3A_690 = arith.andi %get3A_687, %and3A_689 : vector<16xi32>
      %and3A_691 = arith.constant 16383 : i32
      %and3A_692 = vector.broadcast %and3A_691 : i32 to vector<16xi32>
      %and3A_693 = arith.andi %get3A_687, %and3A_692 : vector<16xi32>
      %shift_left3A_694 = arith.constant 2 : i32
      %shift_left3A_695 = vector.broadcast %shift_left3A_694 : i32 to vector<16xi32>
      %shift_left3A_696 = arith.shli %and3A_693, %shift_left3A_695 : vector<16xi32>
      %add3A_697 = arith.addi %and3A_690, %shift_left3A_696 : vector<16xi32>
      %and3A_698 = arith.constant 65535 : i32
      %and3A_699 = vector.broadcast %and3A_698 : i32 to vector<16xi32>
      %and3A_700 = arith.andi %get3A_687, %and3A_699 : vector<16xi32>
      %shift_right_arithmetic3A_701 = arith.constant 14 : i32
      %shift_right_arithmetic3A_702 = vector.broadcast %shift_right_arithmetic3A_701 : i32 to vector<16xi32>
      %shift_right_arithmetic3A_703 = arith.shrsi %and3A_700, %shift_right_arithmetic3A_702 : vector<16xi32>
      %add3A_704 = arith.addi %add3A_697, %shift_right_arithmetic3A_703 : vector<16xi32>
      %swap3A_705 = arith.constant 400 : index
      %swap3A_706 = tpu.vector_load %arg6[%swap3A_705] {strides = array<i32>} : memref<1600xi32, #tpu.memory_space<vmem>>, vector<16xi32>,
      %swap3A_707 = vector.shape_cast %swap3A_706 : vector<16xi32> to vector<16xi32>
      %swap3A_708 = vector.shape_cast %add3A_704 : vector<16xi32> to vector<16xi32>
      tpu.vector_store %arg6[%swap3A_705], %swap3A_708 {strides = array<i32>} : memref<1600xi32, #tpu.memory_space<vmem>>, vector<16xi32>,
      %get3A_709 = arith.constant 13 : i32
      %get3A_710 = arith.index_cast %get3A_709 : i32 to index
      %get3A_711 = arith.constant 0 : index
      %get3A_712 = tpu.vector_load %arg4[%get3A_710, %get3A_711] {strides = array<i32>} : memref<50x32xi32, #tpu.memory_space<vmem>>, vector<1x16xi32>,
      %get3A_713 = vector.shape_cast %get3A_712 : vector<1x16xi32> to vector<16xi32>
      %and3A_714 = arith.constant -65536 : i32
      %and3A_715 = vector.broadcast %and3A_714 : i32 to vector<16xi32>
      %and3A_716 = arith.andi %get3A_713, %and3A_715 : vector<16xi32>
      %and3A_717 = arith.constant 16383 : i32
      %and3A_718 = vector.broadcast %and3A_717 : i32 to vector<16xi32>
      %and3A_719 = arith.andi %get3A_713, %and3A_718 : vector<16xi32>
      %shift_left3A_720 = arith.constant 2 : i32
      %shift_left3A_721 = vector.broadcast %shift_left3A_720 : i32 to vector<16xi32>
      %shift_left3A_722 = arith.shli %and3A_719, %shift_left3A_721 : vector<16xi32>
      %add3A_723 = arith.addi %and3A_716, %shift_left3A_722 : vector<16xi32>
      %and3A_724 = arith.constant 65535 : i32
      %and3A_725 = vector.broadcast %and3A_724 : i32 to vector<16xi32>
      %and3A_726 = arith.andi %get3A_713, %and3A_725 : vector<16xi32>
      %shift_right_arithmetic3A_727 = arith.constant 14 : i32
      %shift_right_arithmetic3A_728 = vector.broadcast %shift_right_arithmetic3A_727 : i32 to vector<16xi32>
      %shift_right_arithmetic3A_729 = arith.shrsi %and3A_726, %shift_right_arithmetic3A_728 : vector<16xi32>
      %add3A_730 = arith.addi %add3A_723, %shift_right_arithmetic3A_729 : vector<16xi32>
      %swap3A_731 = arith.constant 416 : index
      %swap3A_732 = tpu.vector_load %arg6[%swap3A_731] {strides = array<i32>} : memref<1600xi32, #tpu.memory_space<vmem>>, vector<16xi32>,
      %swap3A_733 = vector.shape_cast %swap3A_732 : vector<16xi32> to vector<16xi32>
      %swap3A_734 = vector.shape_cast %add3A_730 : vector<16xi32> to vector<16xi32>
      tpu.vector_store %arg6[%swap3A_731], %swap3A_734 {strides = array<i32>} : memref<1600xi32, #tpu.memory_space<vmem>>, vector<16xi32>,
      %get3A_735 = arith.constant 13 : i32
      %get3A_736 = arith.index_cast %get3A_735 : i32 to index
      %get3A_737 = arith.constant 16 : index
      %get3A_738 = tpu.vector_load %arg4[%get3A_736, %get3A_737] {strides = array<i32>} : memref<50x32xi32, #tpu.memory_space<vmem>>, vector<1x16xi32>,
      %get3A_739 = vector.shape_cast %get3A_738 : vector<1x16xi32> to vector<16xi32>
      %and3A_740 = arith.constant -65536 : i32
      %and3A_741 = vector.broadcast %and3A_740 : i32 to vector<16xi32>
      %and3A_742 = arith.andi %get3A_739, %and3A_741 : vector<16xi32>
      %and3A_743 = arith.constant 16383 : i32
      %and3A_744 = vector.broadcast %and3A_743 : i32 to vector<16xi32>
      %and3A_745 = arith.andi %get3A_739, %and3A_744 : vector<16xi32>
      %shift_left3A_746 = arith.constant 2 : i32
      %shift_left3A_747 = vector.broadcast %shift_left3A_746 : i32 to vector<16xi32>
      %shift_left3A_748 = arith.shli %and3A_745, %shift_left3A_747 : vector<16xi32>
      %add3A_749 = arith.addi %and3A_742, %shift_left3A_748 : vector<16xi32>
      %and3A_750 = arith.constant 65535 : i32
      %and3A_751 = vector.broadcast %and3A_750 : i32 to vector<16xi32>
      %and3A_752 = arith.andi %get3A_739, %and3A_751 : vector<16xi32>
      %shift_right_arithmetic3A_753 = arith.constant 14 : i32
      %shift_right_arithmetic3A_754 = vector.broadcast %shift_right_arithmetic3A_753 : i32 to vector<16xi32>
      %shift_right_arithmetic3A_755 = arith.shrsi %and3A_752, %shift_right_arithmetic3A_754 : vector<16xi32>
      %add3A_756 = arith.addi %add3A_749, %shift_right_arithmetic3A_755 : vector<16xi32>
      %swap3A_757 = arith.constant 432 : index
      %swap3A_758 = tpu.vector_load %arg6[%swap3A_757] {strides = array<i32>} : memref<1600xi32, #tpu.memory_space<vmem>>, vector<16xi32>,
      %swap3A_759 = vector.shape_cast %swap3A_758 : vector<16xi32> to vector<16xi32>
      %swap3A_760 = vector.shape_cast %add3A_756 : vector<16xi32> to vector<16xi32>
      tpu.vector_store %arg6[%swap3A_757], %swap3A_760 {strides = array<i32>} : memref<1600xi32, #tpu.memory_space<vmem>>, vector<16xi32>,
      %get3A_761 = arith.constant 14 : i32
      %get3A_762 = arith.index_cast %get3A_761 : i32 to index
      %get3A_763 = arith.constant 0 : index
      %get3A_764 = tpu.vector_load %arg4[%get3A_762, %get3A_763] {strides = array<i32>} : memref<50x32xi32, #tpu.memory_space<vmem>>, vector<1x16xi32>,
      %get3A_765 = vector.shape_cast %get3A_764 : vector<1x16xi32> to vector<16xi32>
      %and3A_766 = arith.constant -65536 : i32
      %and3A_767 = vector.broadcast %and3A_766 : i32 to vector<16xi32>
      %and3A_768 = arith.andi %get3A_765, %and3A_767 : vector<16xi32>
      %and3A_769 = arith.constant 16383 : i32
      %and3A_770 = vector.broadcast %and3A_769 : i32 to vector<16xi32>
      %and3A_771 = arith.andi %get3A_765, %and3A_770 : vector<16xi32>
      %shift_left3A_772 = arith.constant 2 : i32
      %shift_left3A_773 = vector.broadcast %shift_left3A_772 : i32 to vector<16xi32>
      %shift_left3A_774 = arith.shli %and3A_771, %shift_left3A_773 : vector<16xi32>
      %add3A_775 = arith.addi %and3A_768, %shift_left3A_774 : vector<16xi32>
      %and3A_776 = arith.constant 65535 : i32
      %and3A_777 = vector.broadcast %and3A_776 : i32 to vector<16xi32>
      %and3A_778 = arith.andi %get3A_765, %and3A_777 : vector<16xi32>
      %shift_right_arithmetic3A_779 = arith.constant 14 : i32
      %shift_right_arithmetic3A_780 = vector.broadcast %shift_right_arithmetic3A_779 : i32 to vector<16xi32>
      %shift_right_arithmetic3A_781 = arith.shrsi %and3A_778, %shift_right_arithmetic3A_780 : vector<16xi32>
      %add3A_782 = arith.addi %add3A_775, %shift_right_arithmetic3A_781 : vector<16xi32>
      %swap3A_783 = arith.constant 448 : index
      %swap3A_784 = tpu.vector_load %arg6[%swap3A_783] {strides = array<i32>} : memref<1600xi32, #tpu.memory_space<vmem>>, vector<16xi32>,
      %swap3A_785 = vector.shape_cast %swap3A_784 : vector<16xi32> to vector<16xi32>
      %swap3A_786 = vector.shape_cast %add3A_782 : vector<16xi32> to vector<16xi32>
      tpu.vector_store %arg6[%swap3A_783], %swap3A_786 {strides = array<i32>} : memref<1600xi32, #tpu.memory_space<vmem>>, vector<16xi32>,
      %get3A_787 = arith.constant 14 : i32
      %get3A_788 = arith.index_cast %get3A_787 : i32 to index
      %get3A_789 = arith.constant 16 : index
      %get3A_790 = tpu.vector_load %arg4[%get3A_788, %get3A_789] {strides = array<i32>} : memref<50x32xi32, #tpu.memory_space<vmem>>, vector<1x16xi32>,
      %get3A_791 = vector.shape_cast %get3A_790 : vector<1x16xi32> to vector<16xi32>
      %and3A_792 = arith.constant -65536 : i32
      %and3A_793 = vector.broadcast %and3A_792 : i32 to vector<16xi32>
      %and3A_794 = arith.andi %get3A_791, %and3A_793 : vector<16xi32>
      %and3A_795 = arith.constant 16383 : i32
      %and3A_796 = vector.broadcast %and3A_795 : i32 to vector<16xi32>
      %and3A_797 = arith.andi %get3A_791, %and3A_796 : vector<16xi32>
      %shift_left3A_798 = arith.constant 2 : i32
      %shift_left3A_799 = vector.broadcast %shift_left3A_798 : i32 to vector<16xi32>
      %shift_left3A_800 = arith.shli %and3A_797, %shift_left3A_799 : vector<16xi32>
      %add3A_801 = arith.addi %and3A_794, %shift_left3A_800 : vector<16xi32>
      %and3A_802 = arith.constant 65535 : i32
      %and3A_803 = vector.broadcast %and3A_802 : i32 to vector<16xi32>
      %and3A_804 = arith.andi %get3A_791, %and3A_803 : vector<16xi32>
      %shift_right_arithmetic3A_805 = arith.constant 14 : i32
      %shift_right_arithmetic3A_806 = vector.broadcast %shift_right_arithmetic3A_805 : i32 to vector<16xi32>
      %shift_right_arithmetic3A_807 = arith.shrsi %and3A_804, %shift_right_arithmetic3A_806 : vector<16xi32>
      %add3A_808 = arith.addi %add3A_801, %shift_right_arithmetic3A_807 : vector<16xi32>
      %swap3A_809 = arith.constant 464 : index
      %swap3A_810 = tpu.vector_load %arg6[%swap3A_809] {strides = array<i32>} : memref<1600xi32, #tpu.memory_space<vmem>>, vector<16xi32>,
      %swap3A_811 = vector.shape_cast %swap3A_810 : vector<16xi32> to vector<16xi32>
      %swap3A_812 = vector.shape_cast %add3A_808 : vector<16xi32> to vector<16xi32>
      tpu.vector_store %arg6[%swap3A_809], %swap3A_812 {strides = array<i32>} : memref<1600xi32, #tpu.memory_space<vmem>>, vector<16xi32>,
      %get3A_813 = arith.constant 15 : i32
      %get3A_814 = arith.index_cast %get3A_813 : i32 to index
      %get3A_815 = arith.constant 0 : index
      %get3A_816 = tpu.vector_load %arg4[%get3A_814, %get3A_815] {strides = array<i32>} : memref<50x32xi32, #tpu.memory_space<vmem>>, vector<1x16xi32>,
      %get3A_817 = vector.shape_cast %get3A_816 : vector<1x16xi32> to vector<16xi32>
      %and3A_818 = arith.constant -65536 : i32
      %and3A_819 = vector.broadcast %and3A_818 : i32 to vector<16xi32>
      %and3A_820 = arith.andi %get3A_817, %and3A_819 : vector<16xi32>
      %and3A_821 = arith.constant 16383 : i32
      %and3A_822 = vector.broadcast %and3A_821 : i32 to vector<16xi32>
      %and3A_823 = arith.andi %get3A_817, %and3A_822 : vector<16xi32>
      %shift_left3A_824 = arith.constant 2 : i32
      %shift_left3A_825 = vector.broadcast %shift_left3A_824 : i32 to vector<16xi32>
      %shift_left3A_826 = arith.shli %and3A_823, %shift_left3A_825 : vector<16xi32>
      %add3A_827 = arith.addi %and3A_820, %shift_left3A_826 : vector<16xi32>
      %and3A_828 = arith.constant 65535 : i32
      %and3A_829 = vector.broadcast %and3A_828 : i32 to vector<16xi32>
      %and3A_830 = arith.andi %get3A_817, %and3A_829 : vector<16xi32>
      %shift_right_arithmetic3A_831 = arith.constant 14 : i32
      %shift_right_arithmetic3A_832 = vector.broadcast %shift_right_arithmetic3A_831 : i32 to vector<16xi32>
      %shift_right_arithmetic3A_833 = arith.shrsi %and3A_830, %shift_right_arithmetic3A_832 : vector<16xi32>
      %add3A_834 = arith.addi %add3A_827, %shift_right_arithmetic3A_833 : vector<16xi32>
      %swap3A_835 = arith.constant 480 : index
      %swap3A_836 = tpu.vector_load %arg6[%swap3A_835] {strides = array<i32>} : memref<1600xi32, #tpu.memory_space<vmem>>, vector<16xi32>,
      %swap3A_837 = vector.shape_cast %swap3A_836 : vector<16xi32> to vector<16xi32>
      %swap3A_838 = vector.shape_cast %add3A_834 : vector<16xi32> to vector<16xi32>
      tpu.vector_store %arg6[%swap3A_835], %swap3A_838 {strides = array<i32>} : memref<1600xi32, #tpu.memory_space<vmem>>, vector<16xi32>,
      %get3A_839 = arith.constant 15 : i32
      %get3A_840 = arith.index_cast %get3A_839 : i32 to index
      %get3A_841 = arith.constant 16 : index
      %get3A_842 = tpu.vector_load %arg4[%get3A_840, %get3A_841] {strides = array<i32>} : memref<50x32xi32, #tpu.memory_space<vmem>>, vector<1x16xi32>,
      %get3A_843 = vector.shape_cast %get3A_842 : vector<1x16xi32> to vector<16xi32>
      %and3A_844 = arith.constant -65536 : i32
      %and3A_845 = vector.broadcast %and3A_844 : i32 to vector<16xi32>
      %and3A_846 = arith.andi %get3A_843, %and3A_845 : vector<16xi32>
      %and3A_847 = arith.constant 16383 : i32
      %and3A_848 = vector.broadcast %and3A_847 : i32 to vector<16xi32>
      %and3A_849 = arith.andi %get3A_843, %and3A_848 : vector<16xi32>
      %shift_left3A_850 = arith.constant 2 : i32
      %shift_left3A_851 = vector.broadcast %shift_left3A_850 : i32 to vector<16xi32>
      %shift_left3A_852 = arith.shli %and3A_849, %shift_left3A_851 : vector<16xi32>
      %add3A_853 = arith.addi %and3A_846, %shift_left3A_852 : vector<16xi32>
      %and3A_854 = arith.constant 65535 : i32
      %and3A_855 = vector.broadcast %and3A_854 : i32 to vector<16xi32>
      %and3A_856 = arith.andi %get3A_843, %and3A_855 : vector<16xi32>
      %shift_right_arithmetic3A_857 = arith.constant 14 : i32
      %shift_right_arithmetic3A_858 = vector.broadcast %shift_right_arithmetic3A_857 : i32 to vector<16xi32>
      %shift_right_arithmetic3A_859 = arith.shrsi %and3A_856, %shift_right_arithmetic3A_858 : vector<16xi32>
      %add3A_860 = arith.addi %add3A_853, %shift_right_arithmetic3A_859 : vector<16xi32>
      %swap3A_861 = arith.constant 496 : index
      %swap3A_862 = tpu.vector_load %arg6[%swap3A_861] {strides = array<i32>} : memref<1600xi32, #tpu.memory_space<vmem>>, vector<16xi32>,
      %swap3A_863 = vector.shape_cast %swap3A_862 : vector<16xi32> to vector<16xi32>
      %swap3A_864 = vector.shape_cast %add3A_860 : vector<16xi32> to vector<16xi32>
      tpu.vector_store %arg6[%swap3A_861], %swap3A_864 {strides = array<i32>} : memref<1600xi32, #tpu.memory_space<vmem>>, vector<16xi32>,
      %get3A_865 = arith.constant 16 : i32
      %get3A_866 = arith.index_cast %get3A_865 : i32 to index
      %get3A_867 = arith.constant 0 : index
      %get3A_868 = tpu.vector_load %arg4[%get3A_866, %get3A_867] {strides = array<i32>} : memref<50x32xi32, #tpu.memory_space<vmem>>, vector<1x16xi32>,
      %get3A_869 = vector.shape_cast %get3A_868 : vector<1x16xi32> to vector<16xi32>
      %and3A_870 = arith.constant -65536 : i32
      %and3A_871 = vector.broadcast %and3A_870 : i32 to vector<16xi32>
      %and3A_872 = arith.andi %get3A_869, %and3A_871 : vector<16xi32>
      %and3A_873 = arith.constant 16383 : i32
      %and3A_874 = vector.broadcast %and3A_873 : i32 to vector<16xi32>
      %and3A_875 = arith.andi %get3A_869, %and3A_874 : vector<16xi32>
      %shift_left3A_876 = arith.constant 2 : i32
      %shift_left3A_877 = vector.broadcast %shift_left3A_876 : i32 to vector<16xi32>
      %shift_left3A_878 = arith.shli %and3A_875, %shift_left3A_877 : vector<16xi32>
      %add3A_879 = arith.addi %and3A_872, %shift_left3A_878 : vector<16xi32>
      %and3A_880 = arith.constant 65535 : i32
      %and3A_881 = vector.broadcast %and3A_880 : i32 to vector<16xi32>
      %and3A_882 = arith.andi %get3A_869, %and3A_881 : vector<16xi32>
      %shift_right_arithmetic3A_883 = arith.constant 14 : i32
      %shift_right_arithmetic3A_884 = vector.broadcast %shift_right_arithmetic3A_883 : i32 to vector<16xi32>
      %shift_right_arithmetic3A_885 = arith.shrsi %and3A_882, %shift_right_arithmetic3A_884 : vector<16xi32>
      %add3A_886 = arith.addi %add3A_879, %shift_right_arithmetic3A_885 : vector<16xi32>
      %swap3A_887 = arith.constant 512 : index
      %swap3A_888 = tpu.vector_load %arg6[%swap3A_887] {strides = array<i32>} : memref<1600xi32, #tpu.memory_space<vmem>>, vector<16xi32>,
      %swap3A_889 = vector.shape_cast %swap3A_888 : vector<16xi32> to vector<16xi32>
      %swap3A_890 = vector.shape_cast %add3A_886 : vector<16xi32> to vector<16xi32>
      tpu.vector_store %arg6[%swap3A_887], %swap3A_890 {strides = array<i32>} : memref<1600xi32, #tpu.memory_space<vmem>>, vector<16xi32>,
      %get3A_891 = arith.constant 16 : i32
      %get3A_892 = arith.index_cast %get3A_891 : i32 to index
      %get3A_893 = arith.constant 16 : index
      %get3A_894 = tpu.vector_load %arg4[%get3A_892, %get3A_893] {strides = array<i32>} : memref<50x32xi32, #tpu.memory_space<vmem>>, vector<1x16xi32>,
      %get3A_895 = vector.shape_cast %get3A_894 : vector<1x16xi32> to vector<16xi32>
      %and3A_896 = arith.constant -65536 : i32
      %and3A_897 = vector.broadcast %and3A_896 : i32 to vector<16xi32>
      %and3A_898 = arith.andi %get3A_895, %and3A_897 : vector<16xi32>
      %and3A_899 = arith.constant 16383 : i32
      %and3A_900 = vector.broadcast %and3A_899 : i32 to vector<16xi32>
      %and3A_901 = arith.andi %get3A_895, %and3A_900 : vector<16xi32>
      %shift_left3A_902 = arith.constant 2 : i32
      %shift_left3A_903 = vector.broadcast %shift_left3A_902 : i32 to vector<16xi32>
      %shift_left3A_904 = arith.shli %and3A_901, %shift_left3A_903 : vector<16xi32>
      %add3A_905 = arith.addi %and3A_898, %shift_left3A_904 : vector<16xi32>
      %and3A_906 = arith.constant 65535 : i32
      %and3A_907 = vector.broadcast %and3A_906 : i32 to vector<16xi32>
      %and3A_908 = arith.andi %get3A_895, %and3A_907 : vector<16xi32>
      %shift_right_arithmetic3A_909 = arith.constant 14 : i32
      %shift_right_arithmetic3A_910 = vector.broadcast %shift_right_arithmetic3A_909 : i32 to vector<16xi32>
      %shift_right_arithmetic3A_911 = arith.shrsi %and3A_908, %shift_right_arithmetic3A_910 : vector<16xi32>
      %add3A_912 = arith.addi %add3A_905, %shift_right_arithmetic3A_911 : vector<16xi32>
      %swap3A_913 = arith.constant 528 : index
      %swap3A_914 = tpu.vector_load %arg6[%swap3A_913] {strides = array<i32>} : memref<1600xi32, #tpu.memory_space<vmem>>, vector<16xi32>,
      %swap3A_915 = vector.shape_cast %swap3A_914 : vector<16xi32> to vector<16xi32>
      %swap3A_916 = vector.shape_cast %add3A_912 : vector<16xi32> to vector<16xi32>
      tpu.vector_store %arg6[%swap3A_913], %swap3A_916 {strides = array<i32>} : memref<1600xi32, #tpu.memory_space<vmem>>, vector<16xi32>,
      %get3A_917 = arith.constant 17 : i32
      %get3A_918 = arith.index_cast %get3A_917 : i32 to index
      %get3A_919 = arith.constant 0 : index
      %get3A_920 = tpu.vector_load %arg4[%get3A_918, %get3A_919] {strides = array<i32>} : memref<50x32xi32, #tpu.memory_space<vmem>>, vector<1x16xi32>,
      %get3A_921 = vector.shape_cast %get3A_920 : vector<1x16xi32> to vector<16xi32>
      %and3A_922 = arith.constant -65536 : i32
      %and3A_923 = vector.broadcast %and3A_922 : i32 to vector<16xi32>
      %and3A_924 = arith.andi %get3A_921, %and3A_923 : vector<16xi32>
      %and3A_925 = arith.constant 16383 : i32
      %and3A_926 = vector.broadcast %and3A_925 : i32 to vector<16xi32>
      %and3A_927 = arith.andi %get3A_921, %and3A_926 : vector<16xi32>
      %shift_left3A_928 = arith.constant 2 : i32
      %shift_left3A_929 = vector.broadcast %shift_left3A_928 : i32 to vector<16xi32>
      %shift_left3A_930 = arith.shli %and3A_927, %shift_left3A_929 : vector<16xi32>
      %add3A_931 = arith.addi %and3A_924, %shift_left3A_930 : vector<16xi32>
      %and3A_932 = arith.constant 65535 : i32
      %and3A_933 = vector.broadcast %and3A_932 : i32 to vector<16xi32>
      %and3A_934 = arith.andi %get3A_921, %and3A_933 : vector<16xi32>
      %shift_right_arithmetic3A_935 = arith.constant 14 : i32
      %shift_right_arithmetic3A_936 = vector.broadcast %shift_right_arithmetic3A_935 : i32 to vector<16xi32>
      %shift_right_arithmetic3A_937 = arith.shrsi %and3A_934, %shift_right_arithmetic3A_936 : vector<16xi32>
      %add3A_938 = arith.addi %add3A_931, %shift_right_arithmetic3A_937 : vector<16xi32>
      %swap3A_939 = arith.constant 544 : index
      %swap3A_940 = tpu.vector_load %arg6[%swap3A_939] {strides = array<i32>} : memref<1600xi32, #tpu.memory_space<vmem>>, vector<16xi32>,
      %swap3A_941 = vector.shape_cast %swap3A_940 : vector<16xi32> to vector<16xi32>
      %swap3A_942 = vector.shape_cast %add3A_938 : vector<16xi32> to vector<16xi32>
      tpu.vector_store %arg6[%swap3A_939], %swap3A_942 {strides = array<i32>} : memref<1600xi32, #tpu.memory_space<vmem>>, vector<16xi32>,
      %get3A_943 = arith.constant 17 : i32
      %get3A_944 = arith.index_cast %get3A_943 : i32 to index
      %get3A_945 = arith.constant 16 : index
      %get3A_946 = tpu.vector_load %arg4[%get3A_944, %get3A_945] {strides = array<i32>} : memref<50x32xi32, #tpu.memory_space<vmem>>, vector<1x16xi32>,
      %get3A_947 = vector.shape_cast %get3A_946 : vector<1x16xi32> to vector<16xi32>
      %and3A_948 = arith.constant -65536 : i32
      %and3A_949 = vector.broadcast %and3A_948 : i32 to vector<16xi32>
      %and3A_950 = arith.andi %get3A_947, %and3A_949 : vector<16xi32>
      %and3A_951 = arith.constant 16383 : i32
      %and3A_952 = vector.broadcast %and3A_951 : i32 to vector<16xi32>
      %and3A_953 = arith.andi %get3A_947, %and3A_952 : vector<16xi32>
      %shift_left3A_954 = arith.constant 2 : i32
      %shift_left3A_955 = vector.broadcast %shift_left3A_954 : i32 to vector<16xi32>
      %shift_left3A_956 = arith.shli %and3A_953, %shift_left3A_955 : vector<16xi32>
      %add3A_957 = arith.addi %and3A_950, %shift_left3A_956 : vector<16xi32>
      %and3A_958 = arith.constant 65535 : i32
      %and3A_959 = vector.broadcast %and3A_958 : i32 to vector<16xi32>
      %and3A_960 = arith.andi %get3A_947, %and3A_959 : vector<16xi32>
      %shift_right_arithmetic3A_961 = arith.constant 14 : i32
      %shift_right_arithmetic3A_962 = vector.broadcast %shift_right_arithmetic3A_961 : i32 to vector<16xi32>
      %shift_right_arithmetic3A_963 = arith.shrsi %and3A_960, %shift_right_arithmetic3A_962 : vector<16xi32>
      %add3A_964 = arith.addi %add3A_957, %shift_right_arithmetic3A_963 : vector<16xi32>
      %swap3A_965 = arith.constant 560 : index
      %swap3A_966 = tpu.vector_load %arg6[%swap3A_965] {strides = array<i32>} : memref<1600xi32, #tpu.memory_space<vmem>>, vector<16xi32>,
      %swap3A_967 = vector.shape_cast %swap3A_966 : vector<16xi32> to vector<16xi32>
      %swap3A_968 = vector.shape_cast %add3A_964 : vector<16xi32> to vector<16xi32>
      tpu.vector_store %arg6[%swap3A_965], %swap3A_968 {strides = array<i32>} : memref<1600xi32, #tpu.memory_space<vmem>>, vector<16xi32>,
      %get3A_969 = arith.constant 18 : i32
      %get3A_970 = arith.index_cast %get3A_969 : i32 to index
      %get3A_971 = arith.constant 0 : index
      %get3A_972 = tpu.vector_load %arg4[%get3A_970, %get3A_971] {strides = array<i32>} : memref<50x32xi32, #tpu.memory_space<vmem>>, vector<1x16xi32>,
      %get3A_973 = vector.shape_cast %get3A_972 : vector<1x16xi32> to vector<16xi32>
      %and3A_974 = arith.constant -65536 : i32
      %and3A_975 = vector.broadcast %and3A_974 : i32 to vector<16xi32>
      %and3A_976 = arith.andi %get3A_973, %and3A_975 : vector<16xi32>
      %and3A_977 = arith.constant 16383 : i32
      %and3A_978 = vector.broadcast %and3A_977 : i32 to vector<16xi32>
      %and3A_979 = arith.andi %get3A_973, %and3A_978 : vector<16xi32>
      %shift_left3A_980 = arith.constant 2 : i32
      %shift_left3A_981 = vector.broadcast %shift_left3A_980 : i32 to vector<16xi32>
      %shift_left3A_982 = arith.shli %and3A_979, %shift_left3A_981 : vector<16xi32>
      %add3A_983 = arith.addi %and3A_976, %shift_left3A_982 : vector<16xi32>
      %and3A_984 = arith.constant 65535 : i32
      %and3A_985 = vector.broadcast %and3A_984 : i32 to vector<16xi32>
      %and3A_986 = arith.andi %get3A_973, %and3A_985 : vector<16xi32>
      %shift_right_arithmetic3A_987 = arith.constant 14 : i32
      %shift_right_arithmetic3A_988 = vector.broadcast %shift_right_arithmetic3A_987 : i32 to vector<16xi32>
      %shift_right_arithmetic3A_989 = arith.shrsi %and3A_986, %shift_right_arithmetic3A_988 : vector<16xi32>
      %add3A_990 = arith.addi %add3A_983, %shift_right_arithmetic3A_989 : vector<16xi32>
      %swap3A_991 = arith.constant 576 : index
      %swap3A_992 = tpu.vector_load %arg6[%swap3A_991] {strides = array<i32>} : memref<1600xi32, #tpu.memory_space<vmem>>, vector<16xi32>,
      %swap3A_993 = vector.shape_cast %swap3A_992 : vector<16xi32> to vector<16xi32>
      %swap3A_994 = vector.shape_cast %add3A_990 : vector<16xi32> to vector<16xi32>
      tpu.vector_store %arg6[%swap3A_991], %swap3A_994 {strides = array<i32>} : memref<1600xi32, #tpu.memory_space<vmem>>, vector<16xi32>,
      %get3A_995 = arith.constant 18 : i32
      %get3A_996 = arith.index_cast %get3A_995 : i32 to index
      %get3A_997 = arith.constant 16 : index
      %get3A_998 = tpu.vector_load %arg4[%get3A_996, %get3A_997] {strides = array<i32>} : memref<50x32xi32, #tpu.memory_space<vmem>>, vector<1x16xi32>,
      %get3A_999 = vector.shape_cast %get3A_998 : vector<1x16xi32> to vector<16xi32>
      %and3A_1000 = arith.constant -65536 : i32
      %and3A_1001 = vector.broadcast %and3A_1000 : i32 to vector<16xi32>
      %and3A_1002 = arith.andi %get3A_999, %and3A_1001 : vector<16xi32>
      %and3A_1003 = arith.constant 16383 : i32
      %and3A_1004 = vector.broadcast %and3A_1003 : i32 to vector<16xi32>
      %and3A_1005 = arith.andi %get3A_999, %and3A_1004 : vector<16xi32>
      %shift_left3A_1006 = arith.constant 2 : i32
      %shift_left3A_1007 = vector.broadcast %shift_left3A_1006 : i32 to vector<16xi32>
      %shift_left3A_1008 = arith.shli %and3A_1005, %shift_left3A_1007 : vector<16xi32>
      %add3A_1009 = arith.addi %and3A_1002, %shift_left3A_1008 : vector<16xi32>
      %and3A_1010 = arith.constant 65535 : i32
      %and3A_1011 = vector.broadcast %and3A_1010 : i32 to vector<16xi32>
      %and3A_1012 = arith.andi %get3A_999, %and3A_1011 : vector<16xi32>
      %shift_right_arithmetic3A_1013 = arith.constant 14 : i32
      %shift_right_arithmetic3A_1014 = vector.broadcast %shift_right_arithmetic3A_1013 : i32 to vector<16xi32>
      %shift_right_arithmetic3A_1015 = arith.shrsi %and3A_1012, %shift_right_arithmetic3A_1014 : vector<16xi32>
      %add3A_1016 = arith.addi %add3A_1009, %shift_right_arithmetic3A_1015 : vector<16xi32>
      %swap3A_1017 = arith.constant 592 : index
      %swap3A_1018 = tpu.vector_load %arg6[%swap3A_1017] {strides = array<i32>} : memref<1600xi32, #tpu.memory_space<vmem>>, vector<16xi32>,
      %swap3A_1019 = vector.shape_cast %swap3A_1018 : vector<16xi32> to vector<16xi32>
      %swap3A_1020 = vector.shape_cast %add3A_1016 : vector<16xi32> to vector<16xi32>
      tpu.vector_store %arg6[%swap3A_1017], %swap3A_1020 {strides = array<i32>} : memref<1600xi32, #tpu.memory_space<vmem>>, vector<16xi32>,
      %get3A_1021 = arith.constant 19 : i32
      %get3A_1022 = arith.index_cast %get3A_1021 : i32 to index
      %get3A_1023 = arith.constant 0 : index
      %get3A_1024 = tpu.vector_load %arg4[%get3A_1022, %get3A_1023] {strides = array<i32>} : memref<50x32xi32, #tpu.memory_space<vmem>>, vector<1x16xi32>,
      %get3A_1025 = vector.shape_cast %get3A_1024 : vector<1x16xi32> to vector<16xi32>
      %and3A_1026 = arith.constant -65536 : i32
      %and3A_1027 = vector.broadcast %and3A_1026 : i32 to vector<16xi32>
      %and3A_1028 = arith.andi %get3A_1025, %and3A_1027 : vector<16xi32>
      %and3A_1029 = arith.constant 16383 : i32
      %and3A_1030 = vector.broadcast %and3A_1029 : i32 to vector<16xi32>
      %and3A_1031 = arith.andi %get3A_1025, %and3A_1030 : vector<16xi32>
      %shift_left3A_1032 = arith.constant 2 : i32
      %shift_left3A_1033 = vector.broadcast %shift_left3A_1032 : i32 to vector<16xi32>
      %shift_left3A_1034 = arith.shli %and3A_1031, %shift_left3A_1033 : vector<16xi32>
      %add3A_1035 = arith.addi %and3A_1028, %shift_left3A_1034 : vector<16xi32>
      %and3A_1036 = arith.constant 65535 : i32
      %and3A_1037 = vector.broadcast %and3A_1036 : i32 to vector<16xi32>
      %and3A_1038 = arith.andi %get3A_1025, %and3A_1037 : vector<16xi32>
      %shift_right_arithmetic3A_1039 = arith.constant 14 : i32
      %shift_right_arithmetic3A_1040 = vector.broadcast %shift_right_arithmetic3A_1039 : i32 to vector<16xi32>
      %shift_right_arithmetic3A_1041 = arith.shrsi %and3A_1038, %shift_right_arithmetic3A_1040 : vector<16xi32>
      %add3A_1042 = arith.addi %add3A_1035, %shift_right_arithmetic3A_1041 : vector<16xi32>
      %swap3A_1043 = arith.constant 608 : index
      %swap3A_1044 = tpu.vector_load %arg6[%swap3A_1043] {strides = array<i32>} : memref<1600xi32, #tpu.memory_space<vmem>>, vector<16xi32>,
      %swap3A_1045 = vector.shape_cast %swap3A_1044 : vector<16xi32> to vector<16xi32>
      %swap3A_1046 = vector.shape_cast %add3A_1042 : vector<16xi32> to vector<16xi32>
      tpu.vector_store %arg6[%swap3A_1043], %swap3A_1046 {strides = array<i32>} : memref<1600xi32, #tpu.memory_space<vmem>>, vector<16xi32>,
      %get3A_1047 = arith.constant 19 : i32
      %get3A_1048 = arith.index_cast %get3A_1047 : i32 to index
      %get3A_1049 = arith.constant 16 : index
      %get3A_1050 = tpu.vector_load %arg4[%get3A_1048, %get3A_1049] {strides = array<i32>} : memref<50x32xi32, #tpu.memory_space<vmem>>, vector<1x16xi32>,
      %get3A_1051 = vector.shape_cast %get3A_1050 : vector<1x16xi32> to vector<16xi32>
      %and3A_1052 = arith.constant -65536 : i32
      %and3A_1053 = vector.broadcast %and3A_1052 : i32 to vector<16xi32>
      %and3A_1054 = arith.andi %get3A_1051, %and3A_1053 : vector<16xi32>
      %and3A_1055 = arith.constant 16383 : i32
      %and3A_1056 = vector.broadcast %and3A_1055 : i32 to vector<16xi32>
      %and3A_1057 = arith.andi %get3A_1051, %and3A_1056 : vector<16xi32>
      %shift_left3A_1058 = arith.constant 2 : i32
      %shift_left3A_1059 = vector.broadcast %shift_left3A_1058 : i32 to vector<16xi32>
      %shift_left3A_1060 = arith.shli %and3A_1057, %shift_left3A_1059 : vector<16xi32>
      %add3A_1061 = arith.addi %and3A_1054, %shift_left3A_1060 : vector<16xi32>
      %and3A_1062 = arith.constant 65535 : i32
      %and3A_1063 = vector.broadcast %and3A_1062 : i32 to vector<16xi32>
      %and3A_1064 = arith.andi %get3A_1051, %and3A_1063 : vector<16xi32>
      %shift_right_arithmetic3A_1065 = arith.constant 14 : i32
      %shift_right_arithmetic3A_1066 = vector.broadcast %shift_right_arithmetic3A_1065 : i32 to vector<16xi32>
      %shift_right_arithmetic3A_1067 = arith.shrsi %and3A_1064, %shift_right_arithmetic3A_1066 : vector<16xi32>
      %add3A_1068 = arith.addi %add3A_1061, %shift_right_arithmetic3A_1067 : vector<16xi32>
      %swap3A_1069 = arith.constant 624 : index
      %swap3A_1070 = tpu.vector_load %arg6[%swap3A_1069] {strides = array<i32>} : memref<1600xi32, #tpu.memory_space<vmem>>, vector<16xi32>,
      %swap3A_1071 = vector.shape_cast %swap3A_1070 : vector<16xi32> to vector<16xi32>
      %swap3A_1072 = vector.shape_cast %add3A_1068 : vector<16xi32> to vector<16xi32>
      tpu.vector_store %arg6[%swap3A_1069], %swap3A_1072 {strides = array<i32>} : memref<1600xi32, #tpu.memory_space<vmem>>, vector<16xi32>,
      %get3A_1073 = arith.constant 20 : i32
      %get3A_1074 = arith.index_cast %get3A_1073 : i32 to index
      %get3A_1075 = arith.constant 0 : index
      %get3A_1076 = tpu.vector_load %arg4[%get3A_1074, %get3A_1075] {strides = array<i32>} : memref<50x32xi32, #tpu.memory_space<vmem>>, vector<1x16xi32>,
      %get3A_1077 = vector.shape_cast %get3A_1076 : vector<1x16xi32> to vector<16xi32>
      %and3A_1078 = arith.constant -65536 : i32
      %and3A_1079 = vector.broadcast %and3A_1078 : i32 to vector<16xi32>
      %and3A_1080 = arith.andi %get3A_1077, %and3A_1079 : vector<16xi32>
      %and3A_1081 = arith.constant 16383 : i32
      %and3A_1082 = vector.broadcast %and3A_1081 : i32 to vector<16xi32>
      %and3A_1083 = arith.andi %get3A_1077, %and3A_1082 : vector<16xi32>
      %shift_left3A_1084 = arith.constant 2 : i32
      %shift_left3A_1085 = vector.broadcast %shift_left3A_1084 : i32 to vector<16xi32>
      %shift_left3A_1086 = arith.shli %and3A_1083, %shift_left3A_1085 : vector<16xi32>
      %add3A_1087 = arith.addi %and3A_1080, %shift_left3A_1086 : vector<16xi32>
      %and3A_1088 = arith.constant 65535 : i32
      %and3A_1089 = vector.broadcast %and3A_1088 : i32 to vector<16xi32>
      %and3A_1090 = arith.andi %get3A_1077, %and3A_1089 : vector<16xi32>
      %shift_right_arithmetic3A_1091 = arith.constant 14 : i32
      %shift_right_arithmetic3A_1092 = vector.broadcast %shift_right_arithmetic3A_1091 : i32 to vector<16xi32>
      %shift_right_arithmetic3A_1093 = arith.shrsi %and3A_1090, %shift_right_arithmetic3A_1092 : vector<16xi32>
      %add3A_1094 = arith.addi %add3A_1087, %shift_right_arithmetic3A_1093 : vector<16xi32>
      %swap3A_1095 = arith.constant 640 : index
      %swap3A_1096 = tpu.vector_load %arg6[%swap3A_1095] {strides = array<i32>} : memref<1600xi32, #tpu.memory_space<vmem>>, vector<16xi32>,
      %swap3A_1097 = vector.shape_cast %swap3A_1096 : vector<16xi32> to vector<16xi32>
      %swap3A_1098 = vector.shape_cast %add3A_1094 : vector<16xi32> to vector<16xi32>
      tpu.vector_store %arg6[%swap3A_1095], %swap3A_1098 {strides = array<i32>} : memref<1600xi32, #tpu.memory_space<vmem>>, vector<16xi32>,
      %get3A_1099 = arith.constant 20 : i32
      %get3A_1100 = arith.index_cast %get3A_1099 : i32 to index
      %get3A_1101 = arith.constant 16 : index
      %get3A_1102 = tpu.vector_load %arg4[%get3A_1100, %get3A_1101] {strides = array<i32>} : memref<50x32xi32, #tpu.memory_space<vmem>>, vector<1x16xi32>,
      %get3A_1103 = vector.shape_cast %get3A_1102 : vector<1x16xi32> to vector<16xi32>
      %and3A_1104 = arith.constant -65536 : i32
      %and3A_1105 = vector.broadcast %and3A_1104 : i32 to vector<16xi32>
      %and3A_1106 = arith.andi %get3A_1103, %and3A_1105 : vector<16xi32>
      %and3A_1107 = arith.constant 16383 : i32
      %and3A_1108 = vector.broadcast %and3A_1107 : i32 to vector<16xi32>
      %and3A_1109 = arith.andi %get3A_1103, %and3A_1108 : vector<16xi32>
      %shift_left3A_1110 = arith.constant 2 : i32
      %shift_left3A_1111 = vector.broadcast %shift_left3A_1110 : i32 to vector<16xi32>
      %shift_left3A_1112 = arith.shli %and3A_1109, %shift_left3A_1111 : vector<16xi32>
      %add3A_1113 = arith.addi %and3A_1106, %shift_left3A_1112 : vector<16xi32>
      %and3A_1114 = arith.constant 65535 : i32
      %and3A_1115 = vector.broadcast %and3A_1114 : i32 to vector<16xi32>
      %and3A_1116 = arith.andi %get3A_1103, %and3A_1115 : vector<16xi32>
      %shift_right_arithmetic3A_1117 = arith.constant 14 : i32
      %shift_right_arithmetic3A_1118 = vector.broadcast %shift_right_arithmetic3A_1117 : i32 to vector<16xi32>
      %shift_right_arithmetic3A_1119 = arith.shrsi %and3A_1116, %shift_right_arithmetic3A_1118 : vector<16xi32>
      %add3A_1120 = arith.addi %add3A_1113, %shift_right_arithmetic3A_1119 : vector<16xi32>
      %swap3A_1121 = arith.constant 656 : index
      %swap3A_1122 = tpu.vector_load %arg6[%swap3A_1121] {strides = array<i32>} : memref<1600xi32, #tpu.memory_space<vmem>>, vector<16xi32>,
      %swap3A_1123 = vector.shape_cast %swap3A_1122 : vector<16xi32> to vector<16xi32>
      %swap3A_1124 = vector.shape_cast %add3A_1120 : vector<16xi32> to vector<16xi32>
      tpu.vector_store %arg6[%swap3A_1121], %swap3A_1124 {strides = array<i32>} : memref<1600xi32, #tpu.memory_space<vmem>>, vector<16xi32>,
      %get3A_1125 = arith.constant 21 : i32
      %get3A_1126 = arith.index_cast %get3A_1125 : i32 to index
      %get3A_1127 = arith.constant 0 : index
      %get3A_1128 = tpu.vector_load %arg4[%get3A_1126, %get3A_1127] {strides = array<i32>} : memref<50x32xi32, #tpu.memory_space<vmem>>, vector<1x16xi32>,
      %get3A_1129 = vector.shape_cast %get3A_1128 : vector<1x16xi32> to vector<16xi32>
      %and3A_1130 = arith.constant -65536 : i32
      %and3A_1131 = vector.broadcast %and3A_1130 : i32 to vector<16xi32>
      %and3A_1132 = arith.andi %get3A_1129, %and3A_1131 : vector<16xi32>
      %and3A_1133 = arith.constant 16383 : i32
      %and3A_1134 = vector.broadcast %and3A_1133 : i32 to vector<16xi32>
      %and3A_1135 = arith.andi %get3A_1129, %and3A_1134 : vector<16xi32>
      %shift_left3A_1136 = arith.constant 2 : i32
      %shift_left3A_1137 = vector.broadcast %shift_left3A_1136 : i32 to vector<16xi32>
      %shift_left3A_1138 = arith.shli %and3A_1135, %shift_left3A_1137 : vector<16xi32>
      %add3A_1139 = arith.addi %and3A_1132, %shift_left3A_1138 : vector<16xi32>
      %and3A_1140 = arith.constant 65535 : i32
      %and3A_1141 = vector.broadcast %and3A_1140 : i32 to vector<16xi32>
      %and3A_1142 = arith.andi %get3A_1129, %and3A_1141 : vector<16xi32>
      %shift_right_arithmetic3A_1143 = arith.constant 14 : i32
      %shift_right_arithmetic3A_1144 = vector.broadcast %shift_right_arithmetic3A_1143 : i32 to vector<16xi32>
      %shift_right_arithmetic3A_1145 = arith.shrsi %and3A_1142, %shift_right_arithmetic3A_1144 : vector<16xi32>
      %add3A_1146 = arith.addi %add3A_1139, %shift_right_arithmetic3A_1145 : vector<16xi32>
      %swap3A_1147 = arith.constant 672 : index
      %swap3A_1148 = tpu.vector_load %arg6[%swap3A_1147] {strides = array<i32>} : memref<1600xi32, #tpu.memory_space<vmem>>, vector<16xi32>,
      %swap3A_1149 = vector.shape_cast %swap3A_1148 : vector<16xi32> to vector<16xi32>
      %swap3A_1150 = vector.shape_cast %add3A_1146 : vector<16xi32> to vector<16xi32>
      tpu.vector_store %arg6[%swap3A_1147], %swap3A_1150 {strides = array<i32>} : memref<1600xi32, #tpu.memory_space<vmem>>, vector<16xi32>,
      %get3A_1151 = arith.constant 21 : i32
      %get3A_1152 = arith.index_cast %get3A_1151 : i32 to index
      %get3A_1153 = arith.constant 16 : index
      %get3A_1154 = tpu.vector_load %arg4[%get3A_1152, %get3A_1153] {strides = array<i32>} : memref<50x32xi32, #tpu.memory_space<vmem>>, vector<1x16xi32>,
      %get3A_1155 = vector.shape_cast %get3A_1154 : vector<1x16xi32> to vector<16xi32>
      %and3A_1156 = arith.constant -65536 : i32
      %and3A_1157 = vector.broadcast %and3A_1156 : i32 to vector<16xi32>
      %and3A_1158 = arith.andi %get3A_1155, %and3A_1157 : vector<16xi32>
      %and3A_1159 = arith.constant 16383 : i32
      %and3A_1160 = vector.broadcast %and3A_1159 : i32 to vector<16xi32>
      %and3A_1161 = arith.andi %get3A_1155, %and3A_1160 : vector<16xi32>
      %shift_left3A_1162 = arith.constant 2 : i32
      %shift_left3A_1163 = vector.broadcast %shift_left3A_1162 : i32 to vector<16xi32>
      %shift_left3A_1164 = arith.shli %and3A_1161, %shift_left3A_1163 : vector<16xi32>
      %add3A_1165 = arith.addi %and3A_1158, %shift_left3A_1164 : vector<16xi32>
      %and3A_1166 = arith.constant 65535 : i32
      %and3A_1167 = vector.broadcast %and3A_1166 : i32 to vector<16xi32>
      %and3A_1168 = arith.andi %get3A_1155, %and3A_1167 : vector<16xi32>
      %shift_right_arithmetic3A_1169 = arith.constant 14 : i32
      %shift_right_arithmetic3A_1170 = vector.broadcast %shift_right_arithmetic3A_1169 : i32 to vector<16xi32>
      %shift_right_arithmetic3A_1171 = arith.shrsi %and3A_1168, %shift_right_arithmetic3A_1170 : vector<16xi32>
      %add3A_1172 = arith.addi %add3A_1165, %shift_right_arithmetic3A_1171 : vector<16xi32>
      %swap3A_1173 = arith.constant 688 : index
      %swap3A_1174 = tpu.vector_load %arg6[%swap3A_1173] {strides = array<i32>} : memref<1600xi32, #tpu.memory_space<vmem>>, vector<16xi32>,
      %swap3A_1175 = vector.shape_cast %swap3A_1174 : vector<16xi32> to vector<16xi32>
      %swap3A_1176 = vector.shape_cast %add3A_1172 : vector<16xi32> to vector<16xi32>
      tpu.vector_store %arg6[%swap3A_1173], %swap3A_1176 {strides = array<i32>} : memref<1600xi32, #tpu.memory_space<vmem>>, vector<16xi32>,
      %get3A_1177 = arith.constant 22 : i32
      %get3A_1178 = arith.index_cast %get3A_1177 : i32 to index
      %get3A_1179 = arith.constant 0 : index
      %get3A_1180 = tpu.vector_load %arg4[%get3A_1178, %get3A_1179] {strides = array<i32>} : memref<50x32xi32, #tpu.memory_space<vmem>>, vector<1x16xi32>,
      %get3A_1181 = vector.shape_cast %get3A_1180 : vector<1x16xi32> to vector<16xi32>
      %and3A_1182 = arith.constant -65536 : i32
      %and3A_1183 = vector.broadcast %and3A_1182 : i32 to vector<16xi32>
      %and3A_1184 = arith.andi %get3A_1181, %and3A_1183 : vector<16xi32>
      %and3A_1185 = arith.constant 16383 : i32
      %and3A_1186 = vector.broadcast %and3A_1185 : i32 to vector<16xi32>
      %and3A_1187 = arith.andi %get3A_1181, %and3A_1186 : vector<16xi32>
      %shift_left3A_1188 = arith.constant 2 : i32
      %shift_left3A_1189 = vector.broadcast %shift_left3A_1188 : i32 to vector<16xi32>
      %shift_left3A_1190 = arith.shli %and3A_1187, %shift_left3A_1189 : vector<16xi32>
      %add3A_1191 = arith.addi %and3A_1184, %shift_left3A_1190 : vector<16xi32>
      %and3A_1192 = arith.constant 65535 : i32
      %and3A_1193 = vector.broadcast %and3A_1192 : i32 to vector<16xi32>
      %and3A_1194 = arith.andi %get3A_1181, %and3A_1193 : vector<16xi32>
      %shift_right_arithmetic3A_1195 = arith.constant 14 : i32
      %shift_right_arithmetic3A_1196 = vector.broadcast %shift_right_arithmetic3A_1195 : i32 to vector<16xi32>
      %shift_right_arithmetic3A_1197 = arith.shrsi %and3A_1194, %shift_right_arithmetic3A_1196 : vector<16xi32>
      %add3A_1198 = arith.addi %add3A_1191, %shift_right_arithmetic3A_1197 : vector<16xi32>
      %swap3A_1199 = arith.constant 704 : index
      %swap3A_1200 = tpu.vector_load %arg6[%swap3A_1199] {strides = array<i32>} : memref<1600xi32, #tpu.memory_space<vmem>>, vector<16xi32>,
      %swap3A_1201 = vector.shape_cast %swap3A_1200 : vector<16xi32> to vector<16xi32>
      %swap3A_1202 = vector.shape_cast %add3A_1198 : vector<16xi32> to vector<16xi32>
      tpu.vector_store %arg6[%swap3A_1199], %swap3A_1202 {strides = array<i32>} : memref<1600xi32, #tpu.memory_space<vmem>>, vector<16xi32>,
      %get3A_1203 = arith.constant 22 : i32
      %get3A_1204 = arith.index_cast %get3A_1203 : i32 to index
      %get3A_1205 = arith.constant 16 : index
      %get3A_1206 = tpu.vector_load %arg4[%get3A_1204, %get3A_1205] {strides = array<i32>} : memref<50x32xi32, #tpu.memory_space<vmem>>, vector<1x16xi32>,
      %get3A_1207 = vector.shape_cast %get3A_1206 : vector<1x16xi32> to vector<16xi32>
      %and3A_1208 = arith.constant -65536 : i32
      %and3A_1209 = vector.broadcast %and3A_1208 : i32 to vector<16xi32>
      %and3A_1210 = arith.andi %get3A_1207, %and3A_1209 : vector<16xi32>
      %and3A_1211 = arith.constant 16383 : i32
      %and3A_1212 = vector.broadcast %and3A_1211 : i32 to vector<16xi32>
      %and3A_1213 = arith.andi %get3A_1207, %and3A_1212 : vector<16xi32>
      %shift_left3A_1214 = arith.constant 2 : i32
      %shift_left3A_1215 = vector.broadcast %shift_left3A_1214 : i32 to vector<16xi32>
      %shift_left3A_1216 = arith.shli %and3A_1213, %shift_left3A_1215 : vector<16xi32>
      %add3A_1217 = arith.addi %and3A_1210, %shift_left3A_1216 : vector<16xi32>
      %and3A_1218 = arith.constant 65535 : i32
      %and3A_1219 = vector.broadcast %and3A_1218 : i32 to vector<16xi32>
      %and3A_1220 = arith.andi %get3A_1207, %and3A_1219 : vector<16xi32>
      %shift_right_arithmetic3A_1221 = arith.constant 14 : i32
      %shift_right_arithmetic3A_1222 = vector.broadcast %shift_right_arithmetic3A_1221 : i32 to vector<16xi32>
      %shift_right_arithmetic3A_1223 = arith.shrsi %and3A_1220, %shift_right_arithmetic3A_1222 : vector<16xi32>
      %add3A_1224 = arith.addi %add3A_1217, %shift_right_arithmetic3A_1223 : vector<16xi32>
      %swap3A_1225 = arith.constant 720 : index
      %swap3A_1226 = tpu.vector_load %arg6[%swap3A_1225] {strides = array<i32>} : memref<1600xi32, #tpu.memory_space<vmem>>, vector<16xi32>,
      %swap3A_1227 = vector.shape_cast %swap3A_1226 : vector<16xi32> to vector<16xi32>
      %swap3A_1228 = vector.shape_cast %add3A_1224 : vector<16xi32> to vector<16xi32>
      tpu.vector_store %arg6[%swap3A_1225], %swap3A_1228 {strides = array<i32>} : memref<1600xi32, #tpu.memory_space<vmem>>, vector<16xi32>,
      %get3A_1229 = arith.constant 23 : i32
      %get3A_1230 = arith.index_cast %get3A_1229 : i32 to index
      %get3A_1231 = arith.constant 0 : index
      %get3A_1232 = tpu.vector_load %arg4[%get3A_1230, %get3A_1231] {strides = array<i32>} : memref<50x32xi32, #tpu.memory_space<vmem>>, vector<1x16xi32>,
      %get3A_1233 = vector.shape_cast %get3A_1232 : vector<1x16xi32> to vector<16xi32>
      %and3A_1234 = arith.constant -65536 : i32
      %and3A_1235 = vector.broadcast %and3A_1234 : i32 to vector<16xi32>
      %and3A_1236 = arith.andi %get3A_1233, %and3A_1235 : vector<16xi32>
      %and3A_1237 = arith.constant 16383 : i32
      %and3A_1238 = vector.broadcast %and3A_1237 : i32 to vector<16xi32>
      %and3A_1239 = arith.andi %get3A_1233, %and3A_1238 : vector<16xi32>
      %shift_left3A_1240 = arith.constant 2 : i32
      %shift_left3A_1241 = vector.broadcast %shift_left3A_1240 : i32 to vector<16xi32>
      %shift_left3A_1242 = arith.shli %and3A_1239, %shift_left3A_1241 : vector<16xi32>
      %add3A_1243 = arith.addi %and3A_1236, %shift_left3A_1242 : vector<16xi32>
      %and3A_1244 = arith.constant 65535 : i32
      %and3A_1245 = vector.broadcast %and3A_1244 : i32 to vector<16xi32>
      %and3A_1246 = arith.andi %get3A_1233, %and3A_1245 : vector<16xi32>
      %shift_right_arithmetic3A_1247 = arith.constant 14 : i32
      %shift_right_arithmetic3A_1248 = vector.broadcast %shift_right_arithmetic3A_1247 : i32 to vector<16xi32>
      %shift_right_arithmetic3A_1249 = arith.shrsi %and3A_1246, %shift_right_arithmetic3A_1248 : vector<16xi32>
      %add3A_1250 = arith.addi %add3A_1243, %shift_right_arithmetic3A_1249 : vector<16xi32>
      %swap3A_1251 = arith.constant 736 : index
      %swap3A_1252 = tpu.vector_load %arg6[%swap3A_1251] {strides = array<i32>} : memref<1600xi32, #tpu.memory_space<vmem>>, vector<16xi32>,
      %swap3A_1253 = vector.shape_cast %swap3A_1252 : vector<16xi32> to vector<16xi32>
      %swap3A_1254 = vector.shape_cast %add3A_1250 : vector<16xi32> to vector<16xi32>
      tpu.vector_store %arg6[%swap3A_1251], %swap3A_1254 {strides = array<i32>} : memref<1600xi32, #tpu.memory_space<vmem>>, vector<16xi32>,
      %get3A_1255 = arith.constant 23 : i32
      %get3A_1256 = arith.index_cast %get3A_1255 : i32 to index
      %get3A_1257 = arith.constant 16 : index
      %get3A_1258 = tpu.vector_load %arg4[%get3A_1256, %get3A_1257] {strides = array<i32>} : memref<50x32xi32, #tpu.memory_space<vmem>>, vector<1x16xi32>,
      %get3A_1259 = vector.shape_cast %get3A_1258 : vector<1x16xi32> to vector<16xi32>
      %and3A_1260 = arith.constant -65536 : i32
      %and3A_1261 = vector.broadcast %and3A_1260 : i32 to vector<16xi32>
      %and3A_1262 = arith.andi %get3A_1259, %and3A_1261 : vector<16xi32>
      %and3A_1263 = arith.constant 16383 : i32
      %and3A_1264 = vector.broadcast %and3A_1263 : i32 to vector<16xi32>
      %and3A_1265 = arith.andi %get3A_1259, %and3A_1264 : vector<16xi32>
      %shift_left3A_1266 = arith.constant 2 : i32
      %shift_left3A_1267 = vector.broadcast %shift_left3A_1266 : i32 to vector<16xi32>
      %shift_left3A_1268 = arith.shli %and3A_1265, %shift_left3A_1267 : vector<16xi32>
      %add3A_1269 = arith.addi %and3A_1262, %shift_left3A_1268 : vector<16xi32>
      %and3A_1270 = arith.constant 65535 : i32
      %and3A_1271 = vector.broadcast %and3A_1270 : i32 to vector<16xi32>
      %and3A_1272 = arith.andi %get3A_1259, %and3A_1271 : vector<16xi32>
      %shift_right_arithmetic3A_1273 = arith.constant 14 : i32
      %shift_right_arithmetic3A_1274 = vector.broadcast %shift_right_arithmetic3A_1273 : i32 to vector<16xi32>
      %shift_right_arithmetic3A_1275 = arith.shrsi %and3A_1272, %shift_right_arithmetic3A_1274 : vector<16xi32>
      %add3A_1276 = arith.addi %add3A_1269, %shift_right_arithmetic3A_1275 : vector<16xi32>
      %swap3A_1277 = arith.constant 752 : index
      %swap3A_1278 = tpu.vector_load %arg6[%swap3A_1277] {strides = array<i32>} : memref<1600xi32, #tpu.memory_space<vmem>>, vector<16xi32>,
      %swap3A_1279 = vector.shape_cast %swap3A_1278 : vector<16xi32> to vector<16xi32>
      %swap3A_1280 = vector.shape_cast %add3A_1276 : vector<16xi32> to vector<16xi32>
      tpu.vector_store %arg6[%swap3A_1277], %swap3A_1280 {strides = array<i32>} : memref<1600xi32, #tpu.memory_space<vmem>>, vector<16xi32>,
      %get3A_1281 = arith.constant 24 : i32
      %get3A_1282 = arith.index_cast %get3A_1281 : i32 to index
      %get3A_1283 = arith.constant 0 : index
      %get3A_1284 = tpu.vector_load %arg4[%get3A_1282, %get3A_1283] {strides = array<i32>} : memref<50x32xi32, #tpu.memory_space<vmem>>, vector<1x16xi32>,
      %get3A_1285 = vector.shape_cast %get3A_1284 : vector<1x16xi32> to vector<16xi32>
      %and3A_1286 = arith.constant -65536 : i32
      %and3A_1287 = vector.broadcast %and3A_1286 : i32 to vector<16xi32>
      %and3A_1288 = arith.andi %get3A_1285, %and3A_1287 : vector<16xi32>
      %and3A_1289 = arith.constant 16383 : i32
      %and3A_1290 = vector.broadcast %and3A_1289 : i32 to vector<16xi32>
      %and3A_1291 = arith.andi %get3A_1285, %and3A_1290 : vector<16xi32>
      %shift_left3A_1292 = arith.constant 2 : i32
      %shift_left3A_1293 = vector.broadcast %shift_left3A_1292 : i32 to vector<16xi32>
      %shift_left3A_1294 = arith.shli %and3A_1291, %shift_left3A_1293 : vector<16xi32>
      %add3A_1295 = arith.addi %and3A_1288, %shift_left3A_1294 : vector<16xi32>
      %and3A_1296 = arith.constant 65535 : i32
      %and3A_1297 = vector.broadcast %and3A_1296 : i32 to vector<16xi32>
      %and3A_1298 = arith.andi %get3A_1285, %and3A_1297 : vector<16xi32>
      %shift_right_arithmetic3A_1299 = arith.constant 14 : i32
      %shift_right_arithmetic3A_1300 = vector.broadcast %shift_right_arithmetic3A_1299 : i32 to vector<16xi32>
      %shift_right_arithmetic3A_1301 = arith.shrsi %and3A_1298, %shift_right_arithmetic3A_1300 : vector<16xi32>
      %add3A_1302 = arith.addi %add3A_1295, %shift_right_arithmetic3A_1301 : vector<16xi32>
      %swap3A_1303 = arith.constant 768 : index
      %swap3A_1304 = tpu.vector_load %arg6[%swap3A_1303] {strides = array<i32>} : memref<1600xi32, #tpu.memory_space<vmem>>, vector<16xi32>,
      %swap3A_1305 = vector.shape_cast %swap3A_1304 : vector<16xi32> to vector<16xi32>
      %swap3A_1306 = vector.shape_cast %add3A_1302 : vector<16xi32> to vector<16xi32>
      tpu.vector_store %arg6[%swap3A_1303], %swap3A_1306 {strides = array<i32>} : memref<1600xi32, #tpu.memory_space<vmem>>, vector<16xi32>,
      %get3A_1307 = arith.constant 24 : i32
      %get3A_1308 = arith.index_cast %get3A_1307 : i32 to index
      %get3A_1309 = arith.constant 16 : index
      %get3A_1310 = tpu.vector_load %arg4[%get3A_1308, %get3A_1309] {strides = array<i32>} : memref<50x32xi32, #tpu.memory_space<vmem>>, vector<1x16xi32>,
      %get3A_1311 = vector.shape_cast %get3A_1310 : vector<1x16xi32> to vector<16xi32>
      %and3A_1312 = arith.constant -65536 : i32
      %and3A_1313 = vector.broadcast %and3A_1312 : i32 to vector<16xi32>
      %and3A_1314 = arith.andi %get3A_1311, %and3A_1313 : vector<16xi32>
      %and3A_1315 = arith.constant 16383 : i32
      %and3A_1316 = vector.broadcast %and3A_1315 : i32 to vector<16xi32>
      %and3A_1317 = arith.andi %get3A_1311, %and3A_1316 : vector<16xi32>
      %shift_left3A_1318 = arith.constant 2 : i32
      %shift_left3A_1319 = vector.broadcast %shift_left3A_1318 : i32 to vector<16xi32>
      %shift_left3A_1320 = arith.shli %and3A_1317, %shift_left3A_1319 : vector<16xi32>
      %add3A_1321 = arith.addi %and3A_1314, %shift_left3A_1320 : vector<16xi32>
      %and3A_1322 = arith.constant 65535 : i32
      %and3A_1323 = vector.broadcast %and3A_1322 : i32 to vector<16xi32>
      %and3A_1324 = arith.andi %get3A_1311, %and3A_1323 : vector<16xi32>
      %shift_right_arithmetic3A_1325 = arith.constant 14 : i32
      %shift_right_arithmetic3A_1326 = vector.broadcast %shift_right_arithmetic3A_1325 : i32 to vector<16xi32>
      %shift_right_arithmetic3A_1327 = arith.shrsi %and3A_1324, %shift_right_arithmetic3A_1326 : vector<16xi32>
      %add3A_1328 = arith.addi %add3A_1321, %shift_right_arithmetic3A_1327 : vector<16xi32>
      %swap3A_1329 = arith.constant 784 : index
      %swap3A_1330 = tpu.vector_load %arg6[%swap3A_1329] {strides = array<i32>} : memref<1600xi32, #tpu.memory_space<vmem>>, vector<16xi32>,
      %swap3A_1331 = vector.shape_cast %swap3A_1330 : vector<16xi32> to vector<16xi32>
      %swap3A_1332 = vector.shape_cast %add3A_1328 : vector<16xi32> to vector<16xi32>
      tpu.vector_store %arg6[%swap3A_1329], %swap3A_1332 {strides = array<i32>} : memref<1600xi32, #tpu.memory_space<vmem>>, vector<16xi32>,
      %get3A_1333 = arith.constant 25 : i32
      %get3A_1334 = arith.index_cast %get3A_1333 : i32 to index
      %get3A_1335 = arith.constant 0 : index
      %get3A_1336 = tpu.vector_load %arg4[%get3A_1334, %get3A_1335] {strides = array<i32>} : memref<50x32xi32, #tpu.memory_space<vmem>>, vector<1x16xi32>,
      %get3A_1337 = vector.shape_cast %get3A_1336 : vector<1x16xi32> to vector<16xi32>
      %and3A_1338 = arith.constant -65536 : i32
      %and3A_1339 = vector.broadcast %and3A_1338 : i32 to vector<16xi32>
      %and3A_1340 = arith.andi %get3A_1337, %and3A_1339 : vector<16xi32>
      %and3A_1341 = arith.constant 16383 : i32
      %and3A_1342 = vector.broadcast %and3A_1341 : i32 to vector<16xi32>
      %and3A_1343 = arith.andi %get3A_1337, %and3A_1342 : vector<16xi32>
      %shift_left3A_1344 = arith.constant 2 : i32
      %shift_left3A_1345 = vector.broadcast %shift_left3A_1344 : i32 to vector<16xi32>
      %shift_left3A_1346 = arith.shli %and3A_1343, %shift_left3A_1345 : vector<16xi32>
      %add3A_1347 = arith.addi %and3A_1340, %shift_left3A_1346 : vector<16xi32>
      %and3A_1348 = arith.constant 65535 : i32
      %and3A_1349 = vector.broadcast %and3A_1348 : i32 to vector<16xi32>
      %and3A_1350 = arith.andi %get3A_1337, %and3A_1349 : vector<16xi32>
      %shift_right_arithmetic3A_1351 = arith.constant 14 : i32
      %shift_right_arithmetic3A_1352 = vector.broadcast %shift_right_arithmetic3A_1351 : i32 to vector<16xi32>
      %shift_right_arithmetic3A_1353 = arith.shrsi %and3A_1350, %shift_right_arithmetic3A_1352 : vector<16xi32>
      %add3A_1354 = arith.addi %add3A_1347, %shift_right_arithmetic3A_1353 : vector<16xi32>
      %swap3A_1355 = arith.constant 800 : index
      %swap3A_1356 = tpu.vector_load %arg6[%swap3A_1355] {strides = array<i32>} : memref<1600xi32, #tpu.memory_space<vmem>>, vector<16xi32>,
      %swap3A_1357 = vector.shape_cast %swap3A_1356 : vector<16xi32> to vector<16xi32>
      %swap3A_1358 = vector.shape_cast %add3A_1354 : vector<16xi32> to vector<16xi32>
      tpu.vector_store %arg6[%swap3A_1355], %swap3A_1358 {strides = array<i32>} : memref<1600xi32, #tpu.memory_space<vmem>>, vector<16xi32>,
      %get3A_1359 = arith.constant 25 : i32
      %get3A_1360 = arith.index_cast %get3A_1359 : i32 to index
      %get3A_1361 = arith.constant 16 : index
      %get3A_1362 = tpu.vector_load %arg4[%get3A_1360, %get3A_1361] {strides = array<i32>} : memref<50x32xi32, #tpu.memory_space<vmem>>, vector<1x16xi32>,
      %get3A_1363 = vector.shape_cast %get3A_1362 : vector<1x16xi32> to vector<16xi32>
      %and3A_1364 = arith.constant -65536 : i32
      %and3A_1365 = vector.broadcast %and3A_1364 : i32 to vector<16xi32>
      %and3A_1366 = arith.andi %get3A_1363, %and3A_1365 : vector<16xi32>
      %and3A_1367 = arith.constant 16383 : i32
      %and3A_1368 = vector.broadcast %and3A_1367 : i32 to vector<16xi32>
      %and3A_1369 = arith.andi %get3A_1363, %and3A_1368 : vector<16xi32>
      %shift_left3A_1370 = arith.constant 2 : i32
      %shift_left3A_1371 = vector.broadcast %shift_left3A_1370 : i32 to vector<16xi32>
      %shift_left3A_1372 = arith.shli %and3A_1369, %shift_left3A_1371 : vector<16xi32>
      %add3A_1373 = arith.addi %and3A_1366, %shift_left3A_1372 : vector<16xi32>
      %and3A_1374 = arith.constant 65535 : i32
      %and3A_1375 = vector.broadcast %and3A_1374 : i32 to vector<16xi32>
      %and3A_1376 = arith.andi %get3A_1363, %and3A_1375 : vector<16xi32>
      %shift_right_arithmetic3A_1377 = arith.constant 14 : i32
      %shift_right_arithmetic3A_1378 = vector.broadcast %shift_right_arithmetic3A_1377 : i32 to vector<16xi32>
      %shift_right_arithmetic3A_1379 = arith.shrsi %and3A_1376, %shift_right_arithmetic3A_1378 : vector<16xi32>
      %add3A_1380 = arith.addi %add3A_1373, %shift_right_arithmetic3A_1379 : vector<16xi32>
      %swap3A_1381 = arith.constant 816 : index
      %swap3A_1382 = tpu.vector_load %arg6[%swap3A_1381] {strides = array<i32>} : memref<1600xi32, #tpu.memory_space<vmem>>, vector<16xi32>,
      %swap3A_1383 = vector.shape_cast %swap3A_1382 : vector<16xi32> to vector<16xi32>
      %swap3A_1384 = vector.shape_cast %add3A_1380 : vector<16xi32> to vector<16xi32>
      tpu.vector_store %arg6[%swap3A_1381], %swap3A_1384 {strides = array<i32>} : memref<1600xi32, #tpu.memory_space<vmem>>, vector<16xi32>,
      %get3A_1385 = arith.constant 26 : i32
      %get3A_1386 = arith.index_cast %get3A_1385 : i32 to index
      %get3A_1387 = arith.constant 0 : index
      %get3A_1388 = tpu.vector_load %arg4[%get3A_1386, %get3A_1387] {strides = array<i32>} : memref<50x32xi32, #tpu.memory_space<vmem>>, vector<1x16xi32>,
      %get3A_1389 = vector.shape_cast %get3A_1388 : vector<1x16xi32> to vector<16xi32>
      %and3A_1390 = arith.constant -65536 : i32
      %and3A_1391 = vector.broadcast %and3A_1390 : i32 to vector<16xi32>
      %and3A_1392 = arith.andi %get3A_1389, %and3A_1391 : vector<16xi32>
      %and3A_1393 = arith.constant 16383 : i32
      %and3A_1394 = vector.broadcast %and3A_1393 : i32 to vector<16xi32>
      %and3A_1395 = arith.andi %get3A_1389, %and3A_1394 : vector<16xi32>
      %shift_left3A_1396 = arith.constant 2 : i32
      %shift_left3A_1397 = vector.broadcast %shift_left3A_1396 : i32 to vector<16xi32>
      %shift_left3A_1398 = arith.shli %and3A_1395, %shift_left3A_1397 : vector<16xi32>
      %add3A_1399 = arith.addi %and3A_1392, %shift_left3A_1398 : vector<16xi32>
      %and3A_1400 = arith.constant 65535 : i32
      %and3A_1401 = vector.broadcast %and3A_1400 : i32 to vector<16xi32>
      %and3A_1402 = arith.andi %get3A_1389, %and3A_1401 : vector<16xi32>
      %shift_right_arithmetic3A_1403 = arith.constant 14 : i32
      %shift_right_arithmetic3A_1404 = vector.broadcast %shift_right_arithmetic3A_1403 : i32 to vector<16xi32>
      %shift_right_arithmetic3A_1405 = arith.shrsi %and3A_1402, %shift_right_arithmetic3A_1404 : vector<16xi32>
      %add3A_1406 = arith.addi %add3A_1399, %shift_right_arithmetic3A_1405 : vector<16xi32>
      %swap3A_1407 = arith.constant 832 : index
      %swap3A_1408 = tpu.vector_load %arg6[%swap3A_1407] {strides = array<i32>} : memref<1600xi32, #tpu.memory_space<vmem>>, vector<16xi32>,
      %swap3A_1409 = vector.shape_cast %swap3A_1408 : vector<16xi32> to vector<16xi32>
      %swap3A_1410 = vector.shape_cast %add3A_1406 : vector<16xi32> to vector<16xi32>
      tpu.vector_store %arg6[%swap3A_1407], %swap3A_1410 {strides = array<i32>} : memref<1600xi32, #tpu.memory_space<vmem>>, vector<16xi32>,
      %get3A_1411 = arith.constant 26 : i32
      %get3A_1412 = arith.index_cast %get3A_1411 : i32 to index
      %get3A_1413 = arith.constant 16 : index
      %get3A_1414 = tpu.vector_load %arg4[%get3A_1412, %get3A_1413] {strides = array<i32>} : memref<50x32xi32, #tpu.memory_space<vmem>>, vector<1x16xi32>,
      %get3A_1415 = vector.shape_cast %get3A_1414 : vector<1x16xi32> to vector<16xi32>
      %and3A_1416 = arith.constant -65536 : i32
      %and3A_1417 = vector.broadcast %and3A_1416 : i32 to vector<16xi32>
      %and3A_1418 = arith.andi %get3A_1415, %and3A_1417 : vector<16xi32>
      %and3A_1419 = arith.constant 16383 : i32
      %and3A_1420 = vector.broadcast %and3A_1419 : i32 to vector<16xi32>
      %and3A_1421 = arith.andi %get3A_1415, %and3A_1420 : vector<16xi32>
      %shift_left3A_1422 = arith.constant 2 : i32
      %shift_left3A_1423 = vector.broadcast %shift_left3A_1422 : i32 to vector<16xi32>
      %shift_left3A_1424 = arith.shli %and3A_1421, %shift_left3A_1423 : vector<16xi32>
      %add3A_1425 = arith.addi %and3A_1418, %shift_left3A_1424 : vector<16xi32>
      %and3A_1426 = arith.constant 65535 : i32
      %and3A_1427 = vector.broadcast %and3A_1426 : i32 to vector<16xi32>
      %and3A_1428 = arith.andi %get3A_1415, %and3A_1427 : vector<16xi32>
      %shift_right_arithmetic3A_1429 = arith.constant 14 : i32
      %shift_right_arithmetic3A_1430 = vector.broadcast %shift_right_arithmetic3A_1429 : i32 to vector<16xi32>
      %shift_right_arithmetic3A_1431 = arith.shrsi %and3A_1428, %shift_right_arithmetic3A_1430 : vector<16xi32>
      %add3A_1432 = arith.addi %add3A_1425, %shift_right_arithmetic3A_1431 : vector<16xi32>
      %swap3A_1433 = arith.constant 848 : index
      %swap3A_1434 = tpu.vector_load %arg6[%swap3A_1433] {strides = array<i32>} : memref<1600xi32, #tpu.memory_space<vmem>>, vector<16xi32>,
      %swap3A_1435 = vector.shape_cast %swap3A_1434 : vector<16xi32> to vector<16xi32>
      %swap3A_1436 = vector.shape_cast %add3A_1432 : vector<16xi32> to vector<16xi32>
      tpu.vector_store %arg6[%swap3A_1433], %swap3A_1436 {strides = array<i32>} : memref<1600xi32, #tpu.memory_space<vmem>>, vector<16xi32>,
      %get3A_1437 = arith.constant 27 : i32
      %get3A_1438 = arith.index_cast %get3A_1437 : i32 to index
      %get3A_1439 = arith.constant 0 : index
      %get3A_1440 = tpu.vector_load %arg4[%get3A_1438, %get3A_1439] {strides = array<i32>} : memref<50x32xi32, #tpu.memory_space<vmem>>, vector<1x16xi32>,
      %get3A_1441 = vector.shape_cast %get3A_1440 : vector<1x16xi32> to vector<16xi32>
      %and3A_1442 = arith.constant -65536 : i32
      %and3A_1443 = vector.broadcast %and3A_1442 : i32 to vector<16xi32>
      %and3A_1444 = arith.andi %get3A_1441, %and3A_1443 : vector<16xi32>
      %and3A_1445 = arith.constant 16383 : i32
      %and3A_1446 = vector.broadcast %and3A_1445 : i32 to vector<16xi32>
      %and3A_1447 = arith.andi %get3A_1441, %and3A_1446 : vector<16xi32>
      %shift_left3A_1448 = arith.constant 2 : i32
      %shift_left3A_1449 = vector.broadcast %shift_left3A_1448 : i32 to vector<16xi32>
      %shift_left3A_1450 = arith.shli %and3A_1447, %shift_left3A_1449 : vector<16xi32>
      %add3A_1451 = arith.addi %and3A_1444, %shift_left3A_1450 : vector<16xi32>
      %and3A_1452 = arith.constant 65535 : i32
      %and3A_1453 = vector.broadcast %and3A_1452 : i32 to vector<16xi32>
      %and3A_1454 = arith.andi %get3A_1441, %and3A_1453 : vector<16xi32>
      %shift_right_arithmetic3A_1455 = arith.constant 14 : i32
      %shift_right_arithmetic3A_1456 = vector.broadcast %shift_right_arithmetic3A_1455 : i32 to vector<16xi32>
      %shift_right_arithmetic3A_1457 = arith.shrsi %and3A_1454, %shift_right_arithmetic3A_1456 : vector<16xi32>
      %add3A_1458 = arith.addi %add3A_1451, %shift_right_arithmetic3A_1457 : vector<16xi32>
      %swap3A_1459 = arith.constant 864 : index
      %swap3A_1460 = tpu.vector_load %arg6[%swap3A_1459] {strides = array<i32>} : memref<1600xi32, #tpu.memory_space<vmem>>, vector<16xi32>,
      %swap3A_1461 = vector.shape_cast %swap3A_1460 : vector<16xi32> to vector<16xi32>
      %swap3A_1462 = vector.shape_cast %add3A_1458 : vector<16xi32> to vector<16xi32>
      tpu.vector_store %arg6[%swap3A_1459], %swap3A_1462 {strides = array<i32>} : memref<1600xi32, #tpu.memory_space<vmem>>, vector<16xi32>,
      %get3A_1463 = arith.constant 27 : i32
      %get3A_1464 = arith.index_cast %get3A_1463 : i32 to index
      %get3A_1465 = arith.constant 16 : index
      %get3A_1466 = tpu.vector_load %arg4[%get3A_1464, %get3A_1465] {strides = array<i32>} : memref<50x32xi32, #tpu.memory_space<vmem>>, vector<1x16xi32>,
      %get3A_1467 = vector.shape_cast %get3A_1466 : vector<1x16xi32> to vector<16xi32>
      %and3A_1468 = arith.constant -65536 : i32
      %and3A_1469 = vector.broadcast %and3A_1468 : i32 to vector<16xi32>
      %and3A_1470 = arith.andi %get3A_1467, %and3A_1469 : vector<16xi32>
      %and3A_1471 = arith.constant 16383 : i32
      %and3A_1472 = vector.broadcast %and3A_1471 : i32 to vector<16xi32>
      %and3A_1473 = arith.andi %get3A_1467, %and3A_1472 : vector<16xi32>
      %shift_left3A_1474 = arith.constant 2 : i32
      %shift_left3A_1475 = vector.broadcast %shift_left3A_1474 : i32 to vector<16xi32>
      %shift_left3A_1476 = arith.shli %and3A_1473, %shift_left3A_1475 : vector<16xi32>
      %add3A_1477 = arith.addi %and3A_1470, %shift_left3A_1476 : vector<16xi32>
      %and3A_1478 = arith.constant 65535 : i32
      %and3A_1479 = vector.broadcast %and3A_1478 : i32 to vector<16xi32>
      %and3A_1480 = arith.andi %get3A_1467, %and3A_1479 : vector<16xi32>
      %shift_right_arithmetic3A_1481 = arith.constant 14 : i32
      %shift_right_arithmetic3A_1482 = vector.broadcast %shift_right_arithmetic3A_1481 : i32 to vector<16xi32>
      %shift_right_arithmetic3A_1483 = arith.shrsi %and3A_1480, %shift_right_arithmetic3A_1482 : vector<16xi32>
      %add3A_1484 = arith.addi %add3A_1477, %shift_right_arithmetic3A_1483 : vector<16xi32>
      %swap3A_1485 = arith.constant 880 : index
      %swap3A_1486 = tpu.vector_load %arg6[%swap3A_1485] {strides = array<i32>} : memref<1600xi32, #tpu.memory_space<vmem>>, vector<16xi32>,
      %swap3A_1487 = vector.shape_cast %swap3A_1486 : vector<16xi32> to vector<16xi32>
      %swap3A_1488 = vector.shape_cast %add3A_1484 : vector<16xi32> to vector<16xi32>
      tpu.vector_store %arg6[%swap3A_1485], %swap3A_1488 {strides = array<i32>} : memref<1600xi32, #tpu.memory_space<vmem>>, vector<16xi32>,
      %get3A_1489 = arith.constant 28 : i32
      %get3A_1490 = arith.index_cast %get3A_1489 : i32 to index
      %get3A_1491 = arith.constant 0 : index
      %get3A_1492 = tpu.vector_load %arg4[%get3A_1490, %get3A_1491] {strides = array<i32>} : memref<50x32xi32, #tpu.memory_space<vmem>>, vector<1x16xi32>,
      %get3A_1493 = vector.shape_cast %get3A_1492 : vector<1x16xi32> to vector<16xi32>
      %and3A_1494 = arith.constant -65536 : i32
      %and3A_1495 = vector.broadcast %and3A_1494 : i32 to vector<16xi32>
      %and3A_1496 = arith.andi %get3A_1493, %and3A_1495 : vector<16xi32>
      %and3A_1497 = arith.constant 16383 : i32
      %and3A_1498 = vector.broadcast %and3A_1497 : i32 to vector<16xi32>
      %and3A_1499 = arith.andi %get3A_1493, %and3A_1498 : vector<16xi32>
      %shift_left3A_1500 = arith.constant 2 : i32
      %shift_left3A_1501 = vector.broadcast %shift_left3A_1500 : i32 to vector<16xi32>
      %shift_left3A_1502 = arith.shli %and3A_1499, %shift_left3A_1501 : vector<16xi32>
      %add3A_1503 = arith.addi %and3A_1496, %shift_left3A_1502 : vector<16xi32>
      %and3A_1504 = arith.constant 65535 : i32
      %and3A_1505 = vector.broadcast %and3A_1504 : i32 to vector<16xi32>
      %and3A_1506 = arith.andi %get3A_1493, %and3A_1505 : vector<16xi32>
      %shift_right_arithmetic3A_1507 = arith.constant 14 : i32
      %shift_right_arithmetic3A_1508 = vector.broadcast %shift_right_arithmetic3A_1507 : i32 to vector<16xi32>
      %shift_right_arithmetic3A_1509 = arith.shrsi %and3A_1506, %shift_right_arithmetic3A_1508 : vector<16xi32>
      %add3A_1510 = arith.addi %add3A_1503, %shift_right_arithmetic3A_1509 : vector<16xi32>
      %swap3A_1511 = arith.constant 896 : index
      %swap3A_1512 = tpu.vector_load %arg6[%swap3A_1511] {strides = array<i32>} : memref<1600xi32, #tpu.memory_space<vmem>>, vector<16xi32>,
      %swap3A_1513 = vector.shape_cast %swap3A_1512 : vector<16xi32> to vector<16xi32>
      %swap3A_1514 = vector.shape_cast %add3A_1510 : vector<16xi32> to vector<16xi32>
      tpu.vector_store %arg6[%swap3A_1511], %swap3A_1514 {strides = array<i32>} : memref<1600xi32, #tpu.memory_space<vmem>>, vector<16xi32>,
      %get3A_1515 = arith.constant 28 : i32
      %get3A_1516 = arith.index_cast %get3A_1515 : i32 to index
      %get3A_1517 = arith.constant 16 : index
      %get3A_1518 = tpu.vector_load %arg4[%get3A_1516, %get3A_1517] {strides = array<i32>} : memref<50x32xi32, #tpu.memory_space<vmem>>, vector<1x16xi32>,
      %get3A_1519 = vector.shape_cast %get3A_1518 : vector<1x16xi32> to vector<16xi32>
      %and3A_1520 = arith.constant -65536 : i32
      %and3A_1521 = vector.broadcast %and3A_1520 : i32 to vector<16xi32>
      %and3A_1522 = arith.andi %get3A_1519, %and3A_1521 : vector<16xi32>
      %and3A_1523 = arith.constant 16383 : i32
      %and3A_1524 = vector.broadcast %and3A_1523 : i32 to vector<16xi32>
      %and3A_1525 = arith.andi %get3A_1519, %and3A_1524 : vector<16xi32>
      %shift_left3A_1526 = arith.constant 2 : i32
      %shift_left3A_1527 = vector.broadcast %shift_left3A_1526 : i32 to vector<16xi32>
      %shift_left3A_1528 = arith.shli %and3A_1525, %shift_left3A_1527 : vector<16xi32>
      %add3A_1529 = arith.addi %and3A_1522, %shift_left3A_1528 : vector<16xi32>
      %and3A_1530 = arith.constant 65535 : i32
      %and3A_1531 = vector.broadcast %and3A_1530 : i32 to vector<16xi32>
      %and3A_1532 = arith.andi %get3A_1519, %and3A_1531 : vector<16xi32>
      %shift_right_arithmetic3A_1533 = arith.constant 14 : i32
      %shift_right_arithmetic3A_1534 = vector.broadcast %shift_right_arithmetic3A_1533 : i32 to vector<16xi32>
      %shift_right_arithmetic3A_1535 = arith.shrsi %and3A_1532, %shift_right_arithmetic3A_1534 : vector<16xi32>
      %add3A_1536 = arith.addi %add3A_1529, %shift_right_arithmetic3A_1535 : vector<16xi32>
      %swap3A_1537 = arith.constant 912 : index
      %swap3A_1538 = tpu.vector_load %arg6[%swap3A_1537] {strides = array<i32>} : memref<1600xi32, #tpu.memory_space<vmem>>, vector<16xi32>,
      %swap3A_1539 = vector.shape_cast %swap3A_1538 : vector<16xi32> to vector<16xi32>
      %swap3A_1540 = vector.shape_cast %add3A_1536 : vector<16xi32> to vector<16xi32>
      tpu.vector_store %arg6[%swap3A_1537], %swap3A_1540 {strides = array<i32>} : memref<1600xi32, #tpu.memory_space<vmem>>, vector<16xi32>,
      %get3A_1541 = arith.constant 29 : i32
      %get3A_1542 = arith.index_cast %get3A_1541 : i32 to index
      %get3A_1543 = arith.constant 0 : index
      %get3A_1544 = tpu.vector_load %arg4[%get3A_1542, %get3A_1543] {strides = array<i32>} : memref<50x32xi32, #tpu.memory_space<vmem>>, vector<1x16xi32>,
      %get3A_1545 = vector.shape_cast %get3A_1544 : vector<1x16xi32> to vector<16xi32>
      %and3A_1546 = arith.constant -65536 : i32
      %and3A_1547 = vector.broadcast %and3A_1546 : i32 to vector<16xi32>
      %and3A_1548 = arith.andi %get3A_1545, %and3A_1547 : vector<16xi32>
      %and3A_1549 = arith.constant 16383 : i32
      %and3A_1550 = vector.broadcast %and3A_1549 : i32 to vector<16xi32>
      %and3A_1551 = arith.andi %get3A_1545, %and3A_1550 : vector<16xi32>
      %shift_left3A_1552 = arith.constant 2 : i32
      %shift_left3A_1553 = vector.broadcast %shift_left3A_1552 : i32 to vector<16xi32>
      %shift_left3A_1554 = arith.shli %and3A_1551, %shift_left3A_1553 : vector<16xi32>
      %add3A_1555 = arith.addi %and3A_1548, %shift_left3A_1554 : vector<16xi32>
      %and3A_1556 = arith.constant 65535 : i32
      %and3A_1557 = vector.broadcast %and3A_1556 : i32 to vector<16xi32>
      %and3A_1558 = arith.andi %get3A_1545, %and3A_1557 : vector<16xi32>
      %shift_right_arithmetic3A_1559 = arith.constant 14 : i32
      %shift_right_arithmetic3A_1560 = vector.broadcast %shift_right_arithmetic3A_1559 : i32 to vector<16xi32>
      %shift_right_arithmetic3A_1561 = arith.shrsi %and3A_1558, %shift_right_arithmetic3A_1560 : vector<16xi32>
      %add3A_1562 = arith.addi %add3A_1555, %shift_right_arithmetic3A_1561 : vector<16xi32>
      %swap3A_1563 = arith.constant 928 : index
      %swap3A_1564 = tpu.vector_load %arg6[%swap3A_1563] {strides = array<i32>} : memref<1600xi32, #tpu.memory_space<vmem>>, vector<16xi32>,
      %swap3A_1565 = vector.shape_cast %swap3A_1564 : vector<16xi32> to vector<16xi32>
      %swap3A_1566 = vector.shape_cast %add3A_1562 : vector<16xi32> to vector<16xi32>
      tpu.vector_store %arg6[%swap3A_1563], %swap3A_1566 {strides = array<i32>} : memref<1600xi32, #tpu.memory_space<vmem>>, vector<16xi32>,
      %get3A_1567 = arith.constant 29 : i32
      %get3A_1568 = arith.index_cast %get3A_1567 : i32 to index
      %get3A_1569 = arith.constant 16 : index
      %get3A_1570 = tpu.vector_load %arg4[%get3A_1568, %get3A_1569] {strides = array<i32>} : memref<50x32xi32, #tpu.memory_space<vmem>>, vector<1x16xi32>,
      %get3A_1571 = vector.shape_cast %get3A_1570 : vector<1x16xi32> to vector<16xi32>
      %and3A_1572 = arith.constant -65536 : i32
      %and3A_1573 = vector.broadcast %and3A_1572 : i32 to vector<16xi32>
      %and3A_1574 = arith.andi %get3A_1571, %and3A_1573 : vector<16xi32>
      %and3A_1575 = arith.constant 16383 : i32
      %and3A_1576 = vector.broadcast %and3A_1575 : i32 to vector<16xi32>
      %and3A_1577 = arith.andi %get3A_1571, %and3A_1576 : vector<16xi32>
      %shift_left3A_1578 = arith.constant 2 : i32
      %shift_left3A_1579 = vector.broadcast %shift_left3A_1578 : i32 to vector<16xi32>
      %shift_left3A_1580 = arith.shli %and3A_1577, %shift_left3A_1579 : vector<16xi32>
      %add3A_1581 = arith.addi %and3A_1574, %shift_left3A_1580 : vector<16xi32>
      %and3A_1582 = arith.constant 65535 : i32
      %and3A_1583 = vector.broadcast %and3A_1582 : i32 to vector<16xi32>
      %and3A_1584 = arith.andi %get3A_1571, %and3A_1583 : vector<16xi32>
      %shift_right_arithmetic3A_1585 = arith.constant 14 : i32
      %shift_right_arithmetic3A_1586 = vector.broadcast %shift_right_arithmetic3A_1585 : i32 to vector<16xi32>
      %shift_right_arithmetic3A_1587 = arith.shrsi %and3A_1584, %shift_right_arithmetic3A_1586 : vector<16xi32>
      %add3A_1588 = arith.addi %add3A_1581, %shift_right_arithmetic3A_1587 : vector<16xi32>
      %swap3A_1589 = arith.constant 944 : index
      %swap3A_1590 = tpu.vector_load %arg6[%swap3A_1589] {strides = array<i32>} : memref<1600xi32, #tpu.memory_space<vmem>>, vector<16xi32>,
      %swap3A_1591 = vector.shape_cast %swap3A_1590 : vector<16xi32> to vector<16xi32>
      %swap3A_1592 = vector.shape_cast %add3A_1588 : vector<16xi32> to vector<16xi32>
      tpu.vector_store %arg6[%swap3A_1589], %swap3A_1592 {strides = array<i32>} : memref<1600xi32, #tpu.memory_space<vmem>>, vector<16xi32>,
      %get3A_1593 = arith.constant 30 : i32
      %get3A_1594 = arith.index_cast %get3A_1593 : i32 to index
      %get3A_1595 = arith.constant 0 : index
      %get3A_1596 = tpu.vector_load %arg4[%get3A_1594, %get3A_1595] {strides = array<i32>} : memref<50x32xi32, #tpu.memory_space<vmem>>, vector<1x16xi32>,
      %get3A_1597 = vector.shape_cast %get3A_1596 : vector<1x16xi32> to vector<16xi32>
      %and3A_1598 = arith.constant -65536 : i32
      %and3A_1599 = vector.broadcast %and3A_1598 : i32 to vector<16xi32>
      %and3A_1600 = arith.andi %get3A_1597, %and3A_1599 : vector<16xi32>
      %and3A_1601 = arith.constant 16383 : i32
      %and3A_1602 = vector.broadcast %and3A_1601 : i32 to vector<16xi32>
      %and3A_1603 = arith.andi %get3A_1597, %and3A_1602 : vector<16xi32>
      %shift_left3A_1604 = arith.constant 2 : i32
      %shift_left3A_1605 = vector.broadcast %shift_left3A_1604 : i32 to vector<16xi32>
      %shift_left3A_1606 = arith.shli %and3A_1603, %shift_left3A_1605 : vector<16xi32>
      %add3A_1607 = arith.addi %and3A_1600, %shift_left3A_1606 : vector<16xi32>
      %and3A_1608 = arith.constant 65535 : i32
      %and3A_1609 = vector.broadcast %and3A_1608 : i32 to vector<16xi32>
      %and3A_1610 = arith.andi %get3A_1597, %and3A_1609 : vector<16xi32>
      %shift_right_arithmetic3A_1611 = arith.constant 14 : i32
      %shift_right_arithmetic3A_1612 = vector.broadcast %shift_right_arithmetic3A_1611 : i32 to vector<16xi32>
      %shift_right_arithmetic3A_1613 = arith.shrsi %and3A_1610, %shift_right_arithmetic3A_1612 : vector<16xi32>
      %add3A_1614 = arith.addi %add3A_1607, %shift_right_arithmetic3A_1613 : vector<16xi32>
      %swap3A_1615 = arith.constant 960 : index
      %swap3A_1616 = tpu.vector_load %arg6[%swap3A_1615] {strides = array<i32>} : memref<1600xi32, #tpu.memory_space<vmem>>, vector<16xi32>,
      %swap3A_1617 = vector.shape_cast %swap3A_1616 : vector<16xi32> to vector<16xi32>
      %swap3A_1618 = vector.shape_cast %add3A_1614 : vector<16xi32> to vector<16xi32>
      tpu.vector_store %arg6[%swap3A_1615], %swap3A_1618 {strides = array<i32>} : memref<1600xi32, #tpu.memory_space<vmem>>, vector<16xi32>,
      %get3A_1619 = arith.constant 30 : i32
      %get3A_1620 = arith.index_cast %get3A_1619 : i32 to index
      %get3A_1621 = arith.constant 16 : index
      %get3A_1622 = tpu.vector_load %arg4[%get3A_1620, %get3A_1621] {strides = array<i32>} : memref<50x32xi32, #tpu.memory_space<vmem>>, vector<1x16xi32>,
      %get3A_1623 = vector.shape_cast %get3A_1622 : vector<1x16xi32> to vector<16xi32>
      %and3A_1624 = arith.constant -65536 : i32
      %and3A_1625 = vector.broadcast %and3A_1624 : i32 to vector<16xi32>
      %and3A_1626 = arith.andi %get3A_1623, %and3A_1625 : vector<16xi32>
      %and3A_1627 = arith.constant 16383 : i32
      %and3A_1628 = vector.broadcast %and3A_1627 : i32 to vector<16xi32>
      %and3A_1629 = arith.andi %get3A_1623, %and3A_1628 : vector<16xi32>
      %shift_left3A_1630 = arith.constant 2 : i32
      %shift_left3A_1631 = vector.broadcast %shift_left3A_1630 : i32 to vector<16xi32>
      %shift_left3A_1632 = arith.shli %and3A_1629, %shift_left3A_1631 : vector<16xi32>
      %add3A_1633 = arith.addi %and3A_1626, %shift_left3A_1632 : vector<16xi32>
      %and3A_1634 = arith.constant 65535 : i32
      %and3A_1635 = vector.broadcast %and3A_1634 : i32 to vector<16xi32>
      %and3A_1636 = arith.andi %get3A_1623, %and3A_1635 : vector<16xi32>
      %shift_right_arithmetic3A_1637 = arith.constant 14 : i32
      %shift_right_arithmetic3A_1638 = vector.broadcast %shift_right_arithmetic3A_1637 : i32 to vector<16xi32>
      %shift_right_arithmetic3A_1639 = arith.shrsi %and3A_1636, %shift_right_arithmetic3A_1638 : vector<16xi32>
      %add3A_1640 = arith.addi %add3A_1633, %shift_right_arithmetic3A_1639 : vector<16xi32>
      %swap3A_1641 = arith.constant 976 : index
      %swap3A_1642 = tpu.vector_load %arg6[%swap3A_1641] {strides = array<i32>} : memref<1600xi32, #tpu.memory_space<vmem>>, vector<16xi32>,
      %swap3A_1643 = vector.shape_cast %swap3A_1642 : vector<16xi32> to vector<16xi32>
      %swap3A_1644 = vector.shape_cast %add3A_1640 : vector<16xi32> to vector<16xi32>
      tpu.vector_store %arg6[%swap3A_1641], %swap3A_1644 {strides = array<i32>} : memref<1600xi32, #tpu.memory_space<vmem>>, vector<16xi32>,
      %get3A_1645 = arith.constant 31 : i32
      %get3A_1646 = arith.index_cast %get3A_1645 : i32 to index
      %get3A_1647 = arith.constant 0 : index
      %get3A_1648 = tpu.vector_load %arg4[%get3A_1646, %get3A_1647] {strides = array<i32>} : memref<50x32xi32, #tpu.memory_space<vmem>>, vector<1x16xi32>,
      %get3A_1649 = vector.shape_cast %get3A_1648 : vector<1x16xi32> to vector<16xi32>
      %and3A_1650 = arith.constant -65536 : i32
      %and3A_1651 = vector.broadcast %and3A_1650 : i32 to vector<16xi32>
      %and3A_1652 = arith.andi %get3A_1649, %and3A_1651 : vector<16xi32>
      %and3A_1653 = arith.constant 16383 : i32
      %and3A_1654 = vector.broadcast %and3A_1653 : i32 to vector<16xi32>
      %and3A_1655 = arith.andi %get3A_1649, %and3A_1654 : vector<16xi32>
      %shift_left3A_1656 = arith.constant 2 : i32
      %shift_left3A_1657 = vector.broadcast %shift_left3A_1656 : i32 to vector<16xi32>
      %shift_left3A_1658 = arith.shli %and3A_1655, %shift_left3A_1657 : vector<16xi32>
      %add3A_1659 = arith.addi %and3A_1652, %shift_left3A_1658 : vector<16xi32>
      %and3A_1660 = arith.constant 65535 : i32
      %and3A_1661 = vector.broadcast %and3A_1660 : i32 to vector<16xi32>
      %and3A_1662 = arith.andi %get3A_1649, %and3A_1661 : vector<16xi32>
      %shift_right_arithmetic3A_1663 = arith.constant 14 : i32
      %shift_right_arithmetic3A_1664 = vector.broadcast %shift_right_arithmetic3A_1663 : i32 to vector<16xi32>
      %shift_right_arithmetic3A_1665 = arith.shrsi %and3A_1662, %shift_right_arithmetic3A_1664 : vector<16xi32>
      %add3A_1666 = arith.addi %add3A_1659, %shift_right_arithmetic3A_1665 : vector<16xi32>
      %swap3A_1667 = arith.constant 992 : index
      %swap3A_1668 = tpu.vector_load %arg6[%swap3A_1667] {strides = array<i32>} : memref<1600xi32, #tpu.memory_space<vmem>>, vector<16xi32>,
      %swap3A_1669 = vector.shape_cast %swap3A_1668 : vector<16xi32> to vector<16xi32>
      %swap3A_1670 = vector.shape_cast %add3A_1666 : vector<16xi32> to vector<16xi32>
      tpu.vector_store %arg6[%swap3A_1667], %swap3A_1670 {strides = array<i32>} : memref<1600xi32, #tpu.memory_space<vmem>>, vector<16xi32>,
      %get3A_1671 = arith.constant 31 : i32
      %get3A_1672 = arith.index_cast %get3A_1671 : i32 to index
      %get3A_1673 = arith.constant 16 : index
      %get3A_1674 = tpu.vector_load %arg4[%get3A_1672, %get3A_1673] {strides = array<i32>} : memref<50x32xi32, #tpu.memory_space<vmem>>, vector<1x16xi32>,
      %get3A_1675 = vector.shape_cast %get3A_1674 : vector<1x16xi32> to vector<16xi32>
      %and3A_1676 = arith.constant -65536 : i32
      %and3A_1677 = vector.broadcast %and3A_1676 : i32 to vector<16xi32>
      %and3A_1678 = arith.andi %get3A_1675, %and3A_1677 : vector<16xi32>
      %and3A_1679 = arith.constant 16383 : i32
      %and3A_1680 = vector.broadcast %and3A_1679 : i32 to vector<16xi32>
      %and3A_1681 = arith.andi %get3A_1675, %and3A_1680 : vector<16xi32>
      %shift_left3A_1682 = arith.constant 2 : i32
      %shift_left3A_1683 = vector.broadcast %shift_left3A_1682 : i32 to vector<16xi32>
      %shift_left3A_1684 = arith.shli %and3A_1681, %shift_left3A_1683 : vector<16xi32>
      %add3A_1685 = arith.addi %and3A_1678, %shift_left3A_1684 : vector<16xi32>
      %and3A_1686 = arith.constant 65535 : i32
      %and3A_1687 = vector.broadcast %and3A_1686 : i32 to vector<16xi32>
      %and3A_1688 = arith.andi %get3A_1675, %and3A_1687 : vector<16xi32>
      %shift_right_arithmetic3A_1689 = arith.constant 14 : i32
      %shift_right_arithmetic3A_1690 = vector.broadcast %shift_right_arithmetic3A_1689 : i32 to vector<16xi32>
      %shift_right_arithmetic3A_1691 = arith.shrsi %and3A_1688, %shift_right_arithmetic3A_1690 : vector<16xi32>
      %add3A_1692 = arith.addi %add3A_1685, %shift_right_arithmetic3A_1691 : vector<16xi32>
      %swap3A_1693 = arith.constant 1008 : index
      %swap3A_1694 = tpu.vector_load %arg6[%swap3A_1693] {strides = array<i32>} : memref<1600xi32, #tpu.memory_space<vmem>>, vector<16xi32>,
      %swap3A_1695 = vector.shape_cast %swap3A_1694 : vector<16xi32> to vector<16xi32>
      %swap3A_1696 = vector.shape_cast %add3A_1692 : vector<16xi32> to vector<16xi32>
      tpu.vector_store %arg6[%swap3A_1693], %swap3A_1696 {strides = array<i32>} : memref<1600xi32, #tpu.memory_space<vmem>>, vector<16xi32>,
      %get3A_1697 = arith.constant 32 : i32
      %get3A_1698 = arith.index_cast %get3A_1697 : i32 to index
      %get3A_1699 = arith.constant 0 : index
      %get3A_1700 = tpu.vector_load %arg4[%get3A_1698, %get3A_1699] {strides = array<i32>} : memref<50x32xi32, #tpu.memory_space<vmem>>, vector<1x16xi32>,
      %get3A_1701 = vector.shape_cast %get3A_1700 : vector<1x16xi32> to vector<16xi32>
      %and3A_1702 = arith.constant -65536 : i32
      %and3A_1703 = vector.broadcast %and3A_1702 : i32 to vector<16xi32>
      %and3A_1704 = arith.andi %get3A_1701, %and3A_1703 : vector<16xi32>
      %and3A_1705 = arith.constant 16383 : i32
      %and3A_1706 = vector.broadcast %and3A_1705 : i32 to vector<16xi32>
      %and3A_1707 = arith.andi %get3A_1701, %and3A_1706 : vector<16xi32>
      %shift_left3A_1708 = arith.constant 2 : i32
      %shift_left3A_1709 = vector.broadcast %shift_left3A_1708 : i32 to vector<16xi32>
      %shift_left3A_1710 = arith.shli %and3A_1707, %shift_left3A_1709 : vector<16xi32>
      %add3A_1711 = arith.addi %and3A_1704, %shift_left3A_1710 : vector<16xi32>
      %and3A_1712 = arith.constant 65535 : i32
      %and3A_1713 = vector.broadcast %and3A_1712 : i32 to vector<16xi32>
      %and3A_1714 = arith.andi %get3A_1701, %and3A_1713 : vector<16xi32>
      %shift_right_arithmetic3A_1715 = arith.constant 14 : i32
      %shift_right_arithmetic3A_1716 = vector.broadcast %shift_right_arithmetic3A_1715 : i32 to vector<16xi32>
      %shift_right_arithmetic3A_1717 = arith.shrsi %and3A_1714, %shift_right_arithmetic3A_1716 : vector<16xi32>
      %add3A_1718 = arith.addi %add3A_1711, %shift_right_arithmetic3A_1717 : vector<16xi32>
      %swap3A_1719 = arith.constant 1024 : index
      %swap3A_1720 = tpu.vector_load %arg6[%swap3A_1719] {strides = array<i32>} : memref<1600xi32, #tpu.memory_space<vmem>>, vector<16xi32>,
      %swap3A_1721 = vector.shape_cast %swap3A_1720 : vector<16xi32> to vector<16xi32>
      %swap3A_1722 = vector.shape_cast %add3A_1718 : vector<16xi32> to vector<16xi32>
      tpu.vector_store %arg6[%swap3A_1719], %swap3A_1722 {strides = array<i32>} : memref<1600xi32, #tpu.memory_space<vmem>>, vector<16xi32>,
      %get3A_1723 = arith.constant 32 : i32
      %get3A_1724 = arith.index_cast %get3A_1723 : i32 to index
      %get3A_1725 = arith.constant 16 : index
      %get3A_1726 = tpu.vector_load %arg4[%get3A_1724, %get3A_1725] {strides = array<i32>} : memref<50x32xi32, #tpu.memory_space<vmem>>, vector<1x16xi32>,
      %get3A_1727 = vector.shape_cast %get3A_1726 : vector<1x16xi32> to vector<16xi32>
      %and3A_1728 = arith.constant -65536 : i32
      %and3A_1729 = vector.broadcast %and3A_1728 : i32 to vector<16xi32>
      %and3A_1730 = arith.andi %get3A_1727, %and3A_1729 : vector<16xi32>
      %and3A_1731 = arith.constant 16383 : i32
      %and3A_1732 = vector.broadcast %and3A_1731 : i32 to vector<16xi32>
      %and3A_1733 = arith.andi %get3A_1727, %and3A_1732 : vector<16xi32>
      %shift_left3A_1734 = arith.constant 2 : i32
      %shift_left3A_1735 = vector.broadcast %shift_left3A_1734 : i32 to vector<16xi32>
      %shift_left3A_1736 = arith.shli %and3A_1733, %shift_left3A_1735 : vector<16xi32>
      %add3A_1737 = arith.addi %and3A_1730, %shift_left3A_1736 : vector<16xi32>
      %and3A_1738 = arith.constant 65535 : i32
      %and3A_1739 = vector.broadcast %and3A_1738 : i32 to vector<16xi32>
      %and3A_1740 = arith.andi %get3A_1727, %and3A_1739 : vector<16xi32>
      %shift_right_arithmetic3A_1741 = arith.constant 14 : i32
      %shift_right_arithmetic3A_1742 = vector.broadcast %shift_right_arithmetic3A_1741 : i32 to vector<16xi32>
      %shift_right_arithmetic3A_1743 = arith.shrsi %and3A_1740, %shift_right_arithmetic3A_1742 : vector<16xi32>
      %add3A_1744 = arith.addi %add3A_1737, %shift_right_arithmetic3A_1743 : vector<16xi32>
      %swap3A_1745 = arith.constant 1040 : index
      %swap3A_1746 = tpu.vector_load %arg6[%swap3A_1745] {strides = array<i32>} : memref<1600xi32, #tpu.memory_space<vmem>>, vector<16xi32>,
      %swap3A_1747 = vector.shape_cast %swap3A_1746 : vector<16xi32> to vector<16xi32>
      %swap3A_1748 = vector.shape_cast %add3A_1744 : vector<16xi32> to vector<16xi32>
      tpu.vector_store %arg6[%swap3A_1745], %swap3A_1748 {strides = array<i32>} : memref<1600xi32, #tpu.memory_space<vmem>>, vector<16xi32>,
      %get3A_1749 = arith.constant 33 : i32
      %get3A_1750 = arith.index_cast %get3A_1749 : i32 to index
      %get3A_1751 = arith.constant 0 : index
      %get3A_1752 = tpu.vector_load %arg4[%get3A_1750, %get3A_1751] {strides = array<i32>} : memref<50x32xi32, #tpu.memory_space<vmem>>, vector<1x16xi32>,
      %get3A_1753 = vector.shape_cast %get3A_1752 : vector<1x16xi32> to vector<16xi32>
      %and3A_1754 = arith.constant -65536 : i32
      %and3A_1755 = vector.broadcast %and3A_1754 : i32 to vector<16xi32>
      %and3A_1756 = arith.andi %get3A_1753, %and3A_1755 : vector<16xi32>
      %and3A_1757 = arith.constant 16383 : i32
      %and3A_1758 = vector.broadcast %and3A_1757 : i32 to vector<16xi32>
      %and3A_1759 = arith.andi %get3A_1753, %and3A_1758 : vector<16xi32>
      %shift_left3A_1760 = arith.constant 2 : i32
      %shift_left3A_1761 = vector.broadcast %shift_left3A_1760 : i32 to vector<16xi32>
      %shift_left3A_1762 = arith.shli %and3A_1759, %shift_left3A_1761 : vector<16xi32>
      %add3A_1763 = arith.addi %and3A_1756, %shift_left3A_1762 : vector<16xi32>
      %and3A_1764 = arith.constant 65535 : i32
      %and3A_1765 = vector.broadcast %and3A_1764 : i32 to vector<16xi32>
      %and3A_1766 = arith.andi %get3A_1753, %and3A_1765 : vector<16xi32>
      %shift_right_arithmetic3A_1767 = arith.constant 14 : i32
      %shift_right_arithmetic3A_1768 = vector.broadcast %shift_right_arithmetic3A_1767 : i32 to vector<16xi32>
      %shift_right_arithmetic3A_1769 = arith.shrsi %and3A_1766, %shift_right_arithmetic3A_1768 : vector<16xi32>
      %add3A_1770 = arith.addi %add3A_1763, %shift_right_arithmetic3A_1769 : vector<16xi32>
      %swap3A_1771 = arith.constant 1056 : index
      %swap3A_1772 = tpu.vector_load %arg6[%swap3A_1771] {strides = array<i32>} : memref<1600xi32, #tpu.memory_space<vmem>>, vector<16xi32>,
      %swap3A_1773 = vector.shape_cast %swap3A_1772 : vector<16xi32> to vector<16xi32>
      %swap3A_1774 = vector.shape_cast %add3A_1770 : vector<16xi32> to vector<16xi32>
      tpu.vector_store %arg6[%swap3A_1771], %swap3A_1774 {strides = array<i32>} : memref<1600xi32, #tpu.memory_space<vmem>>, vector<16xi32>,
      %get3A_1775 = arith.constant 33 : i32
      %get3A_1776 = arith.index_cast %get3A_1775 : i32 to index
      %get3A_1777 = arith.constant 16 : index
      %get3A_1778 = tpu.vector_load %arg4[%get3A_1776, %get3A_1777] {strides = array<i32>} : memref<50x32xi32, #tpu.memory_space<vmem>>, vector<1x16xi32>,
      %get3A_1779 = vector.shape_cast %get3A_1778 : vector<1x16xi32> to vector<16xi32>
      %and3A_1780 = arith.constant -65536 : i32
      %and3A_1781 = vector.broadcast %and3A_1780 : i32 to vector<16xi32>
      %and3A_1782 = arith.andi %get3A_1779, %and3A_1781 : vector<16xi32>
      %and3A_1783 = arith.constant 16383 : i32
      %and3A_1784 = vector.broadcast %and3A_1783 : i32 to vector<16xi32>
      %and3A_1785 = arith.andi %get3A_1779, %and3A_1784 : vector<16xi32>
      %shift_left3A_1786 = arith.constant 2 : i32
      %shift_left3A_1787 = vector.broadcast %shift_left3A_1786 : i32 to vector<16xi32>
      %shift_left3A_1788 = arith.shli %and3A_1785, %shift_left3A_1787 : vector<16xi32>
      %add3A_1789 = arith.addi %and3A_1782, %shift_left3A_1788 : vector<16xi32>
      %and3A_1790 = arith.constant 65535 : i32
      %and3A_1791 = vector.broadcast %and3A_1790 : i32 to vector<16xi32>
      %and3A_1792 = arith.andi %get3A_1779, %and3A_1791 : vector<16xi32>
      %shift_right_arithmetic3A_1793 = arith.constant 14 : i32
      %shift_right_arithmetic3A_1794 = vector.broadcast %shift_right_arithmetic3A_1793 : i32 to vector<16xi32>
      %shift_right_arithmetic3A_1795 = arith.shrsi %and3A_1792, %shift_right_arithmetic3A_1794 : vector<16xi32>
      %add3A_1796 = arith.addi %add3A_1789, %shift_right_arithmetic3A_1795 : vector<16xi32>
      %swap3A_1797 = arith.constant 1072 : index
      %swap3A_1798 = tpu.vector_load %arg6[%swap3A_1797] {strides = array<i32>} : memref<1600xi32, #tpu.memory_space<vmem>>, vector<16xi32>,
      %swap3A_1799 = vector.shape_cast %swap3A_1798 : vector<16xi32> to vector<16xi32>
      %swap3A_1800 = vector.shape_cast %add3A_1796 : vector<16xi32> to vector<16xi32>
      tpu.vector_store %arg6[%swap3A_1797], %swap3A_1800 {strides = array<i32>} : memref<1600xi32, #tpu.memory_space<vmem>>, vector<16xi32>,
      %get3A_1801 = arith.constant 34 : i32
      %get3A_1802 = arith.index_cast %get3A_1801 : i32 to index
      %get3A_1803 = arith.constant 0 : index
      %get3A_1804 = tpu.vector_load %arg4[%get3A_1802, %get3A_1803] {strides = array<i32>} : memref<50x32xi32, #tpu.memory_space<vmem>>, vector<1x16xi32>,
      %get3A_1805 = vector.shape_cast %get3A_1804 : vector<1x16xi32> to vector<16xi32>
      %and3A_1806 = arith.constant -65536 : i32
      %and3A_1807 = vector.broadcast %and3A_1806 : i32 to vector<16xi32>
      %and3A_1808 = arith.andi %get3A_1805, %and3A_1807 : vector<16xi32>
      %and3A_1809 = arith.constant 16383 : i32
      %and3A_1810 = vector.broadcast %and3A_1809 : i32 to vector<16xi32>
      %and3A_1811 = arith.andi %get3A_1805, %and3A_1810 : vector<16xi32>
      %shift_left3A_1812 = arith.constant 2 : i32
      %shift_left3A_1813 = vector.broadcast %shift_left3A_1812 : i32 to vector<16xi32>
      %shift_left3A_1814 = arith.shli %and3A_1811, %shift_left3A_1813 : vector<16xi32>
      %add3A_1815 = arith.addi %and3A_1808, %shift_left3A_1814 : vector<16xi32>
      %and3A_1816 = arith.constant 65535 : i32
      %and3A_1817 = vector.broadcast %and3A_1816 : i32 to vector<16xi32>
      %and3A_1818 = arith.andi %get3A_1805, %and3A_1817 : vector<16xi32>
      %shift_right_arithmetic3A_1819 = arith.constant 14 : i32
      %shift_right_arithmetic3A_1820 = vector.broadcast %shift_right_arithmetic3A_1819 : i32 to vector<16xi32>
      %shift_right_arithmetic3A_1821 = arith.shrsi %and3A_1818, %shift_right_arithmetic3A_1820 : vector<16xi32>
      %add3A_1822 = arith.addi %add3A_1815, %shift_right_arithmetic3A_1821 : vector<16xi32>
      %swap3A_1823 = arith.constant 1088 : index
      %swap3A_1824 = tpu.vector_load %arg6[%swap3A_1823] {strides = array<i32>} : memref<1600xi32, #tpu.memory_space<vmem>>, vector<16xi32>,
      %swap3A_1825 = vector.shape_cast %swap3A_1824 : vector<16xi32> to vector<16xi32>
      %swap3A_1826 = vector.shape_cast %add3A_1822 : vector<16xi32> to vector<16xi32>
      tpu.vector_store %arg6[%swap3A_1823], %swap3A_1826 {strides = array<i32>} : memref<1600xi32, #tpu.memory_space<vmem>>, vector<16xi32>,
      %get3A_1827 = arith.constant 34 : i32
      %get3A_1828 = arith.index_cast %get3A_1827 : i32 to index
      %get3A_1829 = arith.constant 16 : index
      %get3A_1830 = tpu.vector_load %arg4[%get3A_1828, %get3A_1829] {strides = array<i32>} : memref<50x32xi32, #tpu.memory_space<vmem>>, vector<1x16xi32>,
      %get3A_1831 = vector.shape_cast %get3A_1830 : vector<1x16xi32> to vector<16xi32>
      %and3A_1832 = arith.constant -65536 : i32
      %and3A_1833 = vector.broadcast %and3A_1832 : i32 to vector<16xi32>
      %and3A_1834 = arith.andi %get3A_1831, %and3A_1833 : vector<16xi32>
      %and3A_1835 = arith.constant 16383 : i32
      %and3A_1836 = vector.broadcast %and3A_1835 : i32 to vector<16xi32>
      %and3A_1837 = arith.andi %get3A_1831, %and3A_1836 : vector<16xi32>
      %shift_left3A_1838 = arith.constant 2 : i32
      %shift_left3A_1839 = vector.broadcast %shift_left3A_1838 : i32 to vector<16xi32>
      %shift_left3A_1840 = arith.shli %and3A_1837, %shift_left3A_1839 : vector<16xi32>
      %add3A_1841 = arith.addi %and3A_1834, %shift_left3A_1840 : vector<16xi32>
      %and3A_1842 = arith.constant 65535 : i32
      %and3A_1843 = vector.broadcast %and3A_1842 : i32 to vector<16xi32>
      %and3A_1844 = arith.andi %get3A_1831, %and3A_1843 : vector<16xi32>
      %shift_right_arithmetic3A_1845 = arith.constant 14 : i32
      %shift_right_arithmetic3A_1846 = vector.broadcast %shift_right_arithmetic3A_1845 : i32 to vector<16xi32>
      %shift_right_arithmetic3A_1847 = arith.shrsi %and3A_1844, %shift_right_arithmetic3A_1846 : vector<16xi32>
      %add3A_1848 = arith.addi %add3A_1841, %shift_right_arithmetic3A_1847 : vector<16xi32>
      %swap3A_1849 = arith.constant 1104 : index
      %swap3A_1850 = tpu.vector_load %arg6[%swap3A_1849] {strides = array<i32>} : memref<1600xi32, #tpu.memory_space<vmem>>, vector<16xi32>,
      %swap3A_1851 = vector.shape_cast %swap3A_1850 : vector<16xi32> to vector<16xi32>
      %swap3A_1852 = vector.shape_cast %add3A_1848 : vector<16xi32> to vector<16xi32>
      tpu.vector_store %arg6[%swap3A_1849], %swap3A_1852 {strides = array<i32>} : memref<1600xi32, #tpu.memory_space<vmem>>, vector<16xi32>,
      %get3A_1853 = arith.constant 35 : i32
      %get3A_1854 = arith.index_cast %get3A_1853 : i32 to index
      %get3A_1855 = arith.constant 0 : index
      %get3A_1856 = tpu.vector_load %arg4[%get3A_1854, %get3A_1855] {strides = array<i32>} : memref<50x32xi32, #tpu.memory_space<vmem>>, vector<1x16xi32>,
      %get3A_1857 = vector.shape_cast %get3A_1856 : vector<1x16xi32> to vector<16xi32>
      %and3A_1858 = arith.constant -65536 : i32
      %and3A_1859 = vector.broadcast %and3A_1858 : i32 to vector<16xi32>
      %and3A_1860 = arith.andi %get3A_1857, %and3A_1859 : vector<16xi32>
      %and3A_1861 = arith.constant 16383 : i32
      %and3A_1862 = vector.broadcast %and3A_1861 : i32 to vector<16xi32>
      %and3A_1863 = arith.andi %get3A_1857, %and3A_1862 : vector<16xi32>
      %shift_left3A_1864 = arith.constant 2 : i32
      %shift_left3A_1865 = vector.broadcast %shift_left3A_1864 : i32 to vector<16xi32>
      %shift_left3A_1866 = arith.shli %and3A_1863, %shift_left3A_1865 : vector<16xi32>
      %add3A_1867 = arith.addi %and3A_1860, %shift_left3A_1866 : vector<16xi32>
      %and3A_1868 = arith.constant 65535 : i32
      %and3A_1869 = vector.broadcast %and3A_1868 : i32 to vector<16xi32>
      %and3A_1870 = arith.andi %get3A_1857, %and3A_1869 : vector<16xi32>
      %shift_right_arithmetic3A_1871 = arith.constant 14 : i32
      %shift_right_arithmetic3A_1872 = vector.broadcast %shift_right_arithmetic3A_1871 : i32 to vector<16xi32>
      %shift_right_arithmetic3A_1873 = arith.shrsi %and3A_1870, %shift_right_arithmetic3A_1872 : vector<16xi32>
      %add3A_1874 = arith.addi %add3A_1867, %shift_right_arithmetic3A_1873 : vector<16xi32>
      %swap3A_1875 = arith.constant 1120 : index
      %swap3A_1876 = tpu.vector_load %arg6[%swap3A_1875] {strides = array<i32>} : memref<1600xi32, #tpu.memory_space<vmem>>, vector<16xi32>,
      %swap3A_1877 = vector.shape_cast %swap3A_1876 : vector<16xi32> to vector<16xi32>
      %swap3A_1878 = vector.shape_cast %add3A_1874 : vector<16xi32> to vector<16xi32>
      tpu.vector_store %arg6[%swap3A_1875], %swap3A_1878 {strides = array<i32>} : memref<1600xi32, #tpu.memory_space<vmem>>, vector<16xi32>,
      %get3A_1879 = arith.constant 35 : i32
      %get3A_1880 = arith.index_cast %get3A_1879 : i32 to index
      %get3A_1881 = arith.constant 16 : index
      %get3A_1882 = tpu.vector_load %arg4[%get3A_1880, %get3A_1881] {strides = array<i32>} : memref<50x32xi32, #tpu.memory_space<vmem>>, vector<1x16xi32>,
      %get3A_1883 = vector.shape_cast %get3A_1882 : vector<1x16xi32> to vector<16xi32>
      %and3A_1884 = arith.constant -65536 : i32
      %and3A_1885 = vector.broadcast %and3A_1884 : i32 to vector<16xi32>
      %and3A_1886 = arith.andi %get3A_1883, %and3A_1885 : vector<16xi32>
      %and3A_1887 = arith.constant 16383 : i32
      %and3A_1888 = vector.broadcast %and3A_1887 : i32 to vector<16xi32>
      %and3A_1889 = arith.andi %get3A_1883, %and3A_1888 : vector<16xi32>
      %shift_left3A_1890 = arith.constant 2 : i32
      %shift_left3A_1891 = vector.broadcast %shift_left3A_1890 : i32 to vector<16xi32>
      %shift_left3A_1892 = arith.shli %and3A_1889, %shift_left3A_1891 : vector<16xi32>
      %add3A_1893 = arith.addi %and3A_1886, %shift_left3A_1892 : vector<16xi32>
      %and3A_1894 = arith.constant 65535 : i32
      %and3A_1895 = vector.broadcast %and3A_1894 : i32 to vector<16xi32>
      %and3A_1896 = arith.andi %get3A_1883, %and3A_1895 : vector<16xi32>
      %shift_right_arithmetic3A_1897 = arith.constant 14 : i32
      %shift_right_arithmetic3A_1898 = vector.broadcast %shift_right_arithmetic3A_1897 : i32 to vector<16xi32>
      %shift_right_arithmetic3A_1899 = arith.shrsi %and3A_1896, %shift_right_arithmetic3A_1898 : vector<16xi32>
      %add3A_1900 = arith.addi %add3A_1893, %shift_right_arithmetic3A_1899 : vector<16xi32>
      %swap3A_1901 = arith.constant 1136 : index
      %swap3A_1902 = tpu.vector_load %arg6[%swap3A_1901] {strides = array<i32>} : memref<1600xi32, #tpu.memory_space<vmem>>, vector<16xi32>,
      %swap3A_1903 = vector.shape_cast %swap3A_1902 : vector<16xi32> to vector<16xi32>
      %swap3A_1904 = vector.shape_cast %add3A_1900 : vector<16xi32> to vector<16xi32>
      tpu.vector_store %arg6[%swap3A_1901], %swap3A_1904 {strides = array<i32>} : memref<1600xi32, #tpu.memory_space<vmem>>, vector<16xi32>,
      %get3A_1905 = arith.constant 36 : i32
      %get3A_1906 = arith.index_cast %get3A_1905 : i32 to index
      %get3A_1907 = arith.constant 0 : index
      %get3A_1908 = tpu.vector_load %arg4[%get3A_1906, %get3A_1907] {strides = array<i32>} : memref<50x32xi32, #tpu.memory_space<vmem>>, vector<1x16xi32>,
      %get3A_1909 = vector.shape_cast %get3A_1908 : vector<1x16xi32> to vector<16xi32>
      %and3A_1910 = arith.constant -65536 : i32
      %and3A_1911 = vector.broadcast %and3A_1910 : i32 to vector<16xi32>
      %and3A_1912 = arith.andi %get3A_1909, %and3A_1911 : vector<16xi32>
      %and3A_1913 = arith.constant 16383 : i32
      %and3A_1914 = vector.broadcast %and3A_1913 : i32 to vector<16xi32>
      %and3A_1915 = arith.andi %get3A_1909, %and3A_1914 : vector<16xi32>
      %shift_left3A_1916 = arith.constant 2 : i32
      %shift_left3A_1917 = vector.broadcast %shift_left3A_1916 : i32 to vector<16xi32>
      %shift_left3A_1918 = arith.shli %and3A_1915, %shift_left3A_1917 : vector<16xi32>
      %add3A_1919 = arith.addi %and3A_1912, %shift_left3A_1918 : vector<16xi32>
      %and3A_1920 = arith.constant 65535 : i32
      %and3A_1921 = vector.broadcast %and3A_1920 : i32 to vector<16xi32>
      %and3A_1922 = arith.andi %get3A_1909, %and3A_1921 : vector<16xi32>
      %shift_right_arithmetic3A_1923 = arith.constant 14 : i32
      %shift_right_arithmetic3A_1924 = vector.broadcast %shift_right_arithmetic3A_1923 : i32 to vector<16xi32>
      %shift_right_arithmetic3A_1925 = arith.shrsi %and3A_1922, %shift_right_arithmetic3A_1924 : vector<16xi32>
      %add3A_1926 = arith.addi %add3A_1919, %shift_right_arithmetic3A_1925 : vector<16xi32>
      %swap3A_1927 = arith.constant 1152 : index
      %swap3A_1928 = tpu.vector_load %arg6[%swap3A_1927] {strides = array<i32>} : memref<1600xi32, #tpu.memory_space<vmem>>, vector<16xi32>,
      %swap3A_1929 = vector.shape_cast %swap3A_1928 : vector<16xi32> to vector<16xi32>
      %swap3A_1930 = vector.shape_cast %add3A_1926 : vector<16xi32> to vector<16xi32>
      tpu.vector_store %arg6[%swap3A_1927], %swap3A_1930 {strides = array<i32>} : memref<1600xi32, #tpu.memory_space<vmem>>, vector<16xi32>,
      %get3A_1931 = arith.constant 36 : i32
      %get3A_1932 = arith.index_cast %get3A_1931 : i32 to index
      %get3A_1933 = arith.constant 16 : index
      %get3A_1934 = tpu.vector_load %arg4[%get3A_1932, %get3A_1933] {strides = array<i32>} : memref<50x32xi32, #tpu.memory_space<vmem>>, vector<1x16xi32>,
      %get3A_1935 = vector.shape_cast %get3A_1934 : vector<1x16xi32> to vector<16xi32>
      %and3A_1936 = arith.constant -65536 : i32
      %and3A_1937 = vector.broadcast %and3A_1936 : i32 to vector<16xi32>
      %and3A_1938 = arith.andi %get3A_1935, %and3A_1937 : vector<16xi32>
      %and3A_1939 = arith.constant 16383 : i32
      %and3A_1940 = vector.broadcast %and3A_1939 : i32 to vector<16xi32>
      %and3A_1941 = arith.andi %get3A_1935, %and3A_1940 : vector<16xi32>
      %shift_left3A_1942 = arith.constant 2 : i32
      %shift_left3A_1943 = vector.broadcast %shift_left3A_1942 : i32 to vector<16xi32>
      %shift_left3A_1944 = arith.shli %and3A_1941, %shift_left3A_1943 : vector<16xi32>
      %add3A_1945 = arith.addi %and3A_1938, %shift_left3A_1944 : vector<16xi32>
      %and3A_1946 = arith.constant 65535 : i32
      %and3A_1947 = vector.broadcast %and3A_1946 : i32 to vector<16xi32>
      %and3A_1948 = arith.andi %get3A_1935, %and3A_1947 : vector<16xi32>
      %shift_right_arithmetic3A_1949 = arith.constant 14 : i32
      %shift_right_arithmetic3A_1950 = vector.broadcast %shift_right_arithmetic3A_1949 : i32 to vector<16xi32>
      %shift_right_arithmetic3A_1951 = arith.shrsi %and3A_1948, %shift_right_arithmetic3A_1950 : vector<16xi32>
      %add3A_1952 = arith.addi %add3A_1945, %shift_right_arithmetic3A_1951 : vector<16xi32>
      %swap3A_1953 = arith.constant 1168 : index
      %swap3A_1954 = tpu.vector_load %arg6[%swap3A_1953] {strides = array<i32>} : memref<1600xi32, #tpu.memory_space<vmem>>, vector<16xi32>,
      %swap3A_1955 = vector.shape_cast %swap3A_1954 : vector<16xi32> to vector<16xi32>
      %swap3A_1956 = vector.shape_cast %add3A_1952 : vector<16xi32> to vector<16xi32>
      tpu.vector_store %arg6[%swap3A_1953], %swap3A_1956 {strides = array<i32>} : memref<1600xi32, #tpu.memory_space<vmem>>, vector<16xi32>,
      %get3A_1957 = arith.constant 37 : i32
      %get3A_1958 = arith.index_cast %get3A_1957 : i32 to index
      %get3A_1959 = arith.constant 0 : index
      %get3A_1960 = tpu.vector_load %arg4[%get3A_1958, %get3A_1959] {strides = array<i32>} : memref<50x32xi32, #tpu.memory_space<vmem>>, vector<1x16xi32>,
      %get3A_1961 = vector.shape_cast %get3A_1960 : vector<1x16xi32> to vector<16xi32>
      %and3A_1962 = arith.constant -65536 : i32
      %and3A_1963 = vector.broadcast %and3A_1962 : i32 to vector<16xi32>
      %and3A_1964 = arith.andi %get3A_1961, %and3A_1963 : vector<16xi32>
      %and3A_1965 = arith.constant 16383 : i32
      %and3A_1966 = vector.broadcast %and3A_1965 : i32 to vector<16xi32>
      %and3A_1967 = arith.andi %get3A_1961, %and3A_1966 : vector<16xi32>
      %shift_left3A_1968 = arith.constant 2 : i32
      %shift_left3A_1969 = vector.broadcast %shift_left3A_1968 : i32 to vector<16xi32>
      %shift_left3A_1970 = arith.shli %and3A_1967, %shift_left3A_1969 : vector<16xi32>
      %add3A_1971 = arith.addi %and3A_1964, %shift_left3A_1970 : vector<16xi32>
      %and3A_1972 = arith.constant 65535 : i32
      %and3A_1973 = vector.broadcast %and3A_1972 : i32 to vector<16xi32>
      %and3A_1974 = arith.andi %get3A_1961, %and3A_1973 : vector<16xi32>
      %shift_right_arithmetic3A_1975 = arith.constant 14 : i32
      %shift_right_arithmetic3A_1976 = vector.broadcast %shift_right_arithmetic3A_1975 : i32 to vector<16xi32>
      %shift_right_arithmetic3A_1977 = arith.shrsi %and3A_1974, %shift_right_arithmetic3A_1976 : vector<16xi32>
      %add3A_1978 = arith.addi %add3A_1971, %shift_right_arithmetic3A_1977 : vector<16xi32>
      %swap3A_1979 = arith.constant 1184 : index
      %swap3A_1980 = tpu.vector_load %arg6[%swap3A_1979] {strides = array<i32>} : memref<1600xi32, #tpu.memory_space<vmem>>, vector<16xi32>,
      %swap3A_1981 = vector.shape_cast %swap3A_1980 : vector<16xi32> to vector<16xi32>
      %swap3A_1982 = vector.shape_cast %add3A_1978 : vector<16xi32> to vector<16xi32>
      tpu.vector_store %arg6[%swap3A_1979], %swap3A_1982 {strides = array<i32>} : memref<1600xi32, #tpu.memory_space<vmem>>, vector<16xi32>,
      %get3A_1983 = arith.constant 37 : i32
      %get3A_1984 = arith.index_cast %get3A_1983 : i32 to index
      %get3A_1985 = arith.constant 16 : index
      %get3A_1986 = tpu.vector_load %arg4[%get3A_1984, %get3A_1985] {strides = array<i32>} : memref<50x32xi32, #tpu.memory_space<vmem>>, vector<1x16xi32>,
      %get3A_1987 = vector.shape_cast %get3A_1986 : vector<1x16xi32> to vector<16xi32>
      %and3A_1988 = arith.constant -65536 : i32
      %and3A_1989 = vector.broadcast %and3A_1988 : i32 to vector<16xi32>
      %and3A_1990 = arith.andi %get3A_1987, %and3A_1989 : vector<16xi32>
      %and3A_1991 = arith.constant 16383 : i32
      %and3A_1992 = vector.broadcast %and3A_1991 : i32 to vector<16xi32>
      %and3A_1993 = arith.andi %get3A_1987, %and3A_1992 : vector<16xi32>
      %shift_left3A_1994 = arith.constant 2 : i32
      %shift_left3A_1995 = vector.broadcast %shift_left3A_1994 : i32 to vector<16xi32>
      %shift_left3A_1996 = arith.shli %and3A_1993, %shift_left3A_1995 : vector<16xi32>
      %add3A_1997 = arith.addi %and3A_1990, %shift_left3A_1996 : vector<16xi32>
      %and3A_1998 = arith.constant 65535 : i32
      %and3A_1999 = vector.broadcast %and3A_1998 : i32 to vector<16xi32>
      %and3A_2000 = arith.andi %get3A_1987, %and3A_1999 : vector<16xi32>
      %shift_right_arithmetic3A_2001 = arith.constant 14 : i32
      %shift_right_arithmetic3A_2002 = vector.broadcast %shift_right_arithmetic3A_2001 : i32 to vector<16xi32>
      %shift_right_arithmetic3A_2003 = arith.shrsi %and3A_2000, %shift_right_arithmetic3A_2002 : vector<16xi32>
      %add3A_2004 = arith.addi %add3A_1997, %shift_right_arithmetic3A_2003 : vector<16xi32>
      %swap3A_2005 = arith.constant 1200 : index
      %swap3A_2006 = tpu.vector_load %arg6[%swap3A_2005] {strides = array<i32>} : memref<1600xi32, #tpu.memory_space<vmem>>, vector<16xi32>,
      %swap3A_2007 = vector.shape_cast %swap3A_2006 : vector<16xi32> to vector<16xi32>
      %swap3A_2008 = vector.shape_cast %add3A_2004 : vector<16xi32> to vector<16xi32>
      tpu.vector_store %arg6[%swap3A_2005], %swap3A_2008 {strides = array<i32>} : memref<1600xi32, #tpu.memory_space<vmem>>, vector<16xi32>,
      %get3A_2009 = arith.constant 38 : i32
      %get3A_2010 = arith.index_cast %get3A_2009 : i32 to index
      %get3A_2011 = arith.constant 0 : index
      %get3A_2012 = tpu.vector_load %arg4[%get3A_2010, %get3A_2011] {strides = array<i32>} : memref<50x32xi32, #tpu.memory_space<vmem>>, vector<1x16xi32>,
      %get3A_2013 = vector.shape_cast %get3A_2012 : vector<1x16xi32> to vector<16xi32>
      %and3A_2014 = arith.constant -65536 : i32
      %and3A_2015 = vector.broadcast %and3A_2014 : i32 to vector<16xi32>
      %and3A_2016 = arith.andi %get3A_2013, %and3A_2015 : vector<16xi32>
      %and3A_2017 = arith.constant 16383 : i32
      %and3A_2018 = vector.broadcast %and3A_2017 : i32 to vector<16xi32>
      %and3A_2019 = arith.andi %get3A_2013, %and3A_2018 : vector<16xi32>
      %shift_left3A_2020 = arith.constant 2 : i32
      %shift_left3A_2021 = vector.broadcast %shift_left3A_2020 : i32 to vector<16xi32>
      %shift_left3A_2022 = arith.shli %and3A_2019, %shift_left3A_2021 : vector<16xi32>
      %add3A_2023 = arith.addi %and3A_2016, %shift_left3A_2022 : vector<16xi32>
      %and3A_2024 = arith.constant 65535 : i32
      %and3A_2025 = vector.broadcast %and3A_2024 : i32 to vector<16xi32>
      %and3A_2026 = arith.andi %get3A_2013, %and3A_2025 : vector<16xi32>
      %shift_right_arithmetic3A_2027 = arith.constant 14 : i32
      %shift_right_arithmetic3A_2028 = vector.broadcast %shift_right_arithmetic3A_2027 : i32 to vector<16xi32>
      %shift_right_arithmetic3A_2029 = arith.shrsi %and3A_2026, %shift_right_arithmetic3A_2028 : vector<16xi32>
      %add3A_2030 = arith.addi %add3A_2023, %shift_right_arithmetic3A_2029 : vector<16xi32>
      %swap3A_2031 = arith.constant 1216 : index
      %swap3A_2032 = tpu.vector_load %arg6[%swap3A_2031] {strides = array<i32>} : memref<1600xi32, #tpu.memory_space<vmem>>, vector<16xi32>,
      %swap3A_2033 = vector.shape_cast %swap3A_2032 : vector<16xi32> to vector<16xi32>
      %swap3A_2034 = vector.shape_cast %add3A_2030 : vector<16xi32> to vector<16xi32>
      tpu.vector_store %arg6[%swap3A_2031], %swap3A_2034 {strides = array<i32>} : memref<1600xi32, #tpu.memory_space<vmem>>, vector<16xi32>,
      %get3A_2035 = arith.constant 38 : i32
      %get3A_2036 = arith.index_cast %get3A_2035 : i32 to index
      %get3A_2037 = arith.constant 16 : index
      %get3A_2038 = tpu.vector_load %arg4[%get3A_2036, %get3A_2037] {strides = array<i32>} : memref<50x32xi32, #tpu.memory_space<vmem>>, vector<1x16xi32>,
      %get3A_2039 = vector.shape_cast %get3A_2038 : vector<1x16xi32> to vector<16xi32>
      %and3A_2040 = arith.constant -65536 : i32
      %and3A_2041 = vector.broadcast %and3A_2040 : i32 to vector<16xi32>
      %and3A_2042 = arith.andi %get3A_2039, %and3A_2041 : vector<16xi32>
      %and3A_2043 = arith.constant 16383 : i32
      %and3A_2044 = vector.broadcast %and3A_2043 : i32 to vector<16xi32>
      %and3A_2045 = arith.andi %get3A_2039, %and3A_2044 : vector<16xi32>
      %shift_left3A_2046 = arith.constant 2 : i32
      %shift_left3A_2047 = vector.broadcast %shift_left3A_2046 : i32 to vector<16xi32>
      %shift_left3A_2048 = arith.shli %and3A_2045, %shift_left3A_2047 : vector<16xi32>
      %add3A_2049 = arith.addi %and3A_2042, %shift_left3A_2048 : vector<16xi32>
      %and3A_2050 = arith.constant 65535 : i32
      %and3A_2051 = vector.broadcast %and3A_2050 : i32 to vector<16xi32>
      %and3A_2052 = arith.andi %get3A_2039, %and3A_2051 : vector<16xi32>
      %shift_right_arithmetic3A_2053 = arith.constant 14 : i32
      %shift_right_arithmetic3A_2054 = vector.broadcast %shift_right_arithmetic3A_2053 : i32 to vector<16xi32>
      %shift_right_arithmetic3A_2055 = arith.shrsi %and3A_2052, %shift_right_arithmetic3A_2054 : vector<16xi32>
      %add3A_2056 = arith.addi %add3A_2049, %shift_right_arithmetic3A_2055 : vector<16xi32>
      %swap3A_2057 = arith.constant 1232 : index
      %swap3A_2058 = tpu.vector_load %arg6[%swap3A_2057] {strides = array<i32>} : memref<1600xi32, #tpu.memory_space<vmem>>, vector<16xi32>,
      %swap3A_2059 = vector.shape_cast %swap3A_2058 : vector<16xi32> to vector<16xi32>
      %swap3A_2060 = vector.shape_cast %add3A_2056 : vector<16xi32> to vector<16xi32>
      tpu.vector_store %arg6[%swap3A_2057], %swap3A_2060 {strides = array<i32>} : memref<1600xi32, #tpu.memory_space<vmem>>, vector<16xi32>,
      %get3A_2061 = arith.constant 39 : i32
      %get3A_2062 = arith.index_cast %get3A_2061 : i32 to index
      %get3A_2063 = arith.constant 0 : index
      %get3A_2064 = tpu.vector_load %arg4[%get3A_2062, %get3A_2063] {strides = array<i32>} : memref<50x32xi32, #tpu.memory_space<vmem>>, vector<1x16xi32>,
      %get3A_2065 = vector.shape_cast %get3A_2064 : vector<1x16xi32> to vector<16xi32>
      %and3A_2066 = arith.constant -65536 : i32
      %and3A_2067 = vector.broadcast %and3A_2066 : i32 to vector<16xi32>
      %and3A_2068 = arith.andi %get3A_2065, %and3A_2067 : vector<16xi32>
      %and3A_2069 = arith.constant 16383 : i32
      %and3A_2070 = vector.broadcast %and3A_2069 : i32 to vector<16xi32>
      %and3A_2071 = arith.andi %get3A_2065, %and3A_2070 : vector<16xi32>
      %shift_left3A_2072 = arith.constant 2 : i32
      %shift_left3A_2073 = vector.broadcast %shift_left3A_2072 : i32 to vector<16xi32>
      %shift_left3A_2074 = arith.shli %and3A_2071, %shift_left3A_2073 : vector<16xi32>
      %add3A_2075 = arith.addi %and3A_2068, %shift_left3A_2074 : vector<16xi32>
      %and3A_2076 = arith.constant 65535 : i32
      %and3A_2077 = vector.broadcast %and3A_2076 : i32 to vector<16xi32>
      %and3A_2078 = arith.andi %get3A_2065, %and3A_2077 : vector<16xi32>
      %shift_right_arithmetic3A_2079 = arith.constant 14 : i32
      %shift_right_arithmetic3A_2080 = vector.broadcast %shift_right_arithmetic3A_2079 : i32 to vector<16xi32>
      %shift_right_arithmetic3A_2081 = arith.shrsi %and3A_2078, %shift_right_arithmetic3A_2080 : vector<16xi32>
      %add3A_2082 = arith.addi %add3A_2075, %shift_right_arithmetic3A_2081 : vector<16xi32>
      %swap3A_2083 = arith.constant 1248 : index
      %swap3A_2084 = tpu.vector_load %arg6[%swap3A_2083] {strides = array<i32>} : memref<1600xi32, #tpu.memory_space<vmem>>, vector<16xi32>,
      %swap3A_2085 = vector.shape_cast %swap3A_2084 : vector<16xi32> to vector<16xi32>
      %swap3A_2086 = vector.shape_cast %add3A_2082 : vector<16xi32> to vector<16xi32>
      tpu.vector_store %arg6[%swap3A_2083], %swap3A_2086 {strides = array<i32>} : memref<1600xi32, #tpu.memory_space<vmem>>, vector<16xi32>,
      %get3A_2087 = arith.constant 39 : i32
      %get3A_2088 = arith.index_cast %get3A_2087 : i32 to index
      %get3A_2089 = arith.constant 16 : index
      %get3A_2090 = tpu.vector_load %arg4[%get3A_2088, %get3A_2089] {strides = array<i32>} : memref<50x32xi32, #tpu.memory_space<vmem>>, vector<1x16xi32>,
      %get3A_2091 = vector.shape_cast %get3A_2090 : vector<1x16xi32> to vector<16xi32>
      %and3A_2092 = arith.constant -65536 : i32
      %and3A_2093 = vector.broadcast %and3A_2092 : i32 to vector<16xi32>
      %and3A_2094 = arith.andi %get3A_2091, %and3A_2093 : vector<16xi32>
      %and3A_2095 = arith.constant 16383 : i32
      %and3A_2096 = vector.broadcast %and3A_2095 : i32 to vector<16xi32>
      %and3A_2097 = arith.andi %get3A_2091, %and3A_2096 : vector<16xi32>
      %shift_left3A_2098 = arith.constant 2 : i32
      %shift_left3A_2099 = vector.broadcast %shift_left3A_2098 : i32 to vector<16xi32>
      %shift_left3A_2100 = arith.shli %and3A_2097, %shift_left3A_2099 : vector<16xi32>
      %add3A_2101 = arith.addi %and3A_2094, %shift_left3A_2100 : vector<16xi32>
      %and3A_2102 = arith.constant 65535 : i32
      %and3A_2103 = vector.broadcast %and3A_2102 : i32 to vector<16xi32>
      %and3A_2104 = arith.andi %get3A_2091, %and3A_2103 : vector<16xi32>
      %shift_right_arithmetic3A_2105 = arith.constant 14 : i32
      %shift_right_arithmetic3A_2106 = vector.broadcast %shift_right_arithmetic3A_2105 : i32 to vector<16xi32>
      %shift_right_arithmetic3A_2107 = arith.shrsi %and3A_2104, %shift_right_arithmetic3A_2106 : vector<16xi32>
      %add3A_2108 = arith.addi %add3A_2101, %shift_right_arithmetic3A_2107 : vector<16xi32>
      %swap3A_2109 = arith.constant 1264 : index
      %swap3A_2110 = tpu.vector_load %arg6[%swap3A_2109] {strides = array<i32>} : memref<1600xi32, #tpu.memory_space<vmem>>, vector<16xi32>,
      %swap3A_2111 = vector.shape_cast %swap3A_2110 : vector<16xi32> to vector<16xi32>
      %swap3A_2112 = vector.shape_cast %add3A_2108 : vector<16xi32> to vector<16xi32>
      tpu.vector_store %arg6[%swap3A_2109], %swap3A_2112 {strides = array<i32>} : memref<1600xi32, #tpu.memory_space<vmem>>, vector<16xi32>,
      %get3A_2113 = arith.constant 40 : i32
      %get3A_2114 = arith.index_cast %get3A_2113 : i32 to index
      %get3A_2115 = arith.constant 0 : index
      %get3A_2116 = tpu.vector_load %arg4[%get3A_2114, %get3A_2115] {strides = array<i32>} : memref<50x32xi32, #tpu.memory_space<vmem>>, vector<1x16xi32>,
      %get3A_2117 = vector.shape_cast %get3A_2116 : vector<1x16xi32> to vector<16xi32>
      %and3A_2118 = arith.constant -65536 : i32
      %and3A_2119 = vector.broadcast %and3A_2118 : i32 to vector<16xi32>
      %and3A_2120 = arith.andi %get3A_2117, %and3A_2119 : vector<16xi32>
      %and3A_2121 = arith.constant 16383 : i32
      %and3A_2122 = vector.broadcast %and3A_2121 : i32 to vector<16xi32>
      %and3A_2123 = arith.andi %get3A_2117, %and3A_2122 : vector<16xi32>
      %shift_left3A_2124 = arith.constant 2 : i32
      %shift_left3A_2125 = vector.broadcast %shift_left3A_2124 : i32 to vector<16xi32>
      %shift_left3A_2126 = arith.shli %and3A_2123, %shift_left3A_2125 : vector<16xi32>
      %add3A_2127 = arith.addi %and3A_2120, %shift_left3A_2126 : vector<16xi32>
      %and3A_2128 = arith.constant 65535 : i32
      %and3A_2129 = vector.broadcast %and3A_2128 : i32 to vector<16xi32>
      %and3A_2130 = arith.andi %get3A_2117, %and3A_2129 : vector<16xi32>
      %shift_right_arithmetic3A_2131 = arith.constant 14 : i32
      %shift_right_arithmetic3A_2132 = vector.broadcast %shift_right_arithmetic3A_2131 : i32 to vector<16xi32>
      %shift_right_arithmetic3A_2133 = arith.shrsi %and3A_2130, %shift_right_arithmetic3A_2132 : vector<16xi32>
      %add3A_2134 = arith.addi %add3A_2127, %shift_right_arithmetic3A_2133 : vector<16xi32>
      %swap3A_2135 = arith.constant 1280 : index
      %swap3A_2136 = tpu.vector_load %arg6[%swap3A_2135] {strides = array<i32>} : memref<1600xi32, #tpu.memory_space<vmem>>, vector<16xi32>,
      %swap3A_2137 = vector.shape_cast %swap3A_2136 : vector<16xi32> to vector<16xi32>
      %swap3A_2138 = vector.shape_cast %add3A_2134 : vector<16xi32> to vector<16xi32>
      tpu.vector_store %arg6[%swap3A_2135], %swap3A_2138 {strides = array<i32>} : memref<1600xi32, #tpu.memory_space<vmem>>, vector<16xi32>,
      %get3A_2139 = arith.constant 40 : i32
      %get3A_2140 = arith.index_cast %get3A_2139 : i32 to index
      %get3A_2141 = arith.constant 16 : index
      %get3A_2142 = tpu.vector_load %arg4[%get3A_2140, %get3A_2141] {strides = array<i32>} : memref<50x32xi32, #tpu.memory_space<vmem>>, vector<1x16xi32>,
      %get3A_2143 = vector.shape_cast %get3A_2142 : vector<1x16xi32> to vector<16xi32>
      %and3A_2144 = arith.constant -65536 : i32
      %and3A_2145 = vector.broadcast %and3A_2144 : i32 to vector<16xi32>
      %and3A_2146 = arith.andi %get3A_2143, %and3A_2145 : vector<16xi32>
      %and3A_2147 = arith.constant 16383 : i32
      %and3A_2148 = vector.broadcast %and3A_2147 : i32 to vector<16xi32>
      %and3A_2149 = arith.andi %get3A_2143, %and3A_2148 : vector<16xi32>
      %shift_left3A_2150 = arith.constant 2 : i32
      %shift_left3A_2151 = vector.broadcast %shift_left3A_2150 : i32 to vector<16xi32>
      %shift_left3A_2152 = arith.shli %and3A_2149, %shift_left3A_2151 : vector<16xi32>
      %add3A_2153 = arith.addi %and3A_2146, %shift_left3A_2152 : vector<16xi32>
      %and3A_2154 = arith.constant 65535 : i32
      %and3A_2155 = vector.broadcast %and3A_2154 : i32 to vector<16xi32>
      %and3A_2156 = arith.andi %get3A_2143, %and3A_2155 : vector<16xi32>
      %shift_right_arithmetic3A_2157 = arith.constant 14 : i32
      %shift_right_arithmetic3A_2158 = vector.broadcast %shift_right_arithmetic3A_2157 : i32 to vector<16xi32>
      %shift_right_arithmetic3A_2159 = arith.shrsi %and3A_2156, %shift_right_arithmetic3A_2158 : vector<16xi32>
      %add3A_2160 = arith.addi %add3A_2153, %shift_right_arithmetic3A_2159 : vector<16xi32>
      %swap3A_2161 = arith.constant 1296 : index
      %swap3A_2162 = tpu.vector_load %arg6[%swap3A_2161] {strides = array<i32>} : memref<1600xi32, #tpu.memory_space<vmem>>, vector<16xi32>,
      %swap3A_2163 = vector.shape_cast %swap3A_2162 : vector<16xi32> to vector<16xi32>
      %swap3A_2164 = vector.shape_cast %add3A_2160 : vector<16xi32> to vector<16xi32>
      tpu.vector_store %arg6[%swap3A_2161], %swap3A_2164 {strides = array<i32>} : memref<1600xi32, #tpu.memory_space<vmem>>, vector<16xi32>,
      %get3A_2165 = arith.constant 41 : i32
      %get3A_2166 = arith.index_cast %get3A_2165 : i32 to index
      %get3A_2167 = arith.constant 0 : index
      %get3A_2168 = tpu.vector_load %arg4[%get3A_2166, %get3A_2167] {strides = array<i32>} : memref<50x32xi32, #tpu.memory_space<vmem>>, vector<1x16xi32>,
      %get3A_2169 = vector.shape_cast %get3A_2168 : vector<1x16xi32> to vector<16xi32>
      %and3A_2170 = arith.constant -65536 : i32
      %and3A_2171 = vector.broadcast %and3A_2170 : i32 to vector<16xi32>
      %and3A_2172 = arith.andi %get3A_2169, %and3A_2171 : vector<16xi32>
      %and3A_2173 = arith.constant 16383 : i32
      %and3A_2174 = vector.broadcast %and3A_2173 : i32 to vector<16xi32>
      %and3A_2175 = arith.andi %get3A_2169, %and3A_2174 : vector<16xi32>
      %shift_left3A_2176 = arith.constant 2 : i32
      %shift_left3A_2177 = vector.broadcast %shift_left3A_2176 : i32 to vector<16xi32>
      %shift_left3A_2178 = arith.shli %and3A_2175, %shift_left3A_2177 : vector<16xi32>
      %add3A_2179 = arith.addi %and3A_2172, %shift_left3A_2178 : vector<16xi32>
      %and3A_2180 = arith.constant 65535 : i32
      %and3A_2181 = vector.broadcast %and3A_2180 : i32 to vector<16xi32>
      %and3A_2182 = arith.andi %get3A_2169, %and3A_2181 : vector<16xi32>
      %shift_right_arithmetic3A_2183 = arith.constant 14 : i32
      %shift_right_arithmetic3A_2184 = vector.broadcast %shift_right_arithmetic3A_2183 : i32 to vector<16xi32>
      %shift_right_arithmetic3A_2185 = arith.shrsi %and3A_2182, %shift_right_arithmetic3A_2184 : vector<16xi32>
      %add3A_2186 = arith.addi %add3A_2179, %shift_right_arithmetic3A_2185 : vector<16xi32>
      %swap3A_2187 = arith.constant 1312 : index
      %swap3A_2188 = tpu.vector_load %arg6[%swap3A_2187] {strides = array<i32>} : memref<1600xi32, #tpu.memory_space<vmem>>, vector<16xi32>,
      %swap3A_2189 = vector.shape_cast %swap3A_2188 : vector<16xi32> to vector<16xi32>
      %swap3A_2190 = vector.shape_cast %add3A_2186 : vector<16xi32> to vector<16xi32>
      tpu.vector_store %arg6[%swap3A_2187], %swap3A_2190 {strides = array<i32>} : memref<1600xi32, #tpu.memory_space<vmem>>, vector<16xi32>,
      %get3A_2191 = arith.constant 41 : i32
      %get3A_2192 = arith.index_cast %get3A_2191 : i32 to index
      %get3A_2193 = arith.constant 16 : index
      %get3A_2194 = tpu.vector_load %arg4[%get3A_2192, %get3A_2193] {strides = array<i32>} : memref<50x32xi32, #tpu.memory_space<vmem>>, vector<1x16xi32>,
      %get3A_2195 = vector.shape_cast %get3A_2194 : vector<1x16xi32> to vector<16xi32>
      %and3A_2196 = arith.constant -65536 : i32
      %and3A_2197 = vector.broadcast %and3A_2196 : i32 to vector<16xi32>
      %and3A_2198 = arith.andi %get3A_2195, %and3A_2197 : vector<16xi32>
      %and3A_2199 = arith.constant 16383 : i32
      %and3A_2200 = vector.broadcast %and3A_2199 : i32 to vector<16xi32>
      %and3A_2201 = arith.andi %get3A_2195, %and3A_2200 : vector<16xi32>
      %shift_left3A_2202 = arith.constant 2 : i32
      %shift_left3A_2203 = vector.broadcast %shift_left3A_2202 : i32 to vector<16xi32>
      %shift_left3A_2204 = arith.shli %and3A_2201, %shift_left3A_2203 : vector<16xi32>
      %add3A_2205 = arith.addi %and3A_2198, %shift_left3A_2204 : vector<16xi32>
      %and3A_2206 = arith.constant 65535 : i32
      %and3A_2207 = vector.broadcast %and3A_2206 : i32 to vector<16xi32>
      %and3A_2208 = arith.andi %get3A_2195, %and3A_2207 : vector<16xi32>
      %shift_right_arithmetic3A_2209 = arith.constant 14 : i32
      %shift_right_arithmetic3A_2210 = vector.broadcast %shift_right_arithmetic3A_2209 : i32 to vector<16xi32>
      %shift_right_arithmetic3A_2211 = arith.shrsi %and3A_2208, %shift_right_arithmetic3A_2210 : vector<16xi32>
      %add3A_2212 = arith.addi %add3A_2205, %shift_right_arithmetic3A_2211 : vector<16xi32>
      %swap3A_2213 = arith.constant 1328 : index
      %swap3A_2214 = tpu.vector_load %arg6[%swap3A_2213] {strides = array<i32>} : memref<1600xi32, #tpu.memory_space<vmem>>, vector<16xi32>,
      %swap3A_2215 = vector.shape_cast %swap3A_2214 : vector<16xi32> to vector<16xi32>
      %swap3A_2216 = vector.shape_cast %add3A_2212 : vector<16xi32> to vector<16xi32>
      tpu.vector_store %arg6[%swap3A_2213], %swap3A_2216 {strides = array<i32>} : memref<1600xi32, #tpu.memory_space<vmem>>, vector<16xi32>,
      %get3A_2217 = arith.constant 42 : i32
      %get3A_2218 = arith.index_cast %get3A_2217 : i32 to index
      %get3A_2219 = arith.constant 0 : index
      %get3A_2220 = tpu.vector_load %arg4[%get3A_2218, %get3A_2219] {strides = array<i32>} : memref<50x32xi32, #tpu.memory_space<vmem>>, vector<1x16xi32>,
      %get3A_2221 = vector.shape_cast %get3A_2220 : vector<1x16xi32> to vector<16xi32>
      %and3A_2222 = arith.constant -65536 : i32
      %and3A_2223 = vector.broadcast %and3A_2222 : i32 to vector<16xi32>
      %and3A_2224 = arith.andi %get3A_2221, %and3A_2223 : vector<16xi32>
      %and3A_2225 = arith.constant 16383 : i32
      %and3A_2226 = vector.broadcast %and3A_2225 : i32 to vector<16xi32>
      %and3A_2227 = arith.andi %get3A_2221, %and3A_2226 : vector<16xi32>
      %shift_left3A_2228 = arith.constant 2 : i32
      %shift_left3A_2229 = vector.broadcast %shift_left3A_2228 : i32 to vector<16xi32>
      %shift_left3A_2230 = arith.shli %and3A_2227, %shift_left3A_2229 : vector<16xi32>
      %add3A_2231 = arith.addi %and3A_2224, %shift_left3A_2230 : vector<16xi32>
      %and3A_2232 = arith.constant 65535 : i32
      %and3A_2233 = vector.broadcast %and3A_2232 : i32 to vector<16xi32>
      %and3A_2234 = arith.andi %get3A_2221, %and3A_2233 : vector<16xi32>
      %shift_right_arithmetic3A_2235 = arith.constant 14 : i32
      %shift_right_arithmetic3A_2236 = vector.broadcast %shift_right_arithmetic3A_2235 : i32 to vector<16xi32>
      %shift_right_arithmetic3A_2237 = arith.shrsi %and3A_2234, %shift_right_arithmetic3A_2236 : vector<16xi32>
      %add3A_2238 = arith.addi %add3A_2231, %shift_right_arithmetic3A_2237 : vector<16xi32>
      %swap3A_2239 = arith.constant 1344 : index
      %swap3A_2240 = tpu.vector_load %arg6[%swap3A_2239] {strides = array<i32>} : memref<1600xi32, #tpu.memory_space<vmem>>, vector<16xi32>,
      %swap3A_2241 = vector.shape_cast %swap3A_2240 : vector<16xi32> to vector<16xi32>
      %swap3A_2242 = vector.shape_cast %add3A_2238 : vector<16xi32> to vector<16xi32>
      tpu.vector_store %arg6[%swap3A_2239], %swap3A_2242 {strides = array<i32>} : memref<1600xi32, #tpu.memory_space<vmem>>, vector<16xi32>,
      %get3A_2243 = arith.constant 42 : i32
      %get3A_2244 = arith.index_cast %get3A_2243 : i32 to index
      %get3A_2245 = arith.constant 16 : index
      %get3A_2246 = tpu.vector_load %arg4[%get3A_2244, %get3A_2245] {strides = array<i32>} : memref<50x32xi32, #tpu.memory_space<vmem>>, vector<1x16xi32>,
      %get3A_2247 = vector.shape_cast %get3A_2246 : vector<1x16xi32> to vector<16xi32>
      %and3A_2248 = arith.constant -65536 : i32
      %and3A_2249 = vector.broadcast %and3A_2248 : i32 to vector<16xi32>
      %and3A_2250 = arith.andi %get3A_2247, %and3A_2249 : vector<16xi32>
      %and3A_2251 = arith.constant 16383 : i32
      %and3A_2252 = vector.broadcast %and3A_2251 : i32 to vector<16xi32>
      %and3A_2253 = arith.andi %get3A_2247, %and3A_2252 : vector<16xi32>
      %shift_left3A_2254 = arith.constant 2 : i32
      %shift_left3A_2255 = vector.broadcast %shift_left3A_2254 : i32 to vector<16xi32>
      %shift_left3A_2256 = arith.shli %and3A_2253, %shift_left3A_2255 : vector<16xi32>
      %add3A_2257 = arith.addi %and3A_2250, %shift_left3A_2256 : vector<16xi32>
      %and3A_2258 = arith.constant 65535 : i32
      %and3A_2259 = vector.broadcast %and3A_2258 : i32 to vector<16xi32>
      %and3A_2260 = arith.andi %get3A_2247, %and3A_2259 : vector<16xi32>
      %shift_right_arithmetic3A_2261 = arith.constant 14 : i32
      %shift_right_arithmetic3A_2262 = vector.broadcast %shift_right_arithmetic3A_2261 : i32 to vector<16xi32>
      %shift_right_arithmetic3A_2263 = arith.shrsi %and3A_2260, %shift_right_arithmetic3A_2262 : vector<16xi32>
      %add3A_2264 = arith.addi %add3A_2257, %shift_right_arithmetic3A_2263 : vector<16xi32>
      %swap3A_2265 = arith.constant 1360 : index
      %swap3A_2266 = tpu.vector_load %arg6[%swap3A_2265] {strides = array<i32>} : memref<1600xi32, #tpu.memory_space<vmem>>, vector<16xi32>,
      %swap3A_2267 = vector.shape_cast %swap3A_2266 : vector<16xi32> to vector<16xi32>
      %swap3A_2268 = vector.shape_cast %add3A_2264 : vector<16xi32> to vector<16xi32>
      tpu.vector_store %arg6[%swap3A_2265], %swap3A_2268 {strides = array<i32>} : memref<1600xi32, #tpu.memory_space<vmem>>, vector<16xi32>,
      %get3A_2269 = arith.constant 43 : i32
      %get3A_2270 = arith.index_cast %get3A_2269 : i32 to index
      %get3A_2271 = arith.constant 0 : index
      %get3A_2272 = tpu.vector_load %arg4[%get3A_2270, %get3A_2271] {strides = array<i32>} : memref<50x32xi32, #tpu.memory_space<vmem>>, vector<1x16xi32>,
      %get3A_2273 = vector.shape_cast %get3A_2272 : vector<1x16xi32> to vector<16xi32>
      %and3A_2274 = arith.constant -65536 : i32
      %and3A_2275 = vector.broadcast %and3A_2274 : i32 to vector<16xi32>
      %and3A_2276 = arith.andi %get3A_2273, %and3A_2275 : vector<16xi32>
      %and3A_2277 = arith.constant 16383 : i32
      %and3A_2278 = vector.broadcast %and3A_2277 : i32 to vector<16xi32>
      %and3A_2279 = arith.andi %get3A_2273, %and3A_2278 : vector<16xi32>
      %shift_left3A_2280 = arith.constant 2 : i32
      %shift_left3A_2281 = vector.broadcast %shift_left3A_2280 : i32 to vector<16xi32>
      %shift_left3A_2282 = arith.shli %and3A_2279, %shift_left3A_2281 : vector<16xi32>
      %add3A_2283 = arith.addi %and3A_2276, %shift_left3A_2282 : vector<16xi32>
      %and3A_2284 = arith.constant 65535 : i32
      %and3A_2285 = vector.broadcast %and3A_2284 : i32 to vector<16xi32>
      %and3A_2286 = arith.andi %get3A_2273, %and3A_2285 : vector<16xi32>
      %shift_right_arithmetic3A_2287 = arith.constant 14 : i32
      %shift_right_arithmetic3A_2288 = vector.broadcast %shift_right_arithmetic3A_2287 : i32 to vector<16xi32>
      %shift_right_arithmetic3A_2289 = arith.shrsi %and3A_2286, %shift_right_arithmetic3A_2288 : vector<16xi32>
      %add3A_2290 = arith.addi %add3A_2283, %shift_right_arithmetic3A_2289 : vector<16xi32>
      %swap3A_2291 = arith.constant 1376 : index
      %swap3A_2292 = tpu.vector_load %arg6[%swap3A_2291] {strides = array<i32>} : memref<1600xi32, #tpu.memory_space<vmem>>, vector<16xi32>,
      %swap3A_2293 = vector.shape_cast %swap3A_2292 : vector<16xi32> to vector<16xi32>
      %swap3A_2294 = vector.shape_cast %add3A_2290 : vector<16xi32> to vector<16xi32>
      tpu.vector_store %arg6[%swap3A_2291], %swap3A_2294 {strides = array<i32>} : memref<1600xi32, #tpu.memory_space<vmem>>, vector<16xi32>,
      %get3A_2295 = arith.constant 43 : i32
      %get3A_2296 = arith.index_cast %get3A_2295 : i32 to index
      %get3A_2297 = arith.constant 16 : index
      %get3A_2298 = tpu.vector_load %arg4[%get3A_2296, %get3A_2297] {strides = array<i32>} : memref<50x32xi32, #tpu.memory_space<vmem>>, vector<1x16xi32>,
      %get3A_2299 = vector.shape_cast %get3A_2298 : vector<1x16xi32> to vector<16xi32>
      %and3A_2300 = arith.constant -65536 : i32
      %and3A_2301 = vector.broadcast %and3A_2300 : i32 to vector<16xi32>
      %and3A_2302 = arith.andi %get3A_2299, %and3A_2301 : vector<16xi32>
      %and3A_2303 = arith.constant 16383 : i32
      %and3A_2304 = vector.broadcast %and3A_2303 : i32 to vector<16xi32>
      %and3A_2305 = arith.andi %get3A_2299, %and3A_2304 : vector<16xi32>
      %shift_left3A_2306 = arith.constant 2 : i32
      %shift_left3A_2307 = vector.broadcast %shift_left3A_2306 : i32 to vector<16xi32>
      %shift_left3A_2308 = arith.shli %and3A_2305, %shift_left3A_2307 : vector<16xi32>
      %add3A_2309 = arith.addi %and3A_2302, %shift_left3A_2308 : vector<16xi32>
      %and3A_2310 = arith.constant 65535 : i32
      %and3A_2311 = vector.broadcast %and3A_2310 : i32 to vector<16xi32>
      %and3A_2312 = arith.andi %get3A_2299, %and3A_2311 : vector<16xi32>
      %shift_right_arithmetic3A_2313 = arith.constant 14 : i32
      %shift_right_arithmetic3A_2314 = vector.broadcast %shift_right_arithmetic3A_2313 : i32 to vector<16xi32>
      %shift_right_arithmetic3A_2315 = arith.shrsi %and3A_2312, %shift_right_arithmetic3A_2314 : vector<16xi32>
      %add3A_2316 = arith.addi %add3A_2309, %shift_right_arithmetic3A_2315 : vector<16xi32>
      %swap3A_2317 = arith.constant 1392 : index
      %swap3A_2318 = tpu.vector_load %arg6[%swap3A_2317] {strides = array<i32>} : memref<1600xi32, #tpu.memory_space<vmem>>, vector<16xi32>,
      %swap3A_2319 = vector.shape_cast %swap3A_2318 : vector<16xi32> to vector<16xi32>
      %swap3A_2320 = vector.shape_cast %add3A_2316 : vector<16xi32> to vector<16xi32>
      tpu.vector_store %arg6[%swap3A_2317], %swap3A_2320 {strides = array<i32>} : memref<1600xi32, #tpu.memory_space<vmem>>, vector<16xi32>,
      %get3A_2321 = arith.constant 44 : i32
      %get3A_2322 = arith.index_cast %get3A_2321 : i32 to index
      %get3A_2323 = arith.constant 0 : index
      %get3A_2324 = tpu.vector_load %arg4[%get3A_2322, %get3A_2323] {strides = array<i32>} : memref<50x32xi32, #tpu.memory_space<vmem>>, vector<1x16xi32>,
      %get3A_2325 = vector.shape_cast %get3A_2324 : vector<1x16xi32> to vector<16xi32>
      %and3A_2326 = arith.constant -65536 : i32
      %and3A_2327 = vector.broadcast %and3A_2326 : i32 to vector<16xi32>
      %and3A_2328 = arith.andi %get3A_2325, %and3A_2327 : vector<16xi32>
      %and3A_2329 = arith.constant 16383 : i32
      %and3A_2330 = vector.broadcast %and3A_2329 : i32 to vector<16xi32>
      %and3A_2331 = arith.andi %get3A_2325, %and3A_2330 : vector<16xi32>
      %shift_left3A_2332 = arith.constant 2 : i32
      %shift_left3A_2333 = vector.broadcast %shift_left3A_2332 : i32 to vector<16xi32>
      %shift_left3A_2334 = arith.shli %and3A_2331, %shift_left3A_2333 : vector<16xi32>
      %add3A_2335 = arith.addi %and3A_2328, %shift_left3A_2334 : vector<16xi32>
      %and3A_2336 = arith.constant 65535 : i32
      %and3A_2337 = vector.broadcast %and3A_2336 : i32 to vector<16xi32>
      %and3A_2338 = arith.andi %get3A_2325, %and3A_2337 : vector<16xi32>
      %shift_right_arithmetic3A_2339 = arith.constant 14 : i32
      %shift_right_arithmetic3A_2340 = vector.broadcast %shift_right_arithmetic3A_2339 : i32 to vector<16xi32>
      %shift_right_arithmetic3A_2341 = arith.shrsi %and3A_2338, %shift_right_arithmetic3A_2340 : vector<16xi32>
      %add3A_2342 = arith.addi %add3A_2335, %shift_right_arithmetic3A_2341 : vector<16xi32>
      %swap3A_2343 = arith.constant 1408 : index
      %swap3A_2344 = tpu.vector_load %arg6[%swap3A_2343] {strides = array<i32>} : memref<1600xi32, #tpu.memory_space<vmem>>, vector<16xi32>,
      %swap3A_2345 = vector.shape_cast %swap3A_2344 : vector<16xi32> to vector<16xi32>
      %swap3A_2346 = vector.shape_cast %add3A_2342 : vector<16xi32> to vector<16xi32>
      tpu.vector_store %arg6[%swap3A_2343], %swap3A_2346 {strides = array<i32>} : memref<1600xi32, #tpu.memory_space<vmem>>, vector<16xi32>,
      %get3A_2347 = arith.constant 44 : i32
      %get3A_2348 = arith.index_cast %get3A_2347 : i32 to index
      %get3A_2349 = arith.constant 16 : index
      %get3A_2350 = tpu.vector_load %arg4[%get3A_2348, %get3A_2349] {strides = array<i32>} : memref<50x32xi32, #tpu.memory_space<vmem>>, vector<1x16xi32>,
      %get3A_2351 = vector.shape_cast %get3A_2350 : vector<1x16xi32> to vector<16xi32>
      %and3A_2352 = arith.constant -65536 : i32
      %and3A_2353 = vector.broadcast %and3A_2352 : i32 to vector<16xi32>
      %and3A_2354 = arith.andi %get3A_2351, %and3A_2353 : vector<16xi32>
      %and3A_2355 = arith.constant 16383 : i32
      %and3A_2356 = vector.broadcast %and3A_2355 : i32 to vector<16xi32>
      %and3A_2357 = arith.andi %get3A_2351, %and3A_2356 : vector<16xi32>
      %shift_left3A_2358 = arith.constant 2 : i32
      %shift_left3A_2359 = vector.broadcast %shift_left3A_2358 : i32 to vector<16xi32>
      %shift_left3A_2360 = arith.shli %and3A_2357, %shift_left3A_2359 : vector<16xi32>
      %add3A_2361 = arith.addi %and3A_2354, %shift_left3A_2360 : vector<16xi32>
      %and3A_2362 = arith.constant 65535 : i32
      %and3A_2363 = vector.broadcast %and3A_2362 : i32 to vector<16xi32>
      %and3A_2364 = arith.andi %get3A_2351, %and3A_2363 : vector<16xi32>
      %shift_right_arithmetic3A_2365 = arith.constant 14 : i32
      %shift_right_arithmetic3A_2366 = vector.broadcast %shift_right_arithmetic3A_2365 : i32 to vector<16xi32>
      %shift_right_arithmetic3A_2367 = arith.shrsi %and3A_2364, %shift_right_arithmetic3A_2366 : vector<16xi32>
      %add3A_2368 = arith.addi %add3A_2361, %shift_right_arithmetic3A_2367 : vector<16xi32>
      %swap3A_2369 = arith.constant 1424 : index
      %swap3A_2370 = tpu.vector_load %arg6[%swap3A_2369] {strides = array<i32>} : memref<1600xi32, #tpu.memory_space<vmem>>, vector<16xi32>,
      %swap3A_2371 = vector.shape_cast %swap3A_2370 : vector<16xi32> to vector<16xi32>
      %swap3A_2372 = vector.shape_cast %add3A_2368 : vector<16xi32> to vector<16xi32>
      tpu.vector_store %arg6[%swap3A_2369], %swap3A_2372 {strides = array<i32>} : memref<1600xi32, #tpu.memory_space<vmem>>, vector<16xi32>,
      %get3A_2373 = arith.constant 45 : i32
      %get3A_2374 = arith.index_cast %get3A_2373 : i32 to index
      %get3A_2375 = arith.constant 0 : index
      %get3A_2376 = tpu.vector_load %arg4[%get3A_2374, %get3A_2375] {strides = array<i32>} : memref<50x32xi32, #tpu.memory_space<vmem>>, vector<1x16xi32>,
      %get3A_2377 = vector.shape_cast %get3A_2376 : vector<1x16xi32> to vector<16xi32>
      %and3A_2378 = arith.constant -65536 : i32
      %and3A_2379 = vector.broadcast %and3A_2378 : i32 to vector<16xi32>
      %and3A_2380 = arith.andi %get3A_2377, %and3A_2379 : vector<16xi32>
      %and3A_2381 = arith.constant 16383 : i32
      %and3A_2382 = vector.broadcast %and3A_2381 : i32 to vector<16xi32>
      %and3A_2383 = arith.andi %get3A_2377, %and3A_2382 : vector<16xi32>
      %shift_left3A_2384 = arith.constant 2 : i32
      %shift_left3A_2385 = vector.broadcast %shift_left3A_2384 : i32 to vector<16xi32>
      %shift_left3A_2386 = arith.shli %and3A_2383, %shift_left3A_2385 : vector<16xi32>
      %add3A_2387 = arith.addi %and3A_2380, %shift_left3A_2386 : vector<16xi32>
      %and3A_2388 = arith.constant 65535 : i32
      %and3A_2389 = vector.broadcast %and3A_2388 : i32 to vector<16xi32>
      %and3A_2390 = arith.andi %get3A_2377, %and3A_2389 : vector<16xi32>
      %shift_right_arithmetic3A_2391 = arith.constant 14 : i32
      %shift_right_arithmetic3A_2392 = vector.broadcast %shift_right_arithmetic3A_2391 : i32 to vector<16xi32>
      %shift_right_arithmetic3A_2393 = arith.shrsi %and3A_2390, %shift_right_arithmetic3A_2392 : vector<16xi32>
      %add3A_2394 = arith.addi %add3A_2387, %shift_right_arithmetic3A_2393 : vector<16xi32>
      %swap3A_2395 = arith.constant 1440 : index
      %swap3A_2396 = tpu.vector_load %arg6[%swap3A_2395] {strides = array<i32>} : memref<1600xi32, #tpu.memory_space<vmem>>, vector<16xi32>,
      %swap3A_2397 = vector.shape_cast %swap3A_2396 : vector<16xi32> to vector<16xi32>
      %swap3A_2398 = vector.shape_cast %add3A_2394 : vector<16xi32> to vector<16xi32>
      tpu.vector_store %arg6[%swap3A_2395], %swap3A_2398 {strides = array<i32>} : memref<1600xi32, #tpu.memory_space<vmem>>, vector<16xi32>,
      %get3A_2399 = arith.constant 45 : i32
      %get3A_2400 = arith.index_cast %get3A_2399 : i32 to index
      %get3A_2401 = arith.constant 16 : index
      %get3A_2402 = tpu.vector_load %arg4[%get3A_2400, %get3A_2401] {strides = array<i32>} : memref<50x32xi32, #tpu.memory_space<vmem>>, vector<1x16xi32>,
      %get3A_2403 = vector.shape_cast %get3A_2402 : vector<1x16xi32> to vector<16xi32>
      %and3A_2404 = arith.constant -65536 : i32
      %and3A_2405 = vector.broadcast %and3A_2404 : i32 to vector<16xi32>
      %and3A_2406 = arith.andi %get3A_2403, %and3A_2405 : vector<16xi32>
      %and3A_2407 = arith.constant 16383 : i32
      %and3A_2408 = vector.broadcast %and3A_2407 : i32 to vector<16xi32>
      %and3A_2409 = arith.andi %get3A_2403, %and3A_2408 : vector<16xi32>
      %shift_left3A_2410 = arith.constant 2 : i32
      %shift_left3A_2411 = vector.broadcast %shift_left3A_2410 : i32 to vector<16xi32>
      %shift_left3A_2412 = arith.shli %and3A_2409, %shift_left3A_2411 : vector<16xi32>
      %add3A_2413 = arith.addi %and3A_2406, %shift_left3A_2412 : vector<16xi32>
      %and3A_2414 = arith.constant 65535 : i32
      %and3A_2415 = vector.broadcast %and3A_2414 : i32 to vector<16xi32>
      %and3A_2416 = arith.andi %get3A_2403, %and3A_2415 : vector<16xi32>
      %shift_right_arithmetic3A_2417 = arith.constant 14 : i32
      %shift_right_arithmetic3A_2418 = vector.broadcast %shift_right_arithmetic3A_2417 : i32 to vector<16xi32>
      %shift_right_arithmetic3A_2419 = arith.shrsi %and3A_2416, %shift_right_arithmetic3A_2418 : vector<16xi32>
      %add3A_2420 = arith.addi %add3A_2413, %shift_right_arithmetic3A_2419 : vector<16xi32>
      %swap3A_2421 = arith.constant 1456 : index
      %swap3A_2422 = tpu.vector_load %arg6[%swap3A_2421] {strides = array<i32>} : memref<1600xi32, #tpu.memory_space<vmem>>, vector<16xi32>,
      %swap3A_2423 = vector.shape_cast %swap3A_2422 : vector<16xi32> to vector<16xi32>
      %swap3A_2424 = vector.shape_cast %add3A_2420 : vector<16xi32> to vector<16xi32>
      tpu.vector_store %arg6[%swap3A_2421], %swap3A_2424 {strides = array<i32>} : memref<1600xi32, #tpu.memory_space<vmem>>, vector<16xi32>,
      %get3A_2425 = arith.constant 46 : i32
      %get3A_2426 = arith.index_cast %get3A_2425 : i32 to index
      %get3A_2427 = arith.constant 0 : index
      %get3A_2428 = tpu.vector_load %arg4[%get3A_2426, %get3A_2427] {strides = array<i32>} : memref<50x32xi32, #tpu.memory_space<vmem>>, vector<1x16xi32>,
      %get3A_2429 = vector.shape_cast %get3A_2428 : vector<1x16xi32> to vector<16xi32>
      %and3A_2430 = arith.constant -65536 : i32
      %and3A_2431 = vector.broadcast %and3A_2430 : i32 to vector<16xi32>
      %and3A_2432 = arith.andi %get3A_2429, %and3A_2431 : vector<16xi32>
      %and3A_2433 = arith.constant 16383 : i32
      %and3A_2434 = vector.broadcast %and3A_2433 : i32 to vector<16xi32>
      %and3A_2435 = arith.andi %get3A_2429, %and3A_2434 : vector<16xi32>
      %shift_left3A_2436 = arith.constant 2 : i32
      %shift_left3A_2437 = vector.broadcast %shift_left3A_2436 : i32 to vector<16xi32>
      %shift_left3A_2438 = arith.shli %and3A_2435, %shift_left3A_2437 : vector<16xi32>
      %add3A_2439 = arith.addi %and3A_2432, %shift_left3A_2438 : vector<16xi32>
      %and3A_2440 = arith.constant 65535 : i32
      %and3A_2441 = vector.broadcast %and3A_2440 : i32 to vector<16xi32>
      %and3A_2442 = arith.andi %get3A_2429, %and3A_2441 : vector<16xi32>
      %shift_right_arithmetic3A_2443 = arith.constant 14 : i32
      %shift_right_arithmetic3A_2444 = vector.broadcast %shift_right_arithmetic3A_2443 : i32 to vector<16xi32>
      %shift_right_arithmetic3A_2445 = arith.shrsi %and3A_2442, %shift_right_arithmetic3A_2444 : vector<16xi32>
      %add3A_2446 = arith.addi %add3A_2439, %shift_right_arithmetic3A_2445 : vector<16xi32>
      %swap3A_2447 = arith.constant 1472 : index
      %swap3A_2448 = tpu.vector_load %arg6[%swap3A_2447] {strides = array<i32>} : memref<1600xi32, #tpu.memory_space<vmem>>, vector<16xi32>,
      %swap3A_2449 = vector.shape_cast %swap3A_2448 : vector<16xi32> to vector<16xi32>
      %swap3A_2450 = vector.shape_cast %add3A_2446 : vector<16xi32> to vector<16xi32>
      tpu.vector_store %arg6[%swap3A_2447], %swap3A_2450 {strides = array<i32>} : memref<1600xi32, #tpu.memory_space<vmem>>, vector<16xi32>,
      %get3A_2451 = arith.constant 46 : i32
      %get3A_2452 = arith.index_cast %get3A_2451 : i32 to index
      %get3A_2453 = arith.constant 16 : index
      %get3A_2454 = tpu.vector_load %arg4[%get3A_2452, %get3A_2453] {strides = array<i32>} : memref<50x32xi32, #tpu.memory_space<vmem>>, vector<1x16xi32>,
      %get3A_2455 = vector.shape_cast %get3A_2454 : vector<1x16xi32> to vector<16xi32>
      %and3A_2456 = arith.constant -65536 : i32
      %and3A_2457 = vector.broadcast %and3A_2456 : i32 to vector<16xi32>
      %and3A_2458 = arith.andi %get3A_2455, %and3A_2457 : vector<16xi32>
      %and3A_2459 = arith.constant 16383 : i32
      %and3A_2460 = vector.broadcast %and3A_2459 : i32 to vector<16xi32>
      %and3A_2461 = arith.andi %get3A_2455, %and3A_2460 : vector<16xi32>
      %shift_left3A_2462 = arith.constant 2 : i32
      %shift_left3A_2463 = vector.broadcast %shift_left3A_2462 : i32 to vector<16xi32>
      %shift_left3A_2464 = arith.shli %and3A_2461, %shift_left3A_2463 : vector<16xi32>
      %add3A_2465 = arith.addi %and3A_2458, %shift_left3A_2464 : vector<16xi32>
      %and3A_2466 = arith.constant 65535 : i32
      %and3A_2467 = vector.broadcast %and3A_2466 : i32 to vector<16xi32>
      %and3A_2468 = arith.andi %get3A_2455, %and3A_2467 : vector<16xi32>
      %shift_right_arithmetic3A_2469 = arith.constant 14 : i32
      %shift_right_arithmetic3A_2470 = vector.broadcast %shift_right_arithmetic3A_2469 : i32 to vector<16xi32>
      %shift_right_arithmetic3A_2471 = arith.shrsi %and3A_2468, %shift_right_arithmetic3A_2470 : vector<16xi32>
      %add3A_2472 = arith.addi %add3A_2465, %shift_right_arithmetic3A_2471 : vector<16xi32>
      %swap3A_2473 = arith.constant 1488 : index
      %swap3A_2474 = tpu.vector_load %arg6[%swap3A_2473] {strides = array<i32>} : memref<1600xi32, #tpu.memory_space<vmem>>, vector<16xi32>,
      %swap3A_2475 = vector.shape_cast %swap3A_2474 : vector<16xi32> to vector<16xi32>
      %swap3A_2476 = vector.shape_cast %add3A_2472 : vector<16xi32> to vector<16xi32>
      tpu.vector_store %arg6[%swap3A_2473], %swap3A_2476 {strides = array<i32>} : memref<1600xi32, #tpu.memory_space<vmem>>, vector<16xi32>,
      %get3A_2477 = arith.constant 47 : i32
      %get3A_2478 = arith.index_cast %get3A_2477 : i32 to index
      %get3A_2479 = arith.constant 0 : index
      %get3A_2480 = tpu.vector_load %arg4[%get3A_2478, %get3A_2479] {strides = array<i32>} : memref<50x32xi32, #tpu.memory_space<vmem>>, vector<1x16xi32>,
      %get3A_2481 = vector.shape_cast %get3A_2480 : vector<1x16xi32> to vector<16xi32>
      %and3A_2482 = arith.constant -65536 : i32
      %and3A_2483 = vector.broadcast %and3A_2482 : i32 to vector<16xi32>
      %and3A_2484 = arith.andi %get3A_2481, %and3A_2483 : vector<16xi32>
      %and3A_2485 = arith.constant 16383 : i32
      %and3A_2486 = vector.broadcast %and3A_2485 : i32 to vector<16xi32>
      %and3A_2487 = arith.andi %get3A_2481, %and3A_2486 : vector<16xi32>
      %shift_left3A_2488 = arith.constant 2 : i32
      %shift_left3A_2489 = vector.broadcast %shift_left3A_2488 : i32 to vector<16xi32>
      %shift_left3A_2490 = arith.shli %and3A_2487, %shift_left3A_2489 : vector<16xi32>
      %add3A_2491 = arith.addi %and3A_2484, %shift_left3A_2490 : vector<16xi32>
      %and3A_2492 = arith.constant 65535 : i32
      %and3A_2493 = vector.broadcast %and3A_2492 : i32 to vector<16xi32>
      %and3A_2494 = arith.andi %get3A_2481, %and3A_2493 : vector<16xi32>
      %shift_right_arithmetic3A_2495 = arith.constant 14 : i32
      %shift_right_arithmetic3A_2496 = vector.broadcast %shift_right_arithmetic3A_2495 : i32 to vector<16xi32>
      %shift_right_arithmetic3A_2497 = arith.shrsi %and3A_2494, %shift_right_arithmetic3A_2496 : vector<16xi32>
      %add3A_2498 = arith.addi %add3A_2491, %shift_right_arithmetic3A_2497 : vector<16xi32>
      %swap3A_2499 = arith.constant 1504 : index
      %swap3A_2500 = tpu.vector_load %arg6[%swap3A_2499] {strides = array<i32>} : memref<1600xi32, #tpu.memory_space<vmem>>, vector<16xi32>,
      %swap3A_2501 = vector.shape_cast %swap3A_2500 : vector<16xi32> to vector<16xi32>
      %swap3A_2502 = vector.shape_cast %add3A_2498 : vector<16xi32> to vector<16xi32>
      tpu.vector_store %arg6[%swap3A_2499], %swap3A_2502 {strides = array<i32>} : memref<1600xi32, #tpu.memory_space<vmem>>, vector<16xi32>,
      %get3A_2503 = arith.constant 47 : i32
      %get3A_2504 = arith.index_cast %get3A_2503 : i32 to index
      %get3A_2505 = arith.constant 16 : index
      %get3A_2506 = tpu.vector_load %arg4[%get3A_2504, %get3A_2505] {strides = array<i32>} : memref<50x32xi32, #tpu.memory_space<vmem>>, vector<1x16xi32>,
      %get3A_2507 = vector.shape_cast %get3A_2506 : vector<1x16xi32> to vector<16xi32>
      %and3A_2508 = arith.constant -65536 : i32
      %and3A_2509 = vector.broadcast %and3A_2508 : i32 to vector<16xi32>
      %and3A_2510 = arith.andi %get3A_2507, %and3A_2509 : vector<16xi32>
      %and3A_2511 = arith.constant 16383 : i32
      %and3A_2512 = vector.broadcast %and3A_2511 : i32 to vector<16xi32>
      %and3A_2513 = arith.andi %get3A_2507, %and3A_2512 : vector<16xi32>
      %shift_left3A_2514 = arith.constant 2 : i32
      %shift_left3A_2515 = vector.broadcast %shift_left3A_2514 : i32 to vector<16xi32>
      %shift_left3A_2516 = arith.shli %and3A_2513, %shift_left3A_2515 : vector<16xi32>
      %add3A_2517 = arith.addi %and3A_2510, %shift_left3A_2516 : vector<16xi32>
      %and3A_2518 = arith.constant 65535 : i32
      %and3A_2519 = vector.broadcast %and3A_2518 : i32 to vector<16xi32>
      %and3A_2520 = arith.andi %get3A_2507, %and3A_2519 : vector<16xi32>
      %shift_right_arithmetic3A_2521 = arith.constant 14 : i32
      %shift_right_arithmetic3A_2522 = vector.broadcast %shift_right_arithmetic3A_2521 : i32 to vector<16xi32>
      %shift_right_arithmetic3A_2523 = arith.shrsi %and3A_2520, %shift_right_arithmetic3A_2522 : vector<16xi32>
      %add3A_2524 = arith.addi %add3A_2517, %shift_right_arithmetic3A_2523 : vector<16xi32>
      %swap3A_2525 = arith.constant 1520 : index
      %swap3A_2526 = tpu.vector_load %arg6[%swap3A_2525] {strides = array<i32>} : memref<1600xi32, #tpu.memory_space<vmem>>, vector<16xi32>,
      %swap3A_2527 = vector.shape_cast %swap3A_2526 : vector<16xi32> to vector<16xi32>
      %swap3A_2528 = vector.shape_cast %add3A_2524 : vector<16xi32> to vector<16xi32>
      tpu.vector_store %arg6[%swap3A_2525], %swap3A_2528 {strides = array<i32>} : memref<1600xi32, #tpu.memory_space<vmem>>, vector<16xi32>,
      %get3A_2529 = arith.constant 48 : i32
      %get3A_2530 = arith.index_cast %get3A_2529 : i32 to index
      %get3A_2531 = arith.constant 0 : index
      %get3A_2532 = tpu.vector_load %arg4[%get3A_2530, %get3A_2531] {strides = array<i32>} : memref<50x32xi32, #tpu.memory_space<vmem>>, vector<1x16xi32>,
      %get3A_2533 = vector.shape_cast %get3A_2532 : vector<1x16xi32> to vector<16xi32>
      %and3A_2534 = arith.constant -65536 : i32
      %and3A_2535 = vector.broadcast %and3A_2534 : i32 to vector<16xi32>
      %and3A_2536 = arith.andi %get3A_2533, %and3A_2535 : vector<16xi32>
      %and3A_2537 = arith.constant 16383 : i32
      %and3A_2538 = vector.broadcast %and3A_2537 : i32 to vector<16xi32>
      %and3A_2539 = arith.andi %get3A_2533, %and3A_2538 : vector<16xi32>
      %shift_left3A_2540 = arith.constant 2 : i32
      %shift_left3A_2541 = vector.broadcast %shift_left3A_2540 : i32 to vector<16xi32>
      %shift_left3A_2542 = arith.shli %and3A_2539, %shift_left3A_2541 : vector<16xi32>
      %add3A_2543 = arith.addi %and3A_2536, %shift_left3A_2542 : vector<16xi32>
      %and3A_2544 = arith.constant 65535 : i32
      %and3A_2545 = vector.broadcast %and3A_2544 : i32 to vector<16xi32>
      %and3A_2546 = arith.andi %get3A_2533, %and3A_2545 : vector<16xi32>
      %shift_right_arithmetic3A_2547 = arith.constant 14 : i32
      %shift_right_arithmetic3A_2548 = vector.broadcast %shift_right_arithmetic3A_2547 : i32 to vector<16xi32>
      %shift_right_arithmetic3A_2549 = arith.shrsi %and3A_2546, %shift_right_arithmetic3A_2548 : vector<16xi32>
      %add3A_2550 = arith.addi %add3A_2543, %shift_right_arithmetic3A_2549 : vector<16xi32>
      %swap3A_2551 = arith.constant 1536 : index
      %swap3A_2552 = tpu.vector_load %arg6[%swap3A_2551] {strides = array<i32>} : memref<1600xi32, #tpu.memory_space<vmem>>, vector<16xi32>,
      %swap3A_2553 = vector.shape_cast %swap3A_2552 : vector<16xi32> to vector<16xi32>
      %swap3A_2554 = vector.shape_cast %add3A_2550 : vector<16xi32> to vector<16xi32>
      tpu.vector_store %arg6[%swap3A_2551], %swap3A_2554 {strides = array<i32>} : memref<1600xi32, #tpu.memory_space<vmem>>, vector<16xi32>,
      %get3A_2555 = arith.constant 48 : i32
      %get3A_2556 = arith.index_cast %get3A_2555 : i32 to index
      %get3A_2557 = arith.constant 16 : index
      %get3A_2558 = tpu.vector_load %arg4[%get3A_2556, %get3A_2557] {strides = array<i32>} : memref<50x32xi32, #tpu.memory_space<vmem>>, vector<1x16xi32>,
      %get3A_2559 = vector.shape_cast %get3A_2558 : vector<1x16xi32> to vector<16xi32>
      %and3A_2560 = arith.constant -65536 : i32
      %and3A_2561 = vector.broadcast %and3A_2560 : i32 to vector<16xi32>
      %and3A_2562 = arith.andi %get3A_2559, %and3A_2561 : vector<16xi32>
      %and3A_2563 = arith.constant 16383 : i32
      %and3A_2564 = vector.broadcast %and3A_2563 : i32 to vector<16xi32>
      %and3A_2565 = arith.andi %get3A_2559, %and3A_2564 : vector<16xi32>
      %shift_left3A_2566 = arith.constant 2 : i32
      %shift_left3A_2567 = vector.broadcast %shift_left3A_2566 : i32 to vector<16xi32>
      %shift_left3A_2568 = arith.shli %and3A_2565, %shift_left3A_2567 : vector<16xi32>
      %add3A_2569 = arith.addi %and3A_2562, %shift_left3A_2568 : vector<16xi32>
      %and3A_2570 = arith.constant 65535 : i32
      %and3A_2571 = vector.broadcast %and3A_2570 : i32 to vector<16xi32>
      %and3A_2572 = arith.andi %get3A_2559, %and3A_2571 : vector<16xi32>
      %shift_right_arithmetic3A_2573 = arith.constant 14 : i32
      %shift_right_arithmetic3A_2574 = vector.broadcast %shift_right_arithmetic3A_2573 : i32 to vector<16xi32>
      %shift_right_arithmetic3A_2575 = arith.shrsi %and3A_2572, %shift_right_arithmetic3A_2574 : vector<16xi32>
      %add3A_2576 = arith.addi %add3A_2569, %shift_right_arithmetic3A_2575 : vector<16xi32>
      %swap3A_2577 = arith.constant 1552 : index
      %swap3A_2578 = tpu.vector_load %arg6[%swap3A_2577] {strides = array<i32>} : memref<1600xi32, #tpu.memory_space<vmem>>, vector<16xi32>,
      %swap3A_2579 = vector.shape_cast %swap3A_2578 : vector<16xi32> to vector<16xi32>
      %swap3A_2580 = vector.shape_cast %add3A_2576 : vector<16xi32> to vector<16xi32>
      tpu.vector_store %arg6[%swap3A_2577], %swap3A_2580 {strides = array<i32>} : memref<1600xi32, #tpu.memory_space<vmem>>, vector<16xi32>,
      %get3A_2581 = arith.constant 49 : i32
      %get3A_2582 = arith.index_cast %get3A_2581 : i32 to index
      %get3A_2583 = arith.constant 0 : index
      %get3A_2584 = tpu.vector_load %arg4[%get3A_2582, %get3A_2583] {strides = array<i32>} : memref<50x32xi32, #tpu.memory_space<vmem>>, vector<1x16xi32>,
      %get3A_2585 = vector.shape_cast %get3A_2584 : vector<1x16xi32> to vector<16xi32>
      %and3A_2586 = arith.constant -65536 : i32
      %and3A_2587 = vector.broadcast %and3A_2586 : i32 to vector<16xi32>
      %and3A_2588 = arith.andi %get3A_2585, %and3A_2587 : vector<16xi32>
      %and3A_2589 = arith.constant 16383 : i32
      %and3A_2590 = vector.broadcast %and3A_2589 : i32 to vector<16xi32>
      %and3A_2591 = arith.andi %get3A_2585, %and3A_2590 : vector<16xi32>
      %shift_left3A_2592 = arith.constant 2 : i32
      %shift_left3A_2593 = vector.broadcast %shift_left3A_2592 : i32 to vector<16xi32>
      %shift_left3A_2594 = arith.shli %and3A_2591, %shift_left3A_2593 : vector<16xi32>
      %add3A_2595 = arith.addi %and3A_2588, %shift_left3A_2594 : vector<16xi32>
      %and3A_2596 = arith.constant 65535 : i32
      %and3A_2597 = vector.broadcast %and3A_2596 : i32 to vector<16xi32>
      %and3A_2598 = arith.andi %get3A_2585, %and3A_2597 : vector<16xi32>
      %shift_right_arithmetic3A_2599 = arith.constant 14 : i32
      %shift_right_arithmetic3A_2600 = vector.broadcast %shift_right_arithmetic3A_2599 : i32 to vector<16xi32>
      %shift_right_arithmetic3A_2601 = arith.shrsi %and3A_2598, %shift_right_arithmetic3A_2600 : vector<16xi32>
      %add3A_2602 = arith.addi %add3A_2595, %shift_right_arithmetic3A_2601 : vector<16xi32>
      %swap3A_2603 = arith.constant 1568 : index
      %swap3A_2604 = tpu.vector_load %arg6[%swap3A_2603] {strides = array<i32>} : memref<1600xi32, #tpu.memory_space<vmem>>, vector<16xi32>,
      %swap3A_2605 = vector.shape_cast %swap3A_2604 : vector<16xi32> to vector<16xi32>
      %swap3A_2606 = vector.shape_cast %add3A_2602 : vector<16xi32> to vector<16xi32>
      tpu.vector_store %arg6[%swap3A_2603], %swap3A_2606 {strides = array<i32>} : memref<1600xi32, #tpu.memory_space<vmem>>, vector<16xi32>,
      %get3A_2607 = arith.constant 49 : i32
      %get3A_2608 = arith.index_cast %get3A_2607 : i32 to index
      %get3A_2609 = arith.constant 16 : index
      %get3A_2610 = tpu.vector_load %arg4[%get3A_2608, %get3A_2609] {strides = array<i32>} : memref<50x32xi32, #tpu.memory_space<vmem>>, vector<1x16xi32>,
      %get3A_2611 = vector.shape_cast %get3A_2610 : vector<1x16xi32> to vector<16xi32>
      %and3A_2612 = arith.constant -65536 : i32
      %and3A_2613 = vector.broadcast %and3A_2612 : i32 to vector<16xi32>
      %and3A_2614 = arith.andi %get3A_2611, %and3A_2613 : vector<16xi32>
      %and3A_2615 = arith.constant 16383 : i32
      %and3A_2616 = vector.broadcast %and3A_2615 : i32 to vector<16xi32>
      %and3A_2617 = arith.andi %get3A_2611, %and3A_2616 : vector<16xi32>
      %shift_left3A_2618 = arith.constant 2 : i32
      %shift_left3A_2619 = vector.broadcast %shift_left3A_2618 : i32 to vector<16xi32>
      %shift_left3A_2620 = arith.shli %and3A_2617, %shift_left3A_2619 : vector<16xi32>
      %add3A_2621 = arith.addi %and3A_2614, %shift_left3A_2620 : vector<16xi32>
      %and3A_2622 = arith.constant 65535 : i32
      %and3A_2623 = vector.broadcast %and3A_2622 : i32 to vector<16xi32>
      %and3A_2624 = arith.andi %get3A_2611, %and3A_2623 : vector<16xi32>
      %shift_right_arithmetic3A_2625 = arith.constant 14 : i32
      %shift_right_arithmetic3A_2626 = vector.broadcast %shift_right_arithmetic3A_2625 : i32 to vector<16xi32>
      %shift_right_arithmetic3A_2627 = arith.shrsi %and3A_2624, %shift_right_arithmetic3A_2626 : vector<16xi32>
      %add3A_2628 = arith.addi %add3A_2621, %shift_right_arithmetic3A_2627 : vector<16xi32>
      %swap3A_2629 = arith.constant 1584 : index
      %swap3A_2630 = tpu.vector_load %arg6[%swap3A_2629] {strides = array<i32>} : memref<1600xi32, #tpu.memory_space<vmem>>, vector<16xi32>,
      %swap3A_2631 = vector.shape_cast %swap3A_2630 : vector<16xi32> to vector<16xi32>
      %swap3A_2632 = vector.shape_cast %add3A_2628 : vector<16xi32> to vector<16xi32>
      tpu.vector_store %arg6[%swap3A_2629], %swap3A_2632 {strides = array<i32>} : memref<1600xi32, #tpu.memory_space<vmem>>, vector<16xi32>,
      %mul3A_2633 = arith.constant 1600 : i32
      %mul3A_2634 = arith.muli %mul3A_20, %mul3A_2633 : i32
      "tpu.region"() ({
        %run_scoped3A = tpu.sem_alloc : memref<!tpu.dma_semaphore, #tpu.memory_space<semaphore_mem>>
        %dma_start3A_5257 = tpu.memref_slice %arg3[%add3A, %mul3A_2634] : memref<32x25600xi32, #tpu.memory_space<hbm>> -> memref<1x1600xi32, #tpu.memory_space<hbm>>
        %dma_start3A_5258 = tpu.memref_squeeze %dma_start3A_5257 : memref<1x1600xi32, #tpu.memory_space<hbm>> -> memref<1600xi32, #tpu.memory_space<hbm>>
        %dma_start3A_5259 = tpu.memref_slice %arg3[%add3A, %mul3A_2634] : memref<32x25600xi32, #tpu.memory_space<hbm>> -> memref<1x1600xi32, #tpu.memory_space<hbm>>
        %dma_start3A_5260 = tpu.memref_squeeze %dma_start3A_5259 : memref<1x1600xi32, #tpu.memory_space<hbm>> -> memref<1600xi32, #tpu.memory_space<hbm>>
        tpu.enqueue_dma source(%arg6 : memref<1600xi32, #tpu.memory_space<vmem>>) target(%dma_start3A_5260 : memref<1600xi32, #tpu.memory_space<hbm>>) target_semaphore(%run_scoped3A : memref<!tpu.dma_semaphore, #tpu.memory_space<semaphore_mem>>)
        %dma_wait3A_5261 = tpu.memref_slice %arg3[%add3A, %mul3A_2634] : memref<32x25600xi32, #tpu.memory_space<hbm>> -> memref<1x1600xi32, #tpu.memory_space<hbm>>
        %dma_wait3A_5262 = tpu.memref_squeeze %dma_wait3A_5261 : memref<1x1600xi32, #tpu.memory_space<hbm>> -> memref<1600xi32, #tpu.memory_space<hbm>>
        %dma_wait3A_5263 = tpu.memref_slice %arg3[%add3A, %mul3A_2634] : memref<32x25600xi32, #tpu.memory_space<hbm>> -> memref<1x1600xi32, #tpu.memory_space<hbm>>
        %dma_wait3A_5264 = tpu.memref_squeeze %dma_wait3A_5263 : memref<1x1600xi32, #tpu.memory_space<hbm>> -> memref<1600xi32, #tpu.memory_space<hbm>>
        tpu.wait_dma2 semaphore(%run_scoped3A : memref<!tpu.dma_semaphore, #tpu.memory_space<semaphore_mem>>) src(%arg6 : memref<1600xi32, #tpu.memory_space<vmem>>) dst(%dma_wait3A_5264 : memref<1600xi32, #tpu.memory_space<hbm>>)
        tpu.yield
      }) : () -> ()
      %add3A_2635 = arith.constant 2 : i32
      %add3A_2636 = arith.addi %mul3A_20, %add3A_2635 : i32
      %min3A = arith.constant 15 : i32
      %min3A_2637 = arith.minsi %add3A_2636, %min3A : i32
      %mul3A_2638 = arith.constant 512 : i32
      %mul3A_2639 = arith.muli %add3A, %mul3A_2638 : i32
      %mul3A_2640 = arith.constant 32 : i32
      %mul3A_2641 = arith.muli %min3A_2637, %mul3A_2640 : i32
      %add3A_2642 = arith.addi %mul3A_2639, %mul3A_2641 : i32
      %dma_start3A_2643 = arith.constant 0 : i32
      %dma_start3A_2644 = tpu.memref_slice %arg2[%dma_start3A_2643, %add3A_2642] : memref<50x16384xi32, #tpu.memory_space<hbm>> -> memref<50x32xi32, #tpu.memory_space<hbm>>
      %dma_start3A_2645 = arith.constant 0 : i32
      %dma_start3A_2646 = tpu.memref_slice %arg2[%dma_start3A_2645, %add3A_2642] : memref<50x16384xi32, #tpu.memory_space<hbm>> -> memref<50x32xi32, #tpu.memory_space<hbm>>
      tpu.enqueue_dma source(%dma_start3A_2646 : memref<50x32xi32, #tpu.memory_space<hbm>>) target(%arg4 : memref<50x32xi32, #tpu.memory_space<vmem>>) target_semaphore(%arg7 : memref<!tpu.dma_semaphore, #tpu.memory_space<semaphore_mem>>)
      %dma_wait3A_2647 = arith.constant 0 : i32
      %dma_wait3A_2648 = arith.constant 0 : i32
      %dma_wait3A_2649 = tpu.memref_slice %arg2[%dma_wait3A_2647, %dma_wait3A_2648] : memref<50x16384xi32, #tpu.memory_space<hbm>> -> memref<50x32xi32, #tpu.memory_space<hbm>>
      %dma_wait3A_2650 = arith.constant 0 : i32
      %dma_wait3A_2651 = arith.constant 0 : i32
      %dma_wait3A_2652 = tpu.memref_slice %arg2[%dma_wait3A_2650, %dma_wait3A_2651] : memref<50x16384xi32, #tpu.memory_space<hbm>> -> memref<50x32xi32, #tpu.memory_space<hbm>>
      tpu.wait_dma2 semaphore(%arg8 : memref<!tpu.dma_semaphore, #tpu.memory_space<semaphore_mem>>) src(%dma_wait3A_2652 : memref<50x32xi32, #tpu.memory_space<hbm>>) dst(%arg5 : memref<50x32xi32, #tpu.memory_space<vmem>>)
      %add3A_2653 = arith.constant 1 : i32
      %add3A_2654 = arith.addi %mul3A_20, %add3A_2653 : i32
      %get3A_2655 = arith.constant 0 : i32
      %get3A_2656 = arith.index_cast %get3A_2655 : i32 to index
      %get3A_2657 = arith.constant 0 : index
      %get3A_2658 = tpu.vector_load %arg5[%get3A_2656, %get3A_2657] {strides = array<i32>} : memref<50x32xi32, #tpu.memory_space<vmem>>, vector<1x16xi32>,
      %get3A_2659 = vector.shape_cast %get3A_2658 : vector<1x16xi32> to vector<16xi32>
      %and3A_2660 = arith.constant -65536 : i32
      %and3A_2661 = vector.broadcast %and3A_2660 : i32 to vector<16xi32>
      %and3A_2662 = arith.andi %get3A_2659, %and3A_2661 : vector<16xi32>
      %and3A_2663 = arith.constant 16383 : i32
      %and3A_2664 = vector.broadcast %and3A_2663 : i32 to vector<16xi32>
      %and3A_2665 = arith.andi %get3A_2659, %and3A_2664 : vector<16xi32>
      %shift_left3A_2666 = arith.constant 2 : i32
      %shift_left3A_2667 = vector.broadcast %shift_left3A_2666 : i32 to vector<16xi32>
      %shift_left3A_2668 = arith.shli %and3A_2665, %shift_left3A_2667 : vector<16xi32>
      %add3A_2669 = arith.addi %and3A_2662, %shift_left3A_2668 : vector<16xi32>
      %and3A_2670 = arith.constant 65535 : i32
      %and3A_2671 = vector.broadcast %and3A_2670 : i32 to vector<16xi32>
      %and3A_2672 = arith.andi %get3A_2659, %and3A_2671 : vector<16xi32>
      %shift_right_arithmetic3A_2673 = arith.constant 14 : i32
      %shift_right_arithmetic3A_2674 = vector.broadcast %shift_right_arithmetic3A_2673 : i32 to vector<16xi32>
      %shift_right_arithmetic3A_2675 = arith.shrsi %and3A_2672, %shift_right_arithmetic3A_2674 : vector<16xi32>
      %add3A_2676 = arith.addi %add3A_2669, %shift_right_arithmetic3A_2675 : vector<16xi32>
      %swap3A_2677 = arith.constant 0 : index
      %swap3A_2678 = tpu.vector_load %arg6[%swap3A_2677] {strides = array<i32>} : memref<1600xi32, #tpu.memory_space<vmem>>, vector<16xi32>,
      %swap3A_2679 = vector.shape_cast %swap3A_2678 : vector<16xi32> to vector<16xi32>
      %swap3A_2680 = vector.shape_cast %add3A_2676 : vector<16xi32> to vector<16xi32>
      tpu.vector_store %arg6[%swap3A_2677], %swap3A_2680 {strides = array<i32>} : memref<1600xi32, #tpu.memory_space<vmem>>, vector<16xi32>,
      %get3A_2681 = arith.constant 0 : i32
      %get3A_2682 = arith.index_cast %get3A_2681 : i32 to index
      %get3A_2683 = arith.constant 16 : index
      %get3A_2684 = tpu.vector_load %arg5[%get3A_2682, %get3A_2683] {strides = array<i32>} : memref<50x32xi32, #tpu.memory_space<vmem>>, vector<1x16xi32>,
      %get3A_2685 = vector.shape_cast %get3A_2684 : vector<1x16xi32> to vector<16xi32>
      %and3A_2686 = arith.constant -65536 : i32
      %and3A_2687 = vector.broadcast %and3A_2686 : i32 to vector<16xi32>
      %and3A_2688 = arith.andi %get3A_2685, %and3A_2687 : vector<16xi32>
      %and3A_2689 = arith.constant 16383 : i32
      %and3A_2690 = vector.broadcast %and3A_2689 : i32 to vector<16xi32>
      %and3A_2691 = arith.andi %get3A_2685, %and3A_2690 : vector<16xi32>
      %shift_left3A_2692 = arith.constant 2 : i32
      %shift_left3A_2693 = vector.broadcast %shift_left3A_2692 : i32 to vector<16xi32>
      %shift_left3A_2694 = arith.shli %and3A_2691, %shift_left3A_2693 : vector<16xi32>
      %add3A_2695 = arith.addi %and3A_2688, %shift_left3A_2694 : vector<16xi32>
      %and3A_2696 = arith.constant 65535 : i32
      %and3A_2697 = vector.broadcast %and3A_2696 : i32 to vector<16xi32>
      %and3A_2698 = arith.andi %get3A_2685, %and3A_2697 : vector<16xi32>
      %shift_right_arithmetic3A_2699 = arith.constant 14 : i32
      %shift_right_arithmetic3A_2700 = vector.broadcast %shift_right_arithmetic3A_2699 : i32 to vector<16xi32>
      %shift_right_arithmetic3A_2701 = arith.shrsi %and3A_2698, %shift_right_arithmetic3A_2700 : vector<16xi32>
      %add3A_2702 = arith.addi %add3A_2695, %shift_right_arithmetic3A_2701 : vector<16xi32>
      %swap3A_2703 = arith.constant 16 : index
      %swap3A_2704 = tpu.vector_load %arg6[%swap3A_2703] {strides = array<i32>} : memref<1600xi32, #tpu.memory_space<vmem>>, vector<16xi32>,
      %swap3A_2705 = vector.shape_cast %swap3A_2704 : vector<16xi32> to vector<16xi32>
      %swap3A_2706 = vector.shape_cast %add3A_2702 : vector<16xi32> to vector<16xi32>
      tpu.vector_store %arg6[%swap3A_2703], %swap3A_2706 {strides = array<i32>} : memref<1600xi32, #tpu.memory_space<vmem>>, vector<16xi32>,
      %get3A_2707 = arith.constant 1 : i32
      %get3A_2708 = arith.index_cast %get3A_2707 : i32 to index
      %get3A_2709 = arith.constant 0 : index
      %get3A_2710 = tpu.vector_load %arg5[%get3A_2708, %get3A_2709] {strides = array<i32>} : memref<50x32xi32, #tpu.memory_space<vmem>>, vector<1x16xi32>,
      %get3A_2711 = vector.shape_cast %get3A_2710 : vector<1x16xi32> to vector<16xi32>
      %and3A_2712 = arith.constant -65536 : i32
      %and3A_2713 = vector.broadcast %and3A_2712 : i32 to vector<16xi32>
      %and3A_2714 = arith.andi %get3A_2711, %and3A_2713 : vector<16xi32>
      %and3A_2715 = arith.constant 16383 : i32
      %and3A_2716 = vector.broadcast %and3A_2715 : i32 to vector<16xi32>
      %and3A_2717 = arith.andi %get3A_2711, %and3A_2716 : vector<16xi32>
      %shift_left3A_2718 = arith.constant 2 : i32
      %shift_left3A_2719 = vector.broadcast %shift_left3A_2718 : i32 to vector<16xi32>
      %shift_left3A_2720 = arith.shli %and3A_2717, %shift_left3A_2719 : vector<16xi32>
      %add3A_2721 = arith.addi %and3A_2714, %shift_left3A_2720 : vector<16xi32>
      %and3A_2722 = arith.constant 65535 : i32
      %and3A_2723 = vector.broadcast %and3A_2722 : i32 to vector<16xi32>
      %and3A_2724 = arith.andi %get3A_2711, %and3A_2723 : vector<16xi32>
      %shift_right_arithmetic3A_2725 = arith.constant 14 : i32
      %shift_right_arithmetic3A_2726 = vector.broadcast %shift_right_arithmetic3A_2725 : i32 to vector<16xi32>
      %shift_right_arithmetic3A_2727 = arith.shrsi %and3A_2724, %shift_right_arithmetic3A_2726 : vector<16xi32>
      %add3A_2728 = arith.addi %add3A_2721, %shift_right_arithmetic3A_2727 : vector<16xi32>
      %swap3A_2729 = arith.constant 32 : index
      %swap3A_2730 = tpu.vector_load %arg6[%swap3A_2729] {strides = array<i32>} : memref<1600xi32, #tpu.memory_space<vmem>>, vector<16xi32>,
      %swap3A_2731 = vector.shape_cast %swap3A_2730 : vector<16xi32> to vector<16xi32>
      %swap3A_2732 = vector.shape_cast %add3A_2728 : vector<16xi32> to vector<16xi32>
      tpu.vector_store %arg6[%swap3A_2729], %swap3A_2732 {strides = array<i32>} : memref<1600xi32, #tpu.memory_space<vmem>>, vector<16xi32>,
      %get3A_2733 = arith.constant 1 : i32
      %get3A_2734 = arith.index_cast %get3A_2733 : i32 to index
      %get3A_2735 = arith.constant 16 : index
      %get3A_2736 = tpu.vector_load %arg5[%get3A_2734, %get3A_2735] {strides = array<i32>} : memref<50x32xi32, #tpu.memory_space<vmem>>, vector<1x16xi32>,
      %get3A_2737 = vector.shape_cast %get3A_2736 : vector<1x16xi32> to vector<16xi32>
      %and3A_2738 = arith.constant -65536 : i32
      %and3A_2739 = vector.broadcast %and3A_2738 : i32 to vector<16xi32>
      %and3A_2740 = arith.andi %get3A_2737, %and3A_2739 : vector<16xi32>
      %and3A_2741 = arith.constant 16383 : i32
      %and3A_2742 = vector.broadcast %and3A_2741 : i32 to vector<16xi32>
      %and3A_2743 = arith.andi %get3A_2737, %and3A_2742 : vector<16xi32>
      %shift_left3A_2744 = arith.constant 2 : i32
      %shift_left3A_2745 = vector.broadcast %shift_left3A_2744 : i32 to vector<16xi32>
      %shift_left3A_2746 = arith.shli %and3A_2743, %shift_left3A_2745 : vector<16xi32>
      %add3A_2747 = arith.addi %and3A_2740, %shift_left3A_2746 : vector<16xi32>
      %and3A_2748 = arith.constant 65535 : i32
      %and3A_2749 = vector.broadcast %and3A_2748 : i32 to vector<16xi32>
      %and3A_2750 = arith.andi %get3A_2737, %and3A_2749 : vector<16xi32>
      %shift_right_arithmetic3A_2751 = arith.constant 14 : i32
      %shift_right_arithmetic3A_2752 = vector.broadcast %shift_right_arithmetic3A_2751 : i32 to vector<16xi32>
      %shift_right_arithmetic3A_2753 = arith.shrsi %and3A_2750, %shift_right_arithmetic3A_2752 : vector<16xi32>
      %add3A_2754 = arith.addi %add3A_2747, %shift_right_arithmetic3A_2753 : vector<16xi32>
      %swap3A_2755 = arith.constant 48 : index
      %swap3A_2756 = tpu.vector_load %arg6[%swap3A_2755] {strides = array<i32>} : memref<1600xi32, #tpu.memory_space<vmem>>, vector<16xi32>,
      %swap3A_2757 = vector.shape_cast %swap3A_2756 : vector<16xi32> to vector<16xi32>
      %swap3A_2758 = vector.shape_cast %add3A_2754 : vector<16xi32> to vector<16xi32>
      tpu.vector_store %arg6[%swap3A_2755], %swap3A_2758 {strides = array<i32>} : memref<1600xi32, #tpu.memory_space<vmem>>, vector<16xi32>,
      %get3A_2759 = arith.constant 2 : i32
      %get3A_2760 = arith.index_cast %get3A_2759 : i32 to index
      %get3A_2761 = arith.constant 0 : index
      %get3A_2762 = tpu.vector_load %arg5[%get3A_2760, %get3A_2761] {strides = array<i32>} : memref<50x32xi32, #tpu.memory_space<vmem>>, vector<1x16xi32>,
      %get3A_2763 = vector.shape_cast %get3A_2762 : vector<1x16xi32> to vector<16xi32>
      %and3A_2764 = arith.constant -65536 : i32
      %and3A_2765 = vector.broadcast %and3A_2764 : i32 to vector<16xi32>
      %and3A_2766 = arith.andi %get3A_2763, %and3A_2765 : vector<16xi32>
      %and3A_2767 = arith.constant 16383 : i32
      %and3A_2768 = vector.broadcast %and3A_2767 : i32 to vector<16xi32>
      %and3A_2769 = arith.andi %get3A_2763, %and3A_2768 : vector<16xi32>
      %shift_left3A_2770 = arith.constant 2 : i32
      %shift_left3A_2771 = vector.broadcast %shift_left3A_2770 : i32 to vector<16xi32>
      %shift_left3A_2772 = arith.shli %and3A_2769, %shift_left3A_2771 : vector<16xi32>
      %add3A_2773 = arith.addi %and3A_2766, %shift_left3A_2772 : vector<16xi32>
      %and3A_2774 = arith.constant 65535 : i32
      %and3A_2775 = vector.broadcast %and3A_2774 : i32 to vector<16xi32>
      %and3A_2776 = arith.andi %get3A_2763, %and3A_2775 : vector<16xi32>
      %shift_right_arithmetic3A_2777 = arith.constant 14 : i32
      %shift_right_arithmetic3A_2778 = vector.broadcast %shift_right_arithmetic3A_2777 : i32 to vector<16xi32>
      %shift_right_arithmetic3A_2779 = arith.shrsi %and3A_2776, %shift_right_arithmetic3A_2778 : vector<16xi32>
      %add3A_2780 = arith.addi %add3A_2773, %shift_right_arithmetic3A_2779 : vector<16xi32>
      %swap3A_2781 = arith.constant 64 : index
      %swap3A_2782 = tpu.vector_load %arg6[%swap3A_2781] {strides = array<i32>} : memref<1600xi32, #tpu.memory_space<vmem>>, vector<16xi32>,
      %swap3A_2783 = vector.shape_cast %swap3A_2782 : vector<16xi32> to vector<16xi32>
      %swap3A_2784 = vector.shape_cast %add3A_2780 : vector<16xi32> to vector<16xi32>
      tpu.vector_store %arg6[%swap3A_2781], %swap3A_2784 {strides = array<i32>} : memref<1600xi32, #tpu.memory_space<vmem>>, vector<16xi32>,
      %get3A_2785 = arith.constant 2 : i32
      %get3A_2786 = arith.index_cast %get3A_2785 : i32 to index
      %get3A_2787 = arith.constant 16 : index
      %get3A_2788 = tpu.vector_load %arg5[%get3A_2786, %get3A_2787] {strides = array<i32>} : memref<50x32xi32, #tpu.memory_space<vmem>>, vector<1x16xi32>,
      %get3A_2789 = vector.shape_cast %get3A_2788 : vector<1x16xi32> to vector<16xi32>
      %and3A_2790 = arith.constant -65536 : i32
      %and3A_2791 = vector.broadcast %and3A_2790 : i32 to vector<16xi32>
      %and3A_2792 = arith.andi %get3A_2789, %and3A_2791 : vector<16xi32>
      %and3A_2793 = arith.constant 16383 : i32
      %and3A_2794 = vector.broadcast %and3A_2793 : i32 to vector<16xi32>
      %and3A_2795 = arith.andi %get3A_2789, %and3A_2794 : vector<16xi32>
      %shift_left3A_2796 = arith.constant 2 : i32
      %shift_left3A_2797 = vector.broadcast %shift_left3A_2796 : i32 to vector<16xi32>
      %shift_left3A_2798 = arith.shli %and3A_2795, %shift_left3A_2797 : vector<16xi32>
      %add3A_2799 = arith.addi %and3A_2792, %shift_left3A_2798 : vector<16xi32>
      %and3A_2800 = arith.constant 65535 : i32
      %and3A_2801 = vector.broadcast %and3A_2800 : i32 to vector<16xi32>
      %and3A_2802 = arith.andi %get3A_2789, %and3A_2801 : vector<16xi32>
      %shift_right_arithmetic3A_2803 = arith.constant 14 : i32
      %shift_right_arithmetic3A_2804 = vector.broadcast %shift_right_arithmetic3A_2803 : i32 to vector<16xi32>
      %shift_right_arithmetic3A_2805 = arith.shrsi %and3A_2802, %shift_right_arithmetic3A_2804 : vector<16xi32>
      %add3A_2806 = arith.addi %add3A_2799, %shift_right_arithmetic3A_2805 : vector<16xi32>
      %swap3A_2807 = arith.constant 80 : index
      %swap3A_2808 = tpu.vector_load %arg6[%swap3A_2807] {strides = array<i32>} : memref<1600xi32, #tpu.memory_space<vmem>>, vector<16xi32>,
      %swap3A_2809 = vector.shape_cast %swap3A_2808 : vector<16xi32> to vector<16xi32>
      %swap3A_2810 = vector.shape_cast %add3A_2806 : vector<16xi32> to vector<16xi32>
      tpu.vector_store %arg6[%swap3A_2807], %swap3A_2810 {strides = array<i32>} : memref<1600xi32, #tpu.memory_space<vmem>>, vector<16xi32>,
      %get3A_2811 = arith.constant 3 : i32
      %get3A_2812 = arith.index_cast %get3A_2811 : i32 to index
      %get3A_2813 = arith.constant 0 : index
      %get3A_2814 = tpu.vector_load %arg5[%get3A_2812, %get3A_2813] {strides = array<i32>} : memref<50x32xi32, #tpu.memory_space<vmem>>, vector<1x16xi32>,
      %get3A_2815 = vector.shape_cast %get3A_2814 : vector<1x16xi32> to vector<16xi32>
      %and3A_2816 = arith.constant -65536 : i32
      %and3A_2817 = vector.broadcast %and3A_2816 : i32 to vector<16xi32>
      %and3A_2818 = arith.andi %get3A_2815, %and3A_2817 : vector<16xi32>
      %and3A_2819 = arith.constant 16383 : i32
      %and3A_2820 = vector.broadcast %and3A_2819 : i32 to vector<16xi32>
      %and3A_2821 = arith.andi %get3A_2815, %and3A_2820 : vector<16xi32>
      %shift_left3A_2822 = arith.constant 2 : i32
      %shift_left3A_2823 = vector.broadcast %shift_left3A_2822 : i32 to vector<16xi32>
      %shift_left3A_2824 = arith.shli %and3A_2821, %shift_left3A_2823 : vector<16xi32>
      %add3A_2825 = arith.addi %and3A_2818, %shift_left3A_2824 : vector<16xi32>
      %and3A_2826 = arith.constant 65535 : i32
      %and3A_2827 = vector.broadcast %and3A_2826 : i32 to vector<16xi32>
      %and3A_2828 = arith.andi %get3A_2815, %and3A_2827 : vector<16xi32>
      %shift_right_arithmetic3A_2829 = arith.constant 14 : i32
      %shift_right_arithmetic3A_2830 = vector.broadcast %shift_right_arithmetic3A_2829 : i32 to vector<16xi32>
      %shift_right_arithmetic3A_2831 = arith.shrsi %and3A_2828, %shift_right_arithmetic3A_2830 : vector<16xi32>
      %add3A_2832 = arith.addi %add3A_2825, %shift_right_arithmetic3A_2831 : vector<16xi32>
      %swap3A_2833 = arith.constant 96 : index
      %swap3A_2834 = tpu.vector_load %arg6[%swap3A_2833] {strides = array<i32>} : memref<1600xi32, #tpu.memory_space<vmem>>, vector<16xi32>,
      %swap3A_2835 = vector.shape_cast %swap3A_2834 : vector<16xi32> to vector<16xi32>
      %swap3A_2836 = vector.shape_cast %add3A_2832 : vector<16xi32> to vector<16xi32>
      tpu.vector_store %arg6[%swap3A_2833], %swap3A_2836 {strides = array<i32>} : memref<1600xi32, #tpu.memory_space<vmem>>, vector<16xi32>,
      %get3A_2837 = arith.constant 3 : i32
      %get3A_2838 = arith.index_cast %get3A_2837 : i32 to index
      %get3A_2839 = arith.constant 16 : index
      %get3A_2840 = tpu.vector_load %arg5[%get3A_2838, %get3A_2839] {strides = array<i32>} : memref<50x32xi32, #tpu.memory_space<vmem>>, vector<1x16xi32>,
      %get3A_2841 = vector.shape_cast %get3A_2840 : vector<1x16xi32> to vector<16xi32>
      %and3A_2842 = arith.constant -65536 : i32
      %and3A_2843 = vector.broadcast %and3A_2842 : i32 to vector<16xi32>
      %and3A_2844 = arith.andi %get3A_2841, %and3A_2843 : vector<16xi32>
      %and3A_2845 = arith.constant 16383 : i32
      %and3A_2846 = vector.broadcast %and3A_2845 : i32 to vector<16xi32>
      %and3A_2847 = arith.andi %get3A_2841, %and3A_2846 : vector<16xi32>
      %shift_left3A_2848 = arith.constant 2 : i32
      %shift_left3A_2849 = vector.broadcast %shift_left3A_2848 : i32 to vector<16xi32>
      %shift_left3A_2850 = arith.shli %and3A_2847, %shift_left3A_2849 : vector<16xi32>
      %add3A_2851 = arith.addi %and3A_2844, %shift_left3A_2850 : vector<16xi32>
      %and3A_2852 = arith.constant 65535 : i32
      %and3A_2853 = vector.broadcast %and3A_2852 : i32 to vector<16xi32>
      %and3A_2854 = arith.andi %get3A_2841, %and3A_2853 : vector<16xi32>
      %shift_right_arithmetic3A_2855 = arith.constant 14 : i32
      %shift_right_arithmetic3A_2856 = vector.broadcast %shift_right_arithmetic3A_2855 : i32 to vector<16xi32>
      %shift_right_arithmetic3A_2857 = arith.shrsi %and3A_2854, %shift_right_arithmetic3A_2856 : vector<16xi32>
      %add3A_2858 = arith.addi %add3A_2851, %shift_right_arithmetic3A_2857 : vector<16xi32>
      %swap3A_2859 = arith.constant 112 : index
      %swap3A_2860 = tpu.vector_load %arg6[%swap3A_2859] {strides = array<i32>} : memref<1600xi32, #tpu.memory_space<vmem>>, vector<16xi32>,
      %swap3A_2861 = vector.shape_cast %swap3A_2860 : vector<16xi32> to vector<16xi32>
      %swap3A_2862 = vector.shape_cast %add3A_2858 : vector<16xi32> to vector<16xi32>
      tpu.vector_store %arg6[%swap3A_2859], %swap3A_2862 {strides = array<i32>} : memref<1600xi32, #tpu.memory_space<vmem>>, vector<16xi32>,
      %get3A_2863 = arith.constant 4 : i32
      %get3A_2864 = arith.index_cast %get3A_2863 : i32 to index
      %get3A_2865 = arith.constant 0 : index
      %get3A_2866 = tpu.vector_load %arg5[%get3A_2864, %get3A_2865] {strides = array<i32>} : memref<50x32xi32, #tpu.memory_space<vmem>>, vector<1x16xi32>,
      %get3A_2867 = vector.shape_cast %get3A_2866 : vector<1x16xi32> to vector<16xi32>
      %and3A_2868 = arith.constant -65536 : i32
      %and3A_2869 = vector.broadcast %and3A_2868 : i32 to vector<16xi32>
      %and3A_2870 = arith.andi %get3A_2867, %and3A_2869 : vector<16xi32>
      %and3A_2871 = arith.constant 16383 : i32
      %and3A_2872 = vector.broadcast %and3A_2871 : i32 to vector<16xi32>
      %and3A_2873 = arith.andi %get3A_2867, %and3A_2872 : vector<16xi32>
      %shift_left3A_2874 = arith.constant 2 : i32
      %shift_left3A_2875 = vector.broadcast %shift_left3A_2874 : i32 to vector<16xi32>
      %shift_left3A_2876 = arith.shli %and3A_2873, %shift_left3A_2875 : vector<16xi32>
      %add3A_2877 = arith.addi %and3A_2870, %shift_left3A_2876 : vector<16xi32>
      %and3A_2878 = arith.constant 65535 : i32
      %and3A_2879 = vector.broadcast %and3A_2878 : i32 to vector<16xi32>
      %and3A_2880 = arith.andi %get3A_2867, %and3A_2879 : vector<16xi32>
      %shift_right_arithmetic3A_2881 = arith.constant 14 : i32
      %shift_right_arithmetic3A_2882 = vector.broadcast %shift_right_arithmetic3A_2881 : i32 to vector<16xi32>
      %shift_right_arithmetic3A_2883 = arith.shrsi %and3A_2880, %shift_right_arithmetic3A_2882 : vector<16xi32>
      %add3A_2884 = arith.addi %add3A_2877, %shift_right_arithmetic3A_2883 : vector<16xi32>
      %swap3A_2885 = arith.constant 128 : index
      %swap3A_2886 = tpu.vector_load %arg6[%swap3A_2885] {strides = array<i32>} : memref<1600xi32, #tpu.memory_space<vmem>>, vector<16xi32>,
      %swap3A_2887 = vector.shape_cast %swap3A_2886 : vector<16xi32> to vector<16xi32>
      %swap3A_2888 = vector.shape_cast %add3A_2884 : vector<16xi32> to vector<16xi32>
      tpu.vector_store %arg6[%swap3A_2885], %swap3A_2888 {strides = array<i32>} : memref<1600xi32, #tpu.memory_space<vmem>>, vector<16xi32>,
      %get3A_2889 = arith.constant 4 : i32
      %get3A_2890 = arith.index_cast %get3A_2889 : i32 to index
      %get3A_2891 = arith.constant 16 : index
      %get3A_2892 = tpu.vector_load %arg5[%get3A_2890, %get3A_2891] {strides = array<i32>} : memref<50x32xi32, #tpu.memory_space<vmem>>, vector<1x16xi32>,
      %get3A_2893 = vector.shape_cast %get3A_2892 : vector<1x16xi32> to vector<16xi32>
      %and3A_2894 = arith.constant -65536 : i32
      %and3A_2895 = vector.broadcast %and3A_2894 : i32 to vector<16xi32>
      %and3A_2896 = arith.andi %get3A_2893, %and3A_2895 : vector<16xi32>
      %and3A_2897 = arith.constant 16383 : i32
      %and3A_2898 = vector.broadcast %and3A_2897 : i32 to vector<16xi32>
      %and3A_2899 = arith.andi %get3A_2893, %and3A_2898 : vector<16xi32>
      %shift_left3A_2900 = arith.constant 2 : i32
      %shift_left3A_2901 = vector.broadcast %shift_left3A_2900 : i32 to vector<16xi32>
      %shift_left3A_2902 = arith.shli %and3A_2899, %shift_left3A_2901 : vector<16xi32>
      %add3A_2903 = arith.addi %and3A_2896, %shift_left3A_2902 : vector<16xi32>
      %and3A_2904 = arith.constant 65535 : i32
      %and3A_2905 = vector.broadcast %and3A_2904 : i32 to vector<16xi32>
      %and3A_2906 = arith.andi %get3A_2893, %and3A_2905 : vector<16xi32>
      %shift_right_arithmetic3A_2907 = arith.constant 14 : i32
      %shift_right_arithmetic3A_2908 = vector.broadcast %shift_right_arithmetic3A_2907 : i32 to vector<16xi32>
      %shift_right_arithmetic3A_2909 = arith.shrsi %and3A_2906, %shift_right_arithmetic3A_2908 : vector<16xi32>
      %add3A_2910 = arith.addi %add3A_2903, %shift_right_arithmetic3A_2909 : vector<16xi32>
      %swap3A_2911 = arith.constant 144 : index
      %swap3A_2912 = tpu.vector_load %arg6[%swap3A_2911] {strides = array<i32>} : memref<1600xi32, #tpu.memory_space<vmem>>, vector<16xi32>,
      %swap3A_2913 = vector.shape_cast %swap3A_2912 : vector<16xi32> to vector<16xi32>
      %swap3A_2914 = vector.shape_cast %add3A_2910 : vector<16xi32> to vector<16xi32>
      tpu.vector_store %arg6[%swap3A_2911], %swap3A_2914 {strides = array<i32>} : memref<1600xi32, #tpu.memory_space<vmem>>, vector<16xi32>,
      %get3A_2915 = arith.constant 5 : i32
      %get3A_2916 = arith.index_cast %get3A_2915 : i32 to index
      %get3A_2917 = arith.constant 0 : index
      %get3A_2918 = tpu.vector_load %arg5[%get3A_2916, %get3A_2917] {strides = array<i32>} : memref<50x32xi32, #tpu.memory_space<vmem>>, vector<1x16xi32>,
      %get3A_2919 = vector.shape_cast %get3A_2918 : vector<1x16xi32> to vector<16xi32>
      %and3A_2920 = arith.constant -65536 : i32
      %and3A_2921 = vector.broadcast %and3A_2920 : i32 to vector<16xi32>
      %and3A_2922 = arith.andi %get3A_2919, %and3A_2921 : vector<16xi32>
      %and3A_2923 = arith.constant 16383 : i32
      %and3A_2924 = vector.broadcast %and3A_2923 : i32 to vector<16xi32>
      %and3A_2925 = arith.andi %get3A_2919, %and3A_2924 : vector<16xi32>
      %shift_left3A_2926 = arith.constant 2 : i32
      %shift_left3A_2927 = vector.broadcast %shift_left3A_2926 : i32 to vector<16xi32>
      %shift_left3A_2928 = arith.shli %and3A_2925, %shift_left3A_2927 : vector<16xi32>
      %add3A_2929 = arith.addi %and3A_2922, %shift_left3A_2928 : vector<16xi32>
      %and3A_2930 = arith.constant 65535 : i32
      %and3A_2931 = vector.broadcast %and3A_2930 : i32 to vector<16xi32>
      %and3A_2932 = arith.andi %get3A_2919, %and3A_2931 : vector<16xi32>
      %shift_right_arithmetic3A_2933 = arith.constant 14 : i32
      %shift_right_arithmetic3A_2934 = vector.broadcast %shift_right_arithmetic3A_2933 : i32 to vector<16xi32>
      %shift_right_arithmetic3A_2935 = arith.shrsi %and3A_2932, %shift_right_arithmetic3A_2934 : vector<16xi32>
      %add3A_2936 = arith.addi %add3A_2929, %shift_right_arithmetic3A_2935 : vector<16xi32>
      %swap3A_2937 = arith.constant 160 : index
      %swap3A_2938 = tpu.vector_load %arg6[%swap3A_2937] {strides = array<i32>} : memref<1600xi32, #tpu.memory_space<vmem>>, vector<16xi32>,
      %swap3A_2939 = vector.shape_cast %swap3A_2938 : vector<16xi32> to vector<16xi32>
      %swap3A_2940 = vector.shape_cast %add3A_2936 : vector<16xi32> to vector<16xi32>
      tpu.vector_store %arg6[%swap3A_2937], %swap3A_2940 {strides = array<i32>} : memref<1600xi32, #tpu.memory_space<vmem>>, vector<16xi32>,
      %get3A_2941 = arith.constant 5 : i32
      %get3A_2942 = arith.index_cast %get3A_2941 : i32 to index
      %get3A_2943 = arith.constant 16 : index
      %get3A_2944 = tpu.vector_load %arg5[%get3A_2942, %get3A_2943] {strides = array<i32>} : memref<50x32xi32, #tpu.memory_space<vmem>>, vector<1x16xi32>,
      %get3A_2945 = vector.shape_cast %get3A_2944 : vector<1x16xi32> to vector<16xi32>
      %and3A_2946 = arith.constant -65536 : i32
      %and3A_2947 = vector.broadcast %and3A_2946 : i32 to vector<16xi32>
      %and3A_2948 = arith.andi %get3A_2945, %and3A_2947 : vector<16xi32>
      %and3A_2949 = arith.constant 16383 : i32
      %and3A_2950 = vector.broadcast %and3A_2949 : i32 to vector<16xi32>
      %and3A_2951 = arith.andi %get3A_2945, %and3A_2950 : vector<16xi32>
      %shift_left3A_2952 = arith.constant 2 : i32
      %shift_left3A_2953 = vector.broadcast %shift_left3A_2952 : i32 to vector<16xi32>
      %shift_left3A_2954 = arith.shli %and3A_2951, %shift_left3A_2953 : vector<16xi32>
      %add3A_2955 = arith.addi %and3A_2948, %shift_left3A_2954 : vector<16xi32>
      %and3A_2956 = arith.constant 65535 : i32
      %and3A_2957 = vector.broadcast %and3A_2956 : i32 to vector<16xi32>
      %and3A_2958 = arith.andi %get3A_2945, %and3A_2957 : vector<16xi32>
      %shift_right_arithmetic3A_2959 = arith.constant 14 : i32
      %shift_right_arithmetic3A_2960 = vector.broadcast %shift_right_arithmetic3A_2959 : i32 to vector<16xi32>
      %shift_right_arithmetic3A_2961 = arith.shrsi %and3A_2958, %shift_right_arithmetic3A_2960 : vector<16xi32>
      %add3A_2962 = arith.addi %add3A_2955, %shift_right_arithmetic3A_2961 : vector<16xi32>
      %swap3A_2963 = arith.constant 176 : index
      %swap3A_2964 = tpu.vector_load %arg6[%swap3A_2963] {strides = array<i32>} : memref<1600xi32, #tpu.memory_space<vmem>>, vector<16xi32>,
      %swap3A_2965 = vector.shape_cast %swap3A_2964 : vector<16xi32> to vector<16xi32>
      %swap3A_2966 = vector.shape_cast %add3A_2962 : vector<16xi32> to vector<16xi32>
      tpu.vector_store %arg6[%swap3A_2963], %swap3A_2966 {strides = array<i32>} : memref<1600xi32, #tpu.memory_space<vmem>>, vector<16xi32>,
      %get3A_2967 = arith.constant 6 : i32
      %get3A_2968 = arith.index_cast %get3A_2967 : i32 to index
      %get3A_2969 = arith.constant 0 : index
      %get3A_2970 = tpu.vector_load %arg5[%get3A_2968, %get3A_2969] {strides = array<i32>} : memref<50x32xi32, #tpu.memory_space<vmem>>, vector<1x16xi32>,
      %get3A_2971 = vector.shape_cast %get3A_2970 : vector<1x16xi32> to vector<16xi32>
      %and3A_2972 = arith.constant -65536 : i32
      %and3A_2973 = vector.broadcast %and3A_2972 : i32 to vector<16xi32>
      %and3A_2974 = arith.andi %get3A_2971, %and3A_2973 : vector<16xi32>
      %and3A_2975 = arith.constant 16383 : i32
      %and3A_2976 = vector.broadcast %and3A_2975 : i32 to vector<16xi32>
      %and3A_2977 = arith.andi %get3A_2971, %and3A_2976 : vector<16xi32>
      %shift_left3A_2978 = arith.constant 2 : i32
      %shift_left3A_2979 = vector.broadcast %shift_left3A_2978 : i32 to vector<16xi32>
      %shift_left3A_2980 = arith.shli %and3A_2977, %shift_left3A_2979 : vector<16xi32>
      %add3A_2981 = arith.addi %and3A_2974, %shift_left3A_2980 : vector<16xi32>
      %and3A_2982 = arith.constant 65535 : i32
      %and3A_2983 = vector.broadcast %and3A_2982 : i32 to vector<16xi32>
      %and3A_2984 = arith.andi %get3A_2971, %and3A_2983 : vector<16xi32>
      %shift_right_arithmetic3A_2985 = arith.constant 14 : i32
      %shift_right_arithmetic3A_2986 = vector.broadcast %shift_right_arithmetic3A_2985 : i32 to vector<16xi32>
      %shift_right_arithmetic3A_2987 = arith.shrsi %and3A_2984, %shift_right_arithmetic3A_2986 : vector<16xi32>
      %add3A_2988 = arith.addi %add3A_2981, %shift_right_arithmetic3A_2987 : vector<16xi32>
      %swap3A_2989 = arith.constant 192 : index
      %swap3A_2990 = tpu.vector_load %arg6[%swap3A_2989] {strides = array<i32>} : memref<1600xi32, #tpu.memory_space<vmem>>, vector<16xi32>,
      %swap3A_2991 = vector.shape_cast %swap3A_2990 : vector<16xi32> to vector<16xi32>
      %swap3A_2992 = vector.shape_cast %add3A_2988 : vector<16xi32> to vector<16xi32>
      tpu.vector_store %arg6[%swap3A_2989], %swap3A_2992 {strides = array<i32>} : memref<1600xi32, #tpu.memory_space<vmem>>, vector<16xi32>,
      %get3A_2993 = arith.constant 6 : i32
      %get3A_2994 = arith.index_cast %get3A_2993 : i32 to index
      %get3A_2995 = arith.constant 16 : index
      %get3A_2996 = tpu.vector_load %arg5[%get3A_2994, %get3A_2995] {strides = array<i32>} : memref<50x32xi32, #tpu.memory_space<vmem>>, vector<1x16xi32>,
      %get3A_2997 = vector.shape_cast %get3A_2996 : vector<1x16xi32> to vector<16xi32>
      %and3A_2998 = arith.constant -65536 : i32
      %and3A_2999 = vector.broadcast %and3A_2998 : i32 to vector<16xi32>
      %and3A_3000 = arith.andi %get3A_2997, %and3A_2999 : vector<16xi32>
      %and3A_3001 = arith.constant 16383 : i32
      %and3A_3002 = vector.broadcast %and3A_3001 : i32 to vector<16xi32>
      %and3A_3003 = arith.andi %get3A_2997, %and3A_3002 : vector<16xi32>
      %shift_left3A_3004 = arith.constant 2 : i32
      %shift_left3A_3005 = vector.broadcast %shift_left3A_3004 : i32 to vector<16xi32>
      %shift_left3A_3006 = arith.shli %and3A_3003, %shift_left3A_3005 : vector<16xi32>
      %add3A_3007 = arith.addi %and3A_3000, %shift_left3A_3006 : vector<16xi32>
      %and3A_3008 = arith.constant 65535 : i32
      %and3A_3009 = vector.broadcast %and3A_3008 : i32 to vector<16xi32>
      %and3A_3010 = arith.andi %get3A_2997, %and3A_3009 : vector<16xi32>
      %shift_right_arithmetic3A_3011 = arith.constant 14 : i32
      %shift_right_arithmetic3A_3012 = vector.broadcast %shift_right_arithmetic3A_3011 : i32 to vector<16xi32>
      %shift_right_arithmetic3A_3013 = arith.shrsi %and3A_3010, %shift_right_arithmetic3A_3012 : vector<16xi32>
      %add3A_3014 = arith.addi %add3A_3007, %shift_right_arithmetic3A_3013 : vector<16xi32>
      %swap3A_3015 = arith.constant 208 : index
      %swap3A_3016 = tpu.vector_load %arg6[%swap3A_3015] {strides = array<i32>} : memref<1600xi32, #tpu.memory_space<vmem>>, vector<16xi32>,
      %swap3A_3017 = vector.shape_cast %swap3A_3016 : vector<16xi32> to vector<16xi32>
      %swap3A_3018 = vector.shape_cast %add3A_3014 : vector<16xi32> to vector<16xi32>
      tpu.vector_store %arg6[%swap3A_3015], %swap3A_3018 {strides = array<i32>} : memref<1600xi32, #tpu.memory_space<vmem>>, vector<16xi32>,
      %get3A_3019 = arith.constant 7 : i32
      %get3A_3020 = arith.index_cast %get3A_3019 : i32 to index
      %get3A_3021 = arith.constant 0 : index
      %get3A_3022 = tpu.vector_load %arg5[%get3A_3020, %get3A_3021] {strides = array<i32>} : memref<50x32xi32, #tpu.memory_space<vmem>>, vector<1x16xi32>,
      %get3A_3023 = vector.shape_cast %get3A_3022 : vector<1x16xi32> to vector<16xi32>
      %and3A_3024 = arith.constant -65536 : i32
      %and3A_3025 = vector.broadcast %and3A_3024 : i32 to vector<16xi32>
      %and3A_3026 = arith.andi %get3A_3023, %and3A_3025 : vector<16xi32>
      %and3A_3027 = arith.constant 16383 : i32
      %and3A_3028 = vector.broadcast %and3A_3027 : i32 to vector<16xi32>
      %and3A_3029 = arith.andi %get3A_3023, %and3A_3028 : vector<16xi32>
      %shift_left3A_3030 = arith.constant 2 : i32
      %shift_left3A_3031 = vector.broadcast %shift_left3A_3030 : i32 to vector<16xi32>
      %shift_left3A_3032 = arith.shli %and3A_3029, %shift_left3A_3031 : vector<16xi32>
      %add3A_3033 = arith.addi %and3A_3026, %shift_left3A_3032 : vector<16xi32>
      %and3A_3034 = arith.constant 65535 : i32
      %and3A_3035 = vector.broadcast %and3A_3034 : i32 to vector<16xi32>
      %and3A_3036 = arith.andi %get3A_3023, %and3A_3035 : vector<16xi32>
      %shift_right_arithmetic3A_3037 = arith.constant 14 : i32
      %shift_right_arithmetic3A_3038 = vector.broadcast %shift_right_arithmetic3A_3037 : i32 to vector<16xi32>
      %shift_right_arithmetic3A_3039 = arith.shrsi %and3A_3036, %shift_right_arithmetic3A_3038 : vector<16xi32>
      %add3A_3040 = arith.addi %add3A_3033, %shift_right_arithmetic3A_3039 : vector<16xi32>
      %swap3A_3041 = arith.constant 224 : index
      %swap3A_3042 = tpu.vector_load %arg6[%swap3A_3041] {strides = array<i32>} : memref<1600xi32, #tpu.memory_space<vmem>>, vector<16xi32>,
      %swap3A_3043 = vector.shape_cast %swap3A_3042 : vector<16xi32> to vector<16xi32>
      %swap3A_3044 = vector.shape_cast %add3A_3040 : vector<16xi32> to vector<16xi32>
      tpu.vector_store %arg6[%swap3A_3041], %swap3A_3044 {strides = array<i32>} : memref<1600xi32, #tpu.memory_space<vmem>>, vector<16xi32>,
      %get3A_3045 = arith.constant 7 : i32
      %get3A_3046 = arith.index_cast %get3A_3045 : i32 to index
      %get3A_3047 = arith.constant 16 : index
      %get3A_3048 = tpu.vector_load %arg5[%get3A_3046, %get3A_3047] {strides = array<i32>} : memref<50x32xi32, #tpu.memory_space<vmem>>, vector<1x16xi32>,
      %get3A_3049 = vector.shape_cast %get3A_3048 : vector<1x16xi32> to vector<16xi32>
      %and3A_3050 = arith.constant -65536 : i32
      %and3A_3051 = vector.broadcast %and3A_3050 : i32 to vector<16xi32>
      %and3A_3052 = arith.andi %get3A_3049, %and3A_3051 : vector<16xi32>
      %and3A_3053 = arith.constant 16383 : i32
      %and3A_3054 = vector.broadcast %and3A_3053 : i32 to vector<16xi32>
      %and3A_3055 = arith.andi %get3A_3049, %and3A_3054 : vector<16xi32>
      %shift_left3A_3056 = arith.constant 2 : i32
      %shift_left3A_3057 = vector.broadcast %shift_left3A_3056 : i32 to vector<16xi32>
      %shift_left3A_3058 = arith.shli %and3A_3055, %shift_left3A_3057 : vector<16xi32>
      %add3A_3059 = arith.addi %and3A_3052, %shift_left3A_3058 : vector<16xi32>
      %and3A_3060 = arith.constant 65535 : i32
      %and3A_3061 = vector.broadcast %and3A_3060 : i32 to vector<16xi32>
      %and3A_3062 = arith.andi %get3A_3049, %and3A_3061 : vector<16xi32>
      %shift_right_arithmetic3A_3063 = arith.constant 14 : i32
      %shift_right_arithmetic3A_3064 = vector.broadcast %shift_right_arithmetic3A_3063 : i32 to vector<16xi32>
      %shift_right_arithmetic3A_3065 = arith.shrsi %and3A_3062, %shift_right_arithmetic3A_3064 : vector<16xi32>
      %add3A_3066 = arith.addi %add3A_3059, %shift_right_arithmetic3A_3065 : vector<16xi32>
      %swap3A_3067 = arith.constant 240 : index
      %swap3A_3068 = tpu.vector_load %arg6[%swap3A_3067] {strides = array<i32>} : memref<1600xi32, #tpu.memory_space<vmem>>, vector<16xi32>,
      %swap3A_3069 = vector.shape_cast %swap3A_3068 : vector<16xi32> to vector<16xi32>
      %swap3A_3070 = vector.shape_cast %add3A_3066 : vector<16xi32> to vector<16xi32>
      tpu.vector_store %arg6[%swap3A_3067], %swap3A_3070 {strides = array<i32>} : memref<1600xi32, #tpu.memory_space<vmem>>, vector<16xi32>,
      %get3A_3071 = arith.constant 8 : i32
      %get3A_3072 = arith.index_cast %get3A_3071 : i32 to index
      %get3A_3073 = arith.constant 0 : index
      %get3A_3074 = tpu.vector_load %arg5[%get3A_3072, %get3A_3073] {strides = array<i32>} : memref<50x32xi32, #tpu.memory_space<vmem>>, vector<1x16xi32>,
      %get3A_3075 = vector.shape_cast %get3A_3074 : vector<1x16xi32> to vector<16xi32>
      %and3A_3076 = arith.constant -65536 : i32
      %and3A_3077 = vector.broadcast %and3A_3076 : i32 to vector<16xi32>
      %and3A_3078 = arith.andi %get3A_3075, %and3A_3077 : vector<16xi32>
      %and3A_3079 = arith.constant 16383 : i32
      %and3A_3080 = vector.broadcast %and3A_3079 : i32 to vector<16xi32>
      %and3A_3081 = arith.andi %get3A_3075, %and3A_3080 : vector<16xi32>
      %shift_left3A_3082 = arith.constant 2 : i32
      %shift_left3A_3083 = vector.broadcast %shift_left3A_3082 : i32 to vector<16xi32>
      %shift_left3A_3084 = arith.shli %and3A_3081, %shift_left3A_3083 : vector<16xi32>
      %add3A_3085 = arith.addi %and3A_3078, %shift_left3A_3084 : vector<16xi32>
      %and3A_3086 = arith.constant 65535 : i32
      %and3A_3087 = vector.broadcast %and3A_3086 : i32 to vector<16xi32>
      %and3A_3088 = arith.andi %get3A_3075, %and3A_3087 : vector<16xi32>
      %shift_right_arithmetic3A_3089 = arith.constant 14 : i32
      %shift_right_arithmetic3A_3090 = vector.broadcast %shift_right_arithmetic3A_3089 : i32 to vector<16xi32>
      %shift_right_arithmetic3A_3091 = arith.shrsi %and3A_3088, %shift_right_arithmetic3A_3090 : vector<16xi32>
      %add3A_3092 = arith.addi %add3A_3085, %shift_right_arithmetic3A_3091 : vector<16xi32>
      %swap3A_3093 = arith.constant 256 : index
      %swap3A_3094 = tpu.vector_load %arg6[%swap3A_3093] {strides = array<i32>} : memref<1600xi32, #tpu.memory_space<vmem>>, vector<16xi32>,
      %swap3A_3095 = vector.shape_cast %swap3A_3094 : vector<16xi32> to vector<16xi32>
      %swap3A_3096 = vector.shape_cast %add3A_3092 : vector<16xi32> to vector<16xi32>
      tpu.vector_store %arg6[%swap3A_3093], %swap3A_3096 {strides = array<i32>} : memref<1600xi32, #tpu.memory_space<vmem>>, vector<16xi32>,
      %get3A_3097 = arith.constant 8 : i32
      %get3A_3098 = arith.index_cast %get3A_3097 : i32 to index
      %get3A_3099 = arith.constant 16 : index
      %get3A_3100 = tpu.vector_load %arg5[%get3A_3098, %get3A_3099] {strides = array<i32>} : memref<50x32xi32, #tpu.memory_space<vmem>>, vector<1x16xi32>,
      %get3A_3101 = vector.shape_cast %get3A_3100 : vector<1x16xi32> to vector<16xi32>
      %and3A_3102 = arith.constant -65536 : i32
      %and3A_3103 = vector.broadcast %and3A_3102 : i32 to vector<16xi32>
      %and3A_3104 = arith.andi %get3A_3101, %and3A_3103 : vector<16xi32>
      %and3A_3105 = arith.constant 16383 : i32
      %and3A_3106 = vector.broadcast %and3A_3105 : i32 to vector<16xi32>
      %and3A_3107 = arith.andi %get3A_3101, %and3A_3106 : vector<16xi32>
      %shift_left3A_3108 = arith.constant 2 : i32
      %shift_left3A_3109 = vector.broadcast %shift_left3A_3108 : i32 to vector<16xi32>
      %shift_left3A_3110 = arith.shli %and3A_3107, %shift_left3A_3109 : vector<16xi32>
      %add3A_3111 = arith.addi %and3A_3104, %shift_left3A_3110 : vector<16xi32>
      %and3A_3112 = arith.constant 65535 : i32
      %and3A_3113 = vector.broadcast %and3A_3112 : i32 to vector<16xi32>
      %and3A_3114 = arith.andi %get3A_3101, %and3A_3113 : vector<16xi32>
      %shift_right_arithmetic3A_3115 = arith.constant 14 : i32
      %shift_right_arithmetic3A_3116 = vector.broadcast %shift_right_arithmetic3A_3115 : i32 to vector<16xi32>
      %shift_right_arithmetic3A_3117 = arith.shrsi %and3A_3114, %shift_right_arithmetic3A_3116 : vector<16xi32>
      %add3A_3118 = arith.addi %add3A_3111, %shift_right_arithmetic3A_3117 : vector<16xi32>
      %swap3A_3119 = arith.constant 272 : index
      %swap3A_3120 = tpu.vector_load %arg6[%swap3A_3119] {strides = array<i32>} : memref<1600xi32, #tpu.memory_space<vmem>>, vector<16xi32>,
      %swap3A_3121 = vector.shape_cast %swap3A_3120 : vector<16xi32> to vector<16xi32>
      %swap3A_3122 = vector.shape_cast %add3A_3118 : vector<16xi32> to vector<16xi32>
      tpu.vector_store %arg6[%swap3A_3119], %swap3A_3122 {strides = array<i32>} : memref<1600xi32, #tpu.memory_space<vmem>>, vector<16xi32>,
      %get3A_3123 = arith.constant 9 : i32
      %get3A_3124 = arith.index_cast %get3A_3123 : i32 to index
      %get3A_3125 = arith.constant 0 : index
      %get3A_3126 = tpu.vector_load %arg5[%get3A_3124, %get3A_3125] {strides = array<i32>} : memref<50x32xi32, #tpu.memory_space<vmem>>, vector<1x16xi32>,
      %get3A_3127 = vector.shape_cast %get3A_3126 : vector<1x16xi32> to vector<16xi32>
      %and3A_3128 = arith.constant -65536 : i32
      %and3A_3129 = vector.broadcast %and3A_3128 : i32 to vector<16xi32>
      %and3A_3130 = arith.andi %get3A_3127, %and3A_3129 : vector<16xi32>
      %and3A_3131 = arith.constant 16383 : i32
      %and3A_3132 = vector.broadcast %and3A_3131 : i32 to vector<16xi32>
      %and3A_3133 = arith.andi %get3A_3127, %and3A_3132 : vector<16xi32>
      %shift_left3A_3134 = arith.constant 2 : i32
      %shift_left3A_3135 = vector.broadcast %shift_left3A_3134 : i32 to vector<16xi32>
      %shift_left3A_3136 = arith.shli %and3A_3133, %shift_left3A_3135 : vector<16xi32>
      %add3A_3137 = arith.addi %and3A_3130, %shift_left3A_3136 : vector<16xi32>
      %and3A_3138 = arith.constant 65535 : i32
      %and3A_3139 = vector.broadcast %and3A_3138 : i32 to vector<16xi32>
      %and3A_3140 = arith.andi %get3A_3127, %and3A_3139 : vector<16xi32>
      %shift_right_arithmetic3A_3141 = arith.constant 14 : i32
      %shift_right_arithmetic3A_3142 = vector.broadcast %shift_right_arithmetic3A_3141 : i32 to vector<16xi32>
      %shift_right_arithmetic3A_3143 = arith.shrsi %and3A_3140, %shift_right_arithmetic3A_3142 : vector<16xi32>
      %add3A_3144 = arith.addi %add3A_3137, %shift_right_arithmetic3A_3143 : vector<16xi32>
      %swap3A_3145 = arith.constant 288 : index
      %swap3A_3146 = tpu.vector_load %arg6[%swap3A_3145] {strides = array<i32>} : memref<1600xi32, #tpu.memory_space<vmem>>, vector<16xi32>,
      %swap3A_3147 = vector.shape_cast %swap3A_3146 : vector<16xi32> to vector<16xi32>
      %swap3A_3148 = vector.shape_cast %add3A_3144 : vector<16xi32> to vector<16xi32>
      tpu.vector_store %arg6[%swap3A_3145], %swap3A_3148 {strides = array<i32>} : memref<1600xi32, #tpu.memory_space<vmem>>, vector<16xi32>,
      %get3A_3149 = arith.constant 9 : i32
      %get3A_3150 = arith.index_cast %get3A_3149 : i32 to index
      %get3A_3151 = arith.constant 16 : index
      %get3A_3152 = tpu.vector_load %arg5[%get3A_3150, %get3A_3151] {strides = array<i32>} : memref<50x32xi32, #tpu.memory_space<vmem>>, vector<1x16xi32>,
      %get3A_3153 = vector.shape_cast %get3A_3152 : vector<1x16xi32> to vector<16xi32>
      %and3A_3154 = arith.constant -65536 : i32
      %and3A_3155 = vector.broadcast %and3A_3154 : i32 to vector<16xi32>
      %and3A_3156 = arith.andi %get3A_3153, %and3A_3155 : vector<16xi32>
      %and3A_3157 = arith.constant 16383 : i32
      %and3A_3158 = vector.broadcast %and3A_3157 : i32 to vector<16xi32>
      %and3A_3159 = arith.andi %get3A_3153, %and3A_3158 : vector<16xi32>
      %shift_left3A_3160 = arith.constant 2 : i32
      %shift_left3A_3161 = vector.broadcast %shift_left3A_3160 : i32 to vector<16xi32>
      %shift_left3A_3162 = arith.shli %and3A_3159, %shift_left3A_3161 : vector<16xi32>
      %add3A_3163 = arith.addi %and3A_3156, %shift_left3A_3162 : vector<16xi32>
      %and3A_3164 = arith.constant 65535 : i32
      %and3A_3165 = vector.broadcast %and3A_3164 : i32 to vector<16xi32>
      %and3A_3166 = arith.andi %get3A_3153, %and3A_3165 : vector<16xi32>
      %shift_right_arithmetic3A_3167 = arith.constant 14 : i32
      %shift_right_arithmetic3A_3168 = vector.broadcast %shift_right_arithmetic3A_3167 : i32 to vector<16xi32>
      %shift_right_arithmetic3A_3169 = arith.shrsi %and3A_3166, %shift_right_arithmetic3A_3168 : vector<16xi32>
      %add3A_3170 = arith.addi %add3A_3163, %shift_right_arithmetic3A_3169 : vector<16xi32>
      %swap3A_3171 = arith.constant 304 : index
      %swap3A_3172 = tpu.vector_load %arg6[%swap3A_3171] {strides = array<i32>} : memref<1600xi32, #tpu.memory_space<vmem>>, vector<16xi32>,
      %swap3A_3173 = vector.shape_cast %swap3A_3172 : vector<16xi32> to vector<16xi32>
      %swap3A_3174 = vector.shape_cast %add3A_3170 : vector<16xi32> to vector<16xi32>
      tpu.vector_store %arg6[%swap3A_3171], %swap3A_3174 {strides = array<i32>} : memref<1600xi32, #tpu.memory_space<vmem>>, vector<16xi32>,
      %get3A_3175 = arith.constant 10 : i32
      %get3A_3176 = arith.index_cast %get3A_3175 : i32 to index
      %get3A_3177 = arith.constant 0 : index
      %get3A_3178 = tpu.vector_load %arg5[%get3A_3176, %get3A_3177] {strides = array<i32>} : memref<50x32xi32, #tpu.memory_space<vmem>>, vector<1x16xi32>,
      %get3A_3179 = vector.shape_cast %get3A_3178 : vector<1x16xi32> to vector<16xi32>
      %and3A_3180 = arith.constant -65536 : i32
      %and3A_3181 = vector.broadcast %and3A_3180 : i32 to vector<16xi32>
      %and3A_3182 = arith.andi %get3A_3179, %and3A_3181 : vector<16xi32>
      %and3A_3183 = arith.constant 16383 : i32
      %and3A_3184 = vector.broadcast %and3A_3183 : i32 to vector<16xi32>
      %and3A_3185 = arith.andi %get3A_3179, %and3A_3184 : vector<16xi32>
      %shift_left3A_3186 = arith.constant 2 : i32
      %shift_left3A_3187 = vector.broadcast %shift_left3A_3186 : i32 to vector<16xi32>
      %shift_left3A_3188 = arith.shli %and3A_3185, %shift_left3A_3187 : vector<16xi32>
      %add3A_3189 = arith.addi %and3A_3182, %shift_left3A_3188 : vector<16xi32>
      %and3A_3190 = arith.constant 65535 : i32
      %and3A_3191 = vector.broadcast %and3A_3190 : i32 to vector<16xi32>
      %and3A_3192 = arith.andi %get3A_3179, %and3A_3191 : vector<16xi32>
      %shift_right_arithmetic3A_3193 = arith.constant 14 : i32
      %shift_right_arithmetic3A_3194 = vector.broadcast %shift_right_arithmetic3A_3193 : i32 to vector<16xi32>
      %shift_right_arithmetic3A_3195 = arith.shrsi %and3A_3192, %shift_right_arithmetic3A_3194 : vector<16xi32>
      %add3A_3196 = arith.addi %add3A_3189, %shift_right_arithmetic3A_3195 : vector<16xi32>
      %swap3A_3197 = arith.constant 320 : index
      %swap3A_3198 = tpu.vector_load %arg6[%swap3A_3197] {strides = array<i32>} : memref<1600xi32, #tpu.memory_space<vmem>>, vector<16xi32>,
      %swap3A_3199 = vector.shape_cast %swap3A_3198 : vector<16xi32> to vector<16xi32>
      %swap3A_3200 = vector.shape_cast %add3A_3196 : vector<16xi32> to vector<16xi32>
      tpu.vector_store %arg6[%swap3A_3197], %swap3A_3200 {strides = array<i32>} : memref<1600xi32, #tpu.memory_space<vmem>>, vector<16xi32>,
      %get3A_3201 = arith.constant 10 : i32
      %get3A_3202 = arith.index_cast %get3A_3201 : i32 to index
      %get3A_3203 = arith.constant 16 : index
      %get3A_3204 = tpu.vector_load %arg5[%get3A_3202, %get3A_3203] {strides = array<i32>} : memref<50x32xi32, #tpu.memory_space<vmem>>, vector<1x16xi32>,
      %get3A_3205 = vector.shape_cast %get3A_3204 : vector<1x16xi32> to vector<16xi32>
      %and3A_3206 = arith.constant -65536 : i32
      %and3A_3207 = vector.broadcast %and3A_3206 : i32 to vector<16xi32>
      %and3A_3208 = arith.andi %get3A_3205, %and3A_3207 : vector<16xi32>
      %and3A_3209 = arith.constant 16383 : i32
      %and3A_3210 = vector.broadcast %and3A_3209 : i32 to vector<16xi32>
      %and3A_3211 = arith.andi %get3A_3205, %and3A_3210 : vector<16xi32>
      %shift_left3A_3212 = arith.constant 2 : i32
      %shift_left3A_3213 = vector.broadcast %shift_left3A_3212 : i32 to vector<16xi32>
      %shift_left3A_3214 = arith.shli %and3A_3211, %shift_left3A_3213 : vector<16xi32>
      %add3A_3215 = arith.addi %and3A_3208, %shift_left3A_3214 : vector<16xi32>
      %and3A_3216 = arith.constant 65535 : i32
      %and3A_3217 = vector.broadcast %and3A_3216 : i32 to vector<16xi32>
      %and3A_3218 = arith.andi %get3A_3205, %and3A_3217 : vector<16xi32>
      %shift_right_arithmetic3A_3219 = arith.constant 14 : i32
      %shift_right_arithmetic3A_3220 = vector.broadcast %shift_right_arithmetic3A_3219 : i32 to vector<16xi32>
      %shift_right_arithmetic3A_3221 = arith.shrsi %and3A_3218, %shift_right_arithmetic3A_3220 : vector<16xi32>
      %add3A_3222 = arith.addi %add3A_3215, %shift_right_arithmetic3A_3221 : vector<16xi32>
      %swap3A_3223 = arith.constant 336 : index
      %swap3A_3224 = tpu.vector_load %arg6[%swap3A_3223] {strides = array<i32>} : memref<1600xi32, #tpu.memory_space<vmem>>, vector<16xi32>,
      %swap3A_3225 = vector.shape_cast %swap3A_3224 : vector<16xi32> to vector<16xi32>
      %swap3A_3226 = vector.shape_cast %add3A_3222 : vector<16xi32> to vector<16xi32>
      tpu.vector_store %arg6[%swap3A_3223], %swap3A_3226 {strides = array<i32>} : memref<1600xi32, #tpu.memory_space<vmem>>, vector<16xi32>,
      %get3A_3227 = arith.constant 11 : i32
      %get3A_3228 = arith.index_cast %get3A_3227 : i32 to index
      %get3A_3229 = arith.constant 0 : index
      %get3A_3230 = tpu.vector_load %arg5[%get3A_3228, %get3A_3229] {strides = array<i32>} : memref<50x32xi32, #tpu.memory_space<vmem>>, vector<1x16xi32>,
      %get3A_3231 = vector.shape_cast %get3A_3230 : vector<1x16xi32> to vector<16xi32>
      %and3A_3232 = arith.constant -65536 : i32
      %and3A_3233 = vector.broadcast %and3A_3232 : i32 to vector<16xi32>
      %and3A_3234 = arith.andi %get3A_3231, %and3A_3233 : vector<16xi32>
      %and3A_3235 = arith.constant 16383 : i32
      %and3A_3236 = vector.broadcast %and3A_3235 : i32 to vector<16xi32>
      %and3A_3237 = arith.andi %get3A_3231, %and3A_3236 : vector<16xi32>
      %shift_left3A_3238 = arith.constant 2 : i32
      %shift_left3A_3239 = vector.broadcast %shift_left3A_3238 : i32 to vector<16xi32>
      %shift_left3A_3240 = arith.shli %and3A_3237, %shift_left3A_3239 : vector<16xi32>
      %add3A_3241 = arith.addi %and3A_3234, %shift_left3A_3240 : vector<16xi32>
      %and3A_3242 = arith.constant 65535 : i32
      %and3A_3243 = vector.broadcast %and3A_3242 : i32 to vector<16xi32>
      %and3A_3244 = arith.andi %get3A_3231, %and3A_3243 : vector<16xi32>
      %shift_right_arithmetic3A_3245 = arith.constant 14 : i32
      %shift_right_arithmetic3A_3246 = vector.broadcast %shift_right_arithmetic3A_3245 : i32 to vector<16xi32>
      %shift_right_arithmetic3A_3247 = arith.shrsi %and3A_3244, %shift_right_arithmetic3A_3246 : vector<16xi32>
      %add3A_3248 = arith.addi %add3A_3241, %shift_right_arithmetic3A_3247 : vector<16xi32>
      %swap3A_3249 = arith.constant 352 : index
      %swap3A_3250 = tpu.vector_load %arg6[%swap3A_3249] {strides = array<i32>} : memref<1600xi32, #tpu.memory_space<vmem>>, vector<16xi32>,
      %swap3A_3251 = vector.shape_cast %swap3A_3250 : vector<16xi32> to vector<16xi32>
      %swap3A_3252 = vector.shape_cast %add3A_3248 : vector<16xi32> to vector<16xi32>
      tpu.vector_store %arg6[%swap3A_3249], %swap3A_3252 {strides = array<i32>} : memref<1600xi32, #tpu.memory_space<vmem>>, vector<16xi32>,
      %get3A_3253 = arith.constant 11 : i32
      %get3A_3254 = arith.index_cast %get3A_3253 : i32 to index
      %get3A_3255 = arith.constant 16 : index
      %get3A_3256 = tpu.vector_load %arg5[%get3A_3254, %get3A_3255] {strides = array<i32>} : memref<50x32xi32, #tpu.memory_space<vmem>>, vector<1x16xi32>,
      %get3A_3257 = vector.shape_cast %get3A_3256 : vector<1x16xi32> to vector<16xi32>
      %and3A_3258 = arith.constant -65536 : i32
      %and3A_3259 = vector.broadcast %and3A_3258 : i32 to vector<16xi32>
      %and3A_3260 = arith.andi %get3A_3257, %and3A_3259 : vector<16xi32>
      %and3A_3261 = arith.constant 16383 : i32
      %and3A_3262 = vector.broadcast %and3A_3261 : i32 to vector<16xi32>
      %and3A_3263 = arith.andi %get3A_3257, %and3A_3262 : vector<16xi32>
      %shift_left3A_3264 = arith.constant 2 : i32
      %shift_left3A_3265 = vector.broadcast %shift_left3A_3264 : i32 to vector<16xi32>
      %shift_left3A_3266 = arith.shli %and3A_3263, %shift_left3A_3265 : vector<16xi32>
      %add3A_3267 = arith.addi %and3A_3260, %shift_left3A_3266 : vector<16xi32>
      %and3A_3268 = arith.constant 65535 : i32
      %and3A_3269 = vector.broadcast %and3A_3268 : i32 to vector<16xi32>
      %and3A_3270 = arith.andi %get3A_3257, %and3A_3269 : vector<16xi32>
      %shift_right_arithmetic3A_3271 = arith.constant 14 : i32
      %shift_right_arithmetic3A_3272 = vector.broadcast %shift_right_arithmetic3A_3271 : i32 to vector<16xi32>
      %shift_right_arithmetic3A_3273 = arith.shrsi %and3A_3270, %shift_right_arithmetic3A_3272 : vector<16xi32>
      %add3A_3274 = arith.addi %add3A_3267, %shift_right_arithmetic3A_3273 : vector<16xi32>
      %swap3A_3275 = arith.constant 368 : index
      %swap3A_3276 = tpu.vector_load %arg6[%swap3A_3275] {strides = array<i32>} : memref<1600xi32, #tpu.memory_space<vmem>>, vector<16xi32>,
      %swap3A_3277 = vector.shape_cast %swap3A_3276 : vector<16xi32> to vector<16xi32>
      %swap3A_3278 = vector.shape_cast %add3A_3274 : vector<16xi32> to vector<16xi32>
      tpu.vector_store %arg6[%swap3A_3275], %swap3A_3278 {strides = array<i32>} : memref<1600xi32, #tpu.memory_space<vmem>>, vector<16xi32>,
      %get3A_3279 = arith.constant 12 : i32
      %get3A_3280 = arith.index_cast %get3A_3279 : i32 to index
      %get3A_3281 = arith.constant 0 : index
      %get3A_3282 = tpu.vector_load %arg5[%get3A_3280, %get3A_3281] {strides = array<i32>} : memref<50x32xi32, #tpu.memory_space<vmem>>, vector<1x16xi32>,
      %get3A_3283 = vector.shape_cast %get3A_3282 : vector<1x16xi32> to vector<16xi32>
      %and3A_3284 = arith.constant -65536 : i32
      %and3A_3285 = vector.broadcast %and3A_3284 : i32 to vector<16xi32>
      %and3A_3286 = arith.andi %get3A_3283, %and3A_3285 : vector<16xi32>
      %and3A_3287 = arith.constant 16383 : i32
      %and3A_3288 = vector.broadcast %and3A_3287 : i32 to vector<16xi32>
      %and3A_3289 = arith.andi %get3A_3283, %and3A_3288 : vector<16xi32>
      %shift_left3A_3290 = arith.constant 2 : i32
      %shift_left3A_3291 = vector.broadcast %shift_left3A_3290 : i32 to vector<16xi32>
      %shift_left3A_3292 = arith.shli %and3A_3289, %shift_left3A_3291 : vector<16xi32>
      %add3A_3293 = arith.addi %and3A_3286, %shift_left3A_3292 : vector<16xi32>
      %and3A_3294 = arith.constant 65535 : i32
      %and3A_3295 = vector.broadcast %and3A_3294 : i32 to vector<16xi32>
      %and3A_3296 = arith.andi %get3A_3283, %and3A_3295 : vector<16xi32>
      %shift_right_arithmetic3A_3297 = arith.constant 14 : i32
      %shift_right_arithmetic3A_3298 = vector.broadcast %shift_right_arithmetic3A_3297 : i32 to vector<16xi32>
      %shift_right_arithmetic3A_3299 = arith.shrsi %and3A_3296, %shift_right_arithmetic3A_3298 : vector<16xi32>
      %add3A_3300 = arith.addi %add3A_3293, %shift_right_arithmetic3A_3299 : vector<16xi32>
      %swap3A_3301 = arith.constant 384 : index
      %swap3A_3302 = tpu.vector_load %arg6[%swap3A_3301] {strides = array<i32>} : memref<1600xi32, #tpu.memory_space<vmem>>, vector<16xi32>,
      %swap3A_3303 = vector.shape_cast %swap3A_3302 : vector<16xi32> to vector<16xi32>
      %swap3A_3304 = vector.shape_cast %add3A_3300 : vector<16xi32> to vector<16xi32>
      tpu.vector_store %arg6[%swap3A_3301], %swap3A_3304 {strides = array<i32>} : memref<1600xi32, #tpu.memory_space<vmem>>, vector<16xi32>,
      %get3A_3305 = arith.constant 12 : i32
      %get3A_3306 = arith.index_cast %get3A_3305 : i32 to index
      %get3A_3307 = arith.constant 16 : index
      %get3A_3308 = tpu.vector_load %arg5[%get3A_3306, %get3A_3307] {strides = array<i32>} : memref<50x32xi32, #tpu.memory_space<vmem>>, vector<1x16xi32>,
      %get3A_3309 = vector.shape_cast %get3A_3308 : vector<1x16xi32> to vector<16xi32>
      %and3A_3310 = arith.constant -65536 : i32
      %and3A_3311 = vector.broadcast %and3A_3310 : i32 to vector<16xi32>
      %and3A_3312 = arith.andi %get3A_3309, %and3A_3311 : vector<16xi32>
      %and3A_3313 = arith.constant 16383 : i32
      %and3A_3314 = vector.broadcast %and3A_3313 : i32 to vector<16xi32>
      %and3A_3315 = arith.andi %get3A_3309, %and3A_3314 : vector<16xi32>
      %shift_left3A_3316 = arith.constant 2 : i32
      %shift_left3A_3317 = vector.broadcast %shift_left3A_3316 : i32 to vector<16xi32>
      %shift_left3A_3318 = arith.shli %and3A_3315, %shift_left3A_3317 : vector<16xi32>
      %add3A_3319 = arith.addi %and3A_3312, %shift_left3A_3318 : vector<16xi32>
      %and3A_3320 = arith.constant 65535 : i32
      %and3A_3321 = vector.broadcast %and3A_3320 : i32 to vector<16xi32>
      %and3A_3322 = arith.andi %get3A_3309, %and3A_3321 : vector<16xi32>
      %shift_right_arithmetic3A_3323 = arith.constant 14 : i32
      %shift_right_arithmetic3A_3324 = vector.broadcast %shift_right_arithmetic3A_3323 : i32 to vector<16xi32>
      %shift_right_arithmetic3A_3325 = arith.shrsi %and3A_3322, %shift_right_arithmetic3A_3324 : vector<16xi32>
      %add3A_3326 = arith.addi %add3A_3319, %shift_right_arithmetic3A_3325 : vector<16xi32>
      %swap3A_3327 = arith.constant 400 : index
      %swap3A_3328 = tpu.vector_load %arg6[%swap3A_3327] {strides = array<i32>} : memref<1600xi32, #tpu.memory_space<vmem>>, vector<16xi32>,
      %swap3A_3329 = vector.shape_cast %swap3A_3328 : vector<16xi32> to vector<16xi32>
      %swap3A_3330 = vector.shape_cast %add3A_3326 : vector<16xi32> to vector<16xi32>
      tpu.vector_store %arg6[%swap3A_3327], %swap3A_3330 {strides = array<i32>} : memref<1600xi32, #tpu.memory_space<vmem>>, vector<16xi32>,
      %get3A_3331 = arith.constant 13 : i32
      %get3A_3332 = arith.index_cast %get3A_3331 : i32 to index
      %get3A_3333 = arith.constant 0 : index
      %get3A_3334 = tpu.vector_load %arg5[%get3A_3332, %get3A_3333] {strides = array<i32>} : memref<50x32xi32, #tpu.memory_space<vmem>>, vector<1x16xi32>,
      %get3A_3335 = vector.shape_cast %get3A_3334 : vector<1x16xi32> to vector<16xi32>
      %and3A_3336 = arith.constant -65536 : i32
      %and3A_3337 = vector.broadcast %and3A_3336 : i32 to vector<16xi32>
      %and3A_3338 = arith.andi %get3A_3335, %and3A_3337 : vector<16xi32>
      %and3A_3339 = arith.constant 16383 : i32
      %and3A_3340 = vector.broadcast %and3A_3339 : i32 to vector<16xi32>
      %and3A_3341 = arith.andi %get3A_3335, %and3A_3340 : vector<16xi32>
      %shift_left3A_3342 = arith.constant 2 : i32
      %shift_left3A_3343 = vector.broadcast %shift_left3A_3342 : i32 to vector<16xi32>
      %shift_left3A_3344 = arith.shli %and3A_3341, %shift_left3A_3343 : vector<16xi32>
      %add3A_3345 = arith.addi %and3A_3338, %shift_left3A_3344 : vector<16xi32>
      %and3A_3346 = arith.constant 65535 : i32
      %and3A_3347 = vector.broadcast %and3A_3346 : i32 to vector<16xi32>
      %and3A_3348 = arith.andi %get3A_3335, %and3A_3347 : vector<16xi32>
      %shift_right_arithmetic3A_3349 = arith.constant 14 : i32
      %shift_right_arithmetic3A_3350 = vector.broadcast %shift_right_arithmetic3A_3349 : i32 to vector<16xi32>
      %shift_right_arithmetic3A_3351 = arith.shrsi %and3A_3348, %shift_right_arithmetic3A_3350 : vector<16xi32>
      %add3A_3352 = arith.addi %add3A_3345, %shift_right_arithmetic3A_3351 : vector<16xi32>
      %swap3A_3353 = arith.constant 416 : index
      %swap3A_3354 = tpu.vector_load %arg6[%swap3A_3353] {strides = array<i32>} : memref<1600xi32, #tpu.memory_space<vmem>>, vector<16xi32>,
      %swap3A_3355 = vector.shape_cast %swap3A_3354 : vector<16xi32> to vector<16xi32>
      %swap3A_3356 = vector.shape_cast %add3A_3352 : vector<16xi32> to vector<16xi32>
      tpu.vector_store %arg6[%swap3A_3353], %swap3A_3356 {strides = array<i32>} : memref<1600xi32, #tpu.memory_space<vmem>>, vector<16xi32>,
      %get3A_3357 = arith.constant 13 : i32
      %get3A_3358 = arith.index_cast %get3A_3357 : i32 to index
      %get3A_3359 = arith.constant 16 : index
      %get3A_3360 = tpu.vector_load %arg5[%get3A_3358, %get3A_3359] {strides = array<i32>} : memref<50x32xi32, #tpu.memory_space<vmem>>, vector<1x16xi32>,
      %get3A_3361 = vector.shape_cast %get3A_3360 : vector<1x16xi32> to vector<16xi32>
      %and3A_3362 = arith.constant -65536 : i32
      %and3A_3363 = vector.broadcast %and3A_3362 : i32 to vector<16xi32>
      %and3A_3364 = arith.andi %get3A_3361, %and3A_3363 : vector<16xi32>
      %and3A_3365 = arith.constant 16383 : i32
      %and3A_3366 = vector.broadcast %and3A_3365 : i32 to vector<16xi32>
      %and3A_3367 = arith.andi %get3A_3361, %and3A_3366 : vector<16xi32>
      %shift_left3A_3368 = arith.constant 2 : i32
      %shift_left3A_3369 = vector.broadcast %shift_left3A_3368 : i32 to vector<16xi32>
      %shift_left3A_3370 = arith.shli %and3A_3367, %shift_left3A_3369 : vector<16xi32>
      %add3A_3371 = arith.addi %and3A_3364, %shift_left3A_3370 : vector<16xi32>
      %and3A_3372 = arith.constant 65535 : i32
      %and3A_3373 = vector.broadcast %and3A_3372 : i32 to vector<16xi32>
      %and3A_3374 = arith.andi %get3A_3361, %and3A_3373 : vector<16xi32>
      %shift_right_arithmetic3A_3375 = arith.constant 14 : i32
      %shift_right_arithmetic3A_3376 = vector.broadcast %shift_right_arithmetic3A_3375 : i32 to vector<16xi32>
      %shift_right_arithmetic3A_3377 = arith.shrsi %and3A_3374, %shift_right_arithmetic3A_3376 : vector<16xi32>
      %add3A_3378 = arith.addi %add3A_3371, %shift_right_arithmetic3A_3377 : vector<16xi32>
      %swap3A_3379 = arith.constant 432 : index
      %swap3A_3380 = tpu.vector_load %arg6[%swap3A_3379] {strides = array<i32>} : memref<1600xi32, #tpu.memory_space<vmem>>, vector<16xi32>,
      %swap3A_3381 = vector.shape_cast %swap3A_3380 : vector<16xi32> to vector<16xi32>
      %swap3A_3382 = vector.shape_cast %add3A_3378 : vector<16xi32> to vector<16xi32>
      tpu.vector_store %arg6[%swap3A_3379], %swap3A_3382 {strides = array<i32>} : memref<1600xi32, #tpu.memory_space<vmem>>, vector<16xi32>,
      %get3A_3383 = arith.constant 14 : i32
      %get3A_3384 = arith.index_cast %get3A_3383 : i32 to index
      %get3A_3385 = arith.constant 0 : index
      %get3A_3386 = tpu.vector_load %arg5[%get3A_3384, %get3A_3385] {strides = array<i32>} : memref<50x32xi32, #tpu.memory_space<vmem>>, vector<1x16xi32>,
      %get3A_3387 = vector.shape_cast %get3A_3386 : vector<1x16xi32> to vector<16xi32>
      %and3A_3388 = arith.constant -65536 : i32
      %and3A_3389 = vector.broadcast %and3A_3388 : i32 to vector<16xi32>
      %and3A_3390 = arith.andi %get3A_3387, %and3A_3389 : vector<16xi32>
      %and3A_3391 = arith.constant 16383 : i32
      %and3A_3392 = vector.broadcast %and3A_3391 : i32 to vector<16xi32>
      %and3A_3393 = arith.andi %get3A_3387, %and3A_3392 : vector<16xi32>
      %shift_left3A_3394 = arith.constant 2 : i32
      %shift_left3A_3395 = vector.broadcast %shift_left3A_3394 : i32 to vector<16xi32>
      %shift_left3A_3396 = arith.shli %and3A_3393, %shift_left3A_3395 : vector<16xi32>
      %add3A_3397 = arith.addi %and3A_3390, %shift_left3A_3396 : vector<16xi32>
      %and3A_3398 = arith.constant 65535 : i32
      %and3A_3399 = vector.broadcast %and3A_3398 : i32 to vector<16xi32>
      %and3A_3400 = arith.andi %get3A_3387, %and3A_3399 : vector<16xi32>
      %shift_right_arithmetic3A_3401 = arith.constant 14 : i32
      %shift_right_arithmetic3A_3402 = vector.broadcast %shift_right_arithmetic3A_3401 : i32 to vector<16xi32>
      %shift_right_arithmetic3A_3403 = arith.shrsi %and3A_3400, %shift_right_arithmetic3A_3402 : vector<16xi32>
      %add3A_3404 = arith.addi %add3A_3397, %shift_right_arithmetic3A_3403 : vector<16xi32>
      %swap3A_3405 = arith.constant 448 : index
      %swap3A_3406 = tpu.vector_load %arg6[%swap3A_3405] {strides = array<i32>} : memref<1600xi32, #tpu.memory_space<vmem>>, vector<16xi32>,
      %swap3A_3407 = vector.shape_cast %swap3A_3406 : vector<16xi32> to vector<16xi32>
      %swap3A_3408 = vector.shape_cast %add3A_3404 : vector<16xi32> to vector<16xi32>
      tpu.vector_store %arg6[%swap3A_3405], %swap3A_3408 {strides = array<i32>} : memref<1600xi32, #tpu.memory_space<vmem>>, vector<16xi32>,
      %get3A_3409 = arith.constant 14 : i32
      %get3A_3410 = arith.index_cast %get3A_3409 : i32 to index
      %get3A_3411 = arith.constant 16 : index
      %get3A_3412 = tpu.vector_load %arg5[%get3A_3410, %get3A_3411] {strides = array<i32>} : memref<50x32xi32, #tpu.memory_space<vmem>>, vector<1x16xi32>,
      %get3A_3413 = vector.shape_cast %get3A_3412 : vector<1x16xi32> to vector<16xi32>
      %and3A_3414 = arith.constant -65536 : i32
      %and3A_3415 = vector.broadcast %and3A_3414 : i32 to vector<16xi32>
      %and3A_3416 = arith.andi %get3A_3413, %and3A_3415 : vector<16xi32>
      %and3A_3417 = arith.constant 16383 : i32
      %and3A_3418 = vector.broadcast %and3A_3417 : i32 to vector<16xi32>
      %and3A_3419 = arith.andi %get3A_3413, %and3A_3418 : vector<16xi32>
      %shift_left3A_3420 = arith.constant 2 : i32
      %shift_left3A_3421 = vector.broadcast %shift_left3A_3420 : i32 to vector<16xi32>
      %shift_left3A_3422 = arith.shli %and3A_3419, %shift_left3A_3421 : vector<16xi32>
      %add3A_3423 = arith.addi %and3A_3416, %shift_left3A_3422 : vector<16xi32>
      %and3A_3424 = arith.constant 65535 : i32
      %and3A_3425 = vector.broadcast %and3A_3424 : i32 to vector<16xi32>
      %and3A_3426 = arith.andi %get3A_3413, %and3A_3425 : vector<16xi32>
      %shift_right_arithmetic3A_3427 = arith.constant 14 : i32
      %shift_right_arithmetic3A_3428 = vector.broadcast %shift_right_arithmetic3A_3427 : i32 to vector<16xi32>
      %shift_right_arithmetic3A_3429 = arith.shrsi %and3A_3426, %shift_right_arithmetic3A_3428 : vector<16xi32>
      %add3A_3430 = arith.addi %add3A_3423, %shift_right_arithmetic3A_3429 : vector<16xi32>
      %swap3A_3431 = arith.constant 464 : index
      %swap3A_3432 = tpu.vector_load %arg6[%swap3A_3431] {strides = array<i32>} : memref<1600xi32, #tpu.memory_space<vmem>>, vector<16xi32>,
      %swap3A_3433 = vector.shape_cast %swap3A_3432 : vector<16xi32> to vector<16xi32>
      %swap3A_3434 = vector.shape_cast %add3A_3430 : vector<16xi32> to vector<16xi32>
      tpu.vector_store %arg6[%swap3A_3431], %swap3A_3434 {strides = array<i32>} : memref<1600xi32, #tpu.memory_space<vmem>>, vector<16xi32>,
      %get3A_3435 = arith.constant 15 : i32
      %get3A_3436 = arith.index_cast %get3A_3435 : i32 to index
      %get3A_3437 = arith.constant 0 : index
      %get3A_3438 = tpu.vector_load %arg5[%get3A_3436, %get3A_3437] {strides = array<i32>} : memref<50x32xi32, #tpu.memory_space<vmem>>, vector<1x16xi32>,
      %get3A_3439 = vector.shape_cast %get3A_3438 : vector<1x16xi32> to vector<16xi32>
      %and3A_3440 = arith.constant -65536 : i32
      %and3A_3441 = vector.broadcast %and3A_3440 : i32 to vector<16xi32>
      %and3A_3442 = arith.andi %get3A_3439, %and3A_3441 : vector<16xi32>
      %and3A_3443 = arith.constant 16383 : i32
      %and3A_3444 = vector.broadcast %and3A_3443 : i32 to vector<16xi32>
      %and3A_3445 = arith.andi %get3A_3439, %and3A_3444 : vector<16xi32>
      %shift_left3A_3446 = arith.constant 2 : i32
      %shift_left3A_3447 = vector.broadcast %shift_left3A_3446 : i32 to vector<16xi32>
      %shift_left3A_3448 = arith.shli %and3A_3445, %shift_left3A_3447 : vector<16xi32>
      %add3A_3449 = arith.addi %and3A_3442, %shift_left3A_3448 : vector<16xi32>
      %and3A_3450 = arith.constant 65535 : i32
      %and3A_3451 = vector.broadcast %and3A_3450 : i32 to vector<16xi32>
      %and3A_3452 = arith.andi %get3A_3439, %and3A_3451 : vector<16xi32>
      %shift_right_arithmetic3A_3453 = arith.constant 14 : i32
      %shift_right_arithmetic3A_3454 = vector.broadcast %shift_right_arithmetic3A_3453 : i32 to vector<16xi32>
      %shift_right_arithmetic3A_3455 = arith.shrsi %and3A_3452, %shift_right_arithmetic3A_3454 : vector<16xi32>
      %add3A_3456 = arith.addi %add3A_3449, %shift_right_arithmetic3A_3455 : vector<16xi32>
      %swap3A_3457 = arith.constant 480 : index
      %swap3A_3458 = tpu.vector_load %arg6[%swap3A_3457] {strides = array<i32>} : memref<1600xi32, #tpu.memory_space<vmem>>, vector<16xi32>,
      %swap3A_3459 = vector.shape_cast %swap3A_3458 : vector<16xi32> to vector<16xi32>
      %swap3A_3460 = vector.shape_cast %add3A_3456 : vector<16xi32> to vector<16xi32>
      tpu.vector_store %arg6[%swap3A_3457], %swap3A_3460 {strides = array<i32>} : memref<1600xi32, #tpu.memory_space<vmem>>, vector<16xi32>,
      %get3A_3461 = arith.constant 15 : i32
      %get3A_3462 = arith.index_cast %get3A_3461 : i32 to index
      %get3A_3463 = arith.constant 16 : index
      %get3A_3464 = tpu.vector_load %arg5[%get3A_3462, %get3A_3463] {strides = array<i32>} : memref<50x32xi32, #tpu.memory_space<vmem>>, vector<1x16xi32>,
      %get3A_3465 = vector.shape_cast %get3A_3464 : vector<1x16xi32> to vector<16xi32>
      %and3A_3466 = arith.constant -65536 : i32
      %and3A_3467 = vector.broadcast %and3A_3466 : i32 to vector<16xi32>
      %and3A_3468 = arith.andi %get3A_3465, %and3A_3467 : vector<16xi32>
      %and3A_3469 = arith.constant 16383 : i32
      %and3A_3470 = vector.broadcast %and3A_3469 : i32 to vector<16xi32>
      %and3A_3471 = arith.andi %get3A_3465, %and3A_3470 : vector<16xi32>
      %shift_left3A_3472 = arith.constant 2 : i32
      %shift_left3A_3473 = vector.broadcast %shift_left3A_3472 : i32 to vector<16xi32>
      %shift_left3A_3474 = arith.shli %and3A_3471, %shift_left3A_3473 : vector<16xi32>
      %add3A_3475 = arith.addi %and3A_3468, %shift_left3A_3474 : vector<16xi32>
      %and3A_3476 = arith.constant 65535 : i32
      %and3A_3477 = vector.broadcast %and3A_3476 : i32 to vector<16xi32>
      %and3A_3478 = arith.andi %get3A_3465, %and3A_3477 : vector<16xi32>
      %shift_right_arithmetic3A_3479 = arith.constant 14 : i32
      %shift_right_arithmetic3A_3480 = vector.broadcast %shift_right_arithmetic3A_3479 : i32 to vector<16xi32>
      %shift_right_arithmetic3A_3481 = arith.shrsi %and3A_3478, %shift_right_arithmetic3A_3480 : vector<16xi32>
      %add3A_3482 = arith.addi %add3A_3475, %shift_right_arithmetic3A_3481 : vector<16xi32>
      %swap3A_3483 = arith.constant 496 : index
      %swap3A_3484 = tpu.vector_load %arg6[%swap3A_3483] {strides = array<i32>} : memref<1600xi32, #tpu.memory_space<vmem>>, vector<16xi32>,
      %swap3A_3485 = vector.shape_cast %swap3A_3484 : vector<16xi32> to vector<16xi32>
      %swap3A_3486 = vector.shape_cast %add3A_3482 : vector<16xi32> to vector<16xi32>
      tpu.vector_store %arg6[%swap3A_3483], %swap3A_3486 {strides = array<i32>} : memref<1600xi32, #tpu.memory_space<vmem>>, vector<16xi32>,
      %get3A_3487 = arith.constant 16 : i32
      %get3A_3488 = arith.index_cast %get3A_3487 : i32 to index
      %get3A_3489 = arith.constant 0 : index
      %get3A_3490 = tpu.vector_load %arg5[%get3A_3488, %get3A_3489] {strides = array<i32>} : memref<50x32xi32, #tpu.memory_space<vmem>>, vector<1x16xi32>,
      %get3A_3491 = vector.shape_cast %get3A_3490 : vector<1x16xi32> to vector<16xi32>
      %and3A_3492 = arith.constant -65536 : i32
      %and3A_3493 = vector.broadcast %and3A_3492 : i32 to vector<16xi32>
      %and3A_3494 = arith.andi %get3A_3491, %and3A_3493 : vector<16xi32>
      %and3A_3495 = arith.constant 16383 : i32
      %and3A_3496 = vector.broadcast %and3A_3495 : i32 to vector<16xi32>
      %and3A_3497 = arith.andi %get3A_3491, %and3A_3496 : vector<16xi32>
      %shift_left3A_3498 = arith.constant 2 : i32
      %shift_left3A_3499 = vector.broadcast %shift_left3A_3498 : i32 to vector<16xi32>
      %shift_left3A_3500 = arith.shli %and3A_3497, %shift_left3A_3499 : vector<16xi32>
      %add3A_3501 = arith.addi %and3A_3494, %shift_left3A_3500 : vector<16xi32>
      %and3A_3502 = arith.constant 65535 : i32
      %and3A_3503 = vector.broadcast %and3A_3502 : i32 to vector<16xi32>
      %and3A_3504 = arith.andi %get3A_3491, %and3A_3503 : vector<16xi32>
      %shift_right_arithmetic3A_3505 = arith.constant 14 : i32
      %shift_right_arithmetic3A_3506 = vector.broadcast %shift_right_arithmetic3A_3505 : i32 to vector<16xi32>
      %shift_right_arithmetic3A_3507 = arith.shrsi %and3A_3504, %shift_right_arithmetic3A_3506 : vector<16xi32>
      %add3A_3508 = arith.addi %add3A_3501, %shift_right_arithmetic3A_3507 : vector<16xi32>
      %swap3A_3509 = arith.constant 512 : index
      %swap3A_3510 = tpu.vector_load %arg6[%swap3A_3509] {strides = array<i32>} : memref<1600xi32, #tpu.memory_space<vmem>>, vector<16xi32>,
      %swap3A_3511 = vector.shape_cast %swap3A_3510 : vector<16xi32> to vector<16xi32>
      %swap3A_3512 = vector.shape_cast %add3A_3508 : vector<16xi32> to vector<16xi32>
      tpu.vector_store %arg6[%swap3A_3509], %swap3A_3512 {strides = array<i32>} : memref<1600xi32, #tpu.memory_space<vmem>>, vector<16xi32>,
      %get3A_3513 = arith.constant 16 : i32
      %get3A_3514 = arith.index_cast %get3A_3513 : i32 to index
      %get3A_3515 = arith.constant 16 : index
      %get3A_3516 = tpu.vector_load %arg5[%get3A_3514, %get3A_3515] {strides = array<i32>} : memref<50x32xi32, #tpu.memory_space<vmem>>, vector<1x16xi32>,
      %get3A_3517 = vector.shape_cast %get3A_3516 : vector<1x16xi32> to vector<16xi32>
      %and3A_3518 = arith.constant -65536 : i32
      %and3A_3519 = vector.broadcast %and3A_3518 : i32 to vector<16xi32>
      %and3A_3520 = arith.andi %get3A_3517, %and3A_3519 : vector<16xi32>
      %and3A_3521 = arith.constant 16383 : i32
      %and3A_3522 = vector.broadcast %and3A_3521 : i32 to vector<16xi32>
      %and3A_3523 = arith.andi %get3A_3517, %and3A_3522 : vector<16xi32>
      %shift_left3A_3524 = arith.constant 2 : i32
      %shift_left3A_3525 = vector.broadcast %shift_left3A_3524 : i32 to vector<16xi32>
      %shift_left3A_3526 = arith.shli %and3A_3523, %shift_left3A_3525 : vector<16xi32>
      %add3A_3527 = arith.addi %and3A_3520, %shift_left3A_3526 : vector<16xi32>
      %and3A_3528 = arith.constant 65535 : i32
      %and3A_3529 = vector.broadcast %and3A_3528 : i32 to vector<16xi32>
      %and3A_3530 = arith.andi %get3A_3517, %and3A_3529 : vector<16xi32>
      %shift_right_arithmetic3A_3531 = arith.constant 14 : i32
      %shift_right_arithmetic3A_3532 = vector.broadcast %shift_right_arithmetic3A_3531 : i32 to vector<16xi32>
      %shift_right_arithmetic3A_3533 = arith.shrsi %and3A_3530, %shift_right_arithmetic3A_3532 : vector<16xi32>
      %add3A_3534 = arith.addi %add3A_3527, %shift_right_arithmetic3A_3533 : vector<16xi32>
      %swap3A_3535 = arith.constant 528 : index
      %swap3A_3536 = tpu.vector_load %arg6[%swap3A_3535] {strides = array<i32>} : memref<1600xi32, #tpu.memory_space<vmem>>, vector<16xi32>,
      %swap3A_3537 = vector.shape_cast %swap3A_3536 : vector<16xi32> to vector<16xi32>
      %swap3A_3538 = vector.shape_cast %add3A_3534 : vector<16xi32> to vector<16xi32>
      tpu.vector_store %arg6[%swap3A_3535], %swap3A_3538 {strides = array<i32>} : memref<1600xi32, #tpu.memory_space<vmem>>, vector<16xi32>,
      %get3A_3539 = arith.constant 17 : i32
      %get3A_3540 = arith.index_cast %get3A_3539 : i32 to index
      %get3A_3541 = arith.constant 0 : index
      %get3A_3542 = tpu.vector_load %arg5[%get3A_3540, %get3A_3541] {strides = array<i32>} : memref<50x32xi32, #tpu.memory_space<vmem>>, vector<1x16xi32>,
      %get3A_3543 = vector.shape_cast %get3A_3542 : vector<1x16xi32> to vector<16xi32>
      %and3A_3544 = arith.constant -65536 : i32
      %and3A_3545 = vector.broadcast %and3A_3544 : i32 to vector<16xi32>
      %and3A_3546 = arith.andi %get3A_3543, %and3A_3545 : vector<16xi32>
      %and3A_3547 = arith.constant 16383 : i32
      %and3A_3548 = vector.broadcast %and3A_3547 : i32 to vector<16xi32>
      %and3A_3549 = arith.andi %get3A_3543, %and3A_3548 : vector<16xi32>
      %shift_left3A_3550 = arith.constant 2 : i32
      %shift_left3A_3551 = vector.broadcast %shift_left3A_3550 : i32 to vector<16xi32>
      %shift_left3A_3552 = arith.shli %and3A_3549, %shift_left3A_3551 : vector<16xi32>
      %add3A_3553 = arith.addi %and3A_3546, %shift_left3A_3552 : vector<16xi32>
      %and3A_3554 = arith.constant 65535 : i32
      %and3A_3555 = vector.broadcast %and3A_3554 : i32 to vector<16xi32>
      %and3A_3556 = arith.andi %get3A_3543, %and3A_3555 : vector<16xi32>
      %shift_right_arithmetic3A_3557 = arith.constant 14 : i32
      %shift_right_arithmetic3A_3558 = vector.broadcast %shift_right_arithmetic3A_3557 : i32 to vector<16xi32>
      %shift_right_arithmetic3A_3559 = arith.shrsi %and3A_3556, %shift_right_arithmetic3A_3558 : vector<16xi32>
      %add3A_3560 = arith.addi %add3A_3553, %shift_right_arithmetic3A_3559 : vector<16xi32>
      %swap3A_3561 = arith.constant 544 : index
      %swap3A_3562 = tpu.vector_load %arg6[%swap3A_3561] {strides = array<i32>} : memref<1600xi32, #tpu.memory_space<vmem>>, vector<16xi32>,
      %swap3A_3563 = vector.shape_cast %swap3A_3562 : vector<16xi32> to vector<16xi32>
      %swap3A_3564 = vector.shape_cast %add3A_3560 : vector<16xi32> to vector<16xi32>
      tpu.vector_store %arg6[%swap3A_3561], %swap3A_3564 {strides = array<i32>} : memref<1600xi32, #tpu.memory_space<vmem>>, vector<16xi32>,
      %get3A_3565 = arith.constant 17 : i32
      %get3A_3566 = arith.index_cast %get3A_3565 : i32 to index
      %get3A_3567 = arith.constant 16 : index
      %get3A_3568 = tpu.vector_load %arg5[%get3A_3566, %get3A_3567] {strides = array<i32>} : memref<50x32xi32, #tpu.memory_space<vmem>>, vector<1x16xi32>,
      %get3A_3569 = vector.shape_cast %get3A_3568 : vector<1x16xi32> to vector<16xi32>
      %and3A_3570 = arith.constant -65536 : i32
      %and3A_3571 = vector.broadcast %and3A_3570 : i32 to vector<16xi32>
      %and3A_3572 = arith.andi %get3A_3569, %and3A_3571 : vector<16xi32>
      %and3A_3573 = arith.constant 16383 : i32
      %and3A_3574 = vector.broadcast %and3A_3573 : i32 to vector<16xi32>
      %and3A_3575 = arith.andi %get3A_3569, %and3A_3574 : vector<16xi32>
      %shift_left3A_3576 = arith.constant 2 : i32
      %shift_left3A_3577 = vector.broadcast %shift_left3A_3576 : i32 to vector<16xi32>
      %shift_left3A_3578 = arith.shli %and3A_3575, %shift_left3A_3577 : vector<16xi32>
      %add3A_3579 = arith.addi %and3A_3572, %shift_left3A_3578 : vector<16xi32>
      %and3A_3580 = arith.constant 65535 : i32
      %and3A_3581 = vector.broadcast %and3A_3580 : i32 to vector<16xi32>
      %and3A_3582 = arith.andi %get3A_3569, %and3A_3581 : vector<16xi32>
      %shift_right_arithmetic3A_3583 = arith.constant 14 : i32
      %shift_right_arithmetic3A_3584 = vector.broadcast %shift_right_arithmetic3A_3583 : i32 to vector<16xi32>
      %shift_right_arithmetic3A_3585 = arith.shrsi %and3A_3582, %shift_right_arithmetic3A_3584 : vector<16xi32>
      %add3A_3586 = arith.addi %add3A_3579, %shift_right_arithmetic3A_3585 : vector<16xi32>
      %swap3A_3587 = arith.constant 560 : index
      %swap3A_3588 = tpu.vector_load %arg6[%swap3A_3587] {strides = array<i32>} : memref<1600xi32, #tpu.memory_space<vmem>>, vector<16xi32>,
      %swap3A_3589 = vector.shape_cast %swap3A_3588 : vector<16xi32> to vector<16xi32>
      %swap3A_3590 = vector.shape_cast %add3A_3586 : vector<16xi32> to vector<16xi32>
      tpu.vector_store %arg6[%swap3A_3587], %swap3A_3590 {strides = array<i32>} : memref<1600xi32, #tpu.memory_space<vmem>>, vector<16xi32>,
      %get3A_3591 = arith.constant 18 : i32
      %get3A_3592 = arith.index_cast %get3A_3591 : i32 to index
      %get3A_3593 = arith.constant 0 : index
      %get3A_3594 = tpu.vector_load %arg5[%get3A_3592, %get3A_3593] {strides = array<i32>} : memref<50x32xi32, #tpu.memory_space<vmem>>, vector<1x16xi32>,
      %get3A_3595 = vector.shape_cast %get3A_3594 : vector<1x16xi32> to vector<16xi32>
      %and3A_3596 = arith.constant -65536 : i32
      %and3A_3597 = vector.broadcast %and3A_3596 : i32 to vector<16xi32>
      %and3A_3598 = arith.andi %get3A_3595, %and3A_3597 : vector<16xi32>
      %and3A_3599 = arith.constant 16383 : i32
      %and3A_3600 = vector.broadcast %and3A_3599 : i32 to vector<16xi32>
      %and3A_3601 = arith.andi %get3A_3595, %and3A_3600 : vector<16xi32>
      %shift_left3A_3602 = arith.constant 2 : i32
      %shift_left3A_3603 = vector.broadcast %shift_left3A_3602 : i32 to vector<16xi32>
      %shift_left3A_3604 = arith.shli %and3A_3601, %shift_left3A_3603 : vector<16xi32>
      %add3A_3605 = arith.addi %and3A_3598, %shift_left3A_3604 : vector<16xi32>
      %and3A_3606 = arith.constant 65535 : i32
      %and3A_3607 = vector.broadcast %and3A_3606 : i32 to vector<16xi32>
      %and3A_3608 = arith.andi %get3A_3595, %and3A_3607 : vector<16xi32>
      %shift_right_arithmetic3A_3609 = arith.constant 14 : i32
      %shift_right_arithmetic3A_3610 = vector.broadcast %shift_right_arithmetic3A_3609 : i32 to vector<16xi32>
      %shift_right_arithmetic3A_3611 = arith.shrsi %and3A_3608, %shift_right_arithmetic3A_3610 : vector<16xi32>
      %add3A_3612 = arith.addi %add3A_3605, %shift_right_arithmetic3A_3611 : vector<16xi32>
      %swap3A_3613 = arith.constant 576 : index
      %swap3A_3614 = tpu.vector_load %arg6[%swap3A_3613] {strides = array<i32>} : memref<1600xi32, #tpu.memory_space<vmem>>, vector<16xi32>,
      %swap3A_3615 = vector.shape_cast %swap3A_3614 : vector<16xi32> to vector<16xi32>
      %swap3A_3616 = vector.shape_cast %add3A_3612 : vector<16xi32> to vector<16xi32>
      tpu.vector_store %arg6[%swap3A_3613], %swap3A_3616 {strides = array<i32>} : memref<1600xi32, #tpu.memory_space<vmem>>, vector<16xi32>,
      %get3A_3617 = arith.constant 18 : i32
      %get3A_3618 = arith.index_cast %get3A_3617 : i32 to index
      %get3A_3619 = arith.constant 16 : index
      %get3A_3620 = tpu.vector_load %arg5[%get3A_3618, %get3A_3619] {strides = array<i32>} : memref<50x32xi32, #tpu.memory_space<vmem>>, vector<1x16xi32>,
      %get3A_3621 = vector.shape_cast %get3A_3620 : vector<1x16xi32> to vector<16xi32>
      %and3A_3622 = arith.constant -65536 : i32
      %and3A_3623 = vector.broadcast %and3A_3622 : i32 to vector<16xi32>
      %and3A_3624 = arith.andi %get3A_3621, %and3A_3623 : vector<16xi32>
      %and3A_3625 = arith.constant 16383 : i32
      %and3A_3626 = vector.broadcast %and3A_3625 : i32 to vector<16xi32>
      %and3A_3627 = arith.andi %get3A_3621, %and3A_3626 : vector<16xi32>
      %shift_left3A_3628 = arith.constant 2 : i32
      %shift_left3A_3629 = vector.broadcast %shift_left3A_3628 : i32 to vector<16xi32>
      %shift_left3A_3630 = arith.shli %and3A_3627, %shift_left3A_3629 : vector<16xi32>
      %add3A_3631 = arith.addi %and3A_3624, %shift_left3A_3630 : vector<16xi32>
      %and3A_3632 = arith.constant 65535 : i32
      %and3A_3633 = vector.broadcast %and3A_3632 : i32 to vector<16xi32>
      %and3A_3634 = arith.andi %get3A_3621, %and3A_3633 : vector<16xi32>
      %shift_right_arithmetic3A_3635 = arith.constant 14 : i32
      %shift_right_arithmetic3A_3636 = vector.broadcast %shift_right_arithmetic3A_3635 : i32 to vector<16xi32>
      %shift_right_arithmetic3A_3637 = arith.shrsi %and3A_3634, %shift_right_arithmetic3A_3636 : vector<16xi32>
      %add3A_3638 = arith.addi %add3A_3631, %shift_right_arithmetic3A_3637 : vector<16xi32>
      %swap3A_3639 = arith.constant 592 : index
      %swap3A_3640 = tpu.vector_load %arg6[%swap3A_3639] {strides = array<i32>} : memref<1600xi32, #tpu.memory_space<vmem>>, vector<16xi32>,
      %swap3A_3641 = vector.shape_cast %swap3A_3640 : vector<16xi32> to vector<16xi32>
      %swap3A_3642 = vector.shape_cast %add3A_3638 : vector<16xi32> to vector<16xi32>
      tpu.vector_store %arg6[%swap3A_3639], %swap3A_3642 {strides = array<i32>} : memref<1600xi32, #tpu.memory_space<vmem>>, vector<16xi32>,
      %get3A_3643 = arith.constant 19 : i32
      %get3A_3644 = arith.index_cast %get3A_3643 : i32 to index
      %get3A_3645 = arith.constant 0 : index
      %get3A_3646 = tpu.vector_load %arg5[%get3A_3644, %get3A_3645] {strides = array<i32>} : memref<50x32xi32, #tpu.memory_space<vmem>>, vector<1x16xi32>,
      %get3A_3647 = vector.shape_cast %get3A_3646 : vector<1x16xi32> to vector<16xi32>
      %and3A_3648 = arith.constant -65536 : i32
      %and3A_3649 = vector.broadcast %and3A_3648 : i32 to vector<16xi32>
      %and3A_3650 = arith.andi %get3A_3647, %and3A_3649 : vector<16xi32>
      %and3A_3651 = arith.constant 16383 : i32
      %and3A_3652 = vector.broadcast %and3A_3651 : i32 to vector<16xi32>
      %and3A_3653 = arith.andi %get3A_3647, %and3A_3652 : vector<16xi32>
      %shift_left3A_3654 = arith.constant 2 : i32
      %shift_left3A_3655 = vector.broadcast %shift_left3A_3654 : i32 to vector<16xi32>
      %shift_left3A_3656 = arith.shli %and3A_3653, %shift_left3A_3655 : vector<16xi32>
      %add3A_3657 = arith.addi %and3A_3650, %shift_left3A_3656 : vector<16xi32>
      %and3A_3658 = arith.constant 65535 : i32
      %and3A_3659 = vector.broadcast %and3A_3658 : i32 to vector<16xi32>
      %and3A_3660 = arith.andi %get3A_3647, %and3A_3659 : vector<16xi32>
      %shift_right_arithmetic3A_3661 = arith.constant 14 : i32
      %shift_right_arithmetic3A_3662 = vector.broadcast %shift_right_arithmetic3A_3661 : i32 to vector<16xi32>
      %shift_right_arithmetic3A_3663 = arith.shrsi %and3A_3660, %shift_right_arithmetic3A_3662 : vector<16xi32>
      %add3A_3664 = arith.addi %add3A_3657, %shift_right_arithmetic3A_3663 : vector<16xi32>
      %swap3A_3665 = arith.constant 608 : index
      %swap3A_3666 = tpu.vector_load %arg6[%swap3A_3665] {strides = array<i32>} : memref<1600xi32, #tpu.memory_space<vmem>>, vector<16xi32>,
      %swap3A_3667 = vector.shape_cast %swap3A_3666 : vector<16xi32> to vector<16xi32>
      %swap3A_3668 = vector.shape_cast %add3A_3664 : vector<16xi32> to vector<16xi32>
      tpu.vector_store %arg6[%swap3A_3665], %swap3A_3668 {strides = array<i32>} : memref<1600xi32, #tpu.memory_space<vmem>>, vector<16xi32>,
      %get3A_3669 = arith.constant 19 : i32
      %get3A_3670 = arith.index_cast %get3A_3669 : i32 to index
      %get3A_3671 = arith.constant 16 : index
      %get3A_3672 = tpu.vector_load %arg5[%get3A_3670, %get3A_3671] {strides = array<i32>} : memref<50x32xi32, #tpu.memory_space<vmem>>, vector<1x16xi32>,
      %get3A_3673 = vector.shape_cast %get3A_3672 : vector<1x16xi32> to vector<16xi32>
      %and3A_3674 = arith.constant -65536 : i32
      %and3A_3675 = vector.broadcast %and3A_3674 : i32 to vector<16xi32>
      %and3A_3676 = arith.andi %get3A_3673, %and3A_3675 : vector<16xi32>
      %and3A_3677 = arith.constant 16383 : i32
      %and3A_3678 = vector.broadcast %and3A_3677 : i32 to vector<16xi32>
      %and3A_3679 = arith.andi %get3A_3673, %and3A_3678 : vector<16xi32>
      %shift_left3A_3680 = arith.constant 2 : i32
      %shift_left3A_3681 = vector.broadcast %shift_left3A_3680 : i32 to vector<16xi32>
      %shift_left3A_3682 = arith.shli %and3A_3679, %shift_left3A_3681 : vector<16xi32>
      %add3A_3683 = arith.addi %and3A_3676, %shift_left3A_3682 : vector<16xi32>
      %and3A_3684 = arith.constant 65535 : i32
      %and3A_3685 = vector.broadcast %and3A_3684 : i32 to vector<16xi32>
      %and3A_3686 = arith.andi %get3A_3673, %and3A_3685 : vector<16xi32>
      %shift_right_arithmetic3A_3687 = arith.constant 14 : i32
      %shift_right_arithmetic3A_3688 = vector.broadcast %shift_right_arithmetic3A_3687 : i32 to vector<16xi32>
      %shift_right_arithmetic3A_3689 = arith.shrsi %and3A_3686, %shift_right_arithmetic3A_3688 : vector<16xi32>
      %add3A_3690 = arith.addi %add3A_3683, %shift_right_arithmetic3A_3689 : vector<16xi32>
      %swap3A_3691 = arith.constant 624 : index
      %swap3A_3692 = tpu.vector_load %arg6[%swap3A_3691] {strides = array<i32>} : memref<1600xi32, #tpu.memory_space<vmem>>, vector<16xi32>,
      %swap3A_3693 = vector.shape_cast %swap3A_3692 : vector<16xi32> to vector<16xi32>
      %swap3A_3694 = vector.shape_cast %add3A_3690 : vector<16xi32> to vector<16xi32>
      tpu.vector_store %arg6[%swap3A_3691], %swap3A_3694 {strides = array<i32>} : memref<1600xi32, #tpu.memory_space<vmem>>, vector<16xi32>,
      %get3A_3695 = arith.constant 20 : i32
      %get3A_3696 = arith.index_cast %get3A_3695 : i32 to index
      %get3A_3697 = arith.constant 0 : index
      %get3A_3698 = tpu.vector_load %arg5[%get3A_3696, %get3A_3697] {strides = array<i32>} : memref<50x32xi32, #tpu.memory_space<vmem>>, vector<1x16xi32>,
      %get3A_3699 = vector.shape_cast %get3A_3698 : vector<1x16xi32> to vector<16xi32>
      %and3A_3700 = arith.constant -65536 : i32
      %and3A_3701 = vector.broadcast %and3A_3700 : i32 to vector<16xi32>
      %and3A_3702 = arith.andi %get3A_3699, %and3A_3701 : vector<16xi32>
      %and3A_3703 = arith.constant 16383 : i32
      %and3A_3704 = vector.broadcast %and3A_3703 : i32 to vector<16xi32>
      %and3A_3705 = arith.andi %get3A_3699, %and3A_3704 : vector<16xi32>
      %shift_left3A_3706 = arith.constant 2 : i32
      %shift_left3A_3707 = vector.broadcast %shift_left3A_3706 : i32 to vector<16xi32>
      %shift_left3A_3708 = arith.shli %and3A_3705, %shift_left3A_3707 : vector<16xi32>
      %add3A_3709 = arith.addi %and3A_3702, %shift_left3A_3708 : vector<16xi32>
      %and3A_3710 = arith.constant 65535 : i32
      %and3A_3711 = vector.broadcast %and3A_3710 : i32 to vector<16xi32>
      %and3A_3712 = arith.andi %get3A_3699, %and3A_3711 : vector<16xi32>
      %shift_right_arithmetic3A_3713 = arith.constant 14 : i32
      %shift_right_arithmetic3A_3714 = vector.broadcast %shift_right_arithmetic3A_3713 : i32 to vector<16xi32>
      %shift_right_arithmetic3A_3715 = arith.shrsi %and3A_3712, %shift_right_arithmetic3A_3714 : vector<16xi32>
      %add3A_3716 = arith.addi %add3A_3709, %shift_right_arithmetic3A_3715 : vector<16xi32>
      %swap3A_3717 = arith.constant 640 : index
      %swap3A_3718 = tpu.vector_load %arg6[%swap3A_3717] {strides = array<i32>} : memref<1600xi32, #tpu.memory_space<vmem>>, vector<16xi32>,
      %swap3A_3719 = vector.shape_cast %swap3A_3718 : vector<16xi32> to vector<16xi32>
      %swap3A_3720 = vector.shape_cast %add3A_3716 : vector<16xi32> to vector<16xi32>
      tpu.vector_store %arg6[%swap3A_3717], %swap3A_3720 {strides = array<i32>} : memref<1600xi32, #tpu.memory_space<vmem>>, vector<16xi32>,
      %get3A_3721 = arith.constant 20 : i32
      %get3A_3722 = arith.index_cast %get3A_3721 : i32 to index
      %get3A_3723 = arith.constant 16 : index
      %get3A_3724 = tpu.vector_load %arg5[%get3A_3722, %get3A_3723] {strides = array<i32>} : memref<50x32xi32, #tpu.memory_space<vmem>>, vector<1x16xi32>,
      %get3A_3725 = vector.shape_cast %get3A_3724 : vector<1x16xi32> to vector<16xi32>
      %and3A_3726 = arith.constant -65536 : i32
      %and3A_3727 = vector.broadcast %and3A_3726 : i32 to vector<16xi32>
      %and3A_3728 = arith.andi %get3A_3725, %and3A_3727 : vector<16xi32>
      %and3A_3729 = arith.constant 16383 : i32
      %and3A_3730 = vector.broadcast %and3A_3729 : i32 to vector<16xi32>
      %and3A_3731 = arith.andi %get3A_3725, %and3A_3730 : vector<16xi32>
      %shift_left3A_3732 = arith.constant 2 : i32
      %shift_left3A_3733 = vector.broadcast %shift_left3A_3732 : i32 to vector<16xi32>
      %shift_left3A_3734 = arith.shli %and3A_3731, %shift_left3A_3733 : vector<16xi32>
      %add3A_3735 = arith.addi %and3A_3728, %shift_left3A_3734 : vector<16xi32>
      %and3A_3736 = arith.constant 65535 : i32
      %and3A_3737 = vector.broadcast %and3A_3736 : i32 to vector<16xi32>
      %and3A_3738 = arith.andi %get3A_3725, %and3A_3737 : vector<16xi32>
      %shift_right_arithmetic3A_3739 = arith.constant 14 : i32
      %shift_right_arithmetic3A_3740 = vector.broadcast %shift_right_arithmetic3A_3739 : i32 to vector<16xi32>
      %shift_right_arithmetic3A_3741 = arith.shrsi %and3A_3738, %shift_right_arithmetic3A_3740 : vector<16xi32>
      %add3A_3742 = arith.addi %add3A_3735, %shift_right_arithmetic3A_3741 : vector<16xi32>
      %swap3A_3743 = arith.constant 656 : index
      %swap3A_3744 = tpu.vector_load %arg6[%swap3A_3743] {strides = array<i32>} : memref<1600xi32, #tpu.memory_space<vmem>>, vector<16xi32>,
      %swap3A_3745 = vector.shape_cast %swap3A_3744 : vector<16xi32> to vector<16xi32>
      %swap3A_3746 = vector.shape_cast %add3A_3742 : vector<16xi32> to vector<16xi32>
      tpu.vector_store %arg6[%swap3A_3743], %swap3A_3746 {strides = array<i32>} : memref<1600xi32, #tpu.memory_space<vmem>>, vector<16xi32>,
      %get3A_3747 = arith.constant 21 : i32
      %get3A_3748 = arith.index_cast %get3A_3747 : i32 to index
      %get3A_3749 = arith.constant 0 : index
      %get3A_3750 = tpu.vector_load %arg5[%get3A_3748, %get3A_3749] {strides = array<i32>} : memref<50x32xi32, #tpu.memory_space<vmem>>, vector<1x16xi32>,
      %get3A_3751 = vector.shape_cast %get3A_3750 : vector<1x16xi32> to vector<16xi32>
      %and3A_3752 = arith.constant -65536 : i32
      %and3A_3753 = vector.broadcast %and3A_3752 : i32 to vector<16xi32>
      %and3A_3754 = arith.andi %get3A_3751, %and3A_3753 : vector<16xi32>
      %and3A_3755 = arith.constant 16383 : i32
      %and3A_3756 = vector.broadcast %and3A_3755 : i32 to vector<16xi32>
      %and3A_3757 = arith.andi %get3A_3751, %and3A_3756 : vector<16xi32>
      %shift_left3A_3758 = arith.constant 2 : i32
      %shift_left3A_3759 = vector.broadcast %shift_left3A_3758 : i32 to vector<16xi32>
      %shift_left3A_3760 = arith.shli %and3A_3757, %shift_left3A_3759 : vector<16xi32>
      %add3A_3761 = arith.addi %and3A_3754, %shift_left3A_3760 : vector<16xi32>
      %and3A_3762 = arith.constant 65535 : i32
      %and3A_3763 = vector.broadcast %and3A_3762 : i32 to vector<16xi32>
      %and3A_3764 = arith.andi %get3A_3751, %and3A_3763 : vector<16xi32>
      %shift_right_arithmetic3A_3765 = arith.constant 14 : i32
      %shift_right_arithmetic3A_3766 = vector.broadcast %shift_right_arithmetic3A_3765 : i32 to vector<16xi32>
      %shift_right_arithmetic3A_3767 = arith.shrsi %and3A_3764, %shift_right_arithmetic3A_3766 : vector<16xi32>
      %add3A_3768 = arith.addi %add3A_3761, %shift_right_arithmetic3A_3767 : vector<16xi32>
      %swap3A_3769 = arith.constant 672 : index
      %swap3A_3770 = tpu.vector_load %arg6[%swap3A_3769] {strides = array<i32>} : memref<1600xi32, #tpu.memory_space<vmem>>, vector<16xi32>,
      %swap3A_3771 = vector.shape_cast %swap3A_3770 : vector<16xi32> to vector<16xi32>
      %swap3A_3772 = vector.shape_cast %add3A_3768 : vector<16xi32> to vector<16xi32>
      tpu.vector_store %arg6[%swap3A_3769], %swap3A_3772 {strides = array<i32>} : memref<1600xi32, #tpu.memory_space<vmem>>, vector<16xi32>,
      %get3A_3773 = arith.constant 21 : i32
      %get3A_3774 = arith.index_cast %get3A_3773 : i32 to index
      %get3A_3775 = arith.constant 16 : index
      %get3A_3776 = tpu.vector_load %arg5[%get3A_3774, %get3A_3775] {strides = array<i32>} : memref<50x32xi32, #tpu.memory_space<vmem>>, vector<1x16xi32>,
      %get3A_3777 = vector.shape_cast %get3A_3776 : vector<1x16xi32> to vector<16xi32>
      %and3A_3778 = arith.constant -65536 : i32
      %and3A_3779 = vector.broadcast %and3A_3778 : i32 to vector<16xi32>
      %and3A_3780 = arith.andi %get3A_3777, %and3A_3779 : vector<16xi32>
      %and3A_3781 = arith.constant 16383 : i32
      %and3A_3782 = vector.broadcast %and3A_3781 : i32 to vector<16xi32>
      %and3A_3783 = arith.andi %get3A_3777, %and3A_3782 : vector<16xi32>
      %shift_left3A_3784 = arith.constant 2 : i32
      %shift_left3A_3785 = vector.broadcast %shift_left3A_3784 : i32 to vector<16xi32>
      %shift_left3A_3786 = arith.shli %and3A_3783, %shift_left3A_3785 : vector<16xi32>
      %add3A_3787 = arith.addi %and3A_3780, %shift_left3A_3786 : vector<16xi32>
      %and3A_3788 = arith.constant 65535 : i32
      %and3A_3789 = vector.broadcast %and3A_3788 : i32 to vector<16xi32>
      %and3A_3790 = arith.andi %get3A_3777, %and3A_3789 : vector<16xi32>
      %shift_right_arithmetic3A_3791 = arith.constant 14 : i32
      %shift_right_arithmetic3A_3792 = vector.broadcast %shift_right_arithmetic3A_3791 : i32 to vector<16xi32>
      %shift_right_arithmetic3A_3793 = arith.shrsi %and3A_3790, %shift_right_arithmetic3A_3792 : vector<16xi32>
      %add3A_3794 = arith.addi %add3A_3787, %shift_right_arithmetic3A_3793 : vector<16xi32>
      %swap3A_3795 = arith.constant 688 : index
      %swap3A_3796 = tpu.vector_load %arg6[%swap3A_3795] {strides = array<i32>} : memref<1600xi32, #tpu.memory_space<vmem>>, vector<16xi32>,
      %swap3A_3797 = vector.shape_cast %swap3A_3796 : vector<16xi32> to vector<16xi32>
      %swap3A_3798 = vector.shape_cast %add3A_3794 : vector<16xi32> to vector<16xi32>
      tpu.vector_store %arg6[%swap3A_3795], %swap3A_3798 {strides = array<i32>} : memref<1600xi32, #tpu.memory_space<vmem>>, vector<16xi32>,
      %get3A_3799 = arith.constant 22 : i32
      %get3A_3800 = arith.index_cast %get3A_3799 : i32 to index
      %get3A_3801 = arith.constant 0 : index
      %get3A_3802 = tpu.vector_load %arg5[%get3A_3800, %get3A_3801] {strides = array<i32>} : memref<50x32xi32, #tpu.memory_space<vmem>>, vector<1x16xi32>,
      %get3A_3803 = vector.shape_cast %get3A_3802 : vector<1x16xi32> to vector<16xi32>
      %and3A_3804 = arith.constant -65536 : i32
      %and3A_3805 = vector.broadcast %and3A_3804 : i32 to vector<16xi32>
      %and3A_3806 = arith.andi %get3A_3803, %and3A_3805 : vector<16xi32>
      %and3A_3807 = arith.constant 16383 : i32
      %and3A_3808 = vector.broadcast %and3A_3807 : i32 to vector<16xi32>
      %and3A_3809 = arith.andi %get3A_3803, %and3A_3808 : vector<16xi32>
      %shift_left3A_3810 = arith.constant 2 : i32
      %shift_left3A_3811 = vector.broadcast %shift_left3A_3810 : i32 to vector<16xi32>
      %shift_left3A_3812 = arith.shli %and3A_3809, %shift_left3A_3811 : vector<16xi32>
      %add3A_3813 = arith.addi %and3A_3806, %shift_left3A_3812 : vector<16xi32>
      %and3A_3814 = arith.constant 65535 : i32
      %and3A_3815 = vector.broadcast %and3A_3814 : i32 to vector<16xi32>
      %and3A_3816 = arith.andi %get3A_3803, %and3A_3815 : vector<16xi32>
      %shift_right_arithmetic3A_3817 = arith.constant 14 : i32
      %shift_right_arithmetic3A_3818 = vector.broadcast %shift_right_arithmetic3A_3817 : i32 to vector<16xi32>
      %shift_right_arithmetic3A_3819 = arith.shrsi %and3A_3816, %shift_right_arithmetic3A_3818 : vector<16xi32>
      %add3A_3820 = arith.addi %add3A_3813, %shift_right_arithmetic3A_3819 : vector<16xi32>
      %swap3A_3821 = arith.constant 704 : index
      %swap3A_3822 = tpu.vector_load %arg6[%swap3A_3821] {strides = array<i32>} : memref<1600xi32, #tpu.memory_space<vmem>>, vector<16xi32>,
      %swap3A_3823 = vector.shape_cast %swap3A_3822 : vector<16xi32> to vector<16xi32>
      %swap3A_3824 = vector.shape_cast %add3A_3820 : vector<16xi32> to vector<16xi32>
      tpu.vector_store %arg6[%swap3A_3821], %swap3A_3824 {strides = array<i32>} : memref<1600xi32, #tpu.memory_space<vmem>>, vector<16xi32>,
      %get3A_3825 = arith.constant 22 : i32
      %get3A_3826 = arith.index_cast %get3A_3825 : i32 to index
      %get3A_3827 = arith.constant 16 : index
      %get3A_3828 = tpu.vector_load %arg5[%get3A_3826, %get3A_3827] {strides = array<i32>} : memref<50x32xi32, #tpu.memory_space<vmem>>, vector<1x16xi32>,
      %get3A_3829 = vector.shape_cast %get3A_3828 : vector<1x16xi32> to vector<16xi32>
      %and3A_3830 = arith.constant -65536 : i32
      %and3A_3831 = vector.broadcast %and3A_3830 : i32 to vector<16xi32>
      %and3A_3832 = arith.andi %get3A_3829, %and3A_3831 : vector<16xi32>
      %and3A_3833 = arith.constant 16383 : i32
      %and3A_3834 = vector.broadcast %and3A_3833 : i32 to vector<16xi32>
      %and3A_3835 = arith.andi %get3A_3829, %and3A_3834 : vector<16xi32>
      %shift_left3A_3836 = arith.constant 2 : i32
      %shift_left3A_3837 = vector.broadcast %shift_left3A_3836 : i32 to vector<16xi32>
      %shift_left3A_3838 = arith.shli %and3A_3835, %shift_left3A_3837 : vector<16xi32>
      %add3A_3839 = arith.addi %and3A_3832, %shift_left3A_3838 : vector<16xi32>
      %and3A_3840 = arith.constant 65535 : i32
      %and3A_3841 = vector.broadcast %and3A_3840 : i32 to vector<16xi32>
      %and3A_3842 = arith.andi %get3A_3829, %and3A_3841 : vector<16xi32>
      %shift_right_arithmetic3A_3843 = arith.constant 14 : i32
      %shift_right_arithmetic3A_3844 = vector.broadcast %shift_right_arithmetic3A_3843 : i32 to vector<16xi32>
      %shift_right_arithmetic3A_3845 = arith.shrsi %and3A_3842, %shift_right_arithmetic3A_3844 : vector<16xi32>
      %add3A_3846 = arith.addi %add3A_3839, %shift_right_arithmetic3A_3845 : vector<16xi32>
      %swap3A_3847 = arith.constant 720 : index
      %swap3A_3848 = tpu.vector_load %arg6[%swap3A_3847] {strides = array<i32>} : memref<1600xi32, #tpu.memory_space<vmem>>, vector<16xi32>,
      %swap3A_3849 = vector.shape_cast %swap3A_3848 : vector<16xi32> to vector<16xi32>
      %swap3A_3850 = vector.shape_cast %add3A_3846 : vector<16xi32> to vector<16xi32>
      tpu.vector_store %arg6[%swap3A_3847], %swap3A_3850 {strides = array<i32>} : memref<1600xi32, #tpu.memory_space<vmem>>, vector<16xi32>,
      %get3A_3851 = arith.constant 23 : i32
      %get3A_3852 = arith.index_cast %get3A_3851 : i32 to index
      %get3A_3853 = arith.constant 0 : index
      %get3A_3854 = tpu.vector_load %arg5[%get3A_3852, %get3A_3853] {strides = array<i32>} : memref<50x32xi32, #tpu.memory_space<vmem>>, vector<1x16xi32>,
      %get3A_3855 = vector.shape_cast %get3A_3854 : vector<1x16xi32> to vector<16xi32>
      %and3A_3856 = arith.constant -65536 : i32
      %and3A_3857 = vector.broadcast %and3A_3856 : i32 to vector<16xi32>
      %and3A_3858 = arith.andi %get3A_3855, %and3A_3857 : vector<16xi32>
      %and3A_3859 = arith.constant 16383 : i32
      %and3A_3860 = vector.broadcast %and3A_3859 : i32 to vector<16xi32>
      %and3A_3861 = arith.andi %get3A_3855, %and3A_3860 : vector<16xi32>
      %shift_left3A_3862 = arith.constant 2 : i32
      %shift_left3A_3863 = vector.broadcast %shift_left3A_3862 : i32 to vector<16xi32>
      %shift_left3A_3864 = arith.shli %and3A_3861, %shift_left3A_3863 : vector<16xi32>
      %add3A_3865 = arith.addi %and3A_3858, %shift_left3A_3864 : vector<16xi32>
      %and3A_3866 = arith.constant 65535 : i32
      %and3A_3867 = vector.broadcast %and3A_3866 : i32 to vector<16xi32>
      %and3A_3868 = arith.andi %get3A_3855, %and3A_3867 : vector<16xi32>
      %shift_right_arithmetic3A_3869 = arith.constant 14 : i32
      %shift_right_arithmetic3A_3870 = vector.broadcast %shift_right_arithmetic3A_3869 : i32 to vector<16xi32>
      %shift_right_arithmetic3A_3871 = arith.shrsi %and3A_3868, %shift_right_arithmetic3A_3870 : vector<16xi32>
      %add3A_3872 = arith.addi %add3A_3865, %shift_right_arithmetic3A_3871 : vector<16xi32>
      %swap3A_3873 = arith.constant 736 : index
      %swap3A_3874 = tpu.vector_load %arg6[%swap3A_3873] {strides = array<i32>} : memref<1600xi32, #tpu.memory_space<vmem>>, vector<16xi32>,
      %swap3A_3875 = vector.shape_cast %swap3A_3874 : vector<16xi32> to vector<16xi32>
      %swap3A_3876 = vector.shape_cast %add3A_3872 : vector<16xi32> to vector<16xi32>
      tpu.vector_store %arg6[%swap3A_3873], %swap3A_3876 {strides = array<i32>} : memref<1600xi32, #tpu.memory_space<vmem>>, vector<16xi32>,
      %get3A_3877 = arith.constant 23 : i32
      %get3A_3878 = arith.index_cast %get3A_3877 : i32 to index
      %get3A_3879 = arith.constant 16 : index
      %get3A_3880 = tpu.vector_load %arg5[%get3A_3878, %get3A_3879] {strides = array<i32>} : memref<50x32xi32, #tpu.memory_space<vmem>>, vector<1x16xi32>,
      %get3A_3881 = vector.shape_cast %get3A_3880 : vector<1x16xi32> to vector<16xi32>
      %and3A_3882 = arith.constant -65536 : i32
      %and3A_3883 = vector.broadcast %and3A_3882 : i32 to vector<16xi32>
      %and3A_3884 = arith.andi %get3A_3881, %and3A_3883 : vector<16xi32>
      %and3A_3885 = arith.constant 16383 : i32
      %and3A_3886 = vector.broadcast %and3A_3885 : i32 to vector<16xi32>
      %and3A_3887 = arith.andi %get3A_3881, %and3A_3886 : vector<16xi32>
      %shift_left3A_3888 = arith.constant 2 : i32
      %shift_left3A_3889 = vector.broadcast %shift_left3A_3888 : i32 to vector<16xi32>
      %shift_left3A_3890 = arith.shli %and3A_3887, %shift_left3A_3889 : vector<16xi32>
      %add3A_3891 = arith.addi %and3A_3884, %shift_left3A_3890 : vector<16xi32>
      %and3A_3892 = arith.constant 65535 : i32
      %and3A_3893 = vector.broadcast %and3A_3892 : i32 to vector<16xi32>
      %and3A_3894 = arith.andi %get3A_3881, %and3A_3893 : vector<16xi32>
      %shift_right_arithmetic3A_3895 = arith.constant 14 : i32
      %shift_right_arithmetic3A_3896 = vector.broadcast %shift_right_arithmetic3A_3895 : i32 to vector<16xi32>
      %shift_right_arithmetic3A_3897 = arith.shrsi %and3A_3894, %shift_right_arithmetic3A_3896 : vector<16xi32>
      %add3A_3898 = arith.addi %add3A_3891, %shift_right_arithmetic3A_3897 : vector<16xi32>
      %swap3A_3899 = arith.constant 752 : index
      %swap3A_3900 = tpu.vector_load %arg6[%swap3A_3899] {strides = array<i32>} : memref<1600xi32, #tpu.memory_space<vmem>>, vector<16xi32>,
      %swap3A_3901 = vector.shape_cast %swap3A_3900 : vector<16xi32> to vector<16xi32>
      %swap3A_3902 = vector.shape_cast %add3A_3898 : vector<16xi32> to vector<16xi32>
      tpu.vector_store %arg6[%swap3A_3899], %swap3A_3902 {strides = array<i32>} : memref<1600xi32, #tpu.memory_space<vmem>>, vector<16xi32>,
      %get3A_3903 = arith.constant 24 : i32
      %get3A_3904 = arith.index_cast %get3A_3903 : i32 to index
      %get3A_3905 = arith.constant 0 : index
      %get3A_3906 = tpu.vector_load %arg5[%get3A_3904, %get3A_3905] {strides = array<i32>} : memref<50x32xi32, #tpu.memory_space<vmem>>, vector<1x16xi32>,
      %get3A_3907 = vector.shape_cast %get3A_3906 : vector<1x16xi32> to vector<16xi32>
      %and3A_3908 = arith.constant -65536 : i32
      %and3A_3909 = vector.broadcast %and3A_3908 : i32 to vector<16xi32>
      %and3A_3910 = arith.andi %get3A_3907, %and3A_3909 : vector<16xi32>
      %and3A_3911 = arith.constant 16383 : i32
      %and3A_3912 = vector.broadcast %and3A_3911 : i32 to vector<16xi32>
      %and3A_3913 = arith.andi %get3A_3907, %and3A_3912 : vector<16xi32>
      %shift_left3A_3914 = arith.constant 2 : i32
      %shift_left3A_3915 = vector.broadcast %shift_left3A_3914 : i32 to vector<16xi32>
      %shift_left3A_3916 = arith.shli %and3A_3913, %shift_left3A_3915 : vector<16xi32>
      %add3A_3917 = arith.addi %and3A_3910, %shift_left3A_3916 : vector<16xi32>
      %and3A_3918 = arith.constant 65535 : i32
      %and3A_3919 = vector.broadcast %and3A_3918 : i32 to vector<16xi32>
      %and3A_3920 = arith.andi %get3A_3907, %and3A_3919 : vector<16xi32>
      %shift_right_arithmetic3A_3921 = arith.constant 14 : i32
      %shift_right_arithmetic3A_3922 = vector.broadcast %shift_right_arithmetic3A_3921 : i32 to vector<16xi32>
      %shift_right_arithmetic3A_3923 = arith.shrsi %and3A_3920, %shift_right_arithmetic3A_3922 : vector<16xi32>
      %add3A_3924 = arith.addi %add3A_3917, %shift_right_arithmetic3A_3923 : vector<16xi32>
      %swap3A_3925 = arith.constant 768 : index
      %swap3A_3926 = tpu.vector_load %arg6[%swap3A_3925] {strides = array<i32>} : memref<1600xi32, #tpu.memory_space<vmem>>, vector<16xi32>,
      %swap3A_3927 = vector.shape_cast %swap3A_3926 : vector<16xi32> to vector<16xi32>
      %swap3A_3928 = vector.shape_cast %add3A_3924 : vector<16xi32> to vector<16xi32>
      tpu.vector_store %arg6[%swap3A_3925], %swap3A_3928 {strides = array<i32>} : memref<1600xi32, #tpu.memory_space<vmem>>, vector<16xi32>,
      %get3A_3929 = arith.constant 24 : i32
      %get3A_3930 = arith.index_cast %get3A_3929 : i32 to index
      %get3A_3931 = arith.constant 16 : index
      %get3A_3932 = tpu.vector_load %arg5[%get3A_3930, %get3A_3931] {strides = array<i32>} : memref<50x32xi32, #tpu.memory_space<vmem>>, vector<1x16xi32>,
      %get3A_3933 = vector.shape_cast %get3A_3932 : vector<1x16xi32> to vector<16xi32>
      %and3A_3934 = arith.constant -65536 : i32
      %and3A_3935 = vector.broadcast %and3A_3934 : i32 to vector<16xi32>
      %and3A_3936 = arith.andi %get3A_3933, %and3A_3935 : vector<16xi32>
      %and3A_3937 = arith.constant 16383 : i32
      %and3A_3938 = vector.broadcast %and3A_3937 : i32 to vector<16xi32>
      %and3A_3939 = arith.andi %get3A_3933, %and3A_3938 : vector<16xi32>
      %shift_left3A_3940 = arith.constant 2 : i32
      %shift_left3A_3941 = vector.broadcast %shift_left3A_3940 : i32 to vector<16xi32>
      %shift_left3A_3942 = arith.shli %and3A_3939, %shift_left3A_3941 : vector<16xi32>
      %add3A_3943 = arith.addi %and3A_3936, %shift_left3A_3942 : vector<16xi32>
      %and3A_3944 = arith.constant 65535 : i32
      %and3A_3945 = vector.broadcast %and3A_3944 : i32 to vector<16xi32>
      %and3A_3946 = arith.andi %get3A_3933, %and3A_3945 : vector<16xi32>
      %shift_right_arithmetic3A_3947 = arith.constant 14 : i32
      %shift_right_arithmetic3A_3948 = vector.broadcast %shift_right_arithmetic3A_3947 : i32 to vector<16xi32>
      %shift_right_arithmetic3A_3949 = arith.shrsi %and3A_3946, %shift_right_arithmetic3A_3948 : vector<16xi32>
      %add3A_3950 = arith.addi %add3A_3943, %shift_right_arithmetic3A_3949 : vector<16xi32>
      %swap3A_3951 = arith.constant 784 : index
      %swap3A_3952 = tpu.vector_load %arg6[%swap3A_3951] {strides = array<i32>} : memref<1600xi32, #tpu.memory_space<vmem>>, vector<16xi32>,
      %swap3A_3953 = vector.shape_cast %swap3A_3952 : vector<16xi32> to vector<16xi32>
      %swap3A_3954 = vector.shape_cast %add3A_3950 : vector<16xi32> to vector<16xi32>
      tpu.vector_store %arg6[%swap3A_3951], %swap3A_3954 {strides = array<i32>} : memref<1600xi32, #tpu.memory_space<vmem>>, vector<16xi32>,
      %get3A_3955 = arith.constant 25 : i32
      %get3A_3956 = arith.index_cast %get3A_3955 : i32 to index
      %get3A_3957 = arith.constant 0 : index
      %get3A_3958 = tpu.vector_load %arg5[%get3A_3956, %get3A_3957] {strides = array<i32>} : memref<50x32xi32, #tpu.memory_space<vmem>>, vector<1x16xi32>,
      %get3A_3959 = vector.shape_cast %get3A_3958 : vector<1x16xi32> to vector<16xi32>
      %and3A_3960 = arith.constant -65536 : i32
      %and3A_3961 = vector.broadcast %and3A_3960 : i32 to vector<16xi32>
      %and3A_3962 = arith.andi %get3A_3959, %and3A_3961 : vector<16xi32>
      %and3A_3963 = arith.constant 16383 : i32
      %and3A_3964 = vector.broadcast %and3A_3963 : i32 to vector<16xi32>
      %and3A_3965 = arith.andi %get3A_3959, %and3A_3964 : vector<16xi32>
      %shift_left3A_3966 = arith.constant 2 : i32
      %shift_left3A_3967 = vector.broadcast %shift_left3A_3966 : i32 to vector<16xi32>
      %shift_left3A_3968 = arith.shli %and3A_3965, %shift_left3A_3967 : vector<16xi32>
      %add3A_3969 = arith.addi %and3A_3962, %shift_left3A_3968 : vector<16xi32>
      %and3A_3970 = arith.constant 65535 : i32
      %and3A_3971 = vector.broadcast %and3A_3970 : i32 to vector<16xi32>
      %and3A_3972 = arith.andi %get3A_3959, %and3A_3971 : vector<16xi32>
      %shift_right_arithmetic3A_3973 = arith.constant 14 : i32
      %shift_right_arithmetic3A_3974 = vector.broadcast %shift_right_arithmetic3A_3973 : i32 to vector<16xi32>
      %shift_right_arithmetic3A_3975 = arith.shrsi %and3A_3972, %shift_right_arithmetic3A_3974 : vector<16xi32>
      %add3A_3976 = arith.addi %add3A_3969, %shift_right_arithmetic3A_3975 : vector<16xi32>
      %swap3A_3977 = arith.constant 800 : index
      %swap3A_3978 = tpu.vector_load %arg6[%swap3A_3977] {strides = array<i32>} : memref<1600xi32, #tpu.memory_space<vmem>>, vector<16xi32>,
      %swap3A_3979 = vector.shape_cast %swap3A_3978 : vector<16xi32> to vector<16xi32>
      %swap3A_3980 = vector.shape_cast %add3A_3976 : vector<16xi32> to vector<16xi32>
      tpu.vector_store %arg6[%swap3A_3977], %swap3A_3980 {strides = array<i32>} : memref<1600xi32, #tpu.memory_space<vmem>>, vector<16xi32>,
      %get3A_3981 = arith.constant 25 : i32
      %get3A_3982 = arith.index_cast %get3A_3981 : i32 to index
      %get3A_3983 = arith.constant 16 : index
      %get3A_3984 = tpu.vector_load %arg5[%get3A_3982, %get3A_3983] {strides = array<i32>} : memref<50x32xi32, #tpu.memory_space<vmem>>, vector<1x16xi32>,
      %get3A_3985 = vector.shape_cast %get3A_3984 : vector<1x16xi32> to vector<16xi32>
      %and3A_3986 = arith.constant -65536 : i32
      %and3A_3987 = vector.broadcast %and3A_3986 : i32 to vector<16xi32>
      %and3A_3988 = arith.andi %get3A_3985, %and3A_3987 : vector<16xi32>
      %and3A_3989 = arith.constant 16383 : i32
      %and3A_3990 = vector.broadcast %and3A_3989 : i32 to vector<16xi32>
      %and3A_3991 = arith.andi %get3A_3985, %and3A_3990 : vector<16xi32>
      %shift_left3A_3992 = arith.constant 2 : i32
      %shift_left3A_3993 = vector.broadcast %shift_left3A_3992 : i32 to vector<16xi32>
      %shift_left3A_3994 = arith.shli %and3A_3991, %shift_left3A_3993 : vector<16xi32>
      %add3A_3995 = arith.addi %and3A_3988, %shift_left3A_3994 : vector<16xi32>
      %and3A_3996 = arith.constant 65535 : i32
      %and3A_3997 = vector.broadcast %and3A_3996 : i32 to vector<16xi32>
      %and3A_3998 = arith.andi %get3A_3985, %and3A_3997 : vector<16xi32>
      %shift_right_arithmetic3A_3999 = arith.constant 14 : i32
      %shift_right_arithmetic3A_4000 = vector.broadcast %shift_right_arithmetic3A_3999 : i32 to vector<16xi32>
      %shift_right_arithmetic3A_4001 = arith.shrsi %and3A_3998, %shift_right_arithmetic3A_4000 : vector<16xi32>
      %add3A_4002 = arith.addi %add3A_3995, %shift_right_arithmetic3A_4001 : vector<16xi32>
      %swap3A_4003 = arith.constant 816 : index
      %swap3A_4004 = tpu.vector_load %arg6[%swap3A_4003] {strides = array<i32>} : memref<1600xi32, #tpu.memory_space<vmem>>, vector<16xi32>,
      %swap3A_4005 = vector.shape_cast %swap3A_4004 : vector<16xi32> to vector<16xi32>
      %swap3A_4006 = vector.shape_cast %add3A_4002 : vector<16xi32> to vector<16xi32>
      tpu.vector_store %arg6[%swap3A_4003], %swap3A_4006 {strides = array<i32>} : memref<1600xi32, #tpu.memory_space<vmem>>, vector<16xi32>,
      %get3A_4007 = arith.constant 26 : i32
      %get3A_4008 = arith.index_cast %get3A_4007 : i32 to index
      %get3A_4009 = arith.constant 0 : index
      %get3A_4010 = tpu.vector_load %arg5[%get3A_4008, %get3A_4009] {strides = array<i32>} : memref<50x32xi32, #tpu.memory_space<vmem>>, vector<1x16xi32>,
      %get3A_4011 = vector.shape_cast %get3A_4010 : vector<1x16xi32> to vector<16xi32>
      %and3A_4012 = arith.constant -65536 : i32
      %and3A_4013 = vector.broadcast %and3A_4012 : i32 to vector<16xi32>
      %and3A_4014 = arith.andi %get3A_4011, %and3A_4013 : vector<16xi32>
      %and3A_4015 = arith.constant 16383 : i32
      %and3A_4016 = vector.broadcast %and3A_4015 : i32 to vector<16xi32>
      %and3A_4017 = arith.andi %get3A_4011, %and3A_4016 : vector<16xi32>
      %shift_left3A_4018 = arith.constant 2 : i32
      %shift_left3A_4019 = vector.broadcast %shift_left3A_4018 : i32 to vector<16xi32>
      %shift_left3A_4020 = arith.shli %and3A_4017, %shift_left3A_4019 : vector<16xi32>
      %add3A_4021 = arith.addi %and3A_4014, %shift_left3A_4020 : vector<16xi32>
      %and3A_4022 = arith.constant 65535 : i32
      %and3A_4023 = vector.broadcast %and3A_4022 : i32 to vector<16xi32>
      %and3A_4024 = arith.andi %get3A_4011, %and3A_4023 : vector<16xi32>
      %shift_right_arithmetic3A_4025 = arith.constant 14 : i32
      %shift_right_arithmetic3A_4026 = vector.broadcast %shift_right_arithmetic3A_4025 : i32 to vector<16xi32>
      %shift_right_arithmetic3A_4027 = arith.shrsi %and3A_4024, %shift_right_arithmetic3A_4026 : vector<16xi32>
      %add3A_4028 = arith.addi %add3A_4021, %shift_right_arithmetic3A_4027 : vector<16xi32>
      %swap3A_4029 = arith.constant 832 : index
      %swap3A_4030 = tpu.vector_load %arg6[%swap3A_4029] {strides = array<i32>} : memref<1600xi32, #tpu.memory_space<vmem>>, vector<16xi32>,
      %swap3A_4031 = vector.shape_cast %swap3A_4030 : vector<16xi32> to vector<16xi32>
      %swap3A_4032 = vector.shape_cast %add3A_4028 : vector<16xi32> to vector<16xi32>
      tpu.vector_store %arg6[%swap3A_4029], %swap3A_4032 {strides = array<i32>} : memref<1600xi32, #tpu.memory_space<vmem>>, vector<16xi32>,
      %get3A_4033 = arith.constant 26 : i32
      %get3A_4034 = arith.index_cast %get3A_4033 : i32 to index
      %get3A_4035 = arith.constant 16 : index
      %get3A_4036 = tpu.vector_load %arg5[%get3A_4034, %get3A_4035] {strides = array<i32>} : memref<50x32xi32, #tpu.memory_space<vmem>>, vector<1x16xi32>,
      %get3A_4037 = vector.shape_cast %get3A_4036 : vector<1x16xi32> to vector<16xi32>
      %and3A_4038 = arith.constant -65536 : i32
      %and3A_4039 = vector.broadcast %and3A_4038 : i32 to vector<16xi32>
      %and3A_4040 = arith.andi %get3A_4037, %and3A_4039 : vector<16xi32>
      %and3A_4041 = arith.constant 16383 : i32
      %and3A_4042 = vector.broadcast %and3A_4041 : i32 to vector<16xi32>
      %and3A_4043 = arith.andi %get3A_4037, %and3A_4042 : vector<16xi32>
      %shift_left3A_4044 = arith.constant 2 : i32
      %shift_left3A_4045 = vector.broadcast %shift_left3A_4044 : i32 to vector<16xi32>
      %shift_left3A_4046 = arith.shli %and3A_4043, %shift_left3A_4045 : vector<16xi32>
      %add3A_4047 = arith.addi %and3A_4040, %shift_left3A_4046 : vector<16xi32>
      %and3A_4048 = arith.constant 65535 : i32
      %and3A_4049 = vector.broadcast %and3A_4048 : i32 to vector<16xi32>
      %and3A_4050 = arith.andi %get3A_4037, %and3A_4049 : vector<16xi32>
      %shift_right_arithmetic3A_4051 = arith.constant 14 : i32
      %shift_right_arithmetic3A_4052 = vector.broadcast %shift_right_arithmetic3A_4051 : i32 to vector<16xi32>
      %shift_right_arithmetic3A_4053 = arith.shrsi %and3A_4050, %shift_right_arithmetic3A_4052 : vector<16xi32>
      %add3A_4054 = arith.addi %add3A_4047, %shift_right_arithmetic3A_4053 : vector<16xi32>
      %swap3A_4055 = arith.constant 848 : index
      %swap3A_4056 = tpu.vector_load %arg6[%swap3A_4055] {strides = array<i32>} : memref<1600xi32, #tpu.memory_space<vmem>>, vector<16xi32>,
      %swap3A_4057 = vector.shape_cast %swap3A_4056 : vector<16xi32> to vector<16xi32>
      %swap3A_4058 = vector.shape_cast %add3A_4054 : vector<16xi32> to vector<16xi32>
      tpu.vector_store %arg6[%swap3A_4055], %swap3A_4058 {strides = array<i32>} : memref<1600xi32, #tpu.memory_space<vmem>>, vector<16xi32>,
      %get3A_4059 = arith.constant 27 : i32
      %get3A_4060 = arith.index_cast %get3A_4059 : i32 to index
      %get3A_4061 = arith.constant 0 : index
      %get3A_4062 = tpu.vector_load %arg5[%get3A_4060, %get3A_4061] {strides = array<i32>} : memref<50x32xi32, #tpu.memory_space<vmem>>, vector<1x16xi32>,
      %get3A_4063 = vector.shape_cast %get3A_4062 : vector<1x16xi32> to vector<16xi32>
      %and3A_4064 = arith.constant -65536 : i32
      %and3A_4065 = vector.broadcast %and3A_4064 : i32 to vector<16xi32>
      %and3A_4066 = arith.andi %get3A_4063, %and3A_4065 : vector<16xi32>
      %and3A_4067 = arith.constant 16383 : i32
      %and3A_4068 = vector.broadcast %and3A_4067 : i32 to vector<16xi32>
      %and3A_4069 = arith.andi %get3A_4063, %and3A_4068 : vector<16xi32>
      %shift_left3A_4070 = arith.constant 2 : i32
      %shift_left3A_4071 = vector.broadcast %shift_left3A_4070 : i32 to vector<16xi32>
      %shift_left3A_4072 = arith.shli %and3A_4069, %shift_left3A_4071 : vector<16xi32>
      %add3A_4073 = arith.addi %and3A_4066, %shift_left3A_4072 : vector<16xi32>
      %and3A_4074 = arith.constant 65535 : i32
      %and3A_4075 = vector.broadcast %and3A_4074 : i32 to vector<16xi32>
      %and3A_4076 = arith.andi %get3A_4063, %and3A_4075 : vector<16xi32>
      %shift_right_arithmetic3A_4077 = arith.constant 14 : i32
      %shift_right_arithmetic3A_4078 = vector.broadcast %shift_right_arithmetic3A_4077 : i32 to vector<16xi32>
      %shift_right_arithmetic3A_4079 = arith.shrsi %and3A_4076, %shift_right_arithmetic3A_4078 : vector<16xi32>
      %add3A_4080 = arith.addi %add3A_4073, %shift_right_arithmetic3A_4079 : vector<16xi32>
      %swap3A_4081 = arith.constant 864 : index
      %swap3A_4082 = tpu.vector_load %arg6[%swap3A_4081] {strides = array<i32>} : memref<1600xi32, #tpu.memory_space<vmem>>, vector<16xi32>,
      %swap3A_4083 = vector.shape_cast %swap3A_4082 : vector<16xi32> to vector<16xi32>
      %swap3A_4084 = vector.shape_cast %add3A_4080 : vector<16xi32> to vector<16xi32>
      tpu.vector_store %arg6[%swap3A_4081], %swap3A_4084 {strides = array<i32>} : memref<1600xi32, #tpu.memory_space<vmem>>, vector<16xi32>,
      %get3A_4085 = arith.constant 27 : i32
      %get3A_4086 = arith.index_cast %get3A_4085 : i32 to index
      %get3A_4087 = arith.constant 16 : index
      %get3A_4088 = tpu.vector_load %arg5[%get3A_4086, %get3A_4087] {strides = array<i32>} : memref<50x32xi32, #tpu.memory_space<vmem>>, vector<1x16xi32>,
      %get3A_4089 = vector.shape_cast %get3A_4088 : vector<1x16xi32> to vector<16xi32>
      %and3A_4090 = arith.constant -65536 : i32
      %and3A_4091 = vector.broadcast %and3A_4090 : i32 to vector<16xi32>
      %and3A_4092 = arith.andi %get3A_4089, %and3A_4091 : vector<16xi32>
      %and3A_4093 = arith.constant 16383 : i32
      %and3A_4094 = vector.broadcast %and3A_4093 : i32 to vector<16xi32>
      %and3A_4095 = arith.andi %get3A_4089, %and3A_4094 : vector<16xi32>
      %shift_left3A_4096 = arith.constant 2 : i32
      %shift_left3A_4097 = vector.broadcast %shift_left3A_4096 : i32 to vector<16xi32>
      %shift_left3A_4098 = arith.shli %and3A_4095, %shift_left3A_4097 : vector<16xi32>
      %add3A_4099 = arith.addi %and3A_4092, %shift_left3A_4098 : vector<16xi32>
      %and3A_4100 = arith.constant 65535 : i32
      %and3A_4101 = vector.broadcast %and3A_4100 : i32 to vector<16xi32>
      %and3A_4102 = arith.andi %get3A_4089, %and3A_4101 : vector<16xi32>
      %shift_right_arithmetic3A_4103 = arith.constant 14 : i32
      %shift_right_arithmetic3A_4104 = vector.broadcast %shift_right_arithmetic3A_4103 : i32 to vector<16xi32>
      %shift_right_arithmetic3A_4105 = arith.shrsi %and3A_4102, %shift_right_arithmetic3A_4104 : vector<16xi32>
      %add3A_4106 = arith.addi %add3A_4099, %shift_right_arithmetic3A_4105 : vector<16xi32>
      %swap3A_4107 = arith.constant 880 : index
      %swap3A_4108 = tpu.vector_load %arg6[%swap3A_4107] {strides = array<i32>} : memref<1600xi32, #tpu.memory_space<vmem>>, vector<16xi32>,
      %swap3A_4109 = vector.shape_cast %swap3A_4108 : vector<16xi32> to vector<16xi32>
      %swap3A_4110 = vector.shape_cast %add3A_4106 : vector<16xi32> to vector<16xi32>
      tpu.vector_store %arg6[%swap3A_4107], %swap3A_4110 {strides = array<i32>} : memref<1600xi32, #tpu.memory_space<vmem>>, vector<16xi32>,
      %get3A_4111 = arith.constant 28 : i32
      %get3A_4112 = arith.index_cast %get3A_4111 : i32 to index
      %get3A_4113 = arith.constant 0 : index
      %get3A_4114 = tpu.vector_load %arg5[%get3A_4112, %get3A_4113] {strides = array<i32>} : memref<50x32xi32, #tpu.memory_space<vmem>>, vector<1x16xi32>,
      %get3A_4115 = vector.shape_cast %get3A_4114 : vector<1x16xi32> to vector<16xi32>
      %and3A_4116 = arith.constant -65536 : i32
      %and3A_4117 = vector.broadcast %and3A_4116 : i32 to vector<16xi32>
      %and3A_4118 = arith.andi %get3A_4115, %and3A_4117 : vector<16xi32>
      %and3A_4119 = arith.constant 16383 : i32
      %and3A_4120 = vector.broadcast %and3A_4119 : i32 to vector<16xi32>
      %and3A_4121 = arith.andi %get3A_4115, %and3A_4120 : vector<16xi32>
      %shift_left3A_4122 = arith.constant 2 : i32
      %shift_left3A_4123 = vector.broadcast %shift_left3A_4122 : i32 to vector<16xi32>
      %shift_left3A_4124 = arith.shli %and3A_4121, %shift_left3A_4123 : vector<16xi32>
      %add3A_4125 = arith.addi %and3A_4118, %shift_left3A_4124 : vector<16xi32>
      %and3A_4126 = arith.constant 65535 : i32
      %and3A_4127 = vector.broadcast %and3A_4126 : i32 to vector<16xi32>
      %and3A_4128 = arith.andi %get3A_4115, %and3A_4127 : vector<16xi32>
      %shift_right_arithmetic3A_4129 = arith.constant 14 : i32
      %shift_right_arithmetic3A_4130 = vector.broadcast %shift_right_arithmetic3A_4129 : i32 to vector<16xi32>
      %shift_right_arithmetic3A_4131 = arith.shrsi %and3A_4128, %shift_right_arithmetic3A_4130 : vector<16xi32>
      %add3A_4132 = arith.addi %add3A_4125, %shift_right_arithmetic3A_4131 : vector<16xi32>
      %swap3A_4133 = arith.constant 896 : index
      %swap3A_4134 = tpu.vector_load %arg6[%swap3A_4133] {strides = array<i32>} : memref<1600xi32, #tpu.memory_space<vmem>>, vector<16xi32>,
      %swap3A_4135 = vector.shape_cast %swap3A_4134 : vector<16xi32> to vector<16xi32>
      %swap3A_4136 = vector.shape_cast %add3A_4132 : vector<16xi32> to vector<16xi32>
      tpu.vector_store %arg6[%swap3A_4133], %swap3A_4136 {strides = array<i32>} : memref<1600xi32, #tpu.memory_space<vmem>>, vector<16xi32>,
      %get3A_4137 = arith.constant 28 : i32
      %get3A_4138 = arith.index_cast %get3A_4137 : i32 to index
      %get3A_4139 = arith.constant 16 : index
      %get3A_4140 = tpu.vector_load %arg5[%get3A_4138, %get3A_4139] {strides = array<i32>} : memref<50x32xi32, #tpu.memory_space<vmem>>, vector<1x16xi32>,
      %get3A_4141 = vector.shape_cast %get3A_4140 : vector<1x16xi32> to vector<16xi32>
      %and3A_4142 = arith.constant -65536 : i32
      %and3A_4143 = vector.broadcast %and3A_4142 : i32 to vector<16xi32>
      %and3A_4144 = arith.andi %get3A_4141, %and3A_4143 : vector<16xi32>
      %and3A_4145 = arith.constant 16383 : i32
      %and3A_4146 = vector.broadcast %and3A_4145 : i32 to vector<16xi32>
      %and3A_4147 = arith.andi %get3A_4141, %and3A_4146 : vector<16xi32>
      %shift_left3A_4148 = arith.constant 2 : i32
      %shift_left3A_4149 = vector.broadcast %shift_left3A_4148 : i32 to vector<16xi32>
      %shift_left3A_4150 = arith.shli %and3A_4147, %shift_left3A_4149 : vector<16xi32>
      %add3A_4151 = arith.addi %and3A_4144, %shift_left3A_4150 : vector<16xi32>
      %and3A_4152 = arith.constant 65535 : i32
      %and3A_4153 = vector.broadcast %and3A_4152 : i32 to vector<16xi32>
      %and3A_4154 = arith.andi %get3A_4141, %and3A_4153 : vector<16xi32>
      %shift_right_arithmetic3A_4155 = arith.constant 14 : i32
      %shift_right_arithmetic3A_4156 = vector.broadcast %shift_right_arithmetic3A_4155 : i32 to vector<16xi32>
      %shift_right_arithmetic3A_4157 = arith.shrsi %and3A_4154, %shift_right_arithmetic3A_4156 : vector<16xi32>
      %add3A_4158 = arith.addi %add3A_4151, %shift_right_arithmetic3A_4157 : vector<16xi32>
      %swap3A_4159 = arith.constant 912 : index
      %swap3A_4160 = tpu.vector_load %arg6[%swap3A_4159] {strides = array<i32>} : memref<1600xi32, #tpu.memory_space<vmem>>, vector<16xi32>,
      %swap3A_4161 = vector.shape_cast %swap3A_4160 : vector<16xi32> to vector<16xi32>
      %swap3A_4162 = vector.shape_cast %add3A_4158 : vector<16xi32> to vector<16xi32>
      tpu.vector_store %arg6[%swap3A_4159], %swap3A_4162 {strides = array<i32>} : memref<1600xi32, #tpu.memory_space<vmem>>, vector<16xi32>,
      %get3A_4163 = arith.constant 29 : i32
      %get3A_4164 = arith.index_cast %get3A_4163 : i32 to index
      %get3A_4165 = arith.constant 0 : index
      %get3A_4166 = tpu.vector_load %arg5[%get3A_4164, %get3A_4165] {strides = array<i32>} : memref<50x32xi32, #tpu.memory_space<vmem>>, vector<1x16xi32>,
      %get3A_4167 = vector.shape_cast %get3A_4166 : vector<1x16xi32> to vector<16xi32>
      %and3A_4168 = arith.constant -65536 : i32
      %and3A_4169 = vector.broadcast %and3A_4168 : i32 to vector<16xi32>
      %and3A_4170 = arith.andi %get3A_4167, %and3A_4169 : vector<16xi32>
      %and3A_4171 = arith.constant 16383 : i32
      %and3A_4172 = vector.broadcast %and3A_4171 : i32 to vector<16xi32>
      %and3A_4173 = arith.andi %get3A_4167, %and3A_4172 : vector<16xi32>
      %shift_left3A_4174 = arith.constant 2 : i32
      %shift_left3A_4175 = vector.broadcast %shift_left3A_4174 : i32 to vector<16xi32>
      %shift_left3A_4176 = arith.shli %and3A_4173, %shift_left3A_4175 : vector<16xi32>
      %add3A_4177 = arith.addi %and3A_4170, %shift_left3A_4176 : vector<16xi32>
      %and3A_4178 = arith.constant 65535 : i32
      %and3A_4179 = vector.broadcast %and3A_4178 : i32 to vector<16xi32>
      %and3A_4180 = arith.andi %get3A_4167, %and3A_4179 : vector<16xi32>
      %shift_right_arithmetic3A_4181 = arith.constant 14 : i32
      %shift_right_arithmetic3A_4182 = vector.broadcast %shift_right_arithmetic3A_4181 : i32 to vector<16xi32>
      %shift_right_arithmetic3A_4183 = arith.shrsi %and3A_4180, %shift_right_arithmetic3A_4182 : vector<16xi32>
      %add3A_4184 = arith.addi %add3A_4177, %shift_right_arithmetic3A_4183 : vector<16xi32>
      %swap3A_4185 = arith.constant 928 : index
      %swap3A_4186 = tpu.vector_load %arg6[%swap3A_4185] {strides = array<i32>} : memref<1600xi32, #tpu.memory_space<vmem>>, vector<16xi32>,
      %swap3A_4187 = vector.shape_cast %swap3A_4186 : vector<16xi32> to vector<16xi32>
      %swap3A_4188 = vector.shape_cast %add3A_4184 : vector<16xi32> to vector<16xi32>
      tpu.vector_store %arg6[%swap3A_4185], %swap3A_4188 {strides = array<i32>} : memref<1600xi32, #tpu.memory_space<vmem>>, vector<16xi32>,
      %get3A_4189 = arith.constant 29 : i32
      %get3A_4190 = arith.index_cast %get3A_4189 : i32 to index
      %get3A_4191 = arith.constant 16 : index
      %get3A_4192 = tpu.vector_load %arg5[%get3A_4190, %get3A_4191] {strides = array<i32>} : memref<50x32xi32, #tpu.memory_space<vmem>>, vector<1x16xi32>,
      %get3A_4193 = vector.shape_cast %get3A_4192 : vector<1x16xi32> to vector<16xi32>
      %and3A_4194 = arith.constant -65536 : i32
      %and3A_4195 = vector.broadcast %and3A_4194 : i32 to vector<16xi32>
      %and3A_4196 = arith.andi %get3A_4193, %and3A_4195 : vector<16xi32>
      %and3A_4197 = arith.constant 16383 : i32
      %and3A_4198 = vector.broadcast %and3A_4197 : i32 to vector<16xi32>
      %and3A_4199 = arith.andi %get3A_4193, %and3A_4198 : vector<16xi32>
      %shift_left3A_4200 = arith.constant 2 : i32
      %shift_left3A_4201 = vector.broadcast %shift_left3A_4200 : i32 to vector<16xi32>
      %shift_left3A_4202 = arith.shli %and3A_4199, %shift_left3A_4201 : vector<16xi32>
      %add3A_4203 = arith.addi %and3A_4196, %shift_left3A_4202 : vector<16xi32>
      %and3A_4204 = arith.constant 65535 : i32
      %and3A_4205 = vector.broadcast %and3A_4204 : i32 to vector<16xi32>
      %and3A_4206 = arith.andi %get3A_4193, %and3A_4205 : vector<16xi32>
      %shift_right_arithmetic3A_4207 = arith.constant 14 : i32
      %shift_right_arithmetic3A_4208 = vector.broadcast %shift_right_arithmetic3A_4207 : i32 to vector<16xi32>
      %shift_right_arithmetic3A_4209 = arith.shrsi %and3A_4206, %shift_right_arithmetic3A_4208 : vector<16xi32>
      %add3A_4210 = arith.addi %add3A_4203, %shift_right_arithmetic3A_4209 : vector<16xi32>
      %swap3A_4211 = arith.constant 944 : index
      %swap3A_4212 = tpu.vector_load %arg6[%swap3A_4211] {strides = array<i32>} : memref<1600xi32, #tpu.memory_space<vmem>>, vector<16xi32>,
      %swap3A_4213 = vector.shape_cast %swap3A_4212 : vector<16xi32> to vector<16xi32>
      %swap3A_4214 = vector.shape_cast %add3A_4210 : vector<16xi32> to vector<16xi32>
      tpu.vector_store %arg6[%swap3A_4211], %swap3A_4214 {strides = array<i32>} : memref<1600xi32, #tpu.memory_space<vmem>>, vector<16xi32>,
      %get3A_4215 = arith.constant 30 : i32
      %get3A_4216 = arith.index_cast %get3A_4215 : i32 to index
      %get3A_4217 = arith.constant 0 : index
      %get3A_4218 = tpu.vector_load %arg5[%get3A_4216, %get3A_4217] {strides = array<i32>} : memref<50x32xi32, #tpu.memory_space<vmem>>, vector<1x16xi32>,
      %get3A_4219 = vector.shape_cast %get3A_4218 : vector<1x16xi32> to vector<16xi32>
      %and3A_4220 = arith.constant -65536 : i32
      %and3A_4221 = vector.broadcast %and3A_4220 : i32 to vector<16xi32>
      %and3A_4222 = arith.andi %get3A_4219, %and3A_4221 : vector<16xi32>
      %and3A_4223 = arith.constant 16383 : i32
      %and3A_4224 = vector.broadcast %and3A_4223 : i32 to vector<16xi32>
      %and3A_4225 = arith.andi %get3A_4219, %and3A_4224 : vector<16xi32>
      %shift_left3A_4226 = arith.constant 2 : i32
      %shift_left3A_4227 = vector.broadcast %shift_left3A_4226 : i32 to vector<16xi32>
      %shift_left3A_4228 = arith.shli %and3A_4225, %shift_left3A_4227 : vector<16xi32>
      %add3A_4229 = arith.addi %and3A_4222, %shift_left3A_4228 : vector<16xi32>
      %and3A_4230 = arith.constant 65535 : i32
      %and3A_4231 = vector.broadcast %and3A_4230 : i32 to vector<16xi32>
      %and3A_4232 = arith.andi %get3A_4219, %and3A_4231 : vector<16xi32>
      %shift_right_arithmetic3A_4233 = arith.constant 14 : i32
      %shift_right_arithmetic3A_4234 = vector.broadcast %shift_right_arithmetic3A_4233 : i32 to vector<16xi32>
      %shift_right_arithmetic3A_4235 = arith.shrsi %and3A_4232, %shift_right_arithmetic3A_4234 : vector<16xi32>
      %add3A_4236 = arith.addi %add3A_4229, %shift_right_arithmetic3A_4235 : vector<16xi32>
      %swap3A_4237 = arith.constant 960 : index
      %swap3A_4238 = tpu.vector_load %arg6[%swap3A_4237] {strides = array<i32>} : memref<1600xi32, #tpu.memory_space<vmem>>, vector<16xi32>,
      %swap3A_4239 = vector.shape_cast %swap3A_4238 : vector<16xi32> to vector<16xi32>
      %swap3A_4240 = vector.shape_cast %add3A_4236 : vector<16xi32> to vector<16xi32>
      tpu.vector_store %arg6[%swap3A_4237], %swap3A_4240 {strides = array<i32>} : memref<1600xi32, #tpu.memory_space<vmem>>, vector<16xi32>,
      %get3A_4241 = arith.constant 30 : i32
      %get3A_4242 = arith.index_cast %get3A_4241 : i32 to index
      %get3A_4243 = arith.constant 16 : index
      %get3A_4244 = tpu.vector_load %arg5[%get3A_4242, %get3A_4243] {strides = array<i32>} : memref<50x32xi32, #tpu.memory_space<vmem>>, vector<1x16xi32>,
      %get3A_4245 = vector.shape_cast %get3A_4244 : vector<1x16xi32> to vector<16xi32>
      %and3A_4246 = arith.constant -65536 : i32
      %and3A_4247 = vector.broadcast %and3A_4246 : i32 to vector<16xi32>
      %and3A_4248 = arith.andi %get3A_4245, %and3A_4247 : vector<16xi32>
      %and3A_4249 = arith.constant 16383 : i32
      %and3A_4250 = vector.broadcast %and3A_4249 : i32 to vector<16xi32>
      %and3A_4251 = arith.andi %get3A_4245, %and3A_4250 : vector<16xi32>
      %shift_left3A_4252 = arith.constant 2 : i32
      %shift_left3A_4253 = vector.broadcast %shift_left3A_4252 : i32 to vector<16xi32>
      %shift_left3A_4254 = arith.shli %and3A_4251, %shift_left3A_4253 : vector<16xi32>
      %add3A_4255 = arith.addi %and3A_4248, %shift_left3A_4254 : vector<16xi32>
      %and3A_4256 = arith.constant 65535 : i32
      %and3A_4257 = vector.broadcast %and3A_4256 : i32 to vector<16xi32>
      %and3A_4258 = arith.andi %get3A_4245, %and3A_4257 : vector<16xi32>
      %shift_right_arithmetic3A_4259 = arith.constant 14 : i32
      %shift_right_arithmetic3A_4260 = vector.broadcast %shift_right_arithmetic3A_4259 : i32 to vector<16xi32>
      %shift_right_arithmetic3A_4261 = arith.shrsi %and3A_4258, %shift_right_arithmetic3A_4260 : vector<16xi32>
      %add3A_4262 = arith.addi %add3A_4255, %shift_right_arithmetic3A_4261 : vector<16xi32>
      %swap3A_4263 = arith.constant 976 : index
      %swap3A_4264 = tpu.vector_load %arg6[%swap3A_4263] {strides = array<i32>} : memref<1600xi32, #tpu.memory_space<vmem>>, vector<16xi32>,
      %swap3A_4265 = vector.shape_cast %swap3A_4264 : vector<16xi32> to vector<16xi32>
      %swap3A_4266 = vector.shape_cast %add3A_4262 : vector<16xi32> to vector<16xi32>
      tpu.vector_store %arg6[%swap3A_4263], %swap3A_4266 {strides = array<i32>} : memref<1600xi32, #tpu.memory_space<vmem>>, vector<16xi32>,
      %get3A_4267 = arith.constant 31 : i32
      %get3A_4268 = arith.index_cast %get3A_4267 : i32 to index
      %get3A_4269 = arith.constant 0 : index
      %get3A_4270 = tpu.vector_load %arg5[%get3A_4268, %get3A_4269] {strides = array<i32>} : memref<50x32xi32, #tpu.memory_space<vmem>>, vector<1x16xi32>,
      %get3A_4271 = vector.shape_cast %get3A_4270 : vector<1x16xi32> to vector<16xi32>
      %and3A_4272 = arith.constant -65536 : i32
      %and3A_4273 = vector.broadcast %and3A_4272 : i32 to vector<16xi32>
      %and3A_4274 = arith.andi %get3A_4271, %and3A_4273 : vector<16xi32>
      %and3A_4275 = arith.constant 16383 : i32
      %and3A_4276 = vector.broadcast %and3A_4275 : i32 to vector<16xi32>
      %and3A_4277 = arith.andi %get3A_4271, %and3A_4276 : vector<16xi32>
      %shift_left3A_4278 = arith.constant 2 : i32
      %shift_left3A_4279 = vector.broadcast %shift_left3A_4278 : i32 to vector<16xi32>
      %shift_left3A_4280 = arith.shli %and3A_4277, %shift_left3A_4279 : vector<16xi32>
      %add3A_4281 = arith.addi %and3A_4274, %shift_left3A_4280 : vector<16xi32>
      %and3A_4282 = arith.constant 65535 : i32
      %and3A_4283 = vector.broadcast %and3A_4282 : i32 to vector<16xi32>
      %and3A_4284 = arith.andi %get3A_4271, %and3A_4283 : vector<16xi32>
      %shift_right_arithmetic3A_4285 = arith.constant 14 : i32
      %shift_right_arithmetic3A_4286 = vector.broadcast %shift_right_arithmetic3A_4285 : i32 to vector<16xi32>
      %shift_right_arithmetic3A_4287 = arith.shrsi %and3A_4284, %shift_right_arithmetic3A_4286 : vector<16xi32>
      %add3A_4288 = arith.addi %add3A_4281, %shift_right_arithmetic3A_4287 : vector<16xi32>
      %swap3A_4289 = arith.constant 992 : index
      %swap3A_4290 = tpu.vector_load %arg6[%swap3A_4289] {strides = array<i32>} : memref<1600xi32, #tpu.memory_space<vmem>>, vector<16xi32>,
      %swap3A_4291 = vector.shape_cast %swap3A_4290 : vector<16xi32> to vector<16xi32>
      %swap3A_4292 = vector.shape_cast %add3A_4288 : vector<16xi32> to vector<16xi32>
      tpu.vector_store %arg6[%swap3A_4289], %swap3A_4292 {strides = array<i32>} : memref<1600xi32, #tpu.memory_space<vmem>>, vector<16xi32>,
      %get3A_4293 = arith.constant 31 : i32
      %get3A_4294 = arith.index_cast %get3A_4293 : i32 to index
      %get3A_4295 = arith.constant 16 : index
      %get3A_4296 = tpu.vector_load %arg5[%get3A_4294, %get3A_4295] {strides = array<i32>} : memref<50x32xi32, #tpu.memory_space<vmem>>, vector<1x16xi32>,
      %get3A_4297 = vector.shape_cast %get3A_4296 : vector<1x16xi32> to vector<16xi32>
      %and3A_4298 = arith.constant -65536 : i32
      %and3A_4299 = vector.broadcast %and3A_4298 : i32 to vector<16xi32>
      %and3A_4300 = arith.andi %get3A_4297, %and3A_4299 : vector<16xi32>
      %and3A_4301 = arith.constant 16383 : i32
      %and3A_4302 = vector.broadcast %and3A_4301 : i32 to vector<16xi32>
      %and3A_4303 = arith.andi %get3A_4297, %and3A_4302 : vector<16xi32>
      %shift_left3A_4304 = arith.constant 2 : i32
      %shift_left3A_4305 = vector.broadcast %shift_left3A_4304 : i32 to vector<16xi32>
      %shift_left3A_4306 = arith.shli %and3A_4303, %shift_left3A_4305 : vector<16xi32>
      %add3A_4307 = arith.addi %and3A_4300, %shift_left3A_4306 : vector<16xi32>
      %and3A_4308 = arith.constant 65535 : i32
      %and3A_4309 = vector.broadcast %and3A_4308 : i32 to vector<16xi32>
      %and3A_4310 = arith.andi %get3A_4297, %and3A_4309 : vector<16xi32>
      %shift_right_arithmetic3A_4311 = arith.constant 14 : i32
      %shift_right_arithmetic3A_4312 = vector.broadcast %shift_right_arithmetic3A_4311 : i32 to vector<16xi32>
      %shift_right_arithmetic3A_4313 = arith.shrsi %and3A_4310, %shift_right_arithmetic3A_4312 : vector<16xi32>
      %add3A_4314 = arith.addi %add3A_4307, %shift_right_arithmetic3A_4313 : vector<16xi32>
      %swap3A_4315 = arith.constant 1008 : index
      %swap3A_4316 = tpu.vector_load %arg6[%swap3A_4315] {strides = array<i32>} : memref<1600xi32, #tpu.memory_space<vmem>>, vector<16xi32>,
      %swap3A_4317 = vector.shape_cast %swap3A_4316 : vector<16xi32> to vector<16xi32>
      %swap3A_4318 = vector.shape_cast %add3A_4314 : vector<16xi32> to vector<16xi32>
      tpu.vector_store %arg6[%swap3A_4315], %swap3A_4318 {strides = array<i32>} : memref<1600xi32, #tpu.memory_space<vmem>>, vector<16xi32>,
      %get3A_4319 = arith.constant 32 : i32
      %get3A_4320 = arith.index_cast %get3A_4319 : i32 to index
      %get3A_4321 = arith.constant 0 : index
      %get3A_4322 = tpu.vector_load %arg5[%get3A_4320, %get3A_4321] {strides = array<i32>} : memref<50x32xi32, #tpu.memory_space<vmem>>, vector<1x16xi32>,
      %get3A_4323 = vector.shape_cast %get3A_4322 : vector<1x16xi32> to vector<16xi32>
      %and3A_4324 = arith.constant -65536 : i32
      %and3A_4325 = vector.broadcast %and3A_4324 : i32 to vector<16xi32>
      %and3A_4326 = arith.andi %get3A_4323, %and3A_4325 : vector<16xi32>
      %and3A_4327 = arith.constant 16383 : i32
      %and3A_4328 = vector.broadcast %and3A_4327 : i32 to vector<16xi32>
      %and3A_4329 = arith.andi %get3A_4323, %and3A_4328 : vector<16xi32>
      %shift_left3A_4330 = arith.constant 2 : i32
      %shift_left3A_4331 = vector.broadcast %shift_left3A_4330 : i32 to vector<16xi32>
      %shift_left3A_4332 = arith.shli %and3A_4329, %shift_left3A_4331 : vector<16xi32>
      %add3A_4333 = arith.addi %and3A_4326, %shift_left3A_4332 : vector<16xi32>
      %and3A_4334 = arith.constant 65535 : i32
      %and3A_4335 = vector.broadcast %and3A_4334 : i32 to vector<16xi32>
      %and3A_4336 = arith.andi %get3A_4323, %and3A_4335 : vector<16xi32>
      %shift_right_arithmetic3A_4337 = arith.constant 14 : i32
      %shift_right_arithmetic3A_4338 = vector.broadcast %shift_right_arithmetic3A_4337 : i32 to vector<16xi32>
      %shift_right_arithmetic3A_4339 = arith.shrsi %and3A_4336, %shift_right_arithmetic3A_4338 : vector<16xi32>
      %add3A_4340 = arith.addi %add3A_4333, %shift_right_arithmetic3A_4339 : vector<16xi32>
      %swap3A_4341 = arith.constant 1024 : index
      %swap3A_4342 = tpu.vector_load %arg6[%swap3A_4341] {strides = array<i32>} : memref<1600xi32, #tpu.memory_space<vmem>>, vector<16xi32>,
      %swap3A_4343 = vector.shape_cast %swap3A_4342 : vector<16xi32> to vector<16xi32>
      %swap3A_4344 = vector.shape_cast %add3A_4340 : vector<16xi32> to vector<16xi32>
      tpu.vector_store %arg6[%swap3A_4341], %swap3A_4344 {strides = array<i32>} : memref<1600xi32, #tpu.memory_space<vmem>>, vector<16xi32>,
      %get3A_4345 = arith.constant 32 : i32
      %get3A_4346 = arith.index_cast %get3A_4345 : i32 to index
      %get3A_4347 = arith.constant 16 : index
      %get3A_4348 = tpu.vector_load %arg5[%get3A_4346, %get3A_4347] {strides = array<i32>} : memref<50x32xi32, #tpu.memory_space<vmem>>, vector<1x16xi32>,
      %get3A_4349 = vector.shape_cast %get3A_4348 : vector<1x16xi32> to vector<16xi32>
      %and3A_4350 = arith.constant -65536 : i32
      %and3A_4351 = vector.broadcast %and3A_4350 : i32 to vector<16xi32>
      %and3A_4352 = arith.andi %get3A_4349, %and3A_4351 : vector<16xi32>
      %and3A_4353 = arith.constant 16383 : i32
      %and3A_4354 = vector.broadcast %and3A_4353 : i32 to vector<16xi32>
      %and3A_4355 = arith.andi %get3A_4349, %and3A_4354 : vector<16xi32>
      %shift_left3A_4356 = arith.constant 2 : i32
      %shift_left3A_4357 = vector.broadcast %shift_left3A_4356 : i32 to vector<16xi32>
      %shift_left3A_4358 = arith.shli %and3A_4355, %shift_left3A_4357 : vector<16xi32>
      %add3A_4359 = arith.addi %and3A_4352, %shift_left3A_4358 : vector<16xi32>
      %and3A_4360 = arith.constant 65535 : i32
      %and3A_4361 = vector.broadcast %and3A_4360 : i32 to vector<16xi32>
      %and3A_4362 = arith.andi %get3A_4349, %and3A_4361 : vector<16xi32>
      %shift_right_arithmetic3A_4363 = arith.constant 14 : i32
      %shift_right_arithmetic3A_4364 = vector.broadcast %shift_right_arithmetic3A_4363 : i32 to vector<16xi32>
      %shift_right_arithmetic3A_4365 = arith.shrsi %and3A_4362, %shift_right_arithmetic3A_4364 : vector<16xi32>
      %add3A_4366 = arith.addi %add3A_4359, %shift_right_arithmetic3A_4365 : vector<16xi32>
      %swap3A_4367 = arith.constant 1040 : index
      %swap3A_4368 = tpu.vector_load %arg6[%swap3A_4367] {strides = array<i32>} : memref<1600xi32, #tpu.memory_space<vmem>>, vector<16xi32>,
      %swap3A_4369 = vector.shape_cast %swap3A_4368 : vector<16xi32> to vector<16xi32>
      %swap3A_4370 = vector.shape_cast %add3A_4366 : vector<16xi32> to vector<16xi32>
      tpu.vector_store %arg6[%swap3A_4367], %swap3A_4370 {strides = array<i32>} : memref<1600xi32, #tpu.memory_space<vmem>>, vector<16xi32>,
      %get3A_4371 = arith.constant 33 : i32
      %get3A_4372 = arith.index_cast %get3A_4371 : i32 to index
      %get3A_4373 = arith.constant 0 : index
      %get3A_4374 = tpu.vector_load %arg5[%get3A_4372, %get3A_4373] {strides = array<i32>} : memref<50x32xi32, #tpu.memory_space<vmem>>, vector<1x16xi32>,
      %get3A_4375 = vector.shape_cast %get3A_4374 : vector<1x16xi32> to vector<16xi32>
      %and3A_4376 = arith.constant -65536 : i32
      %and3A_4377 = vector.broadcast %and3A_4376 : i32 to vector<16xi32>
      %and3A_4378 = arith.andi %get3A_4375, %and3A_4377 : vector<16xi32>
      %and3A_4379 = arith.constant 16383 : i32
      %and3A_4380 = vector.broadcast %and3A_4379 : i32 to vector<16xi32>
      %and3A_4381 = arith.andi %get3A_4375, %and3A_4380 : vector<16xi32>
      %shift_left3A_4382 = arith.constant 2 : i32
      %shift_left3A_4383 = vector.broadcast %shift_left3A_4382 : i32 to vector<16xi32>
      %shift_left3A_4384 = arith.shli %and3A_4381, %shift_left3A_4383 : vector<16xi32>
      %add3A_4385 = arith.addi %and3A_4378, %shift_left3A_4384 : vector<16xi32>
      %and3A_4386 = arith.constant 65535 : i32
      %and3A_4387 = vector.broadcast %and3A_4386 : i32 to vector<16xi32>
      %and3A_4388 = arith.andi %get3A_4375, %and3A_4387 : vector<16xi32>
      %shift_right_arithmetic3A_4389 = arith.constant 14 : i32
      %shift_right_arithmetic3A_4390 = vector.broadcast %shift_right_arithmetic3A_4389 : i32 to vector<16xi32>
      %shift_right_arithmetic3A_4391 = arith.shrsi %and3A_4388, %shift_right_arithmetic3A_4390 : vector<16xi32>
      %add3A_4392 = arith.addi %add3A_4385, %shift_right_arithmetic3A_4391 : vector<16xi32>
      %swap3A_4393 = arith.constant 1056 : index
      %swap3A_4394 = tpu.vector_load %arg6[%swap3A_4393] {strides = array<i32>} : memref<1600xi32, #tpu.memory_space<vmem>>, vector<16xi32>,
      %swap3A_4395 = vector.shape_cast %swap3A_4394 : vector<16xi32> to vector<16xi32>
      %swap3A_4396 = vector.shape_cast %add3A_4392 : vector<16xi32> to vector<16xi32>
      tpu.vector_store %arg6[%swap3A_4393], %swap3A_4396 {strides = array<i32>} : memref<1600xi32, #tpu.memory_space<vmem>>, vector<16xi32>,
      %get3A_4397 = arith.constant 33 : i32
      %get3A_4398 = arith.index_cast %get3A_4397 : i32 to index
      %get3A_4399 = arith.constant 16 : index
      %get3A_4400 = tpu.vector_load %arg5[%get3A_4398, %get3A_4399] {strides = array<i32>} : memref<50x32xi32, #tpu.memory_space<vmem>>, vector<1x16xi32>,
      %get3A_4401 = vector.shape_cast %get3A_4400 : vector<1x16xi32> to vector<16xi32>
      %and3A_4402 = arith.constant -65536 : i32
      %and3A_4403 = vector.broadcast %and3A_4402 : i32 to vector<16xi32>
      %and3A_4404 = arith.andi %get3A_4401, %and3A_4403 : vector<16xi32>
      %and3A_4405 = arith.constant 16383 : i32
      %and3A_4406 = vector.broadcast %and3A_4405 : i32 to vector<16xi32>
      %and3A_4407 = arith.andi %get3A_4401, %and3A_4406 : vector<16xi32>
      %shift_left3A_4408 = arith.constant 2 : i32
      %shift_left3A_4409 = vector.broadcast %shift_left3A_4408 : i32 to vector<16xi32>
      %shift_left3A_4410 = arith.shli %and3A_4407, %shift_left3A_4409 : vector<16xi32>
      %add3A_4411 = arith.addi %and3A_4404, %shift_left3A_4410 : vector<16xi32>
      %and3A_4412 = arith.constant 65535 : i32
      %and3A_4413 = vector.broadcast %and3A_4412 : i32 to vector<16xi32>
      %and3A_4414 = arith.andi %get3A_4401, %and3A_4413 : vector<16xi32>
      %shift_right_arithmetic3A_4415 = arith.constant 14 : i32
      %shift_right_arithmetic3A_4416 = vector.broadcast %shift_right_arithmetic3A_4415 : i32 to vector<16xi32>
      %shift_right_arithmetic3A_4417 = arith.shrsi %and3A_4414, %shift_right_arithmetic3A_4416 : vector<16xi32>
      %add3A_4418 = arith.addi %add3A_4411, %shift_right_arithmetic3A_4417 : vector<16xi32>
      %swap3A_4419 = arith.constant 1072 : index
      %swap3A_4420 = tpu.vector_load %arg6[%swap3A_4419] {strides = array<i32>} : memref<1600xi32, #tpu.memory_space<vmem>>, vector<16xi32>,
      %swap3A_4421 = vector.shape_cast %swap3A_4420 : vector<16xi32> to vector<16xi32>
      %swap3A_4422 = vector.shape_cast %add3A_4418 : vector<16xi32> to vector<16xi32>
      tpu.vector_store %arg6[%swap3A_4419], %swap3A_4422 {strides = array<i32>} : memref<1600xi32, #tpu.memory_space<vmem>>, vector<16xi32>,
      %get3A_4423 = arith.constant 34 : i32
      %get3A_4424 = arith.index_cast %get3A_4423 : i32 to index
      %get3A_4425 = arith.constant 0 : index
      %get3A_4426 = tpu.vector_load %arg5[%get3A_4424, %get3A_4425] {strides = array<i32>} : memref<50x32xi32, #tpu.memory_space<vmem>>, vector<1x16xi32>,
      %get3A_4427 = vector.shape_cast %get3A_4426 : vector<1x16xi32> to vector<16xi32>
      %and3A_4428 = arith.constant -65536 : i32
      %and3A_4429 = vector.broadcast %and3A_4428 : i32 to vector<16xi32>
      %and3A_4430 = arith.andi %get3A_4427, %and3A_4429 : vector<16xi32>
      %and3A_4431 = arith.constant 16383 : i32
      %and3A_4432 = vector.broadcast %and3A_4431 : i32 to vector<16xi32>
      %and3A_4433 = arith.andi %get3A_4427, %and3A_4432 : vector<16xi32>
      %shift_left3A_4434 = arith.constant 2 : i32
      %shift_left3A_4435 = vector.broadcast %shift_left3A_4434 : i32 to vector<16xi32>
      %shift_left3A_4436 = arith.shli %and3A_4433, %shift_left3A_4435 : vector<16xi32>
      %add3A_4437 = arith.addi %and3A_4430, %shift_left3A_4436 : vector<16xi32>
      %and3A_4438 = arith.constant 65535 : i32
      %and3A_4439 = vector.broadcast %and3A_4438 : i32 to vector<16xi32>
      %and3A_4440 = arith.andi %get3A_4427, %and3A_4439 : vector<16xi32>
      %shift_right_arithmetic3A_4441 = arith.constant 14 : i32
      %shift_right_arithmetic3A_4442 = vector.broadcast %shift_right_arithmetic3A_4441 : i32 to vector<16xi32>
      %shift_right_arithmetic3A_4443 = arith.shrsi %and3A_4440, %shift_right_arithmetic3A_4442 : vector<16xi32>
      %add3A_4444 = arith.addi %add3A_4437, %shift_right_arithmetic3A_4443 : vector<16xi32>
      %swap3A_4445 = arith.constant 1088 : index
      %swap3A_4446 = tpu.vector_load %arg6[%swap3A_4445] {strides = array<i32>} : memref<1600xi32, #tpu.memory_space<vmem>>, vector<16xi32>,
      %swap3A_4447 = vector.shape_cast %swap3A_4446 : vector<16xi32> to vector<16xi32>
      %swap3A_4448 = vector.shape_cast %add3A_4444 : vector<16xi32> to vector<16xi32>
      tpu.vector_store %arg6[%swap3A_4445], %swap3A_4448 {strides = array<i32>} : memref<1600xi32, #tpu.memory_space<vmem>>, vector<16xi32>,
      %get3A_4449 = arith.constant 34 : i32
      %get3A_4450 = arith.index_cast %get3A_4449 : i32 to index
      %get3A_4451 = arith.constant 16 : index
      %get3A_4452 = tpu.vector_load %arg5[%get3A_4450, %get3A_4451] {strides = array<i32>} : memref<50x32xi32, #tpu.memory_space<vmem>>, vector<1x16xi32>,
      %get3A_4453 = vector.shape_cast %get3A_4452 : vector<1x16xi32> to vector<16xi32>
      %and3A_4454 = arith.constant -65536 : i32
      %and3A_4455 = vector.broadcast %and3A_4454 : i32 to vector<16xi32>
      %and3A_4456 = arith.andi %get3A_4453, %and3A_4455 : vector<16xi32>
      %and3A_4457 = arith.constant 16383 : i32
      %and3A_4458 = vector.broadcast %and3A_4457 : i32 to vector<16xi32>
      %and3A_4459 = arith.andi %get3A_4453, %and3A_4458 : vector<16xi32>
      %shift_left3A_4460 = arith.constant 2 : i32
      %shift_left3A_4461 = vector.broadcast %shift_left3A_4460 : i32 to vector<16xi32>
      %shift_left3A_4462 = arith.shli %and3A_4459, %shift_left3A_4461 : vector<16xi32>
      %add3A_4463 = arith.addi %and3A_4456, %shift_left3A_4462 : vector<16xi32>
      %and3A_4464 = arith.constant 65535 : i32
      %and3A_4465 = vector.broadcast %and3A_4464 : i32 to vector<16xi32>
      %and3A_4466 = arith.andi %get3A_4453, %and3A_4465 : vector<16xi32>
      %shift_right_arithmetic3A_4467 = arith.constant 14 : i32
      %shift_right_arithmetic3A_4468 = vector.broadcast %shift_right_arithmetic3A_4467 : i32 to vector<16xi32>
      %shift_right_arithmetic3A_4469 = arith.shrsi %and3A_4466, %shift_right_arithmetic3A_4468 : vector<16xi32>
      %add3A_4470 = arith.addi %add3A_4463, %shift_right_arithmetic3A_4469 : vector<16xi32>
      %swap3A_4471 = arith.constant 1104 : index
      %swap3A_4472 = tpu.vector_load %arg6[%swap3A_4471] {strides = array<i32>} : memref<1600xi32, #tpu.memory_space<vmem>>, vector<16xi32>,
      %swap3A_4473 = vector.shape_cast %swap3A_4472 : vector<16xi32> to vector<16xi32>
      %swap3A_4474 = vector.shape_cast %add3A_4470 : vector<16xi32> to vector<16xi32>
      tpu.vector_store %arg6[%swap3A_4471], %swap3A_4474 {strides = array<i32>} : memref<1600xi32, #tpu.memory_space<vmem>>, vector<16xi32>,
      %get3A_4475 = arith.constant 35 : i32
      %get3A_4476 = arith.index_cast %get3A_4475 : i32 to index
      %get3A_4477 = arith.constant 0 : index
      %get3A_4478 = tpu.vector_load %arg5[%get3A_4476, %get3A_4477] {strides = array<i32>} : memref<50x32xi32, #tpu.memory_space<vmem>>, vector<1x16xi32>,
      %get3A_4479 = vector.shape_cast %get3A_4478 : vector<1x16xi32> to vector<16xi32>
      %and3A_4480 = arith.constant -65536 : i32
      %and3A_4481 = vector.broadcast %and3A_4480 : i32 to vector<16xi32>
      %and3A_4482 = arith.andi %get3A_4479, %and3A_4481 : vector<16xi32>
      %and3A_4483 = arith.constant 16383 : i32
      %and3A_4484 = vector.broadcast %and3A_4483 : i32 to vector<16xi32>
      %and3A_4485 = arith.andi %get3A_4479, %and3A_4484 : vector<16xi32>
      %shift_left3A_4486 = arith.constant 2 : i32
      %shift_left3A_4487 = vector.broadcast %shift_left3A_4486 : i32 to vector<16xi32>
      %shift_left3A_4488 = arith.shli %and3A_4485, %shift_left3A_4487 : vector<16xi32>
      %add3A_4489 = arith.addi %and3A_4482, %shift_left3A_4488 : vector<16xi32>
      %and3A_4490 = arith.constant 65535 : i32
      %and3A_4491 = vector.broadcast %and3A_4490 : i32 to vector<16xi32>
      %and3A_4492 = arith.andi %get3A_4479, %and3A_4491 : vector<16xi32>
      %shift_right_arithmetic3A_4493 = arith.constant 14 : i32
      %shift_right_arithmetic3A_4494 = vector.broadcast %shift_right_arithmetic3A_4493 : i32 to vector<16xi32>
      %shift_right_arithmetic3A_4495 = arith.shrsi %and3A_4492, %shift_right_arithmetic3A_4494 : vector<16xi32>
      %add3A_4496 = arith.addi %add3A_4489, %shift_right_arithmetic3A_4495 : vector<16xi32>
      %swap3A_4497 = arith.constant 1120 : index
      %swap3A_4498 = tpu.vector_load %arg6[%swap3A_4497] {strides = array<i32>} : memref<1600xi32, #tpu.memory_space<vmem>>, vector<16xi32>,
      %swap3A_4499 = vector.shape_cast %swap3A_4498 : vector<16xi32> to vector<16xi32>
      %swap3A_4500 = vector.shape_cast %add3A_4496 : vector<16xi32> to vector<16xi32>
      tpu.vector_store %arg6[%swap3A_4497], %swap3A_4500 {strides = array<i32>} : memref<1600xi32, #tpu.memory_space<vmem>>, vector<16xi32>,
      %get3A_4501 = arith.constant 35 : i32
      %get3A_4502 = arith.index_cast %get3A_4501 : i32 to index
      %get3A_4503 = arith.constant 16 : index
      %get3A_4504 = tpu.vector_load %arg5[%get3A_4502, %get3A_4503] {strides = array<i32>} : memref<50x32xi32, #tpu.memory_space<vmem>>, vector<1x16xi32>,
      %get3A_4505 = vector.shape_cast %get3A_4504 : vector<1x16xi32> to vector<16xi32>
      %and3A_4506 = arith.constant -65536 : i32
      %and3A_4507 = vector.broadcast %and3A_4506 : i32 to vector<16xi32>
      %and3A_4508 = arith.andi %get3A_4505, %and3A_4507 : vector<16xi32>
      %and3A_4509 = arith.constant 16383 : i32
      %and3A_4510 = vector.broadcast %and3A_4509 : i32 to vector<16xi32>
      %and3A_4511 = arith.andi %get3A_4505, %and3A_4510 : vector<16xi32>
      %shift_left3A_4512 = arith.constant 2 : i32
      %shift_left3A_4513 = vector.broadcast %shift_left3A_4512 : i32 to vector<16xi32>
      %shift_left3A_4514 = arith.shli %and3A_4511, %shift_left3A_4513 : vector<16xi32>
      %add3A_4515 = arith.addi %and3A_4508, %shift_left3A_4514 : vector<16xi32>
      %and3A_4516 = arith.constant 65535 : i32
      %and3A_4517 = vector.broadcast %and3A_4516 : i32 to vector<16xi32>
      %and3A_4518 = arith.andi %get3A_4505, %and3A_4517 : vector<16xi32>
      %shift_right_arithmetic3A_4519 = arith.constant 14 : i32
      %shift_right_arithmetic3A_4520 = vector.broadcast %shift_right_arithmetic3A_4519 : i32 to vector<16xi32>
      %shift_right_arithmetic3A_4521 = arith.shrsi %and3A_4518, %shift_right_arithmetic3A_4520 : vector<16xi32>
      %add3A_4522 = arith.addi %add3A_4515, %shift_right_arithmetic3A_4521 : vector<16xi32>
      %swap3A_4523 = arith.constant 1136 : index
      %swap3A_4524 = tpu.vector_load %arg6[%swap3A_4523] {strides = array<i32>} : memref<1600xi32, #tpu.memory_space<vmem>>, vector<16xi32>,
      %swap3A_4525 = vector.shape_cast %swap3A_4524 : vector<16xi32> to vector<16xi32>
      %swap3A_4526 = vector.shape_cast %add3A_4522 : vector<16xi32> to vector<16xi32>
      tpu.vector_store %arg6[%swap3A_4523], %swap3A_4526 {strides = array<i32>} : memref<1600xi32, #tpu.memory_space<vmem>>, vector<16xi32>,
      %get3A_4527 = arith.constant 36 : i32
      %get3A_4528 = arith.index_cast %get3A_4527 : i32 to index
      %get3A_4529 = arith.constant 0 : index
      %get3A_4530 = tpu.vector_load %arg5[%get3A_4528, %get3A_4529] {strides = array<i32>} : memref<50x32xi32, #tpu.memory_space<vmem>>, vector<1x16xi32>,
      %get3A_4531 = vector.shape_cast %get3A_4530 : vector<1x16xi32> to vector<16xi32>
      %and3A_4532 = arith.constant -65536 : i32
      %and3A_4533 = vector.broadcast %and3A_4532 : i32 to vector<16xi32>
      %and3A_4534 = arith.andi %get3A_4531, %and3A_4533 : vector<16xi32>
      %and3A_4535 = arith.constant 16383 : i32
      %and3A_4536 = vector.broadcast %and3A_4535 : i32 to vector<16xi32>
      %and3A_4537 = arith.andi %get3A_4531, %and3A_4536 : vector<16xi32>
      %shift_left3A_4538 = arith.constant 2 : i32
      %shift_left3A_4539 = vector.broadcast %shift_left3A_4538 : i32 to vector<16xi32>
      %shift_left3A_4540 = arith.shli %and3A_4537, %shift_left3A_4539 : vector<16xi32>
      %add3A_4541 = arith.addi %and3A_4534, %shift_left3A_4540 : vector<16xi32>
      %and3A_4542 = arith.constant 65535 : i32
      %and3A_4543 = vector.broadcast %and3A_4542 : i32 to vector<16xi32>
      %and3A_4544 = arith.andi %get3A_4531, %and3A_4543 : vector<16xi32>
      %shift_right_arithmetic3A_4545 = arith.constant 14 : i32
      %shift_right_arithmetic3A_4546 = vector.broadcast %shift_right_arithmetic3A_4545 : i32 to vector<16xi32>
      %shift_right_arithmetic3A_4547 = arith.shrsi %and3A_4544, %shift_right_arithmetic3A_4546 : vector<16xi32>
      %add3A_4548 = arith.addi %add3A_4541, %shift_right_arithmetic3A_4547 : vector<16xi32>
      %swap3A_4549 = arith.constant 1152 : index
      %swap3A_4550 = tpu.vector_load %arg6[%swap3A_4549] {strides = array<i32>} : memref<1600xi32, #tpu.memory_space<vmem>>, vector<16xi32>,
      %swap3A_4551 = vector.shape_cast %swap3A_4550 : vector<16xi32> to vector<16xi32>
      %swap3A_4552 = vector.shape_cast %add3A_4548 : vector<16xi32> to vector<16xi32>
      tpu.vector_store %arg6[%swap3A_4549], %swap3A_4552 {strides = array<i32>} : memref<1600xi32, #tpu.memory_space<vmem>>, vector<16xi32>,
      %get3A_4553 = arith.constant 36 : i32
      %get3A_4554 = arith.index_cast %get3A_4553 : i32 to index
      %get3A_4555 = arith.constant 16 : index
      %get3A_4556 = tpu.vector_load %arg5[%get3A_4554, %get3A_4555] {strides = array<i32>} : memref<50x32xi32, #tpu.memory_space<vmem>>, vector<1x16xi32>,
      %get3A_4557 = vector.shape_cast %get3A_4556 : vector<1x16xi32> to vector<16xi32>
      %and3A_4558 = arith.constant -65536 : i32
      %and3A_4559 = vector.broadcast %and3A_4558 : i32 to vector<16xi32>
      %and3A_4560 = arith.andi %get3A_4557, %and3A_4559 : vector<16xi32>
      %and3A_4561 = arith.constant 16383 : i32
      %and3A_4562 = vector.broadcast %and3A_4561 : i32 to vector<16xi32>
      %and3A_4563 = arith.andi %get3A_4557, %and3A_4562 : vector<16xi32>
      %shift_left3A_4564 = arith.constant 2 : i32
      %shift_left3A_4565 = vector.broadcast %shift_left3A_4564 : i32 to vector<16xi32>
      %shift_left3A_4566 = arith.shli %and3A_4563, %shift_left3A_4565 : vector<16xi32>
      %add3A_4567 = arith.addi %and3A_4560, %shift_left3A_4566 : vector<16xi32>
      %and3A_4568 = arith.constant 65535 : i32
      %and3A_4569 = vector.broadcast %and3A_4568 : i32 to vector<16xi32>
      %and3A_4570 = arith.andi %get3A_4557, %and3A_4569 : vector<16xi32>
      %shift_right_arithmetic3A_4571 = arith.constant 14 : i32
      %shift_right_arithmetic3A_4572 = vector.broadcast %shift_right_arithmetic3A_4571 : i32 to vector<16xi32>
      %shift_right_arithmetic3A_4573 = arith.shrsi %and3A_4570, %shift_right_arithmetic3A_4572 : vector<16xi32>
      %add3A_4574 = arith.addi %add3A_4567, %shift_right_arithmetic3A_4573 : vector<16xi32>
      %swap3A_4575 = arith.constant 1168 : index
      %swap3A_4576 = tpu.vector_load %arg6[%swap3A_4575] {strides = array<i32>} : memref<1600xi32, #tpu.memory_space<vmem>>, vector<16xi32>,
      %swap3A_4577 = vector.shape_cast %swap3A_4576 : vector<16xi32> to vector<16xi32>
      %swap3A_4578 = vector.shape_cast %add3A_4574 : vector<16xi32> to vector<16xi32>
      tpu.vector_store %arg6[%swap3A_4575], %swap3A_4578 {strides = array<i32>} : memref<1600xi32, #tpu.memory_space<vmem>>, vector<16xi32>,
      %get3A_4579 = arith.constant 37 : i32
      %get3A_4580 = arith.index_cast %get3A_4579 : i32 to index
      %get3A_4581 = arith.constant 0 : index
      %get3A_4582 = tpu.vector_load %arg5[%get3A_4580, %get3A_4581] {strides = array<i32>} : memref<50x32xi32, #tpu.memory_space<vmem>>, vector<1x16xi32>,
      %get3A_4583 = vector.shape_cast %get3A_4582 : vector<1x16xi32> to vector<16xi32>
      %and3A_4584 = arith.constant -65536 : i32
      %and3A_4585 = vector.broadcast %and3A_4584 : i32 to vector<16xi32>
      %and3A_4586 = arith.andi %get3A_4583, %and3A_4585 : vector<16xi32>
      %and3A_4587 = arith.constant 16383 : i32
      %and3A_4588 = vector.broadcast %and3A_4587 : i32 to vector<16xi32>
      %and3A_4589 = arith.andi %get3A_4583, %and3A_4588 : vector<16xi32>
      %shift_left3A_4590 = arith.constant 2 : i32
      %shift_left3A_4591 = vector.broadcast %shift_left3A_4590 : i32 to vector<16xi32>
      %shift_left3A_4592 = arith.shli %and3A_4589, %shift_left3A_4591 : vector<16xi32>
      %add3A_4593 = arith.addi %and3A_4586, %shift_left3A_4592 : vector<16xi32>
      %and3A_4594 = arith.constant 65535 : i32
      %and3A_4595 = vector.broadcast %and3A_4594 : i32 to vector<16xi32>
      %and3A_4596 = arith.andi %get3A_4583, %and3A_4595 : vector<16xi32>
      %shift_right_arithmetic3A_4597 = arith.constant 14 : i32
      %shift_right_arithmetic3A_4598 = vector.broadcast %shift_right_arithmetic3A_4597 : i32 to vector<16xi32>
      %shift_right_arithmetic3A_4599 = arith.shrsi %and3A_4596, %shift_right_arithmetic3A_4598 : vector<16xi32>
      %add3A_4600 = arith.addi %add3A_4593, %shift_right_arithmetic3A_4599 : vector<16xi32>
      %swap3A_4601 = arith.constant 1184 : index
      %swap3A_4602 = tpu.vector_load %arg6[%swap3A_4601] {strides = array<i32>} : memref<1600xi32, #tpu.memory_space<vmem>>, vector<16xi32>,
      %swap3A_4603 = vector.shape_cast %swap3A_4602 : vector<16xi32> to vector<16xi32>
      %swap3A_4604 = vector.shape_cast %add3A_4600 : vector<16xi32> to vector<16xi32>
      tpu.vector_store %arg6[%swap3A_4601], %swap3A_4604 {strides = array<i32>} : memref<1600xi32, #tpu.memory_space<vmem>>, vector<16xi32>,
      %get3A_4605 = arith.constant 37 : i32
      %get3A_4606 = arith.index_cast %get3A_4605 : i32 to index
      %get3A_4607 = arith.constant 16 : index
      %get3A_4608 = tpu.vector_load %arg5[%get3A_4606, %get3A_4607] {strides = array<i32>} : memref<50x32xi32, #tpu.memory_space<vmem>>, vector<1x16xi32>,
      %get3A_4609 = vector.shape_cast %get3A_4608 : vector<1x16xi32> to vector<16xi32>
      %and3A_4610 = arith.constant -65536 : i32
      %and3A_4611 = vector.broadcast %and3A_4610 : i32 to vector<16xi32>
      %and3A_4612 = arith.andi %get3A_4609, %and3A_4611 : vector<16xi32>
      %and3A_4613 = arith.constant 16383 : i32
      %and3A_4614 = vector.broadcast %and3A_4613 : i32 to vector<16xi32>
      %and3A_4615 = arith.andi %get3A_4609, %and3A_4614 : vector<16xi32>
      %shift_left3A_4616 = arith.constant 2 : i32
      %shift_left3A_4617 = vector.broadcast %shift_left3A_4616 : i32 to vector<16xi32>
      %shift_left3A_4618 = arith.shli %and3A_4615, %shift_left3A_4617 : vector<16xi32>
      %add3A_4619 = arith.addi %and3A_4612, %shift_left3A_4618 : vector<16xi32>
      %and3A_4620 = arith.constant 65535 : i32
      %and3A_4621 = vector.broadcast %and3A_4620 : i32 to vector<16xi32>
      %and3A_4622 = arith.andi %get3A_4609, %and3A_4621 : vector<16xi32>
      %shift_right_arithmetic3A_4623 = arith.constant 14 : i32
      %shift_right_arithmetic3A_4624 = vector.broadcast %shift_right_arithmetic3A_4623 : i32 to vector<16xi32>
      %shift_right_arithmetic3A_4625 = arith.shrsi %and3A_4622, %shift_right_arithmetic3A_4624 : vector<16xi32>
      %add3A_4626 = arith.addi %add3A_4619, %shift_right_arithmetic3A_4625 : vector<16xi32>
      %swap3A_4627 = arith.constant 1200 : index
      %swap3A_4628 = tpu.vector_load %arg6[%swap3A_4627] {strides = array<i32>} : memref<1600xi32, #tpu.memory_space<vmem>>, vector<16xi32>,
      %swap3A_4629 = vector.shape_cast %swap3A_4628 : vector<16xi32> to vector<16xi32>
      %swap3A_4630 = vector.shape_cast %add3A_4626 : vector<16xi32> to vector<16xi32>
      tpu.vector_store %arg6[%swap3A_4627], %swap3A_4630 {strides = array<i32>} : memref<1600xi32, #tpu.memory_space<vmem>>, vector<16xi32>,
      %get3A_4631 = arith.constant 38 : i32
      %get3A_4632 = arith.index_cast %get3A_4631 : i32 to index
      %get3A_4633 = arith.constant 0 : index
      %get3A_4634 = tpu.vector_load %arg5[%get3A_4632, %get3A_4633] {strides = array<i32>} : memref<50x32xi32, #tpu.memory_space<vmem>>, vector<1x16xi32>,
      %get3A_4635 = vector.shape_cast %get3A_4634 : vector<1x16xi32> to vector<16xi32>
      %and3A_4636 = arith.constant -65536 : i32
      %and3A_4637 = vector.broadcast %and3A_4636 : i32 to vector<16xi32>
      %and3A_4638 = arith.andi %get3A_4635, %and3A_4637 : vector<16xi32>
      %and3A_4639 = arith.constant 16383 : i32
      %and3A_4640 = vector.broadcast %and3A_4639 : i32 to vector<16xi32>
      %and3A_4641 = arith.andi %get3A_4635, %and3A_4640 : vector<16xi32>
      %shift_left3A_4642 = arith.constant 2 : i32
      %shift_left3A_4643 = vector.broadcast %shift_left3A_4642 : i32 to vector<16xi32>
      %shift_left3A_4644 = arith.shli %and3A_4641, %shift_left3A_4643 : vector<16xi32>
      %add3A_4645 = arith.addi %and3A_4638, %shift_left3A_4644 : vector<16xi32>
      %and3A_4646 = arith.constant 65535 : i32
      %and3A_4647 = vector.broadcast %and3A_4646 : i32 to vector<16xi32>
      %and3A_4648 = arith.andi %get3A_4635, %and3A_4647 : vector<16xi32>
      %shift_right_arithmetic3A_4649 = arith.constant 14 : i32
      %shift_right_arithmetic3A_4650 = vector.broadcast %shift_right_arithmetic3A_4649 : i32 to vector<16xi32>
      %shift_right_arithmetic3A_4651 = arith.shrsi %and3A_4648, %shift_right_arithmetic3A_4650 : vector<16xi32>
      %add3A_4652 = arith.addi %add3A_4645, %shift_right_arithmetic3A_4651 : vector<16xi32>
      %swap3A_4653 = arith.constant 1216 : index
      %swap3A_4654 = tpu.vector_load %arg6[%swap3A_4653] {strides = array<i32>} : memref<1600xi32, #tpu.memory_space<vmem>>, vector<16xi32>,
      %swap3A_4655 = vector.shape_cast %swap3A_4654 : vector<16xi32> to vector<16xi32>
      %swap3A_4656 = vector.shape_cast %add3A_4652 : vector<16xi32> to vector<16xi32>
      tpu.vector_store %arg6[%swap3A_4653], %swap3A_4656 {strides = array<i32>} : memref<1600xi32, #tpu.memory_space<vmem>>, vector<16xi32>,
      %get3A_4657 = arith.constant 38 : i32
      %get3A_4658 = arith.index_cast %get3A_4657 : i32 to index
      %get3A_4659 = arith.constant 16 : index
      %get3A_4660 = tpu.vector_load %arg5[%get3A_4658, %get3A_4659] {strides = array<i32>} : memref<50x32xi32, #tpu.memory_space<vmem>>, vector<1x16xi32>,
      %get3A_4661 = vector.shape_cast %get3A_4660 : vector<1x16xi32> to vector<16xi32>
      %and3A_4662 = arith.constant -65536 : i32
      %and3A_4663 = vector.broadcast %and3A_4662 : i32 to vector<16xi32>
      %and3A_4664 = arith.andi %get3A_4661, %and3A_4663 : vector<16xi32>
      %and3A_4665 = arith.constant 16383 : i32
      %and3A_4666 = vector.broadcast %and3A_4665 : i32 to vector<16xi32>
      %and3A_4667 = arith.andi %get3A_4661, %and3A_4666 : vector<16xi32>
      %shift_left3A_4668 = arith.constant 2 : i32
      %shift_left3A_4669 = vector.broadcast %shift_left3A_4668 : i32 to vector<16xi32>
      %shift_left3A_4670 = arith.shli %and3A_4667, %shift_left3A_4669 : vector<16xi32>
      %add3A_4671 = arith.addi %and3A_4664, %shift_left3A_4670 : vector<16xi32>
      %and3A_4672 = arith.constant 65535 : i32
      %and3A_4673 = vector.broadcast %and3A_4672 : i32 to vector<16xi32>
      %and3A_4674 = arith.andi %get3A_4661, %and3A_4673 : vector<16xi32>
      %shift_right_arithmetic3A_4675 = arith.constant 14 : i32
      %shift_right_arithmetic3A_4676 = vector.broadcast %shift_right_arithmetic3A_4675 : i32 to vector<16xi32>
      %shift_right_arithmetic3A_4677 = arith.shrsi %and3A_4674, %shift_right_arithmetic3A_4676 : vector<16xi32>
      %add3A_4678 = arith.addi %add3A_4671, %shift_right_arithmetic3A_4677 : vector<16xi32>
      %swap3A_4679 = arith.constant 1232 : index
      %swap3A_4680 = tpu.vector_load %arg6[%swap3A_4679] {strides = array<i32>} : memref<1600xi32, #tpu.memory_space<vmem>>, vector<16xi32>,
      %swap3A_4681 = vector.shape_cast %swap3A_4680 : vector<16xi32> to vector<16xi32>
      %swap3A_4682 = vector.shape_cast %add3A_4678 : vector<16xi32> to vector<16xi32>
      tpu.vector_store %arg6[%swap3A_4679], %swap3A_4682 {strides = array<i32>} : memref<1600xi32, #tpu.memory_space<vmem>>, vector<16xi32>,
      %get3A_4683 = arith.constant 39 : i32
      %get3A_4684 = arith.index_cast %get3A_4683 : i32 to index
      %get3A_4685 = arith.constant 0 : index
      %get3A_4686 = tpu.vector_load %arg5[%get3A_4684, %get3A_4685] {strides = array<i32>} : memref<50x32xi32, #tpu.memory_space<vmem>>, vector<1x16xi32>,
      %get3A_4687 = vector.shape_cast %get3A_4686 : vector<1x16xi32> to vector<16xi32>
      %and3A_4688 = arith.constant -65536 : i32
      %and3A_4689 = vector.broadcast %and3A_4688 : i32 to vector<16xi32>
      %and3A_4690 = arith.andi %get3A_4687, %and3A_4689 : vector<16xi32>
      %and3A_4691 = arith.constant 16383 : i32
      %and3A_4692 = vector.broadcast %and3A_4691 : i32 to vector<16xi32>
      %and3A_4693 = arith.andi %get3A_4687, %and3A_4692 : vector<16xi32>
      %shift_left3A_4694 = arith.constant 2 : i32
      %shift_left3A_4695 = vector.broadcast %shift_left3A_4694 : i32 to vector<16xi32>
      %shift_left3A_4696 = arith.shli %and3A_4693, %shift_left3A_4695 : vector<16xi32>
      %add3A_4697 = arith.addi %and3A_4690, %shift_left3A_4696 : vector<16xi32>
      %and3A_4698 = arith.constant 65535 : i32
      %and3A_4699 = vector.broadcast %and3A_4698 : i32 to vector<16xi32>
      %and3A_4700 = arith.andi %get3A_4687, %and3A_4699 : vector<16xi32>
      %shift_right_arithmetic3A_4701 = arith.constant 14 : i32
      %shift_right_arithmetic3A_4702 = vector.broadcast %shift_right_arithmetic3A_4701 : i32 to vector<16xi32>
      %shift_right_arithmetic3A_4703 = arith.shrsi %and3A_4700, %shift_right_arithmetic3A_4702 : vector<16xi32>
      %add3A_4704 = arith.addi %add3A_4697, %shift_right_arithmetic3A_4703 : vector<16xi32>
      %swap3A_4705 = arith.constant 1248 : index
      %swap3A_4706 = tpu.vector_load %arg6[%swap3A_4705] {strides = array<i32>} : memref<1600xi32, #tpu.memory_space<vmem>>, vector<16xi32>,
      %swap3A_4707 = vector.shape_cast %swap3A_4706 : vector<16xi32> to vector<16xi32>
      %swap3A_4708 = vector.shape_cast %add3A_4704 : vector<16xi32> to vector<16xi32>
      tpu.vector_store %arg6[%swap3A_4705], %swap3A_4708 {strides = array<i32>} : memref<1600xi32, #tpu.memory_space<vmem>>, vector<16xi32>,
      %get3A_4709 = arith.constant 39 : i32
      %get3A_4710 = arith.index_cast %get3A_4709 : i32 to index
      %get3A_4711 = arith.constant 16 : index
      %get3A_4712 = tpu.vector_load %arg5[%get3A_4710, %get3A_4711] {strides = array<i32>} : memref<50x32xi32, #tpu.memory_space<vmem>>, vector<1x16xi32>,
      %get3A_4713 = vector.shape_cast %get3A_4712 : vector<1x16xi32> to vector<16xi32>
      %and3A_4714 = arith.constant -65536 : i32
      %and3A_4715 = vector.broadcast %and3A_4714 : i32 to vector<16xi32>
      %and3A_4716 = arith.andi %get3A_4713, %and3A_4715 : vector<16xi32>
      %and3A_4717 = arith.constant 16383 : i32
      %and3A_4718 = vector.broadcast %and3A_4717 : i32 to vector<16xi32>
      %and3A_4719 = arith.andi %get3A_4713, %and3A_4718 : vector<16xi32>
      %shift_left3A_4720 = arith.constant 2 : i32
      %shift_left3A_4721 = vector.broadcast %shift_left3A_4720 : i32 to vector<16xi32>
      %shift_left3A_4722 = arith.shli %and3A_4719, %shift_left3A_4721 : vector<16xi32>
      %add3A_4723 = arith.addi %and3A_4716, %shift_left3A_4722 : vector<16xi32>
      %and3A_4724 = arith.constant 65535 : i32
      %and3A_4725 = vector.broadcast %and3A_4724 : i32 to vector<16xi32>
      %and3A_4726 = arith.andi %get3A_4713, %and3A_4725 : vector<16xi32>
      %shift_right_arithmetic3A_4727 = arith.constant 14 : i32
      %shift_right_arithmetic3A_4728 = vector.broadcast %shift_right_arithmetic3A_4727 : i32 to vector<16xi32>
      %shift_right_arithmetic3A_4729 = arith.shrsi %and3A_4726, %shift_right_arithmetic3A_4728 : vector<16xi32>
      %add3A_4730 = arith.addi %add3A_4723, %shift_right_arithmetic3A_4729 : vector<16xi32>
      %swap3A_4731 = arith.constant 1264 : index
      %swap3A_4732 = tpu.vector_load %arg6[%swap3A_4731] {strides = array<i32>} : memref<1600xi32, #tpu.memory_space<vmem>>, vector<16xi32>,
      %swap3A_4733 = vector.shape_cast %swap3A_4732 : vector<16xi32> to vector<16xi32>
      %swap3A_4734 = vector.shape_cast %add3A_4730 : vector<16xi32> to vector<16xi32>
      tpu.vector_store %arg6[%swap3A_4731], %swap3A_4734 {strides = array<i32>} : memref<1600xi32, #tpu.memory_space<vmem>>, vector<16xi32>,
      %get3A_4735 = arith.constant 40 : i32
      %get3A_4736 = arith.index_cast %get3A_4735 : i32 to index
      %get3A_4737 = arith.constant 0 : index
      %get3A_4738 = tpu.vector_load %arg5[%get3A_4736, %get3A_4737] {strides = array<i32>} : memref<50x32xi32, #tpu.memory_space<vmem>>, vector<1x16xi32>,
      %get3A_4739 = vector.shape_cast %get3A_4738 : vector<1x16xi32> to vector<16xi32>
      %and3A_4740 = arith.constant -65536 : i32
      %and3A_4741 = vector.broadcast %and3A_4740 : i32 to vector<16xi32>
      %and3A_4742 = arith.andi %get3A_4739, %and3A_4741 : vector<16xi32>
      %and3A_4743 = arith.constant 16383 : i32
      %and3A_4744 = vector.broadcast %and3A_4743 : i32 to vector<16xi32>
      %and3A_4745 = arith.andi %get3A_4739, %and3A_4744 : vector<16xi32>
      %shift_left3A_4746 = arith.constant 2 : i32
      %shift_left3A_4747 = vector.broadcast %shift_left3A_4746 : i32 to vector<16xi32>
      %shift_left3A_4748 = arith.shli %and3A_4745, %shift_left3A_4747 : vector<16xi32>
      %add3A_4749 = arith.addi %and3A_4742, %shift_left3A_4748 : vector<16xi32>
      %and3A_4750 = arith.constant 65535 : i32
      %and3A_4751 = vector.broadcast %and3A_4750 : i32 to vector<16xi32>
      %and3A_4752 = arith.andi %get3A_4739, %and3A_4751 : vector<16xi32>
      %shift_right_arithmetic3A_4753 = arith.constant 14 : i32
      %shift_right_arithmetic3A_4754 = vector.broadcast %shift_right_arithmetic3A_4753 : i32 to vector<16xi32>
      %shift_right_arithmetic3A_4755 = arith.shrsi %and3A_4752, %shift_right_arithmetic3A_4754 : vector<16xi32>
      %add3A_4756 = arith.addi %add3A_4749, %shift_right_arithmetic3A_4755 : vector<16xi32>
      %swap3A_4757 = arith.constant 1280 : index
      %swap3A_4758 = tpu.vector_load %arg6[%swap3A_4757] {strides = array<i32>} : memref<1600xi32, #tpu.memory_space<vmem>>, vector<16xi32>,
      %swap3A_4759 = vector.shape_cast %swap3A_4758 : vector<16xi32> to vector<16xi32>
      %swap3A_4760 = vector.shape_cast %add3A_4756 : vector<16xi32> to vector<16xi32>
      tpu.vector_store %arg6[%swap3A_4757], %swap3A_4760 {strides = array<i32>} : memref<1600xi32, #tpu.memory_space<vmem>>, vector<16xi32>,
      %get3A_4761 = arith.constant 40 : i32
      %get3A_4762 = arith.index_cast %get3A_4761 : i32 to index
      %get3A_4763 = arith.constant 16 : index
      %get3A_4764 = tpu.vector_load %arg5[%get3A_4762, %get3A_4763] {strides = array<i32>} : memref<50x32xi32, #tpu.memory_space<vmem>>, vector<1x16xi32>,
      %get3A_4765 = vector.shape_cast %get3A_4764 : vector<1x16xi32> to vector<16xi32>
      %and3A_4766 = arith.constant -65536 : i32
      %and3A_4767 = vector.broadcast %and3A_4766 : i32 to vector<16xi32>
      %and3A_4768 = arith.andi %get3A_4765, %and3A_4767 : vector<16xi32>
      %and3A_4769 = arith.constant 16383 : i32
      %and3A_4770 = vector.broadcast %and3A_4769 : i32 to vector<16xi32>
      %and3A_4771 = arith.andi %get3A_4765, %and3A_4770 : vector<16xi32>
      %shift_left3A_4772 = arith.constant 2 : i32
      %shift_left3A_4773 = vector.broadcast %shift_left3A_4772 : i32 to vector<16xi32>
      %shift_left3A_4774 = arith.shli %and3A_4771, %shift_left3A_4773 : vector<16xi32>
      %add3A_4775 = arith.addi %and3A_4768, %shift_left3A_4774 : vector<16xi32>
      %and3A_4776 = arith.constant 65535 : i32
      %and3A_4777 = vector.broadcast %and3A_4776 : i32 to vector<16xi32>
      %and3A_4778 = arith.andi %get3A_4765, %and3A_4777 : vector<16xi32>
      %shift_right_arithmetic3A_4779 = arith.constant 14 : i32
      %shift_right_arithmetic3A_4780 = vector.broadcast %shift_right_arithmetic3A_4779 : i32 to vector<16xi32>
      %shift_right_arithmetic3A_4781 = arith.shrsi %and3A_4778, %shift_right_arithmetic3A_4780 : vector<16xi32>
      %add3A_4782 = arith.addi %add3A_4775, %shift_right_arithmetic3A_4781 : vector<16xi32>
      %swap3A_4783 = arith.constant 1296 : index
      %swap3A_4784 = tpu.vector_load %arg6[%swap3A_4783] {strides = array<i32>} : memref<1600xi32, #tpu.memory_space<vmem>>, vector<16xi32>,
      %swap3A_4785 = vector.shape_cast %swap3A_4784 : vector<16xi32> to vector<16xi32>
      %swap3A_4786 = vector.shape_cast %add3A_4782 : vector<16xi32> to vector<16xi32>
      tpu.vector_store %arg6[%swap3A_4783], %swap3A_4786 {strides = array<i32>} : memref<1600xi32, #tpu.memory_space<vmem>>, vector<16xi32>,
      %get3A_4787 = arith.constant 41 : i32
      %get3A_4788 = arith.index_cast %get3A_4787 : i32 to index
      %get3A_4789 = arith.constant 0 : index
      %get3A_4790 = tpu.vector_load %arg5[%get3A_4788, %get3A_4789] {strides = array<i32>} : memref<50x32xi32, #tpu.memory_space<vmem>>, vector<1x16xi32>,
      %get3A_4791 = vector.shape_cast %get3A_4790 : vector<1x16xi32> to vector<16xi32>
      %and3A_4792 = arith.constant -65536 : i32
      %and3A_4793 = vector.broadcast %and3A_4792 : i32 to vector<16xi32>
      %and3A_4794 = arith.andi %get3A_4791, %and3A_4793 : vector<16xi32>
      %and3A_4795 = arith.constant 16383 : i32
      %and3A_4796 = vector.broadcast %and3A_4795 : i32 to vector<16xi32>
      %and3A_4797 = arith.andi %get3A_4791, %and3A_4796 : vector<16xi32>
      %shift_left3A_4798 = arith.constant 2 : i32
      %shift_left3A_4799 = vector.broadcast %shift_left3A_4798 : i32 to vector<16xi32>
      %shift_left3A_4800 = arith.shli %and3A_4797, %shift_left3A_4799 : vector<16xi32>
      %add3A_4801 = arith.addi %and3A_4794, %shift_left3A_4800 : vector<16xi32>
      %and3A_4802 = arith.constant 65535 : i32
      %and3A_4803 = vector.broadcast %and3A_4802 : i32 to vector<16xi32>
      %and3A_4804 = arith.andi %get3A_4791, %and3A_4803 : vector<16xi32>
      %shift_right_arithmetic3A_4805 = arith.constant 14 : i32
      %shift_right_arithmetic3A_4806 = vector.broadcast %shift_right_arithmetic3A_4805 : i32 to vector<16xi32>
      %shift_right_arithmetic3A_4807 = arith.shrsi %and3A_4804, %shift_right_arithmetic3A_4806 : vector<16xi32>
      %add3A_4808 = arith.addi %add3A_4801, %shift_right_arithmetic3A_4807 : vector<16xi32>
      %swap3A_4809 = arith.constant 1312 : index
      %swap3A_4810 = tpu.vector_load %arg6[%swap3A_4809] {strides = array<i32>} : memref<1600xi32, #tpu.memory_space<vmem>>, vector<16xi32>,
      %swap3A_4811 = vector.shape_cast %swap3A_4810 : vector<16xi32> to vector<16xi32>
      %swap3A_4812 = vector.shape_cast %add3A_4808 : vector<16xi32> to vector<16xi32>
      tpu.vector_store %arg6[%swap3A_4809], %swap3A_4812 {strides = array<i32>} : memref<1600xi32, #tpu.memory_space<vmem>>, vector<16xi32>,
      %get3A_4813 = arith.constant 41 : i32
      %get3A_4814 = arith.index_cast %get3A_4813 : i32 to index
      %get3A_4815 = arith.constant 16 : index
      %get3A_4816 = tpu.vector_load %arg5[%get3A_4814, %get3A_4815] {strides = array<i32>} : memref<50x32xi32, #tpu.memory_space<vmem>>, vector<1x16xi32>,
      %get3A_4817 = vector.shape_cast %get3A_4816 : vector<1x16xi32> to vector<16xi32>
      %and3A_4818 = arith.constant -65536 : i32
      %and3A_4819 = vector.broadcast %and3A_4818 : i32 to vector<16xi32>
      %and3A_4820 = arith.andi %get3A_4817, %and3A_4819 : vector<16xi32>
      %and3A_4821 = arith.constant 16383 : i32
      %and3A_4822 = vector.broadcast %and3A_4821 : i32 to vector<16xi32>
      %and3A_4823 = arith.andi %get3A_4817, %and3A_4822 : vector<16xi32>
      %shift_left3A_4824 = arith.constant 2 : i32
      %shift_left3A_4825 = vector.broadcast %shift_left3A_4824 : i32 to vector<16xi32>
      %shift_left3A_4826 = arith.shli %and3A_4823, %shift_left3A_4825 : vector<16xi32>
      %add3A_4827 = arith.addi %and3A_4820, %shift_left3A_4826 : vector<16xi32>
      %and3A_4828 = arith.constant 65535 : i32
      %and3A_4829 = vector.broadcast %and3A_4828 : i32 to vector<16xi32>
      %and3A_4830 = arith.andi %get3A_4817, %and3A_4829 : vector<16xi32>
      %shift_right_arithmetic3A_4831 = arith.constant 14 : i32
      %shift_right_arithmetic3A_4832 = vector.broadcast %shift_right_arithmetic3A_4831 : i32 to vector<16xi32>
      %shift_right_arithmetic3A_4833 = arith.shrsi %and3A_4830, %shift_right_arithmetic3A_4832 : vector<16xi32>
      %add3A_4834 = arith.addi %add3A_4827, %shift_right_arithmetic3A_4833 : vector<16xi32>
      %swap3A_4835 = arith.constant 1328 : index
      %swap3A_4836 = tpu.vector_load %arg6[%swap3A_4835] {strides = array<i32>} : memref<1600xi32, #tpu.memory_space<vmem>>, vector<16xi32>,
      %swap3A_4837 = vector.shape_cast %swap3A_4836 : vector<16xi32> to vector<16xi32>
      %swap3A_4838 = vector.shape_cast %add3A_4834 : vector<16xi32> to vector<16xi32>
      tpu.vector_store %arg6[%swap3A_4835], %swap3A_4838 {strides = array<i32>} : memref<1600xi32, #tpu.memory_space<vmem>>, vector<16xi32>,
      %get3A_4839 = arith.constant 42 : i32
      %get3A_4840 = arith.index_cast %get3A_4839 : i32 to index
      %get3A_4841 = arith.constant 0 : index
      %get3A_4842 = tpu.vector_load %arg5[%get3A_4840, %get3A_4841] {strides = array<i32>} : memref<50x32xi32, #tpu.memory_space<vmem>>, vector<1x16xi32>,
      %get3A_4843 = vector.shape_cast %get3A_4842 : vector<1x16xi32> to vector<16xi32>
      %and3A_4844 = arith.constant -65536 : i32
      %and3A_4845 = vector.broadcast %and3A_4844 : i32 to vector<16xi32>
      %and3A_4846 = arith.andi %get3A_4843, %and3A_4845 : vector<16xi32>
      %and3A_4847 = arith.constant 16383 : i32
      %and3A_4848 = vector.broadcast %and3A_4847 : i32 to vector<16xi32>
      %and3A_4849 = arith.andi %get3A_4843, %and3A_4848 : vector<16xi32>
      %shift_left3A_4850 = arith.constant 2 : i32
      %shift_left3A_4851 = vector.broadcast %shift_left3A_4850 : i32 to vector<16xi32>
      %shift_left3A_4852 = arith.shli %and3A_4849, %shift_left3A_4851 : vector<16xi32>
      %add3A_4853 = arith.addi %and3A_4846, %shift_left3A_4852 : vector<16xi32>
      %and3A_4854 = arith.constant 65535 : i32
      %and3A_4855 = vector.broadcast %and3A_4854 : i32 to vector<16xi32>
      %and3A_4856 = arith.andi %get3A_4843, %and3A_4855 : vector<16xi32>
      %shift_right_arithmetic3A_4857 = arith.constant 14 : i32
      %shift_right_arithmetic3A_4858 = vector.broadcast %shift_right_arithmetic3A_4857 : i32 to vector<16xi32>
      %shift_right_arithmetic3A_4859 = arith.shrsi %and3A_4856, %shift_right_arithmetic3A_4858 : vector<16xi32>
      %add3A_4860 = arith.addi %add3A_4853, %shift_right_arithmetic3A_4859 : vector<16xi32>
      %swap3A_4861 = arith.constant 1344 : index
      %swap3A_4862 = tpu.vector_load %arg6[%swap3A_4861] {strides = array<i32>} : memref<1600xi32, #tpu.memory_space<vmem>>, vector<16xi32>,
      %swap3A_4863 = vector.shape_cast %swap3A_4862 : vector<16xi32> to vector<16xi32>
      %swap3A_4864 = vector.shape_cast %add3A_4860 : vector<16xi32> to vector<16xi32>
      tpu.vector_store %arg6[%swap3A_4861], %swap3A_4864 {strides = array<i32>} : memref<1600xi32, #tpu.memory_space<vmem>>, vector<16xi32>,
      %get3A_4865 = arith.constant 42 : i32
      %get3A_4866 = arith.index_cast %get3A_4865 : i32 to index
      %get3A_4867 = arith.constant 16 : index
      %get3A_4868 = tpu.vector_load %arg5[%get3A_4866, %get3A_4867] {strides = array<i32>} : memref<50x32xi32, #tpu.memory_space<vmem>>, vector<1x16xi32>,
      %get3A_4869 = vector.shape_cast %get3A_4868 : vector<1x16xi32> to vector<16xi32>
      %and3A_4870 = arith.constant -65536 : i32
      %and3A_4871 = vector.broadcast %and3A_4870 : i32 to vector<16xi32>
      %and3A_4872 = arith.andi %get3A_4869, %and3A_4871 : vector<16xi32>
      %and3A_4873 = arith.constant 16383 : i32
      %and3A_4874 = vector.broadcast %and3A_4873 : i32 to vector<16xi32>
      %and3A_4875 = arith.andi %get3A_4869, %and3A_4874 : vector<16xi32>
      %shift_left3A_4876 = arith.constant 2 : i32
      %shift_left3A_4877 = vector.broadcast %shift_left3A_4876 : i32 to vector<16xi32>
      %shift_left3A_4878 = arith.shli %and3A_4875, %shift_left3A_4877 : vector<16xi32>
      %add3A_4879 = arith.addi %and3A_4872, %shift_left3A_4878 : vector<16xi32>
      %and3A_4880 = arith.constant 65535 : i32
      %and3A_4881 = vector.broadcast %and3A_4880 : i32 to vector<16xi32>
      %and3A_4882 = arith.andi %get3A_4869, %and3A_4881 : vector<16xi32>
      %shift_right_arithmetic3A_4883 = arith.constant 14 : i32
      %shift_right_arithmetic3A_4884 = vector.broadcast %shift_right_arithmetic3A_4883 : i32 to vector<16xi32>
      %shift_right_arithmetic3A_4885 = arith.shrsi %and3A_4882, %shift_right_arithmetic3A_4884 : vector<16xi32>
      %add3A_4886 = arith.addi %add3A_4879, %shift_right_arithmetic3A_4885 : vector<16xi32>
      %swap3A_4887 = arith.constant 1360 : index
      %swap3A_4888 = tpu.vector_load %arg6[%swap3A_4887] {strides = array<i32>} : memref<1600xi32, #tpu.memory_space<vmem>>, vector<16xi32>,
      %swap3A_4889 = vector.shape_cast %swap3A_4888 : vector<16xi32> to vector<16xi32>
      %swap3A_4890 = vector.shape_cast %add3A_4886 : vector<16xi32> to vector<16xi32>
      tpu.vector_store %arg6[%swap3A_4887], %swap3A_4890 {strides = array<i32>} : memref<1600xi32, #tpu.memory_space<vmem>>, vector<16xi32>,
      %get3A_4891 = arith.constant 43 : i32
      %get3A_4892 = arith.index_cast %get3A_4891 : i32 to index
      %get3A_4893 = arith.constant 0 : index
      %get3A_4894 = tpu.vector_load %arg5[%get3A_4892, %get3A_4893] {strides = array<i32>} : memref<50x32xi32, #tpu.memory_space<vmem>>, vector<1x16xi32>,
      %get3A_4895 = vector.shape_cast %get3A_4894 : vector<1x16xi32> to vector<16xi32>
      %and3A_4896 = arith.constant -65536 : i32
      %and3A_4897 = vector.broadcast %and3A_4896 : i32 to vector<16xi32>
      %and3A_4898 = arith.andi %get3A_4895, %and3A_4897 : vector<16xi32>
      %and3A_4899 = arith.constant 16383 : i32
      %and3A_4900 = vector.broadcast %and3A_4899 : i32 to vector<16xi32>
      %and3A_4901 = arith.andi %get3A_4895, %and3A_4900 : vector<16xi32>
      %shift_left3A_4902 = arith.constant 2 : i32
      %shift_left3A_4903 = vector.broadcast %shift_left3A_4902 : i32 to vector<16xi32>
      %shift_left3A_4904 = arith.shli %and3A_4901, %shift_left3A_4903 : vector<16xi32>
      %add3A_4905 = arith.addi %and3A_4898, %shift_left3A_4904 : vector<16xi32>
      %and3A_4906 = arith.constant 65535 : i32
      %and3A_4907 = vector.broadcast %and3A_4906 : i32 to vector<16xi32>
      %and3A_4908 = arith.andi %get3A_4895, %and3A_4907 : vector<16xi32>
      %shift_right_arithmetic3A_4909 = arith.constant 14 : i32
      %shift_right_arithmetic3A_4910 = vector.broadcast %shift_right_arithmetic3A_4909 : i32 to vector<16xi32>
      %shift_right_arithmetic3A_4911 = arith.shrsi %and3A_4908, %shift_right_arithmetic3A_4910 : vector<16xi32>
      %add3A_4912 = arith.addi %add3A_4905, %shift_right_arithmetic3A_4911 : vector<16xi32>
      %swap3A_4913 = arith.constant 1376 : index
      %swap3A_4914 = tpu.vector_load %arg6[%swap3A_4913] {strides = array<i32>} : memref<1600xi32, #tpu.memory_space<vmem>>, vector<16xi32>,
      %swap3A_4915 = vector.shape_cast %swap3A_4914 : vector<16xi32> to vector<16xi32>
      %swap3A_4916 = vector.shape_cast %add3A_4912 : vector<16xi32> to vector<16xi32>
      tpu.vector_store %arg6[%swap3A_4913], %swap3A_4916 {strides = array<i32>} : memref<1600xi32, #tpu.memory_space<vmem>>, vector<16xi32>,
      %get3A_4917 = arith.constant 43 : i32
      %get3A_4918 = arith.index_cast %get3A_4917 : i32 to index
      %get3A_4919 = arith.constant 16 : index
      %get3A_4920 = tpu.vector_load %arg5[%get3A_4918, %get3A_4919] {strides = array<i32>} : memref<50x32xi32, #tpu.memory_space<vmem>>, vector<1x16xi32>,
      %get3A_4921 = vector.shape_cast %get3A_4920 : vector<1x16xi32> to vector<16xi32>
      %and3A_4922 = arith.constant -65536 : i32
      %and3A_4923 = vector.broadcast %and3A_4922 : i32 to vector<16xi32>
      %and3A_4924 = arith.andi %get3A_4921, %and3A_4923 : vector<16xi32>
      %and3A_4925 = arith.constant 16383 : i32
      %and3A_4926 = vector.broadcast %and3A_4925 : i32 to vector<16xi32>
      %and3A_4927 = arith.andi %get3A_4921, %and3A_4926 : vector<16xi32>
      %shift_left3A_4928 = arith.constant 2 : i32
      %shift_left3A_4929 = vector.broadcast %shift_left3A_4928 : i32 to vector<16xi32>
      %shift_left3A_4930 = arith.shli %and3A_4927, %shift_left3A_4929 : vector<16xi32>
      %add3A_4931 = arith.addi %and3A_4924, %shift_left3A_4930 : vector<16xi32>
      %and3A_4932 = arith.constant 65535 : i32
      %and3A_4933 = vector.broadcast %and3A_4932 : i32 to vector<16xi32>
      %and3A_4934 = arith.andi %get3A_4921, %and3A_4933 : vector<16xi32>
      %shift_right_arithmetic3A_4935 = arith.constant 14 : i32
      %shift_right_arithmetic3A_4936 = vector.broadcast %shift_right_arithmetic3A_4935 : i32 to vector<16xi32>
      %shift_right_arithmetic3A_4937 = arith.shrsi %and3A_4934, %shift_right_arithmetic3A_4936 : vector<16xi32>
      %add3A_4938 = arith.addi %add3A_4931, %shift_right_arithmetic3A_4937 : vector<16xi32>
      %swap3A_4939 = arith.constant 1392 : index
      %swap3A_4940 = tpu.vector_load %arg6[%swap3A_4939] {strides = array<i32>} : memref<1600xi32, #tpu.memory_space<vmem>>, vector<16xi32>,
      %swap3A_4941 = vector.shape_cast %swap3A_4940 : vector<16xi32> to vector<16xi32>
      %swap3A_4942 = vector.shape_cast %add3A_4938 : vector<16xi32> to vector<16xi32>
      tpu.vector_store %arg6[%swap3A_4939], %swap3A_4942 {strides = array<i32>} : memref<1600xi32, #tpu.memory_space<vmem>>, vector<16xi32>,
      %get3A_4943 = arith.constant 44 : i32
      %get3A_4944 = arith.index_cast %get3A_4943 : i32 to index
      %get3A_4945 = arith.constant 0 : index
      %get3A_4946 = tpu.vector_load %arg5[%get3A_4944, %get3A_4945] {strides = array<i32>} : memref<50x32xi32, #tpu.memory_space<vmem>>, vector<1x16xi32>,
      %get3A_4947 = vector.shape_cast %get3A_4946 : vector<1x16xi32> to vector<16xi32>
      %and3A_4948 = arith.constant -65536 : i32
      %and3A_4949 = vector.broadcast %and3A_4948 : i32 to vector<16xi32>
      %and3A_4950 = arith.andi %get3A_4947, %and3A_4949 : vector<16xi32>
      %and3A_4951 = arith.constant 16383 : i32
      %and3A_4952 = vector.broadcast %and3A_4951 : i32 to vector<16xi32>
      %and3A_4953 = arith.andi %get3A_4947, %and3A_4952 : vector<16xi32>
      %shift_left3A_4954 = arith.constant 2 : i32
      %shift_left3A_4955 = vector.broadcast %shift_left3A_4954 : i32 to vector<16xi32>
      %shift_left3A_4956 = arith.shli %and3A_4953, %shift_left3A_4955 : vector<16xi32>
      %add3A_4957 = arith.addi %and3A_4950, %shift_left3A_4956 : vector<16xi32>
      %and3A_4958 = arith.constant 65535 : i32
      %and3A_4959 = vector.broadcast %and3A_4958 : i32 to vector<16xi32>
      %and3A_4960 = arith.andi %get3A_4947, %and3A_4959 : vector<16xi32>
      %shift_right_arithmetic3A_4961 = arith.constant 14 : i32
      %shift_right_arithmetic3A_4962 = vector.broadcast %shift_right_arithmetic3A_4961 : i32 to vector<16xi32>
      %shift_right_arithmetic3A_4963 = arith.shrsi %and3A_4960, %shift_right_arithmetic3A_4962 : vector<16xi32>
      %add3A_4964 = arith.addi %add3A_4957, %shift_right_arithmetic3A_4963 : vector<16xi32>
      %swap3A_4965 = arith.constant 1408 : index
      %swap3A_4966 = tpu.vector_load %arg6[%swap3A_4965] {strides = array<i32>} : memref<1600xi32, #tpu.memory_space<vmem>>, vector<16xi32>,
      %swap3A_4967 = vector.shape_cast %swap3A_4966 : vector<16xi32> to vector<16xi32>
      %swap3A_4968 = vector.shape_cast %add3A_4964 : vector<16xi32> to vector<16xi32>
      tpu.vector_store %arg6[%swap3A_4965], %swap3A_4968 {strides = array<i32>} : memref<1600xi32, #tpu.memory_space<vmem>>, vector<16xi32>,
      %get3A_4969 = arith.constant 44 : i32
      %get3A_4970 = arith.index_cast %get3A_4969 : i32 to index
      %get3A_4971 = arith.constant 16 : index
      %get3A_4972 = tpu.vector_load %arg5[%get3A_4970, %get3A_4971] {strides = array<i32>} : memref<50x32xi32, #tpu.memory_space<vmem>>, vector<1x16xi32>,
      %get3A_4973 = vector.shape_cast %get3A_4972 : vector<1x16xi32> to vector<16xi32>
      %and3A_4974 = arith.constant -65536 : i32
      %and3A_4975 = vector.broadcast %and3A_4974 : i32 to vector<16xi32>
      %and3A_4976 = arith.andi %get3A_4973, %and3A_4975 : vector<16xi32>
      %and3A_4977 = arith.constant 16383 : i32
      %and3A_4978 = vector.broadcast %and3A_4977 : i32 to vector<16xi32>
      %and3A_4979 = arith.andi %get3A_4973, %and3A_4978 : vector<16xi32>
      %shift_left3A_4980 = arith.constant 2 : i32
      %shift_left3A_4981 = vector.broadcast %shift_left3A_4980 : i32 to vector<16xi32>
      %shift_left3A_4982 = arith.shli %and3A_4979, %shift_left3A_4981 : vector<16xi32>
      %add3A_4983 = arith.addi %and3A_4976, %shift_left3A_4982 : vector<16xi32>
      %and3A_4984 = arith.constant 65535 : i32
      %and3A_4985 = vector.broadcast %and3A_4984 : i32 to vector<16xi32>
      %and3A_4986 = arith.andi %get3A_4973, %and3A_4985 : vector<16xi32>
      %shift_right_arithmetic3A_4987 = arith.constant 14 : i32
      %shift_right_arithmetic3A_4988 = vector.broadcast %shift_right_arithmetic3A_4987 : i32 to vector<16xi32>
      %shift_right_arithmetic3A_4989 = arith.shrsi %and3A_4986, %shift_right_arithmetic3A_4988 : vector<16xi32>
      %add3A_4990 = arith.addi %add3A_4983, %shift_right_arithmetic3A_4989 : vector<16xi32>
      %swap3A_4991 = arith.constant 1424 : index
      %swap3A_4992 = tpu.vector_load %arg6[%swap3A_4991] {strides = array<i32>} : memref<1600xi32, #tpu.memory_space<vmem>>, vector<16xi32>,
      %swap3A_4993 = vector.shape_cast %swap3A_4992 : vector<16xi32> to vector<16xi32>
      %swap3A_4994 = vector.shape_cast %add3A_4990 : vector<16xi32> to vector<16xi32>
      tpu.vector_store %arg6[%swap3A_4991], %swap3A_4994 {strides = array<i32>} : memref<1600xi32, #tpu.memory_space<vmem>>, vector<16xi32>,
      %get3A_4995 = arith.constant 45 : i32
      %get3A_4996 = arith.index_cast %get3A_4995 : i32 to index
      %get3A_4997 = arith.constant 0 : index
      %get3A_4998 = tpu.vector_load %arg5[%get3A_4996, %get3A_4997] {strides = array<i32>} : memref<50x32xi32, #tpu.memory_space<vmem>>, vector<1x16xi32>,
      %get3A_4999 = vector.shape_cast %get3A_4998 : vector<1x16xi32> to vector<16xi32>
      %and3A_5000 = arith.constant -65536 : i32
      %and3A_5001 = vector.broadcast %and3A_5000 : i32 to vector<16xi32>
      %and3A_5002 = arith.andi %get3A_4999, %and3A_5001 : vector<16xi32>
      %and3A_5003 = arith.constant 16383 : i32
      %and3A_5004 = vector.broadcast %and3A_5003 : i32 to vector<16xi32>
      %and3A_5005 = arith.andi %get3A_4999, %and3A_5004 : vector<16xi32>
      %shift_left3A_5006 = arith.constant 2 : i32
      %shift_left3A_5007 = vector.broadcast %shift_left3A_5006 : i32 to vector<16xi32>
      %shift_left3A_5008 = arith.shli %and3A_5005, %shift_left3A_5007 : vector<16xi32>
      %add3A_5009 = arith.addi %and3A_5002, %shift_left3A_5008 : vector<16xi32>
      %and3A_5010 = arith.constant 65535 : i32
      %and3A_5011 = vector.broadcast %and3A_5010 : i32 to vector<16xi32>
      %and3A_5012 = arith.andi %get3A_4999, %and3A_5011 : vector<16xi32>
      %shift_right_arithmetic3A_5013 = arith.constant 14 : i32
      %shift_right_arithmetic3A_5014 = vector.broadcast %shift_right_arithmetic3A_5013 : i32 to vector<16xi32>
      %shift_right_arithmetic3A_5015 = arith.shrsi %and3A_5012, %shift_right_arithmetic3A_5014 : vector<16xi32>
      %add3A_5016 = arith.addi %add3A_5009, %shift_right_arithmetic3A_5015 : vector<16xi32>
      %swap3A_5017 = arith.constant 1440 : index
      %swap3A_5018 = tpu.vector_load %arg6[%swap3A_5017] {strides = array<i32>} : memref<1600xi32, #tpu.memory_space<vmem>>, vector<16xi32>,
      %swap3A_5019 = vector.shape_cast %swap3A_5018 : vector<16xi32> to vector<16xi32>
      %swap3A_5020 = vector.shape_cast %add3A_5016 : vector<16xi32> to vector<16xi32>
      tpu.vector_store %arg6[%swap3A_5017], %swap3A_5020 {strides = array<i32>} : memref<1600xi32, #tpu.memory_space<vmem>>, vector<16xi32>,
      %get3A_5021 = arith.constant 45 : i32
      %get3A_5022 = arith.index_cast %get3A_5021 : i32 to index
      %get3A_5023 = arith.constant 16 : index
      %get3A_5024 = tpu.vector_load %arg5[%get3A_5022, %get3A_5023] {strides = array<i32>} : memref<50x32xi32, #tpu.memory_space<vmem>>, vector<1x16xi32>,
      %get3A_5025 = vector.shape_cast %get3A_5024 : vector<1x16xi32> to vector<16xi32>
      %and3A_5026 = arith.constant -65536 : i32
      %and3A_5027 = vector.broadcast %and3A_5026 : i32 to vector<16xi32>
      %and3A_5028 = arith.andi %get3A_5025, %and3A_5027 : vector<16xi32>
      %and3A_5029 = arith.constant 16383 : i32
      %and3A_5030 = vector.broadcast %and3A_5029 : i32 to vector<16xi32>
      %and3A_5031 = arith.andi %get3A_5025, %and3A_5030 : vector<16xi32>
      %shift_left3A_5032 = arith.constant 2 : i32
      %shift_left3A_5033 = vector.broadcast %shift_left3A_5032 : i32 to vector<16xi32>
      %shift_left3A_5034 = arith.shli %and3A_5031, %shift_left3A_5033 : vector<16xi32>
      %add3A_5035 = arith.addi %and3A_5028, %shift_left3A_5034 : vector<16xi32>
      %and3A_5036 = arith.constant 65535 : i32
      %and3A_5037 = vector.broadcast %and3A_5036 : i32 to vector<16xi32>
      %and3A_5038 = arith.andi %get3A_5025, %and3A_5037 : vector<16xi32>
      %shift_right_arithmetic3A_5039 = arith.constant 14 : i32
      %shift_right_arithmetic3A_5040 = vector.broadcast %shift_right_arithmetic3A_5039 : i32 to vector<16xi32>
      %shift_right_arithmetic3A_5041 = arith.shrsi %and3A_5038, %shift_right_arithmetic3A_5040 : vector<16xi32>
      %add3A_5042 = arith.addi %add3A_5035, %shift_right_arithmetic3A_5041 : vector<16xi32>
      %swap3A_5043 = arith.constant 1456 : index
      %swap3A_5044 = tpu.vector_load %arg6[%swap3A_5043] {strides = array<i32>} : memref<1600xi32, #tpu.memory_space<vmem>>, vector<16xi32>,
      %swap3A_5045 = vector.shape_cast %swap3A_5044 : vector<16xi32> to vector<16xi32>
      %swap3A_5046 = vector.shape_cast %add3A_5042 : vector<16xi32> to vector<16xi32>
      tpu.vector_store %arg6[%swap3A_5043], %swap3A_5046 {strides = array<i32>} : memref<1600xi32, #tpu.memory_space<vmem>>, vector<16xi32>,
      %get3A_5047 = arith.constant 46 : i32
      %get3A_5048 = arith.index_cast %get3A_5047 : i32 to index
      %get3A_5049 = arith.constant 0 : index
      %get3A_5050 = tpu.vector_load %arg5[%get3A_5048, %get3A_5049] {strides = array<i32>} : memref<50x32xi32, #tpu.memory_space<vmem>>, vector<1x16xi32>,
      %get3A_5051 = vector.shape_cast %get3A_5050 : vector<1x16xi32> to vector<16xi32>
      %and3A_5052 = arith.constant -65536 : i32
      %and3A_5053 = vector.broadcast %and3A_5052 : i32 to vector<16xi32>
      %and3A_5054 = arith.andi %get3A_5051, %and3A_5053 : vector<16xi32>
      %and3A_5055 = arith.constant 16383 : i32
      %and3A_5056 = vector.broadcast %and3A_5055 : i32 to vector<16xi32>
      %and3A_5057 = arith.andi %get3A_5051, %and3A_5056 : vector<16xi32>
      %shift_left3A_5058 = arith.constant 2 : i32
      %shift_left3A_5059 = vector.broadcast %shift_left3A_5058 : i32 to vector<16xi32>
      %shift_left3A_5060 = arith.shli %and3A_5057, %shift_left3A_5059 : vector<16xi32>
      %add3A_5061 = arith.addi %and3A_5054, %shift_left3A_5060 : vector<16xi32>
      %and3A_5062 = arith.constant 65535 : i32
      %and3A_5063 = vector.broadcast %and3A_5062 : i32 to vector<16xi32>
      %and3A_5064 = arith.andi %get3A_5051, %and3A_5063 : vector<16xi32>
      %shift_right_arithmetic3A_5065 = arith.constant 14 : i32
      %shift_right_arithmetic3A_5066 = vector.broadcast %shift_right_arithmetic3A_5065 : i32 to vector<16xi32>
      %shift_right_arithmetic3A_5067 = arith.shrsi %and3A_5064, %shift_right_arithmetic3A_5066 : vector<16xi32>
      %add3A_5068 = arith.addi %add3A_5061, %shift_right_arithmetic3A_5067 : vector<16xi32>
      %swap3A_5069 = arith.constant 1472 : index
      %swap3A_5070 = tpu.vector_load %arg6[%swap3A_5069] {strides = array<i32>} : memref<1600xi32, #tpu.memory_space<vmem>>, vector<16xi32>,
      %swap3A_5071 = vector.shape_cast %swap3A_5070 : vector<16xi32> to vector<16xi32>
      %swap3A_5072 = vector.shape_cast %add3A_5068 : vector<16xi32> to vector<16xi32>
      tpu.vector_store %arg6[%swap3A_5069], %swap3A_5072 {strides = array<i32>} : memref<1600xi32, #tpu.memory_space<vmem>>, vector<16xi32>,
      %get3A_5073 = arith.constant 46 : i32
      %get3A_5074 = arith.index_cast %get3A_5073 : i32 to index
      %get3A_5075 = arith.constant 16 : index
      %get3A_5076 = tpu.vector_load %arg5[%get3A_5074, %get3A_5075] {strides = array<i32>} : memref<50x32xi32, #tpu.memory_space<vmem>>, vector<1x16xi32>,
      %get3A_5077 = vector.shape_cast %get3A_5076 : vector<1x16xi32> to vector<16xi32>
      %and3A_5078 = arith.constant -65536 : i32
      %and3A_5079 = vector.broadcast %and3A_5078 : i32 to vector<16xi32>
      %and3A_5080 = arith.andi %get3A_5077, %and3A_5079 : vector<16xi32>
      %and3A_5081 = arith.constant 16383 : i32
      %and3A_5082 = vector.broadcast %and3A_5081 : i32 to vector<16xi32>
      %and3A_5083 = arith.andi %get3A_5077, %and3A_5082 : vector<16xi32>
      %shift_left3A_5084 = arith.constant 2 : i32
      %shift_left3A_5085 = vector.broadcast %shift_left3A_5084 : i32 to vector<16xi32>
      %shift_left3A_5086 = arith.shli %and3A_5083, %shift_left3A_5085 : vector<16xi32>
      %add3A_5087 = arith.addi %and3A_5080, %shift_left3A_5086 : vector<16xi32>
      %and3A_5088 = arith.constant 65535 : i32
      %and3A_5089 = vector.broadcast %and3A_5088 : i32 to vector<16xi32>
      %and3A_5090 = arith.andi %get3A_5077, %and3A_5089 : vector<16xi32>
      %shift_right_arithmetic3A_5091 = arith.constant 14 : i32
      %shift_right_arithmetic3A_5092 = vector.broadcast %shift_right_arithmetic3A_5091 : i32 to vector<16xi32>
      %shift_right_arithmetic3A_5093 = arith.shrsi %and3A_5090, %shift_right_arithmetic3A_5092 : vector<16xi32>
      %add3A_5094 = arith.addi %add3A_5087, %shift_right_arithmetic3A_5093 : vector<16xi32>
      %swap3A_5095 = arith.constant 1488 : index
      %swap3A_5096 = tpu.vector_load %arg6[%swap3A_5095] {strides = array<i32>} : memref<1600xi32, #tpu.memory_space<vmem>>, vector<16xi32>,
      %swap3A_5097 = vector.shape_cast %swap3A_5096 : vector<16xi32> to vector<16xi32>
      %swap3A_5098 = vector.shape_cast %add3A_5094 : vector<16xi32> to vector<16xi32>
      tpu.vector_store %arg6[%swap3A_5095], %swap3A_5098 {strides = array<i32>} : memref<1600xi32, #tpu.memory_space<vmem>>, vector<16xi32>,
      %get3A_5099 = arith.constant 47 : i32
      %get3A_5100 = arith.index_cast %get3A_5099 : i32 to index
      %get3A_5101 = arith.constant 0 : index
      %get3A_5102 = tpu.vector_load %arg5[%get3A_5100, %get3A_5101] {strides = array<i32>} : memref<50x32xi32, #tpu.memory_space<vmem>>, vector<1x16xi32>,
      %get3A_5103 = vector.shape_cast %get3A_5102 : vector<1x16xi32> to vector<16xi32>
      %and3A_5104 = arith.constant -65536 : i32
      %and3A_5105 = vector.broadcast %and3A_5104 : i32 to vector<16xi32>
      %and3A_5106 = arith.andi %get3A_5103, %and3A_5105 : vector<16xi32>
      %and3A_5107 = arith.constant 16383 : i32
      %and3A_5108 = vector.broadcast %and3A_5107 : i32 to vector<16xi32>
      %and3A_5109 = arith.andi %get3A_5103, %and3A_5108 : vector<16xi32>
      %shift_left3A_5110 = arith.constant 2 : i32
      %shift_left3A_5111 = vector.broadcast %shift_left3A_5110 : i32 to vector<16xi32>
      %shift_left3A_5112 = arith.shli %and3A_5109, %shift_left3A_5111 : vector<16xi32>
      %add3A_5113 = arith.addi %and3A_5106, %shift_left3A_5112 : vector<16xi32>
      %and3A_5114 = arith.constant 65535 : i32
      %and3A_5115 = vector.broadcast %and3A_5114 : i32 to vector<16xi32>
      %and3A_5116 = arith.andi %get3A_5103, %and3A_5115 : vector<16xi32>
      %shift_right_arithmetic3A_5117 = arith.constant 14 : i32
      %shift_right_arithmetic3A_5118 = vector.broadcast %shift_right_arithmetic3A_5117 : i32 to vector<16xi32>
      %shift_right_arithmetic3A_5119 = arith.shrsi %and3A_5116, %shift_right_arithmetic3A_5118 : vector<16xi32>
      %add3A_5120 = arith.addi %add3A_5113, %shift_right_arithmetic3A_5119 : vector<16xi32>
      %swap3A_5121 = arith.constant 1504 : index
      %swap3A_5122 = tpu.vector_load %arg6[%swap3A_5121] {strides = array<i32>} : memref<1600xi32, #tpu.memory_space<vmem>>, vector<16xi32>,
      %swap3A_5123 = vector.shape_cast %swap3A_5122 : vector<16xi32> to vector<16xi32>
      %swap3A_5124 = vector.shape_cast %add3A_5120 : vector<16xi32> to vector<16xi32>
      tpu.vector_store %arg6[%swap3A_5121], %swap3A_5124 {strides = array<i32>} : memref<1600xi32, #tpu.memory_space<vmem>>, vector<16xi32>,
      %get3A_5125 = arith.constant 47 : i32
      %get3A_5126 = arith.index_cast %get3A_5125 : i32 to index
      %get3A_5127 = arith.constant 16 : index
      %get3A_5128 = tpu.vector_load %arg5[%get3A_5126, %get3A_5127] {strides = array<i32>} : memref<50x32xi32, #tpu.memory_space<vmem>>, vector<1x16xi32>,
      %get3A_5129 = vector.shape_cast %get3A_5128 : vector<1x16xi32> to vector<16xi32>
      %and3A_5130 = arith.constant -65536 : i32
      %and3A_5131 = vector.broadcast %and3A_5130 : i32 to vector<16xi32>
      %and3A_5132 = arith.andi %get3A_5129, %and3A_5131 : vector<16xi32>
      %and3A_5133 = arith.constant 16383 : i32
      %and3A_5134 = vector.broadcast %and3A_5133 : i32 to vector<16xi32>
      %and3A_5135 = arith.andi %get3A_5129, %and3A_5134 : vector<16xi32>
      %shift_left3A_5136 = arith.constant 2 : i32
      %shift_left3A_5137 = vector.broadcast %shift_left3A_5136 : i32 to vector<16xi32>
      %shift_left3A_5138 = arith.shli %and3A_5135, %shift_left3A_5137 : vector<16xi32>
      %add3A_5139 = arith.addi %and3A_5132, %shift_left3A_5138 : vector<16xi32>
      %and3A_5140 = arith.constant 65535 : i32
      %and3A_5141 = vector.broadcast %and3A_5140 : i32 to vector<16xi32>
      %and3A_5142 = arith.andi %get3A_5129, %and3A_5141 : vector<16xi32>
      %shift_right_arithmetic3A_5143 = arith.constant 14 : i32
      %shift_right_arithmetic3A_5144 = vector.broadcast %shift_right_arithmetic3A_5143 : i32 to vector<16xi32>
      %shift_right_arithmetic3A_5145 = arith.shrsi %and3A_5142, %shift_right_arithmetic3A_5144 : vector<16xi32>
      %add3A_5146 = arith.addi %add3A_5139, %shift_right_arithmetic3A_5145 : vector<16xi32>
      %swap3A_5147 = arith.constant 1520 : index
      %swap3A_5148 = tpu.vector_load %arg6[%swap3A_5147] {strides = array<i32>} : memref<1600xi32, #tpu.memory_space<vmem>>, vector<16xi32>,
      %swap3A_5149 = vector.shape_cast %swap3A_5148 : vector<16xi32> to vector<16xi32>
      %swap3A_5150 = vector.shape_cast %add3A_5146 : vector<16xi32> to vector<16xi32>
      tpu.vector_store %arg6[%swap3A_5147], %swap3A_5150 {strides = array<i32>} : memref<1600xi32, #tpu.memory_space<vmem>>, vector<16xi32>,
      %get3A_5151 = arith.constant 48 : i32
      %get3A_5152 = arith.index_cast %get3A_5151 : i32 to index
      %get3A_5153 = arith.constant 0 : index
      %get3A_5154 = tpu.vector_load %arg5[%get3A_5152, %get3A_5153] {strides = array<i32>} : memref<50x32xi32, #tpu.memory_space<vmem>>, vector<1x16xi32>,
      %get3A_5155 = vector.shape_cast %get3A_5154 : vector<1x16xi32> to vector<16xi32>
      %and3A_5156 = arith.constant -65536 : i32
      %and3A_5157 = vector.broadcast %and3A_5156 : i32 to vector<16xi32>
      %and3A_5158 = arith.andi %get3A_5155, %and3A_5157 : vector<16xi32>
      %and3A_5159 = arith.constant 16383 : i32
      %and3A_5160 = vector.broadcast %and3A_5159 : i32 to vector<16xi32>
      %and3A_5161 = arith.andi %get3A_5155, %and3A_5160 : vector<16xi32>
      %shift_left3A_5162 = arith.constant 2 : i32
      %shift_left3A_5163 = vector.broadcast %shift_left3A_5162 : i32 to vector<16xi32>
      %shift_left3A_5164 = arith.shli %and3A_5161, %shift_left3A_5163 : vector<16xi32>
      %add3A_5165 = arith.addi %and3A_5158, %shift_left3A_5164 : vector<16xi32>
      %and3A_5166 = arith.constant 65535 : i32
      %and3A_5167 = vector.broadcast %and3A_5166 : i32 to vector<16xi32>
      %and3A_5168 = arith.andi %get3A_5155, %and3A_5167 : vector<16xi32>
      %shift_right_arithmetic3A_5169 = arith.constant 14 : i32
      %shift_right_arithmetic3A_5170 = vector.broadcast %shift_right_arithmetic3A_5169 : i32 to vector<16xi32>
      %shift_right_arithmetic3A_5171 = arith.shrsi %and3A_5168, %shift_right_arithmetic3A_5170 : vector<16xi32>
      %add3A_5172 = arith.addi %add3A_5165, %shift_right_arithmetic3A_5171 : vector<16xi32>
      %swap3A_5173 = arith.constant 1536 : index
      %swap3A_5174 = tpu.vector_load %arg6[%swap3A_5173] {strides = array<i32>} : memref<1600xi32, #tpu.memory_space<vmem>>, vector<16xi32>,
      %swap3A_5175 = vector.shape_cast %swap3A_5174 : vector<16xi32> to vector<16xi32>
      %swap3A_5176 = vector.shape_cast %add3A_5172 : vector<16xi32> to vector<16xi32>
      tpu.vector_store %arg6[%swap3A_5173], %swap3A_5176 {strides = array<i32>} : memref<1600xi32, #tpu.memory_space<vmem>>, vector<16xi32>,
      %get3A_5177 = arith.constant 48 : i32
      %get3A_5178 = arith.index_cast %get3A_5177 : i32 to index
      %get3A_5179 = arith.constant 16 : index
      %get3A_5180 = tpu.vector_load %arg5[%get3A_5178, %get3A_5179] {strides = array<i32>} : memref<50x32xi32, #tpu.memory_space<vmem>>, vector<1x16xi32>,
      %get3A_5181 = vector.shape_cast %get3A_5180 : vector<1x16xi32> to vector<16xi32>
      %and3A_5182 = arith.constant -65536 : i32
      %and3A_5183 = vector.broadcast %and3A_5182 : i32 to vector<16xi32>
      %and3A_5184 = arith.andi %get3A_5181, %and3A_5183 : vector<16xi32>
      %and3A_5185 = arith.constant 16383 : i32
      %and3A_5186 = vector.broadcast %and3A_5185 : i32 to vector<16xi32>
      %and3A_5187 = arith.andi %get3A_5181, %and3A_5186 : vector<16xi32>
      %shift_left3A_5188 = arith.constant 2 : i32
      %shift_left3A_5189 = vector.broadcast %shift_left3A_5188 : i32 to vector<16xi32>
      %shift_left3A_5190 = arith.shli %and3A_5187, %shift_left3A_5189 : vector<16xi32>
      %add3A_5191 = arith.addi %and3A_5184, %shift_left3A_5190 : vector<16xi32>
      %and3A_5192 = arith.constant 65535 : i32
      %and3A_5193 = vector.broadcast %and3A_5192 : i32 to vector<16xi32>
      %and3A_5194 = arith.andi %get3A_5181, %and3A_5193 : vector<16xi32>
      %shift_right_arithmetic3A_5195 = arith.constant 14 : i32
      %shift_right_arithmetic3A_5196 = vector.broadcast %shift_right_arithmetic3A_5195 : i32 to vector<16xi32>
      %shift_right_arithmetic3A_5197 = arith.shrsi %and3A_5194, %shift_right_arithmetic3A_5196 : vector<16xi32>
      %add3A_5198 = arith.addi %add3A_5191, %shift_right_arithmetic3A_5197 : vector<16xi32>
      %swap3A_5199 = arith.constant 1552 : index
      %swap3A_5200 = tpu.vector_load %arg6[%swap3A_5199] {strides = array<i32>} : memref<1600xi32, #tpu.memory_space<vmem>>, vector<16xi32>,
      %swap3A_5201 = vector.shape_cast %swap3A_5200 : vector<16xi32> to vector<16xi32>
      %swap3A_5202 = vector.shape_cast %add3A_5198 : vector<16xi32> to vector<16xi32>
      tpu.vector_store %arg6[%swap3A_5199], %swap3A_5202 {strides = array<i32>} : memref<1600xi32, #tpu.memory_space<vmem>>, vector<16xi32>,
      %get3A_5203 = arith.constant 49 : i32
      %get3A_5204 = arith.index_cast %get3A_5203 : i32 to index
      %get3A_5205 = arith.constant 0 : index
      %get3A_5206 = tpu.vector_load %arg5[%get3A_5204, %get3A_5205] {strides = array<i32>} : memref<50x32xi32, #tpu.memory_space<vmem>>, vector<1x16xi32>,
      %get3A_5207 = vector.shape_cast %get3A_5206 : vector<1x16xi32> to vector<16xi32>
      %and3A_5208 = arith.constant -65536 : i32
      %and3A_5209 = vector.broadcast %and3A_5208 : i32 to vector<16xi32>
      %and3A_5210 = arith.andi %get3A_5207, %and3A_5209 : vector<16xi32>
      %and3A_5211 = arith.constant 16383 : i32
      %and3A_5212 = vector.broadcast %and3A_5211 : i32 to vector<16xi32>
      %and3A_5213 = arith.andi %get3A_5207, %and3A_5212 : vector<16xi32>
      %shift_left3A_5214 = arith.constant 2 : i32
      %shift_left3A_5215 = vector.broadcast %shift_left3A_5214 : i32 to vector<16xi32>
      %shift_left3A_5216 = arith.shli %and3A_5213, %shift_left3A_5215 : vector<16xi32>
      %add3A_5217 = arith.addi %and3A_5210, %shift_left3A_5216 : vector<16xi32>
      %and3A_5218 = arith.constant 65535 : i32
      %and3A_5219 = vector.broadcast %and3A_5218 : i32 to vector<16xi32>
      %and3A_5220 = arith.andi %get3A_5207, %and3A_5219 : vector<16xi32>
      %shift_right_arithmetic3A_5221 = arith.constant 14 : i32
      %shift_right_arithmetic3A_5222 = vector.broadcast %shift_right_arithmetic3A_5221 : i32 to vector<16xi32>
      %shift_right_arithmetic3A_5223 = arith.shrsi %and3A_5220, %shift_right_arithmetic3A_5222 : vector<16xi32>
      %add3A_5224 = arith.addi %add3A_5217, %shift_right_arithmetic3A_5223 : vector<16xi32>
      %swap3A_5225 = arith.constant 1568 : index
      %swap3A_5226 = tpu.vector_load %arg6[%swap3A_5225] {strides = array<i32>} : memref<1600xi32, #tpu.memory_space<vmem>>, vector<16xi32>,
      %swap3A_5227 = vector.shape_cast %swap3A_5226 : vector<16xi32> to vector<16xi32>
      %swap3A_5228 = vector.shape_cast %add3A_5224 : vector<16xi32> to vector<16xi32>
      tpu.vector_store %arg6[%swap3A_5225], %swap3A_5228 {strides = array<i32>} : memref<1600xi32, #tpu.memory_space<vmem>>, vector<16xi32>,
      %get3A_5229 = arith.constant 49 : i32
      %get3A_5230 = arith.index_cast %get3A_5229 : i32 to index
      %get3A_5231 = arith.constant 16 : index
      %get3A_5232 = tpu.vector_load %arg5[%get3A_5230, %get3A_5231] {strides = array<i32>} : memref<50x32xi32, #tpu.memory_space<vmem>>, vector<1x16xi32>,
      %get3A_5233 = vector.shape_cast %get3A_5232 : vector<1x16xi32> to vector<16xi32>
      %and3A_5234 = arith.constant -65536 : i32
      %and3A_5235 = vector.broadcast %and3A_5234 : i32 to vector<16xi32>
      %and3A_5236 = arith.andi %get3A_5233, %and3A_5235 : vector<16xi32>
      %and3A_5237 = arith.constant 16383 : i32
      %and3A_5238 = vector.broadcast %and3A_5237 : i32 to vector<16xi32>
      %and3A_5239 = arith.andi %get3A_5233, %and3A_5238 : vector<16xi32>
      %shift_left3A_5240 = arith.constant 2 : i32
      %shift_left3A_5241 = vector.broadcast %shift_left3A_5240 : i32 to vector<16xi32>
      %shift_left3A_5242 = arith.shli %and3A_5239, %shift_left3A_5241 : vector<16xi32>
      %add3A_5243 = arith.addi %and3A_5236, %shift_left3A_5242 : vector<16xi32>
      %and3A_5244 = arith.constant 65535 : i32
      %and3A_5245 = vector.broadcast %and3A_5244 : i32 to vector<16xi32>
      %and3A_5246 = arith.andi %get3A_5233, %and3A_5245 : vector<16xi32>
      %shift_right_arithmetic3A_5247 = arith.constant 14 : i32
      %shift_right_arithmetic3A_5248 = vector.broadcast %shift_right_arithmetic3A_5247 : i32 to vector<16xi32>
      %shift_right_arithmetic3A_5249 = arith.shrsi %and3A_5246, %shift_right_arithmetic3A_5248 : vector<16xi32>
      %add3A_5250 = arith.addi %add3A_5243, %shift_right_arithmetic3A_5249 : vector<16xi32>
      %swap3A_5251 = arith.constant 1584 : index
      %swap3A_5252 = tpu.vector_load %arg6[%swap3A_5251] {strides = array<i32>} : memref<1600xi32, #tpu.memory_space<vmem>>, vector<16xi32>,
      %swap3A_5253 = vector.shape_cast %swap3A_5252 : vector<16xi32> to vector<16xi32>
      %swap3A_5254 = vector.shape_cast %add3A_5250 : vector<16xi32> to vector<16xi32>
      tpu.vector_store %arg6[%swap3A_5251], %swap3A_5254 {strides = array<i32>} : memref<1600xi32, #tpu.memory_space<vmem>>, vector<16xi32>,
      %mul3A_5255 = arith.constant 1600 : i32
      %mul3A_5256 = arith.muli %add3A_2654, %mul3A_5255 : i32
      "tpu.region"() ({
        %run_scoped3A = tpu.sem_alloc : memref<!tpu.dma_semaphore, #tpu.memory_space<semaphore_mem>>
        %dma_start3A_5257 = tpu.memref_slice %arg3[%add3A, %mul3A_5256] : memref<32x25600xi32, #tpu.memory_space<hbm>> -> memref<1x1600xi32, #tpu.memory_space<hbm>>
        %dma_start3A_5258 = tpu.memref_squeeze %dma_start3A_5257 : memref<1x1600xi32, #tpu.memory_space<hbm>> -> memref<1600xi32, #tpu.memory_space<hbm>>
        %dma_start3A_5259 = tpu.memref_slice %arg3[%add3A, %mul3A_5256] : memref<32x25600xi32, #tpu.memory_space<hbm>> -> memref<1x1600xi32, #tpu.memory_space<hbm>>
        %dma_start3A_5260 = tpu.memref_squeeze %dma_start3A_5259 : memref<1x1600xi32, #tpu.memory_space<hbm>> -> memref<1600xi32, #tpu.memory_space<hbm>>
        tpu.enqueue_dma source(%arg6 : memref<1600xi32, #tpu.memory_space<vmem>>) target(%dma_start3A_5260 : memref<1600xi32, #tpu.memory_space<hbm>>) target_semaphore(%run_scoped3A : memref<!tpu.dma_semaphore, #tpu.memory_space<semaphore_mem>>)
        %dma_wait3A_5261 = tpu.memref_slice %arg3[%add3A, %mul3A_5256] : memref<32x25600xi32, #tpu.memory_space<hbm>> -> memref<1x1600xi32, #tpu.memory_space<hbm>>
        %dma_wait3A_5262 = tpu.memref_squeeze %dma_wait3A_5261 : memref<1x1600xi32, #tpu.memory_space<hbm>> -> memref<1600xi32, #tpu.memory_space<hbm>>
        %dma_wait3A_5263 = tpu.memref_slice %arg3[%add3A, %mul3A_5256] : memref<32x25600xi32, #tpu.memory_space<hbm>> -> memref<1x1600xi32, #tpu.memory_space<hbm>>
        %dma_wait3A_5264 = tpu.memref_squeeze %dma_wait3A_5263 : memref<1x1600xi32, #tpu.memory_space<hbm>> -> memref<1600xi32, #tpu.memory_space<hbm>>
        tpu.wait_dma2 semaphore(%run_scoped3A : memref<!tpu.dma_semaphore, #tpu.memory_space<semaphore_mem>>) src(%arg6 : memref<1600xi32, #tpu.memory_space<vmem>>) dst(%dma_wait3A_5264 : memref<1600xi32, #tpu.memory_space<hbm>>)
        tpu.yield
      }) : () -> ()
    }
    %scan3A_12 = arith.constant 8 : i32
    %dma_wait3A = arith.constant 0 : i32
    %dma_wait3A_13 = arith.constant 0 : i32
    %dma_wait3A_14 = tpu.memref_slice %arg2[%dma_wait3A, %dma_wait3A_13] : memref<50x16384xi32, #tpu.memory_space<hbm>> -> memref<50x32xi32, #tpu.memory_space<hbm>>
    %dma_wait3A_15 = arith.constant 0 : i32
    %dma_wait3A_16 = arith.constant 0 : i32
    %dma_wait3A_17 = tpu.memref_slice %arg2[%dma_wait3A_15, %dma_wait3A_16] : memref<50x16384xi32, #tpu.memory_space<hbm>> -> memref<50x32xi32, #tpu.memory_space<hbm>>
    tpu.wait_dma2 semaphore(%arg7 : memref<!tpu.dma_semaphore, #tpu.memory_space<semaphore_mem>>) src(%dma_wait3A_17 : memref<50x32xi32, #tpu.memory_space<hbm>>) dst(%arg4 : memref<50x32xi32, #tpu.memory_space<vmem>>)
    return
  }
}

</mosaic_0001>

<sc_bundles>
// kernel: _sc_idx_prep.3.cloned.1.call-start
scs
__scs_entry_jumppad:
0x0: {  	(pc) =	sbr.rel $0x88, $3  }
0x1: {  	(tag) =	ssettag $0x0;
	lr =	simm.s32 $0x1  }
0x2: {  	[smem:$0x3FA0] =	sst lr;
	_ =	strace $0xD0000000  }
0x3: {  	_ = 	snop  }
0x4: {  	_ = 	snop  }
0x5: {  	_ = 	snop  }
0x6: {  	_ = 	snop  }
0x7: {  	_ = 	snop  }
__scs_overlays_trampoline_lowered:
0x8: {  	[smem:$0x3FAF] =	sst s0  }
0x9: {  	[smem:$0x3FB0] =	sst s1  }
0xa: {  	[smem:$0x3FB1] =	sst s2  }
0xb: {  	[smem:$0x3FB2] =	sst s3  }
0xc: {  	[smem:$0x3FB3] =	sst s4  }
0xd: {  	[smem:$0x3FB4] =	sst s5  }
0xe: {  	[smem:$0x3FB5] =	sst s6  }
0xf: {  	[smem:$0x3FB6] =	sst s7  }
0x10: {  	[smem:$0x3FB7] =	sst s8  }
0x11: {  	[smem:$0x3FB8] =	sst s9;
	s0 =	simm.s32 @!p0 $0x0  }
0x12: {  	s1 =	sld [smem:$0x3F9E];
	s0 =	simm.s32 @p0 $0x1  }
0x13: {  	[smem:$0x3FB9] =	sst s0;
	s0 =	simm.s32 @!p1 $0x0  }
0x14: {  	s2 =	sld [smem:$0x3F9D];
	s0 =	simm.s32 @p1 $0x1  }
0x15: {  	[smem:$0x3FBA] =	sst s0;
	s0 =	simm.s32 @!p2 $0x0  }
0x16: {  	s3 =	sld [smem:$0x3FDB];
	s0 =	simm.s32 @p2 $0x1  }
0x17: {  	s4 =	simm.s32 $0x1BF5;
	[smem:$0x3FBC] =	sst s0  }
0x18: {  	s0 =	sld [smem:$0x3F9F];
	_ =	swait.ge [sflag:s4], $0x0  }
0x19: {  	s7 =	sld [smem:$0x3FA0]  }
0x1a: {  	s8 =	sadd.s32 $0xFFFFE003, lr  }
0x1b: {  	s9 =	sadd.s32 $0xFFFFFEF7, lr;
	s5 =	simm.s32 $0xFFFFFFFF;
	p2 =	slt.u32 s8, $0xFFFFF086  }
0x1c: {  	p1 =	slt.u32 s9, $0xF7A;
	s5 =	simm.s32 @!p2 $0x0  }
0x1d: {  	s5 =	simm.s32 @p1 $0x1;
	p0 =	seq.s32 s7, s2  }
0x1e: {  	s7 =	smul.u32 @!p0 $0xF7A, s2;
	p2 =	seq.s32 @!p0 s5, $0x0  }
0x1f: {  	s9 =	smul.u32 $0xF7A, s1;
	s8 =	simm.s32 @!p0 $0x1BF5;
	p2 =	por !p2, p0  }
0x20: {  	[sflag:s8] =	ssyncset.s32 @!p0 $0xFFFFF086;
	s6 =	sadd.s32 @!p0 s3, s7;
	s7 =	simm.s32 @!p0 $0x108  }
0x21: {  	s3 =	sadd.s32 s3, s9;
	s6 =	sadd.s32 @!p0 $0x88, s6;
	s7 =	simm.s32 @p2 $0x1082  }
0x22: {  	[simem:s7], [sflag:s8] =	dma.local @!p0 [hbm:s6], $0xF7A  }
0x23: {  	s9 =	sor.u32 $0xD0000000, s2;
	s6 =	simm.s32 $0x108;
	_ =	swait.ge @!p0 [sflag:s8], $0x0  }
0x24: {  	s3 =	sadd.s32 $0x88, s3;
	s6 =	simm.s32 @!p1 $0x1082;
	[sflag:s4] =	ssyncset.s32 $0xFFFFF086  }
0x25: {  	[simem:s6], [sflag:s4] =	dma.local [hbm:s3], $0xF7A  }
0x26: {  	[smem:$0x3FA0] =	sst s1;
	(tag) =	ssettag s2;
	_ =	strace s9  }
0x27: {  	s1 =	sld [smem:$0x3FB0]  }
0x28: {  	s2 =	sld [smem:$0x3FB1]  }
0x29: {  	s4 =	sld [smem:$0x3FB3]  }
0x2a: {  	p0 =	seq.s32 s5, $0x0;
	s5 =	sld [smem:$0x3FB4]  }
0x2b: {  	s6 =	sld [smem:$0x3FB5]  }
0x2c: {  	s7 =	sld [smem:$0x3FB6]  }
0x2d: {  	s3 =	simm.s32 $0x108;
	s8 =	sld [smem:$0x3FB7]  }
0x2e: {  	s3 =	simm.s32 @!p0 $0x1082;
	s9 =	sld [smem:$0x3FB8]  }
0x2f: {  	lr =	sadd.s32 s0, s3;
	s0 =	sld [smem:$0x3FAF]  }
0x30: {  	s3 =	sld [smem:$0x3FB2]  }
0x31: {  	[smem:$0x3FBB] =	sst s10  }
0x32: {  	s10 =	sld [smem:$0x3FB9];
	_ =	sdelay $0x3  }
0x33: {  	p0 =	seq.s32 s10, $0x1;
	s10 =	sld [smem:$0x3FBB];
	_ =	sdelay $0x3  }
0x34: {  	[smem:$0x3FBB] =	sst s10  }
0x35: {  	s10 =	sld [smem:$0x3FBA];
	_ =	sdelay $0x3  }
0x36: {  	p1 =	seq.s32 s10, $0x1;
	s10 =	sld [smem:$0x3FBB];
	_ =	sdelay $0x3  }
0x37: {  	[smem:$0x3FBB] =	sst s10  }
0x38: {  	s10 =	sld [smem:$0x3FBC]  }
0x39: {  	_ = 	snop;
	(pc) =	sbr.ind lr, $3  }
0x3a: {  	_ = 	snop  }
0x3b: {  	_ = 	snop  }
0x3c: {  	p2 =	seq.s32 s10, $0x1;
	s10 =	sld [smem:$0x3FBB]  }
0x3d: {  	_ =	shalt  }
0x3e: {  	_ =	shalt  }
0x3f: {  	_ =	shalt  }
0x40: {  	_ =	shalt  }
0x41: {  	_ =	shalt  }
0x42: {  	_ =	shalt  }
0x43: {  	_ =	shalt  }
0x44: {  	_ =	shalt  }
0x45: {  	_ =	shalt  }
0x46: {  	_ =	shalt  }
0x47: {  	_ =	shalt  }
0x48: {  	_ =	shalt  }
0x49: {  	_ =	shalt  }
0x4a: {  	_ =	shalt  }
0x4b: {  	_ =	shalt  }
0x4c: {  	_ =	shalt  }
0x4d: {  	_ =	shalt  }
0x4e: {  	_ =	shalt  }
0x4f: {  	_ =	shalt  }
0x50: {  	_ =	shalt  }
0x51: {  	_ =	shalt  }
0x52: {  	_ =	shalt  }
0x53: {  	_ =	shalt  }
0x54: {  	_ =	shalt  }
0x55: {  	_ =	shalt  }
0x56: {  	_ =	shalt  }
0x57: {  	_ =	shalt  }
0x58: {  	_ =	shalt  }
0x59: {  	_ =	shalt  }
0x5a: {  	_ =	shalt  }
0x5b: {  	_ =	shalt  }
0x5c: {  	_ =	shalt  }
0x5d: {  	_ =	shalt  }
0x5e: {  	_ =	shalt  }
0x5f: {  	_ =	shalt  }
0x60: {  	_ =	shalt  }
0x61: {  	_ =	shalt  }
0x62: {  	_ =	shalt  }
0x63: {  	_ =	shalt  }
0x64: {  	_ =	shalt  }
0x65: {  	_ =	shalt  }
0x66: {  	_ =	shalt  }
0x67: {  	_ =	shalt  }
0x68: {  	_ =	shalt  }
0x69: {  	_ =	shalt  }
0x6a: {  	_ =	shalt  }
0x6b: {  	_ =	shalt  }
0x6c: {  	_ =	shalt  }
0x6d: {  	_ =	shalt  }
0x6e: {  	_ =	shalt  }
0x6f: {  	_ =	shalt  }
0x70: {  	_ =	shalt  }
0x71: {  	_ =	shalt  }
0x72: {  	_ =	shalt  }
0x73: {  	_ =	shalt  }
0x74: {  	_ =	shalt  }
0x75: {  	_ =	shalt  }
0x76: {  	_ =	shalt  }
0x77: {  	_ =	shalt  }
0x78: {  	_ =	shalt  }
0x79: {  	_ =	shalt  }
0x7a: {  	_ =	shalt  }
0x7b: {  	_ =	shalt  }
0x7c: {  	_ =	shalt  }
0x7d: {  	_ =	shalt  }
0x7e: {  	_ =	shalt  }
0x7f: {  	_ =	shalt  }
0x80: {  	_ =	shalt  }
0x81: {  	_ =	shalt  }
0x82: {  	_ =	shalt  }
0x83: {  	_ =	shalt  }
0x84: {  	_ =	shalt  }
0x85: {  	_ =	shalt  }
0x86: {  	_ =	shalt  }
0x87: {  	_ =	shalt  }
.Lfunc_end0:
.L_simem_size_0:
called_computation_lowered:
.L_overlay_start_0:
0x88: {  	s2 =	sld [smem:$0x3FD9]  }
0x89: {  	s3 =	sld [smem:$0x3FFE];
	_ =	sdelay $0x1  }
0x8a: {  	s1 =	srdreg.scid  }
0x8b: {  	s0 =	sand.u32 $0x1, s1  }
0x8c: {  	s17 =	sshll.u32 s0, $0xA;
	s2 =	sadd.s32 s3, s2  }
0x8d: {  	s2 =	sadd.s32 s2, s17  }
0x8e: {  	[smem:$0x3FC7] =	sst s2  }
0x8f: {  	_ = 	snop  }
0x90: {  	s2 =	sld [smem:$0x3FD0];
	(tm) =	ssettm $0x1  }
0x91: {  	s18 =	sld [smem:$0x3FFB];
	_ =	sdelay $0x3  }
0x92: {  	_ =	strace s18  }
0x93: {  	s3 =	sld [smem:$0x3FFC];
	_ =	sdelay $0x3  }
0x94: {  	_ =	strace s3  }
0x95: {  	s3 =	sld [smem:$0x3FFD];
	_ =	sdelay $0x3  }
0x96: {  	_ =	strace s3  }
0x97: {  	_ =	strace $0x8FFFFFFF  }
0x98: {  	s19 =	sld [smem:$0x3FDB];
	_ =	sdelay $0x1  }
0x99: {  	s4 =	simm.s32 $_scs_section_size  }
0x9a: {  	s5 =	simm.s32 $_size__tile_overlayer_lowered;
	s6 =	simm.s32 $_tile_overlayer_lowered  }
0x9b: {  	s22 =	simm.s32 $0x1BFF;
	s21 =	sshll.u32 s6, $0x1;
	s3 =	sadd.s32 s4, s19  }
0x9c: {  	s7 =	simm.s32 $0x0;
	s20 =	sshll.u32 s5, $0x1;
	s5 =	sadd.s32 s21, s3  }
0x9d: {  	[timem:s7], [sflag:s22] =	dma.local [hbm:s5], s20  }
0x9e: {  	_ =	swait.ge [sflag:s22], s20  }
0x9f: {  	s4 =	ssub.s32 $0x0, s20;
	[sflag:s22] =	ssyncset.done $0x0  }
0xa0: {  	[sflag:s22] =	ssyncadd.s32 s4;
	_ =	sdelay $0x1  }
0xa1: {  	s23 =	simm.s32 $0x1B8B  }
0xa2: {  	_ =	swait.ge [sflag:s23], $0x1  }
0xa3: {  	[sflag:s23] =	ssyncset.done $0x0  }
0xa4: {  	s25 =	simm.s32 $0x1B8E;
	s24 =	sld [smem:$0x3FFE];
	[sflag:s23] =	ssyncadd.s32 $0xFFFFFFFF  }
0xa5: {  	s26 =	simm.s32 $execute0_lowered;
	[smem:$0x3FD2] =	sst s25  }
0xa6: {  	s5 =	sshll.u32 s26, $0x1;
	_ =	strace $0x80000046;
	[dreg:$0x1] =	wrdreg $0xFFFFFFFF  }
0xa7: {  	s28 =	simm.s32 $_size_execute0_lowered;
	s3 =	sadd.s32 s3, s5;
	[dreg:$0x0] =	wrdreg $0x0  }
0xa8: {  	s5 =	sshll.u32 s28, $0x1;
	[dreg:$0x2] =	wrdreg s3  }
0xa9: {  	[dreg:$0x3] =	wrdreg s5  }
0xaa: {  	[dreg:$0x4] =	wrdreg $0xC0  }
0xab: {  	_ =	task [dreg:s7], $0x5FFFF  }
0xac: {  	[dreg:$0x1] =	wrdreg $0xFFFFFFFF  }
0xad: {  	[dreg:$0x0] =	wrdreg $0x60  }
0xae: {  	[dreg:$0x2] =	wrdreg s2  }
0xaf: {  	[dreg:$0x3] =	wrdreg s24  }
0xb0: {  	[dreg:$0x4] =	wrdreg $0x9  }
0xb1: {  	_ =	task.clear_ibuf [dreg:s7], $0x5FFFF;
	_ =	strace $0x90000046  }
0xb2: {  	s29 =	simm.s32 $0x9;
	_ =	strace $0x80000048  }
0xb3: {  	_ =	swait.ge [sflag:s29], $0x1  }
0xb4: {  	[sflag:s29] =	ssyncadd.s32 $0xFFFFFFFF  }
0xb5: {  	_ =	strace $0x90000048  }
0xb6: {  	_ =	sfence  }
0xb7: {  	s30 =	sld [smem:$0x0];
	_ =	sdelay $0x2  }
0xb8: {  	s31 =	sshll.u32 s1, $0xD;
	s1 =	sshrl.u32 s1, $0x2  }
0xb9: {  	s3 =	sand.u32 $0x4000, s31;
	s1 =	sadd.s32 s1, s30  }
0xba: {  	s0 =	sor.u32 s3, s0;
	s1 =	sshll.u32 s1, $0x11  }
0xbb: {  	s0 =	sor.u32 s1, s0  }
0xbc: {  	s0 =	sadd.s32 $0x8F2B, s0  }
0xbd: {  	[sflag:s0] =	ssyncadd.remote.s32 $0x1  }
0xbe: {  	_ =	sfence.sel $0xFFFF  }
0xbf: {  	[dreg:$0x0] =	wrdreg $0xFFFFFFFF;
	(pc) =	sbr.abs _section_cstart, $3  }
0xc0: {  	[dreg:$0x1] =	wrdreg $0xFFFFFFFF  }
0xc1: {  	_ =	task.clear_ibuf [dreg:s7], $0x2FFFF;
	_ =	strace $0x9FFFFFFF  }
0xc2: {  	(tm) =	ssettm $0x7FFFFFFF  }
0xc3: {  	_ =	shalt  }
tec
execute0_lowered:
.L_overlay_start_1:
0x0: {  	(tag) =	ssettag $0x1  }
0x1: {  	s1 =	rddreg [dreg:$0x0]  }
0x2: {  	s4 =	rddreg [dreg:$0x1];
	s2 =	srdreg.scid  }
0x3: {  	s0 =	rddreg [dreg:$0x2];
	s3 =	simm.s32 $0x0;
	s13 =	simm.s32 $0x1  }
0x4: {  	s14 =	simm.s32 $0xC80;
	s15 =	simm.s32 $0x3;
	s16 =	simm.s32 $0x2  }
0x5: {  	s17 =	simm.s32 $0x0;
	s5 =	sand.u32 $0x1, s2;
	[smem:$0x7FF] =	sst s3  }
0x6: {  	s2 =	stileid.u32;
	s9 =	sadd.s32 $0x400, s4;
	s6 =	ssub.s32 $0x2, s5  }
0x7: {  	_ =	strace $0x80000047;
	s8 =	sshll.u32 s2, $0x1;
	s26 =	smul.u32 $0xC800, s2  }
0x8: {  	s10 =	smul.u32 $0x6400, s5;
	s11 =	sshll.u32 s2, $0xA;
	s12 =	sshll.u32 s5, $0x9  }
0x9: {  	s7 =	sshrl.u32 s6, $0x1;
	s24 =	sor.u32 s5, s8;
	s28 =	sor.u32 s12, s11  }
0xa: {  	s11 =	simm.s32 $0x4000;
	s12 =	simm.s32 $0x640;
	s6 =	ssub.s32 s6, s7  }
0xb: {  	s25 =	sshll.u32 s24, $0x9;
	s4 =	sshll.u32 s24, $0x6;
	s8 =	sadd.s32 s10, s26  }
0xc: {  	s7 =	sor.u32 $0x20, s28;
	s4 =	sadd.s32 s1, s4;
	s5 =	sor.u32 $0x40, s25  }
0xd: {  	s6 =	smax.u32 s6, $0x1;
	s10 =	sshrl.u32 s8, $0x3;
	s30 =	sadd.s32 $0x640, s8  }
0xe: {  	s29 =	sshrl.u32 s7, $0x3;
	s7 =	sadd.s32 s10, s9;
	s31 =	sshrl.u32 s30, $0x3  }
0xf: {  	s8 =	sadd.s32 s29, s1;
	s10 =	simm.s32 $0x20;
	s9 =	sadd.s32 s31, s9  }
.LBB2_1:
0x10: {  	[tilespmem:s3], [sflag:$0x1] =	stream.strided.gather [hbm4b:s4+s10], $0x640, s11, s10, $0x38;
	[tilespmem:$0x12C0] =	vst v63  }
0x11: {  	s18 =	smov.u32 s9  }
0x12: {  	s19 =	smov.u32 s8;
	s20 =	smov.u32 s7;
	s21 =	simm.s32 $0x0  }
.LBB2_2:
0x13: {  	[tilespmem:s12], [sflag:$0x2] =	stream.strided.gather [hbm4b:s19+s10], $0x640, s11, s10, $0x38;
	[tilespmem:$0x12C0] =	vst v63  }
0x14: {  	_ =	swait.ge [sflag:s13], $0x640  }
0x15: {  	[sflag:s13] =	ssyncset.done $0x0  }
0x16: {  	[sflag:s13] =	ssyncadd.s32 $0xFFFFF9C0  }
0x17: {  	v0 =	vld [tilespmem:$0x0]  }
0x18: {  	v1 =	vld [tilespmem:$0x10]  }
0x19: {  	v3 =	vld [tilespmem:$0x20]  }
0x1a: {  	v5 =	vld [tilespmem:$0x30]  }
0x1b: {  	v7 =	vld [tilespmem:$0x40]  }
0x1c: {  	v36 =	vld [tilespmem:$0x50]  }
0x1d: {  	v8 =	vld [tilespmem:$0x60]  }
0x1e: {  	v40 =	vld [tilespmem:$0x70];
	v2 =	vshll.u32 v0, $0x2;
	v4 =	vand.u32 $0xFFFF0000, v0;
	v0 =	vshrl.u32 v0, $0xE  }
0x1f: {  	v10 =	vld [tilespmem:$0x80];
	v31 =	vshll.u32 v1, $0x2;
	v6 =	vand.u32 $0xFFFF0000, v1;
	v1 =	vshrl.u32 v1, $0xE  }
0x20: {  	v11 =	vld [tilespmem:$0x90];
	v33 =	vshll.u32 v3, $0x2;
	v34 =	vand.u32 $0xFFFF0000, v3;
	v3 =	vshrl.u32 v3, $0xE  }
0x21: {  	v47 =	vld [tilespmem:$0xA0];
	v35 =	vshll.u32 v5, $0x2;
	v37 =	vand.u32 $0xFFFF0000, v5;
	v38 =	vshrl.u32 v5, $0xE  }
0x22: {  	v13 =	vld [tilespmem:$0xB0];
	v39 =	vshll.u32 v7, $0x2;
	v9 =	vand.u32 $0xFFFF0000, v7;
	v7 =	vshrl.u32 v7, $0xE  }
0x23: {  	v14 =	vld [tilespmem:$0xC0];
	v41 =	vshll.u32 v36, $0x2;
	v42 =	vand.u32 $0xFFFF0000, v36;
	v43 =	vshll.u32 v8, $0x2  }
0x24: {  	v55 =	vld [tilespmem:$0xD0];
	v44 =	vand.u32 $0xFFFF0000, v8;
	v45 =	vshrl.u32 v8, $0xE;
	v46 =	vshll.u32 v40, $0x2  }
0x25: {  	v16 =	vld [tilespmem:$0xE0];
	v12 =	vand.u32 $0xFFFF0000, v40;
	v48 =	vshll.u32 v10, $0x2;
	v49 =	vand.u32 $0xFFFF0000, v10  }
0x26: {  	v17 =	vld [tilespmem:$0xF0];
	v10 =	vshrl.u32 v10, $0xE;
	v51 =	vshll.u32 v11, $0x2;
	v52 =	vand.u32 $0xFFFF0000, v11  }
0x27: {  	v63 =	vld [tilespmem:$0x100];
	v53 =	vshrl.u32 v11, $0xE;
	v54 =	vshll.u32 v47, $0x2;
	v15 =	vand.u32 $0xFFFF0000, v47  }
0x28: {  	v56 =	vshll.u32 v13, $0x2;
	v57 =	vand.u32 $0xFFFF0000, v13;
	v13 =	vshrl.u32 v13, $0xE  }
0x29: {  	v59 =	vshll.u32 v14, $0x2;
	v60 =	vand.u32 $0xFFFF0000, v14;
	v61 =	vshrl.u32 v14, $0xE  }
0x2a: {  	v62 =	vshll.u32 v55, $0x2;
	v18 =	vand.u32 $0xFFFF0000, v55;
	v24 =	vshll.u32 v16, $0x2  }
0x2b: {  	v25 =	vand.u32 $0xFFFF0000, v16;
	v16 =	vshrl.u32 v16, $0xE;
	v27 =	vshll.u32 v17, $0x2  }
0x2c: {  	v28 =	vand.u32 $0xFFFF0000, v17;
	v29 =	vshrl.u32 v17, $0xE;
	v30 =	vshll.u32 v63, $0x2  }
0x2d: {  	v21 =	vand.u32 $0xFFFF0000, v63;
	v2 =	vand.u32 $0xFFFC, v2;
	v0 =	vand.u32 $0x3, v0  }
0x2e: {  	v32 =	vand.u32 $0x3, v1;
	v3 =	vand.u32 $0x3, v3;
	v5 =	vand.u32 $0xFFFC, v39  }
0x2f: {  	v7 =	vand.u32 $0x3, v7;
	v8 =	vand.u32 $0xFFFC, v46;
	v50 =	vand.u32 $0x3, v10  }
0x30: {  	v10 =	vand.u32 $0xFFFC, v51;
	v11 =	vand.u32 $0xFFFC, v54;
	v58 =	vand.u32 $0x3, v13  }
0x31: {  	v22 =	vld [tilespmem:$0x140];
	v13 =	vand.u32 $0xFFFC, v59;
	v14 =	vand.u32 $0xFFFC, v62;
	v26 =	vand.u32 $0x3, v16  }
0x32: {  	v16 =	vand.u32 $0xFFFC, v27;
	v17 =	vand.u32 $0xFFFC, v30;
	v2 =	vor.u32 v4, v2  }
0x33: {  	v19 =	vld [tilespmem:$0x110];
	v4 =	vand.u32 $0xFFFC, v31;
	v5 =	vor.u32 v9, v5;
	v9 =	vshrl.u32 v40, $0xE  }
0x34: {  	v20 =	vld [tilespmem:$0x120];
	v8 =	vor.u32 v12, v8;
	v12 =	vshrl.u32 v47, $0xE;
	v11 =	vor.u32 v15, v11  }
0x35: {  	v15 =	vshrl.u32 v55, $0xE;
	v14 =	vor.u32 v18, v14;
	v18 =	vshrl.u32 v63, $0xE  }
0x36: {  	v17 =	vor.u32 v21, v17;
	v40 =	vshll.u32 v22, $0x2;
	v4 =	vor.u32 v6, v4  }
0x37: {  	v1 =	vor.u32 v0, v2;
	v2 =	vand.u32 $0xFFFC, v33;
	v6 =	vshrl.u32 v36, $0xE  }
0x38: {  	v9 =	vand.u32 $0x3, v9;
	v12 =	vand.u32 $0x3, v12;
	v15 =	vand.u32 $0x3, v15  }
0x39: {  	v18 =	vand.u32 $0x3, v18;
	v33 =	vand.u32 $0xFFFF0000, v19;
	v36 =	vand.u32 $0xFFFF0000, v20  }
0x3a: {  	v23 =	vld [tilespmem:$0x150];
	v0 =	vor.u32 v32, v4;
	v2 =	vor.u32 v34, v2;
	v4 =	vand.u32 $0xFFFC, v35  }
0x3b: {  	v39 =	vld [tilespmem:$0x160];
	v6 =	vand.u32 $0x3, v6;
	v32 =	vshll.u32 v19, $0x2;
	v19 =	vshrl.u32 v19, $0xE  }
0x3c: {  	v31 =	vld [tilespmem:$0x130];
	v35 =	vshll.u32 v20, $0x2;
	v2 =	vor.u32 v3, v2;
	v3 =	vor.u32 v37, v4  }
0x3d: {  	v47 =	vld [tilespmem:$0x190];
	v4 =	vand.u32 $0x3, v38;
	v34 =	vand.u32 $0x3, v19;
	v19 =	vand.u32 $0xFFFC, v35  }
0x3e: {  	v55 =	vld [tilespmem:$0x1C0];
	v37 =	vshrl.u32 v20, $0xE;
	v4 =	vor.u32 v4, v3;
	v3 =	vor.u32 v7, v5  }
0x3f: {  	v5 =	vand.u32 $0xFFFC, v41;
	v7 =	vand.u32 $0xFFFC, v43;
	v41 =	vand.u32 $0xFFFF0000, v22  }
0x40: {  	v22 =	vshrl.u32 v22, $0xE;
	v43 =	vshll.u32 v23, $0x2;
	v46 =	vshll.u32 v39, $0x2  }
0x41: {  	v63 =	vld [tilespmem:$0x1F0];
	v27 =	vand.u32 $0xFFFF0000, v39;
	v5 =	vor.u32 v42, v5;
	v38 =	vshll.u32 v31, $0x2  }
0x42: {  	v21 =	vshrl.u32 v31, $0xE;
	v42 =	vand.u32 $0x3, v22;
	v22 =	vand.u32 $0xFFFC, v43  }
0x43: {  	v54 =	vshll.u32 v47, $0x2;
	v30 =	vand.u32 $0xFFFF0000, v47;
	v62 =	vshll.u32 v55, $0x2  }
0x44: {  	v5 =	vor.u32 v6, v5;
	v6 =	vor.u32 v44, v7;
	v7 =	vand.u32 $0x3, v45  }
0x45: {  	v20 =	vand.u32 $0xFFFC, v38;
	v21 =	vand.u32 $0x3, v21;
	v44 =	vand.u32 $0xFFFF0000, v23  }
0x46: {  	v45 =	vshrl.u32 v23, $0xE;
	v23 =	vand.u32 $0xFFFC, v46;
	v46 =	vshll.u32 v63, $0x2  }
0x47: {  	v7 =	vor.u32 v7, v6;
	v6 =	vor.u32 v9, v8;
	v8 =	vand.u32 $0xFFFC, v48  }
0x48: {  	v9 =	vor.u32 v52, v10;
	v10 =	vand.u32 $0x3, v53;
	v23 =	vor.u32 v27, v23  }
0x49: {  	v27 =	vshrl.u32 v47, $0xE;
	v8 =	vor.u32 v49, v8;
	v10 =	vor.u32 v10, v9  }
0x4a: {  	v9 =	vor.u32 v12, v11;
	v11 =	vand.u32 $0xFFFC, v56;
	v12 =	vor.u32 v60, v13  }
0x4b: {  	v13 =	vand.u32 $0x3, v61;
	v27 =	vand.u32 $0x3, v27;
	v8 =	vor.u32 v50, v8  }
0x4c: {  	v11 =	vor.u32 v57, v11;
	v13 =	vor.u32 v13, v12;
	v12 =	vor.u32 v15, v14  }
0x4d: {  	v14 =	vand.u32 $0xFFFC, v24;
	v15 =	vor.u32 v28, v16;
	v16 =	vand.u32 $0x3, v29  }
0x4e: {  	v24 =	vand.u32 $0xFFFF0000, v31;
	v11 =	vor.u32 v58, v11;
	v14 =	vor.u32 v25, v14  }
0x4f: {  	v16 =	vor.u32 v16, v15;
	v15 =	vor.u32 v18, v17;
	v17 =	vand.u32 $0xFFFC, v32  }
0x50: {  	v47 =	vld [tilespmem:$0x220];
	v18 =	vor.u32 v36, v19;
	v19 =	vand.u32 $0x3, v37;
	v20 =	vor.u32 v24, v20  }
0x51: {  	v28 =	vld [tilespmem:$0x1A0];
	v24 =	vshrl.u32 v39, $0xE;
	v36 =	vand.u32 $0xFFFF0000, v63;
	v14 =	vor.u32 v26, v14  }
0x52: {  	v29 =	vld [tilespmem:$0x1B0];
	v17 =	vor.u32 v33, v17;
	v19 =	vor.u32 v19, v18;
	v18 =	vor.u32 v21, v20  }
0x53: {  	v20 =	vand.u32 $0xFFFC, v40;
	v21 =	vor.u32 v44, v22;
	v22 =	vand.u32 $0x3, v45  }
0x54: {  	v31 =	vld [tilespmem:$0x1D0];
	v24 =	vand.u32 $0x3, v24;
	v33 =	vand.u32 $0xFFFF0000, v55;
	v17 =	vor.u32 v34, v17  }
0x55: {  	v25 =	vld [tilespmem:$0x170];
	v20 =	vor.u32 v41, v20;
	v22 =	vor.u32 v22, v21;
	v21 =	vor.u32 v24, v23  }
0x56: {  	v39 =	vand.u32 $0xFFFF0000, v47;
	v20 =	vor.u32 v42, v20;
	v56 =	vshll.u32 v28, $0x2  }
0x57: {  	v32 =	vld [tilespmem:$0x1E0];
	v57 =	vand.u32 $0xFFFF0000, v28;
	v28 =	vshrl.u32 v28, $0xE;
	v59 =	vshll.u32 v29, $0x2  }
0x58: {  	v60 =	vand.u32 $0xFFFF0000, v29;
	v61 =	vshrl.u32 v29, $0xE;
	v29 =	vand.u32 $0xFFFC, v62  }
0x59: {  	v38 =	vld [tilespmem:$0x240];
	v40 =	vshll.u32 v31, $0x2;
	v41 =	vand.u32 $0xFFFF0000, v31;
	v31 =	vshrl.u32 v31, $0xE  }
0x5a: {  	v26 =	vld [tilespmem:$0x180];
	v48 =	vshll.u32 v25, $0x2;
	v49 =	vand.u32 $0xFFFF0000, v25;
	v25 =	vshrl.u32 v25, $0xE  }
0x5b: {  	v58 =	vand.u32 $0x3, v28;
	v28 =	vand.u32 $0xFFFC, v59;
	v29 =	vor.u32 v33, v29  }
0x5c: {  	v42 =	vand.u32 $0x3, v31;
	v43 =	vshll.u32 v32, $0x2;
	v44 =	vand.u32 $0xFFFF0000, v32  }
0x5d: {  	v45 =	vshrl.u32 v32, $0xE;
	v32 =	vand.u32 $0xFFFC, v46;
	v33 =	vshrl.u32 v63, $0xE  }
0x5e: {  	v34 =	vld [tilespmem:$0x200];
	v59 =	vshll.u32 v38, $0x2;
	v23 =	vand.u32 $0xFFFC, v48;
	v50 =	vand.u32 $0x3, v25  }
0x5f: {  	v35 =	vld [tilespmem:$0x210];
	v51 =	vshll.u32 v26, $0x2;
	v52 =	vand.u32 $0xFFFF0000, v26;
	v53 =	vshrl.u32 v26, $0xE  }
0x60: {  	v26 =	vand.u32 $0xFFFC, v54;
	v31 =	vand.u32 $0xFFFC, v43;
	v32 =	vor.u32 v36, v32  }
0x61: {  	v33 =	vand.u32 $0x3, v33;
	v54 =	vshll.u32 v47, $0x2;
	v36 =	vshrl.u32 v47, $0xE  }
0x62: {  	v23 =	vor.u32 v49, v23;
	v25 =	vand.u32 $0xFFFC, v51;
	v26 =	vor.u32 v30, v26  }
0x63: {  	v30 =	vshrl.u32 v55, $0xE;
	v48 =	vshll.u32 v34, $0x2;
	v49 =	vand.u32 $0xFFFF0000, v34  }
0x64: {  	v34 =	vshrl.u32 v34, $0xE;
	v51 =	vshll.u32 v35, $0x2;
	v36 =	vand.u32 $0x3, v36  }
0x65: {  	v37 =	vld [tilespmem:$0x230];
	v23 =	vor.u32 v50, v23;
	v24 =	vor.u32 v52, v25;
	v25 =	vand.u32 $0x3, v53  }
0x66: {  	v30 =	vand.u32 $0x3, v30;
	v50 =	vand.u32 $0x3, v34;
	v52 =	vand.u32 $0xFFFF0000, v35  }
0x67: {  	v34 =	vand.u32 $0xFFFC, v51;
	v53 =	vshrl.u32 v35, $0xE;
	v35 =	vand.u32 $0xFFFC, v54  }
0x68: {  	v63 =	vld [tilespmem:$0x280];
	v25 =	vor.u32 v25, v24;
	v24 =	vor.u32 v27, v26;
	v26 =	vand.u32 $0xFFFC, v56  }
0x69: {  	v27 =	vor.u32 v60, v28;
	v28 =	vand.u32 $0x3, v61;
	v35 =	vor.u32 v39, v35  }
0x6a: {  	v56 =	vshll.u32 v37, $0x2;
	v60 =	vand.u32 $0xFFFF0000, v38;
	v61 =	vshrl.u32 v38, $0xE  }
0x6b: {  	v26 =	vor.u32 v57, v26;
	v28 =	vor.u32 v28, v27;
	v27 =	vor.u32 v30, v29  }
0x6c: {  	v29 =	vand.u32 $0xFFFC, v40;
	v30 =	vor.u32 v44, v31;
	v31 =	vand.u32 $0x3, v45  }
0x6d: {  	v57 =	vand.u32 $0xFFFF0000, v37;
	v37 =	vshrl.u32 v37, $0xE;
	v54 =	vshll.u32 v63, $0x2  }
0x6e: {  	v55 =	vld [tilespmem:$0x250];
	v45 =	vand.u32 $0xFFFF0000, v63;
	v26 =	vor.u32 v58, v26;
	v29 =	vor.u32 v41, v29  }
0x6f: {  	v43 =	vld [tilespmem:$0x290];
	v31 =	vor.u32 v31, v30;
	v30 =	vor.u32 v33, v32;
	v32 =	vand.u32 $0xFFFC, v48  }
0x70: {  	[tilespmem:$0xDD0] =	vst v22;
	v22 =	vld [tilespmem:$0x470];
	v33 =	vor.u32 v52, v34;
	v34 =	vand.u32 $0x3, v53;
	v58 =	vand.u32 $0x3, v37  }
0x71: {  	v37 =	vand.u32 $0xFFFC, v59;
	v29 =	vor.u32 v42, v29;
	v32 =	vor.u32 v49, v32  }
0x72: {  	v34 =	vor.u32 v34, v33;
	v33 =	vor.u32 v36, v35;
	v35 =	vand.u32 $0xFFFC, v56  }
0x73: {  	v36 =	vor.u32 v60, v37;
	v62 =	vshll.u32 v55, $0x2;
	v42 =	vand.u32 $0xFFFF0000, v55  }
0x74: {  	v40 =	vld [tilespmem:$0x260];
	v39 =	vshrl.u32 v55, $0xE;
	v37 =	vand.u32 $0x3, v61;
	v56 =	vshll.u32 v43, $0x2  }
0x75: {  	[tilespmem:$0xE70] =	vst v30;
	v30 =	vand.u32 $0xFFFF0000, v22;
	v32 =	vor.u32 v50, v32;
	v35 =	vor.u32 v57, v35  }
0x76: {  	v44 =	vld [tilespmem:$0x2A0];
	v38 =	vand.u32 $0xFFFC, v62;
	v39 =	vand.u32 $0x3, v39;
	v37 =	vor.u32 v37, v36  }
0x77: {  	v41 =	vld [tilespmem:$0x270];
	v57 =	vand.u32 $0xFFFF0000, v43;
	v43 =	vshrl.u32 v43, $0xE;
	[tilespmem:$0xE50] =	vst v29;
	v29 =	vshll.u32 v22, $0x2  }
0x78: {  	v35 =	vor.u32 v58, v35;
	v38 =	vor.u32 v42, v38;
	v42 =	vshrl.u32 v63, $0xE  }
0x79: {  	v47 =	vld [tilespmem:$0x2D0];
	v58 =	vand.u32 $0x3, v43;
	v36 =	vor.u32 v39, v38;
	v48 =	vshll.u32 v40, $0x2  }
0x7a: {  	v55 =	vld [tilespmem:$0x2B0];
	v49 =	vand.u32 $0xFFFF0000, v40;
	v40 =	vshrl.u32 v40, $0xE;
	v42 =	vand.u32 $0x3, v42  }
0x7b: {  	v46 =	vld [tilespmem:$0x2C0];
	v59 =	vshll.u32 v44, $0x2;
	v60 =	vand.u32 $0xFFFF0000, v44;
	v61 =	vshrl.u32 v44, $0xE  }
0x7c: {  	[tilespmem:$0xE20] =	vst v26;
	v26 =	vld [tilespmem:$0x480];
	v38 =	vand.u32 $0xFFFC, v48;
	v50 =	vand.u32 $0x3, v40;
	v51 =	vshll.u32 v41, $0x2  }
0x7d: {  	v52 =	vand.u32 $0xFFFF0000, v41;
	v53 =	vshrl.u32 v41, $0xE;
	v41 =	vand.u32 $0xFFFC, v54  }
0x7e: {  	v43 =	vand.u32 $0xFFFC, v59;
	v54 =	vand.u32 $0xFFFF0000, v47;
	v38 =	vor.u32 v49, v38  }
0x7f: {  	v40 =	vand.u32 $0xFFFC, v51;
	v41 =	vor.u32 v45, v41;
	v62 =	vshll.u32 v55, $0x2  }
0x80: {  	v48 =	vand.u32 $0xFFFF0000, v55;
	v45 =	vshrl.u32 v55, $0xE;
	v51 =	vand.u32 $0xFFFF0000, v46  }
0x81: {  	[tilespmem:$0xE80] =	vst v32;
	v55 =	vshrl.u32 v47, $0xE;
	v32 =	vshll.u32 v26, $0x2;
	v38 =	vor.u32 v50, v38  }
0x82: {  	v63 =	vld [tilespmem:$0x2E0];
	v39 =	vor.u32 v52, v40;
	v40 =	vand.u32 $0x3, v53;
	v44 =	vand.u32 $0xFFFC, v62  }
0x83: {  	v45 =	vand.u32 $0x3, v45;
	v50 =	vshll.u32 v46, $0x2;
	v46 =	vshrl.u32 v46, $0xE  }
0x84: {  	v53 =	vshll.u32 v47, $0x2;
	v40 =	vor.u32 v40, v39;
	v39 =	vor.u32 v42, v41  }
0x85: {  	v41 =	vand.u32 $0xFFFC, v56;
	v42 =	vor.u32 v60, v43;
	v43 =	vand.u32 $0x3, v61  }
0x86: {  	[tilespmem:$0xED0] =	vst v36;
	v36 =	vld [tilespmem:$0x4E0];
	v44 =	vor.u32 v48, v44;
	v52 =	vand.u32 $0x3, v46;
	v46 =	vand.u32 $0xFFFC, v53  }
0x87: {  	v49 =	vld [tilespmem:$0x2F0];
	v56 =	vshll.u32 v63, $0x2;
	v48 =	vshrl.u32 v63, $0xE;
	v41 =	vor.u32 v57, v41  }
0x88: {  	v43 =	vor.u32 v43, v42;
	v42 =	vor.u32 v45, v44;
	v44 =	vand.u32 $0xFFFC, v50  }
0x89: {  	v45 =	vor.u32 v54, v46;
	v47 =	vand.u32 $0xFFFC, v56;
	v46 =	vand.u32 $0x3, v55  }
0x8a: {  	[tilespmem:$0xEE0] =	vst v38;
	v38 =	vld [tilespmem:$0x4F0];
	v48 =	vand.u32 $0x3, v48;
	v41 =	vor.u32 v58, v41;
	v44 =	vor.u32 v51, v44  }
0x8b: {  	v50 =	vld [tilespmem:$0x300];
	v51 =	vand.u32 $0xFFFF0000, v63;
	v46 =	vor.u32 v46, v45;
	[tilespmem:$0xF30] =	vst v42;
	v42 =	vshll.u32 v36, $0x2  }
0x8c: {  	v53 =	vld [tilespmem:$0x330];
	v44 =	vor.u32 v52, v44;
	v47 =	vor.u32 v51, v47;
	v57 =	vshll.u32 v49, $0x2  }
0x8d: {  	v51 =	vld [tilespmem:$0x310];
	v58 =	vand.u32 $0xFFFF0000, v49;
	v49 =	vshrl.u32 v49, $0xE;
	[tilespmem:$0xF50] =	vst v46;
	v45 =	vor.u32 v48, v47  }
0x8e: {  	v47 =	vand.u32 $0xFFFC, v57;
	v59 =	vand.u32 $0x3, v49;
	[tilespmem:$0xF40] =	vst v44;
	v44 =	vand.u32 $0xFFFF0000, v36  }
0x8f: {  	v52 =	vld [tilespmem:$0x320];
	v47 =	vor.u32 v58, v47;
	[tilespmem:$0xF60] =	vst v45;
	v45 =	vshrl.u32 v36, $0xE;
	v46 =	vshll.u32 v38, $0x2  }
0x90: {  	v60 =	vshll.u32 v50, $0x2;
	v47 =	vor.u32 v59, v47;
	v61 =	vand.u32 $0xFFFF0000, v50  }
0x91: {  	v62 =	vshrl.u32 v50, $0xE;
	v49 =	vand.u32 $0xFFFC, v60;
	v60 =	vshll.u32 v53, $0x2  }
0x92: {  	v55 =	vld [tilespmem:$0x350];
	v48 =	vor.u32 v61, v49;
	v63 =	vshll.u32 v51, $0x2;
	v54 =	vand.u32 $0xFFFF0000, v51  }
0x93: {  	v51 =	vshrl.u32 v51, $0xE;
	v49 =	vand.u32 $0x3, v62;
	v50 =	vand.u32 $0xFFFC, v63  }
0x94: {  	v57 =	vshll.u32 v52, $0x2;
	v58 =	vand.u32 $0xFFFF0000, v52;
	v50 =	vor.u32 v54, v50;
	v54 =	vld [tilespmem:$0x340]  }
0x95: {  	v52 =	vshrl.u32 v52, $0xE;
	v61 =	vand.u32 $0xFFFF0000, v53;
	v62 =	vshrl.u32 v53, $0xE  }
0x96: {  	v51 =	vand.u32 $0x3, v51;
	v49 =	vor.u32 v49, v48;
	v59 =	vand.u32 $0x3, v52  }
0x97: {  	v56 =	vld [tilespmem:$0x360];
	v52 =	vand.u32 $0xFFFC, v60;
	v60 =	vshll.u32 v55, $0x2;
	v48 =	vor.u32 v51, v50  }
0x98: {  	v50 =	vand.u32 $0xFFFC, v57;
	v51 =	vor.u32 v61, v52;
	v52 =	vand.u32 $0x3, v62  }
0x99: {  	[tilespmem:$0xF20] =	vst v43;
	v43 =	vld [tilespmem:$0x500];
	v61 =	vand.u32 $0xFFFF0000, v55;
	v55 =	vshrl.u32 v55, $0xE;
	v63 =	vshll.u32 v54, $0x2  }
0x9a: {  	v50 =	vor.u32 v58, v50;
	v58 =	vld [tilespmem:$0x380];
	v57 =	vand.u32 $0xFFFF0000, v54;
	v53 =	vand.u32 $0xFFFC, v63  }
0x9b: {  	v52 =	vor.u32 v52, v51;
	v62 =	vand.u32 $0x3, v55;
	v53 =	vor.u32 v57, v53;
	v57 =	vld [tilespmem:$0x370]  }
0x9c: {  	[tilespmem:$0xF90] =	vst v48;
	v48 =	vand.u32 $0xFFFF0000, v38;
	v54 =	vshrl.u32 v54, $0xE;
	v63 =	vshll.u32 v56, $0x2  }
0x9d: {  	v50 =	vor.u32 v59, v50;
	v54 =	vand.u32 $0x3, v54;
	v55 =	vand.u32 $0xFFFC, v63  }
0x9e: {  	v51 =	vor.u32 v54, v53;
	v53 =	vand.u32 $0xFFFC, v60;
	v60 =	vand.u32 $0xFFFF0000, v56  }
0x9f: {  	[tilespmem:$0xFB0] =	vst v52;
	v52 =	vand.u32 $0xFFFF0000, v43;
	v53 =	vor.u32 v61, v53;
	v54 =	vor.u32 v60, v55  }
0xa0: {  	v59 =	vld [tilespmem:$0x390];
	v55 =	vshrl.u32 v56, $0xE;
	v61 =	vshll.u32 v58, $0x2;
	v56 =	vshll.u32 v57, $0x2  }
0xa1: {  	v53 =	vor.u32 v62, v53;
	v60 =	vand.u32 $0xFFFF0000, v57;
	v56 =	vand.u32 $0xFFFC, v56  }
0xa2: {  	v55 =	vand.u32 $0x3, v55;
	v57 =	vshrl.u32 v57, $0xE;
	v56 =	vor.u32 v60, v56;
	v60 =	vld [tilespmem:$0x3A0]  }
0xa3: {  	v62 =	vand.u32 $0xFFFF0000, v58;
	v58 =	vshrl.u32 v58, $0xE;
	v57 =	vand.u32 $0x3, v57  }
0xa4: {  	v55 =	vor.u32 v55, v54;
	v54 =	vor.u32 v57, v56;
	v56 =	vand.u32 $0xFFFC, v61  }
0xa5: {  	v57 =	vand.u32 $0x3, v58;
	v58 =	vshll.u32 v59, $0x2;
	v61 =	vld [tilespmem:$0x3B0];
	v56 =	vor.u32 v62, v56  }
0xa6: {  	v63 =	vand.u32 $0xFFFF0000, v59;
	v58 =	vand.u32 $0xFFFC, v58;
	v56 =	vor.u32 v57, v56  }
0xa7: {  	v62 =	vld [tilespmem:$0x3C0];
	v57 =	vor.u32 v63, v58;
	v58 =	vshrl.u32 v59, $0xE;
	v59 =	vshll.u32 v60, $0x2  }
0xa8: {  	[tilespmem:$0xC80] =	vst v1;
	v1 =	vand.u32 $0xFFFF0000, v60;
	v60 =	vshrl.u32 v60, $0xE;
	v59 =	vand.u32 $0xFFFC, v59  }
0xa9: {  	[tilespmem:$0xC90] =	vst v0;
	v0 =	vand.u32 $0x3, v58;
	v58 =	vor.u32 v1, v59;
	v59 =	vand.u32 $0x3, v60;
	v60 =	vld [tilespmem:$0x3D0]  }
0xaa: {  	[tilespmem:$0xCA0] =	vst v2;
	v1 =	vor.u32 v0, v57;
	v0 =	vor.u32 v59, v58;
	v59 =	vshll.u32 v61, $0x2  }
0xab: {  	[tilespmem:$0xCB0] =	vst v4;
	v4 =	vand.u32 $0xFFFF0000, v61;
	v63 =	vshrl.u32 v61, $0xE;
	v57 =	vld [tilespmem:$0x3E0];
	v2 =	vand.u32 $0xFFFC, v59  }
0xac: {  	[tilespmem:$0xCC0] =	vst v3;
	v61 =	vand.u32 $0x3, v63;
	v63 =	vshll.u32 v62, $0x2;
	v58 =	vld [tilespmem:$0x410];
	v2 =	vor.u32 v4, v2  }
0xad: {  	[tilespmem:$0xCD0] =	vst v5;
	v59 =	vand.u32 $0xFFFF0000, v62;
	v4 =	vand.u32 $0xFFFC, v63;
	v2 =	vor.u32 v61, v2  }
0xae: {  	[tilespmem:$0xCE0] =	vst v7;
	v7 =	vld [tilespmem:$0x3F0];
	v3 =	vor.u32 v59, v4;
	v4 =	vshrl.u32 v62, $0xE;
	v61 =	vshll.u32 v60, $0x2  }
0xaf: {  	[tilespmem:$0xD10] =	vst v10;
	v62 =	vand.u32 $0xFFFF0000, v60;
	v63 =	vshrl.u32 v60, $0xE;
	v4 =	vand.u32 $0x3, v4  }
0xb0: {  	[tilespmem:$0xD00] =	vst v8;
	v8 =	vld [tilespmem:$0x400];
	v60 =	vshll.u32 v57, $0x2;
	v5 =	vand.u32 $0xFFFC, v61;
	v59 =	vand.u32 $0x3, v63  }
0xb1: {  	[tilespmem:$0xD80] =	vst v15;
	v4 =	vor.u32 v4, v3;
	v61 =	vand.u32 $0xFFFF0000, v57;
	v15 =	vshll.u32 v58, $0x2  }
0xb2: {  	[tilespmem:$0xD70] =	vst v16;
	v16 =	vand.u32 $0xFFFF0000, v58;
	v10 =	vshrl.u32 v58, $0xE;
	v5 =	vor.u32 v62, v5  }
0xb3: {  	v62 =	vshrl.u32 v57, $0xE;
	v57 =	vshll.u32 v7, $0x2;
	v3 =	vor.u32 v59, v5  }
0xb4: {  	[tilespmem:$0xCF0] =	vst v6;
	v5 =	vand.u32 $0xFFFC, v60;
	v63 =	vand.u32 $0x3, v62;
	v59 =	vand.u32 $0xFFFF0000, v7  }
0xb5: {  	[tilespmem:$0xD20] =	vst v9;
	v9 =	vand.u32 $0xFFFC, v57;
	v7 =	vshrl.u32 v7, $0xE;
	v60 =	vshll.u32 v8, $0x2  }
0xb6: {  	[tilespmem:$0xD40] =	vst v13;
	v62 =	vand.u32 $0xFFFF0000, v8;
	v8 =	vshrl.u32 v8, $0xE;
	v57 =	vld [tilespmem:$0x440];
	v5 =	vor.u32 v61, v5  }
0xb7: {  	[tilespmem:$0xDA0] =	vst v19;
	v6 =	vor.u32 v59, v9;
	v9 =	vand.u32 $0xFFFC, v60;
	v7 =	vand.u32 $0x3, v7  }
0xb8: {  	[tilespmem:$0xDB0] =	vst v18;
	v61 =	vld [tilespmem:$0x420];
	v8 =	vand.u32 $0x3, v8;
	v5 =	vor.u32 v63, v5;
	v9 =	vor.u32 v62, v9  }
0xb9: {  	[tilespmem:$0xD90] =	vst v17;
	v63 =	vld [tilespmem:$0x430];
	v7 =	vor.u32 v7, v6;
	v6 =	vor.u32 v8, v9;
	v8 =	vand.u32 $0xFFFC, v15  }
0xba: {  	[tilespmem:$0xFA0] =	vst v50;
	v50 =	vshll.u32 v43, $0x2;
	v17 =	vand.u32 $0x3, v10;
	v8 =	vor.u32 v16, v8  }
0xbb: {  	[tilespmem:$0xDC0] =	vst v20;
	v16 =	vshrl.u32 v22, $0xE;
	v8 =	vor.u32 v17, v8;
	v18 =	vshll.u32 v57, $0x2  }
0xbc: {  	[tilespmem:$0xE60] =	vst v31;
	v13 =	vshrl.u32 v57, $0xE;
	v31 =	vand.u32 $0x3, v16;
	v16 =	vand.u32 $0xFFFC, v32  }
0xbd: {  	[tilespmem:$0xE30] =	vst v28;
	v28 =	vld [tilespmem:$0x490];
	v19 =	vshll.u32 v61, $0x2;
	v58 =	vand.u32 $0xFFFF0000, v61;
	v59 =	vshrl.u32 v61, $0xE  }
0xbe: {  	[tilespmem:$0xF70] =	vst v47;
	v47 =	vld [tilespmem:$0x510];
	v20 =	vand.u32 $0x3, v13;
	v10 =	vand.u32 $0xFFFC, v19;
	v60 =	vshll.u32 v63, $0x2  }
0xbf: {  	[tilespmem:$0xD50] =	vst v12;
	v62 =	vand.u32 $0xFFFF0000, v63;
	v12 =	vshrl.u32 v63, $0xE;
	v19 =	vand.u32 $0xFFFF0000, v57  }
0xc0: {  	[tilespmem:$0xD30] =	vst v11;
	v32 =	vld [tilespmem:$0x4D0];
	v9 =	vor.u32 v58, v10;
	v11 =	vand.u32 $0xFFFC, v60;
	v10 =	vand.u32 $0x3, v59  }
0xc1: {  	v12 =	vand.u32 $0x3, v12;
	v58 =	vand.u32 $0xFFFF0000, v26;
	v59 =	vshrl.u32 v26, $0xE  }
0xc2: {  	[tilespmem:$0xDE0] =	vst v21;
	v61 =	vld [tilespmem:$0x450];
	v60 =	vshll.u32 v28, $0x2;
	v11 =	vor.u32 v62, v11;
	v10 =	vor.u32 v10, v9  }
0xc3: {  	[tilespmem:$0xDF0] =	vst v23;
	v62 =	vand.u32 $0xFFFF0000, v28;
	v17 =	vand.u32 $0xFFFC, v60;
	v60 =	vshrl.u32 v47, $0xE  }
0xc4: {  	[tilespmem:$0xEF0] =	vst v40;
	v63 =	vld [tilespmem:$0x460];
	v9 =	vor.u32 v12, v11;
	v11 =	vand.u32 $0xFFFC, v18;
	v18 =	vshrl.u32 v28, $0xE  }
0xc5: {  	[tilespmem:$0xF00] =	vst v39;
	v57 =	vld [tilespmem:$0x4A0];
	v17 =	vor.u32 v62, v17;
	v39 =	vshll.u32 v32, $0x2;
	v40 =	vand.u32 $0xFFFF0000, v32  }
0xc6: {  	[tilespmem:$0xE00] =	vst v25;
	v22 =	vshrl.u32 v32, $0xE;
	v32 =	vand.u32 $0x3, v60;
	v11 =	vor.u32 v19, v11  }
0xc7: {  	[tilespmem:$0xE10] =	vst v24;
	v21 =	vshll.u32 v61, $0x2;
	v23 =	vand.u32 $0xFFFF0000, v61;
	v24 =	vshrl.u32 v61, $0xE  }
0xc8: {  	[tilespmem:$0xF10] =	vst v41;
	v18 =	vand.u32 $0x3, v18;
	v41 =	vand.u32 $0x3, v22;
	v22 =	vand.u32 $0xFFFC, v42  }
0xc9: {  	[tilespmem:$0xE40] =	vst v27;
	v11 =	vor.u32 v20, v11;
	v13 =	vand.u32 $0xFFFC, v21;
	v25 =	vshll.u32 v63, $0x2  }
0xca: {  	[tilespmem:$0xF80] =	vst v49;
	v49 =	vld [tilespmem:$0x520];
	v27 =	vand.u32 $0xFFFF0000, v63;
	v15 =	vshrl.u32 v63, $0xE;
	v28 =	vshll.u32 v57, $0x2  }
0xcb: {  	[tilespmem:$0xD60] =	vst v14;
	v19 =	vshrl.u32 v57, $0xE;
	v12 =	vor.u32 v23, v13;
	v14 =	vand.u32 $0xFFFC, v25  }
0xcc: {  	v13 =	vand.u32 $0x3, v24;
	v15 =	vand.u32 $0x3, v15;
	v23 =	vand.u32 $0xFFFC, v46  }
0xcd: {  	v62 =	vld [tilespmem:$0x540];
	v24 =	vshrl.u32 v38, $0xE;
	v25 =	vshrl.u32 v43, $0xE;
	v14 =	vor.u32 v27, v14  }
0xce: {  	v13 =	vor.u32 v13, v12;
	v23 =	vor.u32 v48, v23;
	v24 =	vand.u32 $0x3, v24  }
0xcf: {  	[tilespmem:$0xFD0] =	vst v53;
	v61 =	vld [tilespmem:$0x4B0];
	v53 =	vand.u32 $0x3, v25;
	v27 =	vshrl.u32 v49, $0xE;
	v12 =	vor.u32 v15, v14  }
0xd0: {  	v14 =	vand.u32 $0xFFFC, v29;
	v15 =	vor.u32 v58, v16;
	v16 =	vand.u32 $0x3, v59  }
0xd1: {  	v63 =	vld [tilespmem:$0x4C0];
	v29 =	vand.u32 $0xFFFF0000, v57;
	v57 =	vshll.u32 v47, $0x2;
	v59 =	vand.u32 $0xFFFF0000, v47  }
0xd2: {  	v42 =	vand.u32 $0xFFFF0000, v62;
	v14 =	vor.u32 v30, v14;
	v16 =	vor.u32 v16, v15  }
0xd3: {  	[tilespmem:$0xE90] =	vst v34;
	v15 =	vor.u32 v18, v17;
	v17 =	vand.u32 $0xFFFC, v28;
	v30 =	vand.u32 $0x3, v19  }
0xd4: {  	[tilespmem:$0xEA0] =	vst v33;
	v46 =	vld [tilespmem:$0x570];
	v33 =	vand.u32 $0xFFFF0000, v61;
	v34 =	vshrl.u32 v61, $0xE;
	v25 =	vand.u32 $0xFFFC, v57  }
0xd5: {  	[tilespmem:$0xEC0] =	vst v37;
	v14 =	vor.u32 v31, v14;
	v17 =	vor.u32 v29, v17;
	v31 =	vshll.u32 v61, $0x2  }
0xd6: {  	[tilespmem:$0xEB0] =	vst v35;
	v35 =	vshll.u32 v63, $0x2;
	v37 =	vand.u32 $0xFFFF0000, v63;
	v21 =	vshrl.u32 v63, $0xE  }
0xd7: {  	v61 =	vshll.u32 v49, $0x2;
	v63 =	vand.u32 $0xFFFF0000, v49;
	v17 =	vor.u32 v30, v17  }
0xd8: {  	v58 =	vld [tilespmem:$0x530];
	v19 =	vand.u32 $0xFFFC, v31;
	v20 =	vand.u32 $0xFFFC, v35;
	v21 =	vand.u32 $0x3, v21  }
0xd9: {  	[tilespmem:$0x1000] =	vst v56;
	v26 =	vand.u32 $0xFFFC, v61;
	v56 =	vshll.u32 v46, $0x2;
	v18 =	vor.u32 v33, v19  }
0xda: {  	v19 =	vand.u32 $0x3, v34;
	v20 =	vor.u32 v37, v20;
	v33 =	vor.u32 v63, v26  }
0xdb: {  	[tilespmem:$0x1090] =	vst v8;
	v34 =	vand.u32 $0x3, v27;
	v8 =	vand.u32 $0xFFFC, v56;
	v19 =	vor.u32 v19, v18  }
0xdc: {  	[tilespmem:$0xFC0] =	vst v51;
	v18 =	vor.u32 v21, v20;
	v20 =	vand.u32 $0xFFFC, v39;
	v21 =	vor.u32 v44, v22  }
0xdd: {  	[tilespmem:$0x1010] =	vst v1;
	v57 =	vld [tilespmem:$0x590];
	v22 =	vand.u32 $0x3, v45;
	v1 =	vor.u32 v34, v33;
	v36 =	vshll.u32 v58, $0x2  }
0xde: {  	[tilespmem:$0xFE0] =	vst v55;
	v37 =	vand.u32 $0xFFFF0000, v58;
	v38 =	vshrl.u32 v58, $0xE;
	v44 =	vshrl.u32 v62, $0xE  }
0xdf: {  	[tilespmem:$0xFF0] =	vst v54;
	v58 =	vand.u32 $0xFFFF0000, v46;
	v20 =	vor.u32 v40, v20;
	v21 =	vor.u32 v22, v21  }
0xe0: {  	[tilespmem:$0x1020] =	vst v0;
	v22 =	vor.u32 v24, v23;
	v23 =	vand.u32 $0xFFFC, v50;
	v24 =	vor.u32 v59, v25  }
0xe1: {  	[tilespmem:$0x1040] =	vst v4;
	v35 =	vld [tilespmem:$0x550];
	v39 =	vand.u32 $0x3, v38;
	v40 =	vshll.u32 v62, $0x2;
	v4 =	vand.u32 $0x3, v44  }
0xe2: {  	[tilespmem:$0x1080] =	vst v6;
	v6 =	vor.u32 v58, v8;
	v59 =	vshrl.u32 v46, $0xE;
	v25 =	vand.u32 $0xFFFF0000, v57  }
0xe3: {  	[tilespmem:$0x10B0] =	vst v9;
	v61 =	vld [tilespmem:$0x5A0];
	v9 =	vshrl.u32 v57, $0xE;
	v20 =	vor.u32 v41, v20;
	v23 =	vor.u32 v52, v23  }
0xe4: {  	[tilespmem:$0x1030] =	vst v2;
	v31 =	vld [tilespmem:$0x5D0];
	v0 =	vor.u32 v32, v24;
	v24 =	vand.u32 $0xFFFC, v36;
	v43 =	vand.u32 $0xFFFC, v40  }
0xe5: {  	[tilespmem:$0x1050] =	vst v3;
	v8 =	vand.u32 $0x3, v59;
	v9 =	vand.u32 $0x3, v9;
	v23 =	vor.u32 v53, v23  }
0xe6: {  	[tilespmem:$0x1060] =	vst v5;
	v63 =	vld [tilespmem:$0x5B0];
	v2 =	vor.u32 v37, v24;
	v3 =	vor.u32 v42, v43;
	v45 =	vshll.u32 v35, $0x2  }
0xe7: {  	[tilespmem:$0x1070] =	vst v7;
	v27 =	vld [tilespmem:$0x5C0];
	v47 =	vand.u32 $0xFFFF0000, v35;
	v48 =	vshrl.u32 v35, $0xE;
	v6 =	vor.u32 v8, v6  }
0xe8: {  	[tilespmem:$0x10A0] =	vst v10;
	v56 =	vld [tilespmem:$0x620];
	v24 =	vshll.u32 v57, $0x2;
	v26 =	vshll.u32 v61, $0x2;
	v28 =	vand.u32 $0xFFFF0000, v61  }
0xe9: {  	[tilespmem:$0x10C0] =	vst v11;
	v29 =	vshrl.u32 v61, $0xE;
	v43 =	vshrl.u32 v31, $0xE;
	v2 =	vor.u32 v39, v2  }
0xea: {  	[tilespmem:$0x10D0] =	vst v13;
	v5 =	vand.u32 $0xFFFC, v45;
	v49 =	vand.u32 $0x3, v48;
	v3 =	vor.u32 v4, v3  }
0xeb: {  	[tilespmem:$0x10E0] =	vst v12;
	v33 =	vld [tilespmem:$0x5E0];
	v8 =	vand.u32 $0xFFFC, v24;
	v30 =	vshll.u32 v63, $0x2;
	v32 =	vand.u32 $0xFFFF0000, v63  }
0xec: {  	[tilespmem:$0x1100] =	vst v16;
	v12 =	vshrl.u32 v63, $0xE;
	v35 =	vshll.u32 v27, $0x2;
	v36 =	vand.u32 $0xFFFF0000, v27  }
0xed: {  	[tilespmem:$0x10F0] =	vst v14;
	v50 =	vld [tilespmem:$0x580];
	v13 =	vshrl.u32 v27, $0xE;
	v39 =	vshll.u32 v31, $0x2;
	v14 =	vshll.u32 v56, $0x2  }
0xee: {  	[tilespmem:$0x1110] =	vst v15;
	v15 =	vand.u32 $0xFFFF0000, v56;
	v16 =	vshrl.u32 v56, $0xE;
	v5 =	vor.u32 v47, v5  }
0xef: {  	[tilespmem:$0x1120] =	vst v17;
	v41 =	vld [tilespmem:$0x560];
	v8 =	vor.u32 v25, v8;
	v11 =	vand.u32 $0xFFFC, v30;
	v12 =	vand.u32 $0x3, v12  }
0xf0: {  	[tilespmem:$0x1130] =	vst v19;
	v38 =	vand.u32 $0x3, v13;
	v42 =	vand.u32 $0xFFFC, v39;
	v44 =	vshll.u32 v33, $0x2  }
0xf1: {  	[tilespmem:$0x11B0] =	vst v2;
	v46 =	vand.u32 $0xFFFF0000, v33;
	v47 =	vshrl.u32 v33, $0xE;
	v2 =	vand.u32 $0x3, v43  }
0xf2: {  	[tilespmem:$0x1140] =	vst v18;
	v40 =	vld [tilespmem:$0x5F0];
	v17 =	vand.u32 $0x3, v16;
	v51 =	vor.u32 v49, v5;
	v60 =	vshll.u32 v50, $0x2  }
0xf3: {  	[tilespmem:$0x11A0] =	vst v1;
	v62 =	vand.u32 $0xFFFF0000, v50;
	v7 =	vshrl.u32 v50, $0xE;
	v8 =	vor.u32 v9, v8  }
0xf4: {  	[tilespmem:$0x1160] =	vst v21;
	v11 =	vor.u32 v32, v11;
	v48 =	vand.u32 $0x3, v47;
	v52 =	vshll.u32 v41, $0x2  }
0xf5: {  	[tilespmem:$0x1170] =	vst v22;
	v53 =	vand.u32 $0xFFFF0000, v41;
	v54 =	vshrl.u32 v41, $0xE;
	v10 =	vand.u32 $0xFFFC, v60  }
0xf6: {  	[tilespmem:$0x1150] =	vst v20;
	v7 =	vand.u32 $0x3, v7;
	v34 =	vor.u32 v12, v11;
	v11 =	vand.u32 $0xFFFC, v35  }
0xf7: {  	v45 =	vld [tilespmem:$0x600];
	v41 =	vand.u32 $0xFFFF0000, v31;
	[tilespmem:$0x11D0] =	vst v51;
	v51 =	vshll.u32 v40, $0x2;
	v5 =	vand.u32 $0xFFFC, v52  }
0xf8: {  	[tilespmem:$0x1190] =	vst v0;
	v55 =	vand.u32 $0x3, v54;
	v10 =	vor.u32 v62, v10;
	v37 =	vor.u32 v36, v11  }
0xf9: {  	[tilespmem:$0x1180] =	vst v23;
	v1 =	vor.u32 v41, v42;
	v11 =	vand.u32 $0xFFFC, v44;
	v52 =	vand.u32 $0xFFFF0000, v40  }
0xfa: {  	[tilespmem:$0x11F0] =	vst v6;
	v5 =	vor.u32 v53, v5;
	v7 =	vor.u32 v7, v10;
	v10 =	vand.u32 $0xFFFC, v26  }
0xfb: {  	[tilespmem:$0x11C0] =	vst v3;
	v49 =	vld [tilespmem:$0x610];
	v0 =	vor.u32 v38, v37;
	v3 =	vor.u32 v46, v11;
	v1 =	vor.u32 v2, v1  }
0xfc: {  	[tilespmem:$0x1210] =	vst v8;
	v53 =	vshrl.u32 v40, $0xE;
	v57 =	vand.u32 $0xFFFF0000, v45;
	v58 =	vshrl.u32 v45, $0xE  }
0xfd: {  	[tilespmem:$0x1230] =	vst v34;
	v5 =	vor.u32 v55, v5;
	v9 =	vor.u32 v28, v10;
	v10 =	vand.u32 $0x3, v29  }
0xfe: {  	v60 =	vld [tilespmem:$0x630];
	v50 =	vor.u32 v48, v3;
	v3 =	vand.u32 $0xFFFC, v51;
	[tilespmem:$0x1200] =	vst v7;
	v54 =	vand.u32 $0x3, v53  }
0xff: {  	v55 =	vshll.u32 v45, $0x2;
	[tilespmem:$0x1240] =	vst v0;
	v63 =	vand.u32 $0x3, v58;
	v9 =	vor.u32 v10, v9  }
0x100: {  	[tilespmem:$0x11E0] =	vst v5;
	v3 =	vor.u32 v52, v3;
	v5 =	vand.u32 $0xFFFC, v55;
	v59 =	vshll.u32 v49, $0x2  }
0x101: {  	[tilespmem:$0x1250] =	vst v1;
	v61 =	vand.u32 $0xFFFF0000, v49;
	v62 =	vshrl.u32 v49, $0xE;
	v3 =	vor.u32 v54, v3  }
0x102: {  	[tilespmem:$0x1260] =	vst v50;
	v4 =	vor.u32 v57, v5;
	v7 =	vand.u32 $0xFFFC, v59;
	v12 =	vand.u32 $0x3, v62  }
0x103: {  	[tilespmem:$0x1220] =	vst v9;
	v18 =	vshll.u32 v60, $0x2;
	v19 =	vand.u32 $0xFFFF0000, v60;
	v20 =	vshrl.u32 v60, $0xE  }
0x104: {  	v11 =	vor.u32 v61, v7;
	v0 =	vor.u32 v63, v4;
	v4 =	vand.u32 $0xFFFC, v14;
	[tilespmem:$0x1270] =	vst v3  }
0x105: {  	v13 =	vor.u32 v12, v11;
	v2 =	vor.u32 v15, v4;
	[tilespmem:$0x1280] =	vst v0;
	v4 =	vand.u32 $0xFFFC, v18  }
0x106: {  	v22 =	vand.u32 $0x3, v20;
	[tilespmem:$0x1290] =	vst v13;
	v21 =	vor.u32 v17, v2;
	v0 =	vor.u32 v19, v4  }
0x107: {  	s22 =	smin.u32 s21, $0xD;
	[tilespmem:$0x12A0] =	vst v21;
	v0 =	vor.u32 v22, v0  }
0x108: {  	s22 =	sshll.u32 s22, $0x5;
	[tilespmem:$0x12B0] =	vst v0  }
0x109: {  	[hbm4b:s20+s3] =	stream.linear.scatter [tilespmem:s14], [sflag:$0x3], $0x640, $0x38;
	[tilespmem:$0x12C0] =	vst v63  }
0x10a: {  	s22 =	sadd.s32 s22, s5;
	_ =	swait.ge [sflag:s15], $0x640  }
0x10b: {  	s22 =	sshrl.u32 s22, $0x3;
	[sflag:s15] =	ssyncset.done $0x0  }
0x10c: {  	s22 =	sadd.s32 s1, s22;
	[sflag:s15] =	ssyncadd.s32 $0xFFFFF9C0  }
0x10d: {  	[tilespmem:s3], [sflag:$0x1] =	stream.strided.gather [hbm4b:s22+s10], $0x640, s11, s10, $0x38;
	[tilespmem:$0x12C0] =	vst v63  }
0x10e: {  	_ =	swait.ge [sflag:s16], $0x640  }
0x10f: {  	[sflag:s16] =	ssyncset.done $0x0  }
0x110: {  	[sflag:s16] =	ssyncadd.s32 $0xFFFFF9C0  }
0x111: {  	v23 =	vld [tilespmem:$0x640]  }
0x112: {  	v24 =	vld [tilespmem:$0x650]  }
0x113: {  	v26 =	vld [tilespmem:$0x660]  }
0x114: {  	v29 =	vld [tilespmem:$0x670]  }
0x115: {  	v32 =	vld [tilespmem:$0x680]  }
0x116: {  	v36 =	vld [tilespmem:$0x690]  }
0x117: {  	v40 =	vld [tilespmem:$0x6A0];
	v25 =	vshll.u32 v23, $0x2;
	v27 =	vand.u32 $0xFFFF0000, v23;
	v0 =	vshrl.u32 v23, $0xE  }
0x118: {  	v42 =	vld [tilespmem:$0x6B0];
	v28 =	vshll.u32 v24, $0x2;
	v30 =	vand.u32 $0xFFFF0000, v24;
	v1 =	vshrl.u32 v24, $0xE  }
0x119: {  	v46 =	vld [tilespmem:$0x6C0];
	v33 =	vshll.u32 v26, $0x2;
	v34 =	vand.u32 $0xFFFF0000, v26;
	v3 =	vshrl.u32 v26, $0xE  }
0x11a: {  	v50 =	vld [tilespmem:$0x6D0];
	v35 =	vshll.u32 v29, $0x2;
	v37 =	vand.u32 $0xFFFF0000, v29;
	v38 =	vshrl.u32 v29, $0xE  }
0x11b: {  	v52 =	vld [tilespmem:$0x6E0];
	v39 =	vshll.u32 v32, $0x2;
	v41 =	vand.u32 $0xFFFF0000, v32;
	v7 =	vshrl.u32 v32, $0xE  }
0x11c: {  	v57 =	vld [tilespmem:$0x6F0];
	v43 =	vshll.u32 v36, $0x2;
	v44 =	vand.u32 $0xFFFF0000, v36;
	v6 =	vshrl.u32 v36, $0xE  }
0x11d: {  	v61 =	vld [tilespmem:$0x700];
	v45 =	vshll.u32 v40, $0x2;
	v47 =	vand.u32 $0xFFFF0000, v40;
	v48 =	vshrl.u32 v40, $0xE  }
0x11e: {  	v63 =	vld [tilespmem:$0x710];
	v49 =	vshll.u32 v42, $0x2;
	v51 =	vand.u32 $0xFFFF0000, v42;
	v9 =	vshrl.u32 v42, $0xE  }
0x11f: {  	v53 =	vshll.u32 v46, $0x2;
	v54 =	vand.u32 $0xFFFF0000, v46;
	v10 =	vshrl.u32 v46, $0xE  }
0x120: {  	v56 =	vshll.u32 v50, $0x2;
	v58 =	vand.u32 $0xFFFF0000, v50;
	v59 =	vshrl.u32 v50, $0xE  }
0x121: {  	v60 =	vshll.u32 v52, $0x2;
	v62 =	vand.u32 $0xFFFF0000, v52;
	v12 =	vshrl.u32 v52, $0xE  }
0x122: {  	v20 =	vshll.u32 v57, $0x2;
	v21 =	vand.u32 $0xFFFF0000, v57;
	v13 =	vshrl.u32 v57, $0xE  }
0x123: {  	v23 =	vshll.u32 v61, $0x2;
	v26 =	vshrl.u32 v61, $0xE;
	v29 =	vand.u32 $0xFFFF0000, v63  }
0x124: {  	v15 =	vshrl.u32 v63, $0xE;
	v2 =	vand.u32 $0xFFFC, v25;
	v4 =	vand.u32 $0xFFFC, v28  }
0x125: {  	v0 =	vand.u32 $0x3, v0;
	v31 =	vand.u32 $0x3, v1;
	v3 =	vand.u32 $0x3, v3  }
0x126: {  	v5 =	vand.u32 $0xFFFC, v39;
	v7 =	vand.u32 $0x3, v7;
	v6 =	vand.u32 $0x3, v6  }
0x127: {  	v8 =	vand.u32 $0xFFFC, v49;
	v9 =	vand.u32 $0x3, v9;
	v55 =	vand.u32 $0x3, v10  }
0x128: {  	v10 =	vand.u32 $0xFFFC, v56;
	v11 =	vand.u32 $0xFFFC, v60;
	v12 =	vand.u32 $0x3, v12  }
0x129: {  	v22 =	vand.u32 $0x3, v13;
	v25 =	vand.u32 $0xFFFF0000, v61;
	v13 =	vand.u32 $0xFFFC, v23  }
0x12a: {  	v24 =	vld [tilespmem:$0x720];
	v15 =	vand.u32 $0x3, v15;
	v2 =	vor.u32 v27, v2;
	v4 =	vor.u32 v30, v4  }
0x12b: {  	v50 =	vld [tilespmem:$0x790];
	v5 =	vor.u32 v41, v5;
	v8 =	vor.u32 v51, v8;
	v11 =	vor.u32 v62, v11  }
0x12c: {  	v52 =	vld [tilespmem:$0x7A0];
	v27 =	vshll.u32 v63, $0x2;
	v1 =	vor.u32 v0, v2;
	v2 =	vand.u32 $0xFFFC, v33  }
0x12d: {  	v0 =	vor.u32 v31, v4;
	v14 =	vand.u32 $0xFFFC, v27;
	v2 =	vor.u32 v34, v2  }
0x12e: {  	v28 =	vld [tilespmem:$0x730];
	v4 =	vand.u32 $0xFFFC, v35;
	v14 =	vor.u32 v29, v14;
	v2 =	vor.u32 v3, v2  }
0x12f: {  	v39 =	vld [tilespmem:$0x760];
	v3 =	vor.u32 v37, v4;
	v4 =	vand.u32 $0x3, v38;
	v31 =	vshll.u32 v24, $0x2  }
0x130: {  	v61 =	vld [tilespmem:$0x7C0];
	v32 =	vand.u32 $0xFFFF0000, v24;
	v16 =	vshrl.u32 v24, $0xE;
	v56 =	vshll.u32 v50, $0x2  }
0x131: {  	v30 =	vld [tilespmem:$0x740];
	v60 =	vshll.u32 v52, $0x2;
	v62 =	vand.u32 $0xFFFF0000, v52;
	v24 =	vshrl.u32 v52, $0xE  }
0x132: {  	v41 =	vld [tilespmem:$0x770];
	v4 =	vor.u32 v4, v3;
	v3 =	vor.u32 v7, v5;
	v5 =	vand.u32 $0xFFFC, v43  }
0x133: {  	v63 =	vld [tilespmem:$0x7D0];
	v7 =	vand.u32 $0xFFFC, v45;
	v33 =	vand.u32 $0x3, v16;
	v34 =	vshll.u32 v28, $0x2  }
0x134: {  	v36 =	vand.u32 $0xFFFF0000, v28;
	v37 =	vshrl.u32 v28, $0xE;
	v45 =	vshll.u32 v39, $0x2  }
0x135: {  	v35 =	vld [tilespmem:$0x750];
	v23 =	vand.u32 $0xFFFC, v60;
	v24 =	vand.u32 $0x3, v24;
	v5 =	vor.u32 v44, v5  }
0x136: {  	v16 =	vand.u32 $0xFFFC, v34;
	v38 =	vshll.u32 v30, $0x2;
	v40 =	vand.u32 $0xFFFF0000, v30  }
0x137: {  	v18 =	vshrl.u32 v30, $0xE;
	v49 =	vshll.u32 v41, $0x2;
	v51 =	vand.u32 $0xFFFF0000, v41  }
0x138: {  	v23 =	vor.u32 v62, v23;
	v34 =	vshll.u32 v61, $0x2;
	v27 =	vshrl.u32 v63, $0xE  }
0x139: {  	v5 =	vor.u32 v6, v5;
	v6 =	vor.u32 v47, v7;
	v7 =	vand.u32 $0x3, v48  }
0x13a: {  	v46 =	vld [tilespmem:$0x780];
	v17 =	vand.u32 $0xFFFC, v38;
	v18 =	vand.u32 $0x3, v18;
	v42 =	vshll.u32 v35, $0x2  }
0x13b: {  	v43 =	vand.u32 $0xFFFF0000, v35;
	v19 =	vshrl.u32 v35, $0xE;
	v47 =	vand.u32 $0xFFFF0000, v39  }
0x13c: {  	v48 =	vshrl.u32 v39, $0xE;
	v38 =	vshll.u32 v63, $0x2;
	v27 =	vand.u32 $0x3, v27  }
0x13d: {  	v7 =	vor.u32 v7, v6;
	v6 =	vor.u32 v9, v8;
	v8 =	vand.u32 $0xFFFC, v53  }
0x13e: {  	v57 =	vld [tilespmem:$0x7B0];
	v9 =	vor.u32 v58, v10;
	v10 =	vand.u32 $0x3, v59;
	v17 =	vor.u32 v40, v17  }
0x13f: {  	v52 =	vld [tilespmem:$0x830];
	v44 =	vand.u32 $0x3, v19;
	v19 =	vand.u32 $0xFFFC, v45;
	v53 =	vshll.u32 v46, $0x2  }
0x140: {  	v58 =	vand.u32 $0xFFFF0000, v50;
	v59 =	vshrl.u32 v50, $0xE;
	v40 =	vand.u32 $0xFFFF0000, v63  }
0x141: {  	v8 =	vor.u32 v54, v8;
	v10 =	vor.u32 v10, v9;
	v9 =	vor.u32 v12, v11  }
0x142: {  	v11 =	vand.u32 $0xFFFC, v20;
	v12 =	vor.u32 v25, v13;
	v13 =	vand.u32 $0x3, v26  }
0x143: {  	v20 =	vand.u32 $0xFFFC, v49;
	v54 =	vand.u32 $0xFFFF0000, v46;
	v25 =	vshrl.u32 v57, $0xE  }
0x144: {  	v26 =	vand.u32 $0xFFFC, v38;
	v60 =	vshll.u32 v52, $0x2;
	v62 =	vand.u32 $0xFFFF0000, v52  }
0x145: {  	v8 =	vor.u32 v55, v8;
	v11 =	vor.u32 v21, v11;
	v13 =	vor.u32 v13, v12  }
0x146: {  	v12 =	vor.u32 v15, v14;
	v14 =	vand.u32 $0xFFFC, v31;
	v15 =	vor.u32 v36, v16  }
0x147: {  	v16 =	vand.u32 $0x3, v37;
	v21 =	vshrl.u32 v41, $0xE;
	v20 =	vor.u32 v51, v20  }
0x148: {  	v31 =	vshll.u32 v57, $0x2;
	v36 =	vand.u32 $0xFFFF0000, v61;
	v37 =	vshrl.u32 v61, $0xE  }
0x149: {  	v26 =	vor.u32 v40, v26;
	v11 =	vor.u32 v22, v11;
	v14 =	vor.u32 v32, v14  }
0x14a: {  	v35 =	vld [tilespmem:$0x7E0];
	v16 =	vor.u32 v16, v15;
	v15 =	vor.u32 v18, v17;
	v17 =	vand.u32 $0xFFFC, v42  }
0x14b: {  	v39 =	vld [tilespmem:$0x7F0];
	v18 =	vor.u32 v47, v19;
	v19 =	vand.u32 $0x3, v48;
	v21 =	vand.u32 $0x3, v21  }
0x14c: {  	v22 =	vshrl.u32 v46, $0xE;
	v32 =	vand.u32 $0xFFFF0000, v57;
	v14 =	vor.u32 v33, v14  }
0x14d: {  	v17 =	vor.u32 v43, v17;
	v19 =	vor.u32 v19, v18;
	v18 =	vor.u32 v21, v20  }
0x14e: {  	v50 =	vld [tilespmem:$0x820];
	v20 =	vand.u32 $0xFFFC, v53;
	v55 =	vand.u32 $0x3, v22;
	v22 =	vand.u32 $0xFFFC, v56  }
0x14f: {  	v33 =	vand.u32 $0x3, v25;
	v25 =	vand.u32 $0xFFFC, v34;
	v42 =	vshll.u32 v35, $0x2  }
0x150: {  	v43 =	vand.u32 $0xFFFF0000, v35;
	v28 =	vshrl.u32 v35, $0xE;
	v45 =	vshll.u32 v39, $0x2  }
0x151: {  	v63 =	vld [tilespmem:$0x860];
	v47 =	vand.u32 $0xFFFF0000, v39;
	v48 =	vshrl.u32 v39, $0xE;
	v17 =	vor.u32 v44, v17  }
0x152: {  	v20 =	vor.u32 v54, v20;
	v21 =	vor.u32 v58, v22;
	v22 =	vand.u32 $0x3, v59  }
0x153: {  	v41 =	vld [tilespmem:$0x800];
	v44 =	vand.u32 $0x3, v28;
	v28 =	vand.u32 $0xFFFC, v45;
	v56 =	vshll.u32 v50, $0x2  }
0x154: {  	v58 =	vand.u32 $0xFFFF0000, v50;
	v59 =	vshrl.u32 v50, $0xE;
	v20 =	vor.u32 v55, v20  }
0x155: {  	v61 =	vld [tilespmem:$0x850];
	v22 =	vor.u32 v22, v21;
	v21 =	vor.u32 v24, v23;
	v23 =	vand.u32 $0xFFFC, v31  }
0x156: {  	v24 =	vor.u32 v36, v25;
	v25 =	vand.u32 $0x3, v37;
	v36 =	vshrl.u32 v63, $0xE  }
0x157: {  	v23 =	vor.u32 v32, v23;
	v25 =	vor.u32 v25, v24;
	v24 =	vor.u32 v27, v26  }
0x158: {  	v46 =	vld [tilespmem:$0x810];
	v26 =	vand.u32 $0xFFFC, v42;
	v27 =	vor.u32 v47, v28;
	v49 =	vshll.u32 v41, $0x2  }
0x159: {  	v51 =	vand.u32 $0xFFFF0000, v41;
	v30 =	vshrl.u32 v41, $0xE;
	v28 =	vand.u32 $0x3, v48  }
0x15a: {  	v57 =	vld [tilespmem:$0x840];
	v32 =	vand.u32 $0xFFFC, v60;
	v45 =	vshll.u32 v61, $0x2;
	v47 =	vand.u32 $0xFFFF0000, v61  }
0x15b: {  	v48 =	vshrl.u32 v61, $0xE;
	v36 =	vand.u32 $0x3, v36;
	v23 =	vor.u32 v33, v23  }
0x15c: {  	v26 =	vor.u32 v43, v26;
	v29 =	vand.u32 $0xFFFC, v49;
	v30 =	vand.u32 $0x3, v30  }
0x15d: {  	v28 =	vor.u32 v28, v27;
	v53 =	vshll.u32 v46, $0x2;
	v54 =	vand.u32 $0xFFFF0000, v46  }
0x15e: {  	v31 =	vshrl.u32 v46, $0xE;
	v33 =	vshrl.u32 v52, $0xE;
	v32 =	vor.u32 v62, v32  }
0x15f: {  	v42 =	vshll.u32 v57, $0x2;
	v43 =	vand.u32 $0xFFFF0000, v57;
	v34 =	vshrl.u32 v57, $0xE  }
0x160: {  	v50 =	vld [tilespmem:$0x880];
	v49 =	vshll.u32 v63, $0x2;
	v26 =	vor.u32 v44, v26;
	v29 =	vor.u32 v51, v29  }
0x161: {  	v55 =	vand.u32 $0x3, v31;
	v31 =	vand.u32 $0xFFFC, v56;
	v33 =	vand.u32 $0x3, v33  }
0x162: {  	v44 =	vand.u32 $0x3, v34;
	v34 =	vand.u32 $0xFFFC, v45;
	v51 =	vand.u32 $0xFFFF0000, v63  }
0x163: {  	v35 =	vand.u32 $0xFFFC, v49;
	v27 =	vor.u32 v30, v29;
	v29 =	vand.u32 $0xFFFC, v53  }
0x164: {  	v61 =	vld [tilespmem:$0x8B0];
	v30 =	vor.u32 v58, v31;
	v31 =	vand.u32 $0x3, v59;
	v35 =	vor.u32 v51, v35  }
0x165: {  	[tilespmem:$0xDD0] =	vst v22;
	v22 =	vld [tilespmem:$0xAB0];
	v56 =	vshll.u32 v50, $0x2;
	v58 =	vand.u32 $0xFFFF0000, v50;
	v59 =	vshrl.u32 v50, $0xE  }
0x166: {  	v46 =	vld [tilespmem:$0x870];
	v29 =	vor.u32 v54, v29;
	v31 =	vor.u32 v31, v30;
	v30 =	vor.u32 v33, v32  }
0x167: {  	v52 =	vld [tilespmem:$0x890];
	v32 =	vand.u32 $0xFFFC, v42;
	v33 =	vor.u32 v47, v34;
	v34 =	vand.u32 $0x3, v48  }
0x168: {  	v57 =	vld [tilespmem:$0x8A0];
	v29 =	vor.u32 v55, v29;
	v32 =	vor.u32 v43, v32;
	v34 =	vor.u32 v34, v33  }
0x169: {  	v33 =	vor.u32 v36, v35;
	v48 =	vshll.u32 v61, $0x2;
	v50 =	vand.u32 $0xFFFF0000, v61  }
0x16a: {  	v51 =	vshrl.u32 v61, $0xE;
	[tilespmem:$0xE70] =	vst v30;
	v30 =	vand.u32 $0xFFFF0000, v22;
	v32 =	vor.u32 v44, v32  }
0x16b: {  	v63 =	vld [tilespmem:$0x8C0];
	v53 =	vshll.u32 v46, $0x2;
	v54 =	vand.u32 $0xFFFF0000, v46;
	v37 =	vshrl.u32 v46, $0xE  }
0x16c: {  	v49 =	vld [tilespmem:$0x8D0];
	v60 =	vshll.u32 v52, $0x2;
	v62 =	vand.u32 $0xFFFF0000, v52;
	v39 =	vshrl.u32 v52, $0xE  }
0x16d: {  	v45 =	vshll.u32 v57, $0x2;
	v46 =	vand.u32 $0xFFFF0000, v57;
	v40 =	vshrl.u32 v57, $0xE  }
0x16e: {  	[tilespmem:$0xE50] =	vst v29;
	v29 =	vshll.u32 v22, $0x2;
	v35 =	vand.u32 $0xFFFC, v53;
	v55 =	vand.u32 $0x3, v37  }
0x16f: {  	v37 =	vand.u32 $0xFFFC, v56;
	v38 =	vand.u32 $0xFFFC, v60;
	v39 =	vand.u32 $0x3, v39  }
0x170: {  	[tilespmem:$0xE20] =	vst v26;
	v26 =	vld [tilespmem:$0xAC0];
	v47 =	vand.u32 $0x3, v40;
	v40 =	vand.u32 $0xFFFC, v48;
	v52 =	vshll.u32 v63, $0x2  }
0x171: {  	v42 =	vshrl.u32 v63, $0xE;
	v56 =	vshll.u32 v49, $0x2;
	v57 =	vand.u32 $0xFFFF0000, v49  }
0x172: {  	v43 =	vshrl.u32 v49, $0xE;
	v35 =	vor.u32 v54, v35;
	v36 =	vor.u32 v58, v37  }
0x173: {  	v37 =	vand.u32 $0x3, v59;
	v38 =	vor.u32 v62, v38;
	v54 =	vand.u32 $0xFFFF0000, v63  }
0x174: {  	[tilespmem:$0xE90] =	vst v34;
	v34 =	vld [tilespmem:$0xB20];
	v41 =	vand.u32 $0xFFFC, v52;
	v42 =	vand.u32 $0x3, v42;
	v58 =	vand.u32 $0x3, v43  }
0x175: {  	v53 =	vld [tilespmem:$0x8E0];
	[tilespmem:$0xE80] =	vst v32;
	v32 =	vshll.u32 v26, $0x2;
	v35 =	vor.u32 v55, v35;
	v37 =	vor.u32 v37, v36  }
0x176: {  	v60 =	vld [tilespmem:$0x900];
	v36 =	vor.u32 v39, v38;
	v38 =	vand.u32 $0xFFFC, v45;
	v39 =	vor.u32 v50, v40  }
0x177: {  	v52 =	vld [tilespmem:$0x910];
	v40 =	vand.u32 $0x3, v51;
	v41 =	vor.u32 v54, v41;
	v38 =	vor.u32 v46, v38  }
0x178: {  	v55 =	vld [tilespmem:$0x8F0];
	v40 =	vor.u32 v40, v39;
	v39 =	vor.u32 v42, v41;
	v41 =	vand.u32 $0xFFFC, v56  }
0x179: {  	v38 =	vor.u32 v47, v38;
	v41 =	vor.u32 v57, v41;
	[tilespmem:$0xEF0] =	vst v40;
	v40 =	vshll.u32 v34, $0x2  }
0x17a: {  	v59 =	vshll.u32 v53, $0x2;
	v41 =	vor.u32 v58, v41;
	v61 =	vand.u32 $0xFFFF0000, v53  }
0x17b: {  	v48 =	vld [tilespmem:$0x920];
	v62 =	vshrl.u32 v53, $0xE;
	v54 =	vshll.u32 v60, $0x2;
	v46 =	vshrl.u32 v60, $0xE  }
0x17c: {  	v43 =	vand.u32 $0xFFFC, v59;
	v56 =	vand.u32 $0x3, v46;
	v57 =	vshll.u32 v52, $0x2  }
0x17d: {  	v51 =	vld [tilespmem:$0x950];
	v59 =	vand.u32 $0xFFFF0000, v52;
	v42 =	vor.u32 v61, v43;
	v63 =	vshll.u32 v55, $0x2  }
0x17e: {  	v53 =	vand.u32 $0xFFFF0000, v55;
	v45 =	vshrl.u32 v55, $0xE;
	v43 =	vand.u32 $0x3, v62  }
0x17f: {  	v55 =	vand.u32 $0xFFFF0000, v60;
	v46 =	vand.u32 $0xFFFC, v57;
	v60 =	vshrl.u32 v52, $0xE  }
0x180: {  	v61 =	vshll.u32 v48, $0x2;
	v44 =	vand.u32 $0xFFFC, v63;
	v45 =	vand.u32 $0x3, v45  }
0x181: {  	v58 =	vld [tilespmem:$0x930];
	v43 =	vor.u32 v43, v42;
	v63 =	vand.u32 $0xFFFF0000, v48;
	v47 =	vand.u32 $0xFFFC, v61  }
0x182: {  	v48 =	vshrl.u32 v48, $0xE;
	v61 =	vshll.u32 v51, $0x2;
	v44 =	vor.u32 v53, v44  }
0x183: {  	v47 =	vor.u32 v63, v47;
	v48 =	vand.u32 $0x3, v48;
	v63 =	vand.u32 $0xFFFF0000, v51  }
0x184: {  	v50 =	vand.u32 $0xFFFC, v61;
	v51 =	vshrl.u32 v51, $0xE;
	[tilespmem:$0xF20] =	vst v43;
	v43 =	vshrl.u32 v34, $0xE  }
0x185: {  	v62 =	vld [tilespmem:$0x940];
	v42 =	vor.u32 v45, v44;
	v44 =	vand.u32 $0xFFFC, v54;
	v45 =	vor.u32 v59, v46  }
0x186: {  	v46 =	vand.u32 $0x3, v60;
	v54 =	vshll.u32 v58, $0x2;
	v49 =	vshrl.u32 v58, $0xE  }
0x187: {  	[tilespmem:$0xED0] =	vst v36;
	v36 =	vld [tilespmem:$0xB30];
	v50 =	vor.u32 v63, v50;
	v51 =	vand.u32 $0x3, v51;
	v44 =	vor.u32 v55, v44  }
0x188: {  	[tilespmem:$0xF10] =	vst v41;
	v41 =	vld [tilespmem:$0xB40];
	v46 =	vor.u32 v46, v45;
	v45 =	vor.u32 v48, v47;
	v55 =	vand.u32 $0xFFFF0000, v58  }
0x189: {  	v47 =	vand.u32 $0xFFFC, v54;
	v58 =	vld [tilespmem:$0x960];
	[tilespmem:$0xF30] =	vst v42;
	v42 =	vand.u32 $0xFFFF0000, v34;
	v44 =	vor.u32 v56, v44  }
0x18a: {  	v54 =	vld [tilespmem:$0x980];
	v47 =	vor.u32 v55, v47;
	v56 =	vand.u32 $0x3, v49;
	v57 =	vshll.u32 v62, $0x2  }
0x18b: {  	v59 =	vand.u32 $0xFFFF0000, v62;
	v60 =	vshrl.u32 v62, $0xE;
	v49 =	vand.u32 $0xFFFC, v57  }
0x18c: {  	v62 =	vld [tilespmem:$0x970];
	[tilespmem:$0xF50] =	vst v46;
	v46 =	vand.u32 $0xFFFF0000, v36;
	v48 =	vor.u32 v59, v49;
	v49 =	vand.u32 $0x3, v60  }
0x18d: {  	v47 =	vor.u32 v56, v47;
	[tilespmem:$0xF40] =	vst v44;
	v44 =	vshll.u32 v36, $0x2;
	v49 =	vor.u32 v49, v48  }
0x18e: {  	v48 =	vor.u32 v51, v50;
	v56 =	vshll.u32 v58, $0x2;
	v57 =	vand.u32 $0xFFFF0000, v58  }
0x18f: {  	v52 =	vshrl.u32 v58, $0xE;
	v63 =	vand.u32 $0xFFFF0000, v54;
	[tilespmem:$0xF90] =	vst v48;
	v48 =	vshll.u32 v41, $0x2  }
0x190: {  	v55 =	vld [tilespmem:$0x990];
	[tilespmem:$0xF80] =	vst v49;
	v49 =	vand.u32 $0xFFFF0000, v41;
	v50 =	vand.u32 $0xFFFC, v56;
	v58 =	vand.u32 $0x3, v52  }
0x191: {  	v59 =	vshll.u32 v62, $0x2;
	v60 =	vand.u32 $0xFFFF0000, v62;
	v61 =	vshrl.u32 v62, $0xE  }
0x192: {  	[tilespmem:$0xF60] =	vst v45;
	v45 =	vld [tilespmem:$0xB50];
	v62 =	vshll.u32 v54, $0x2;
	v54 =	vshrl.u32 v54, $0xE;
	v50 =	vor.u32 v57, v50  }
0x193: {  	v56 =	vld [tilespmem:$0x9A0];
	v52 =	vand.u32 $0xFFFC, v59;
	v53 =	vand.u32 $0xFFFC, v62;
	v54 =	vand.u32 $0x3, v54  }
0x194: {  	v59 =	vld [tilespmem:$0x9D0];
	v51 =	vor.u32 v60, v52;
	v52 =	vand.u32 $0x3, v61;
	v53 =	vor.u32 v63, v53  }
0x195: {  	v60 =	vshll.u32 v55, $0x2;
	v61 =	vand.u32 $0xFFFF0000, v55;
	v55 =	vshrl.u32 v55, $0xE  }
0x196: {  	v57 =	vld [tilespmem:$0x9B0];
	v52 =	vor.u32 v52, v51;
	v51 =	vor.u32 v54, v53;
	v53 =	vand.u32 $0xFFFC, v60  }
0x197: {  	v50 =	vor.u32 v58, v50;
	v58 =	vld [tilespmem:$0x9C0];
	v62 =	vand.u32 $0x3, v55;
	v53 =	vor.u32 v61, v53  }
0x198: {  	[tilespmem:$0xFC0] =	vst v51;
	v51 =	vshll.u32 v45, $0x2;
	v63 =	vshll.u32 v56, $0x2;
	v53 =	vor.u32 v62, v53  }
0x199: {  	v60 =	vand.u32 $0xFFFF0000, v56;
	v55 =	vand.u32 $0xFFFC, v63;
	v63 =	vand.u32 $0xFFFF0000, v59  }
0x19a: {  	[tilespmem:$0xFD0] =	vst v53;
	v53 =	vand.u32 $0xFFFF0000, v45;
	v54 =	vor.u32 v60, v55;
	v55 =	vshrl.u32 v56, $0xE  }
0x19b: {  	[tilespmem:$0xF70] =	vst v47;
	v47 =	vld [tilespmem:$0xB60];
	v56 =	vshll.u32 v57, $0x2;
	v60 =	vand.u32 $0xFFFF0000, v57;
	v57 =	vshrl.u32 v57, $0xE  }
0x19c: {  	v34 =	vld [tilespmem:$0xBA0];
	v61 =	vshll.u32 v58, $0x2;
	v62 =	vand.u32 $0xFFFF0000, v58;
	v56 =	vand.u32 $0xFFFC, v56  }
0x19d: {  	v55 =	vand.u32 $0x3, v55;
	v57 =	vand.u32 $0x3, v57;
	v56 =	vor.u32 v60, v56;
	v60 =	vld [tilespmem:$0x9E0]  }
0x19e: {  	v58 =	vshrl.u32 v58, $0xE;
	v55 =	vor.u32 v55, v54;
	v54 =	vor.u32 v57, v56  }
0x19f: {  	v56 =	vand.u32 $0xFFFC, v61;
	v57 =	vand.u32 $0x3, v58;
	v58 =	vshll.u32 v59, $0x2  }
0x1a0: {  	v61 =	vld [tilespmem:$0x9F0];
	[tilespmem:$0xFE0] =	vst v55;
	v55 =	vshll.u32 v47, $0x2;
	v56 =	vor.u32 v62, v56;
	v58 =	vand.u32 $0xFFFC, v58  }
0x1a1: {  	[tilespmem:$0xFF0] =	vst v54;
	v54 =	vshrl.u32 v45, $0xE;
	v45 =	vshll.u32 v34, $0x2;
	v56 =	vor.u32 v57, v56  }
0x1a2: {  	v62 =	vld [tilespmem:$0xA00];
	v57 =	vor.u32 v63, v58;
	v58 =	vshrl.u32 v59, $0xE;
	v59 =	vshll.u32 v60, $0x2  }
0x1a3: {  	[tilespmem:$0xC80] =	vst v1;
	v1 =	vand.u32 $0xFFFF0000, v60;
	v60 =	vshrl.u32 v60, $0xE;
	v59 =	vand.u32 $0xFFFC, v59  }
0x1a4: {  	[tilespmem:$0xC90] =	vst v0;
	v0 =	vand.u32 $0x3, v58;
	v58 =	vor.u32 v1, v59;
	v59 =	vand.u32 $0x3, v60;
	v60 =	vld [tilespmem:$0xA10]  }
0x1a5: {  	[tilespmem:$0xCA0] =	vst v2;
	v1 =	vor.u32 v0, v57;
	v0 =	vor.u32 v59, v58;
	v59 =	vshll.u32 v61, $0x2  }
0x1a6: {  	[tilespmem:$0xCB0] =	vst v4;
	v4 =	vand.u32 $0xFFFF0000, v61;
	v63 =	vshrl.u32 v61, $0xE;
	v57 =	vld [tilespmem:$0xA20];
	v2 =	vand.u32 $0xFFFC, v59  }
0x1a7: {  	[tilespmem:$0xCC0] =	vst v3;
	v61 =	vand.u32 $0x3, v63;
	v63 =	vshll.u32 v62, $0x2;
	v58 =	vld [tilespmem:$0xA50];
	v2 =	vor.u32 v4, v2  }
0x1a8: {  	[tilespmem:$0xCD0] =	vst v5;
	v59 =	vand.u32 $0xFFFF0000, v62;
	v4 =	vand.u32 $0xFFFC, v63;
	v2 =	vor.u32 v61, v2  }
0x1a9: {  	[tilespmem:$0xCE0] =	vst v7;
	v7 =	vld [tilespmem:$0xA30];
	v3 =	vor.u32 v59, v4;
	v4 =	vshrl.u32 v62, $0xE;
	v61 =	vshll.u32 v60, $0x2  }
0x1aa: {  	[tilespmem:$0xD10] =	vst v10;
	v62 =	vand.u32 $0xFFFF0000, v60;
	v63 =	vshrl.u32 v60, $0xE;
	v4 =	vand.u32 $0x3, v4  }
0x1ab: {  	[tilespmem:$0xD00] =	vst v8;
	v8 =	vld [tilespmem:$0xA40];
	v60 =	vshll.u32 v57, $0x2;
	v5 =	vand.u32 $0xFFFC, v61;
	v59 =	vand.u32 $0x3, v63  }
0x1ac: {  	[tilespmem:$0xD80] =	vst v15;
	v4 =	vor.u32 v4, v3;
	v61 =	vand.u32 $0xFFFF0000, v57;
	v15 =	vshll.u32 v58, $0x2  }
0x1ad: {  	[tilespmem:$0xD70] =	vst v16;
	v16 =	vand.u32 $0xFFFF0000, v58;
	v10 =	vshrl.u32 v58, $0xE;
	v5 =	vor.u32 v62, v5  }
0x1ae: {  	v62 =	vshrl.u32 v57, $0xE;
	v57 =	vshll.u32 v7, $0x2;
	v3 =	vor.u32 v59, v5  }
0x1af: {  	v5 =	vand.u32 $0xFFFC, v60;
	v63 =	vand.u32 $0x3, v62;
	v59 =	vand.u32 $0xFFFF0000, v7  }
0x1b0: {  	[tilespmem:$0xD20] =	vst v9;
	v9 =	vand.u32 $0xFFFC, v57;
	v7 =	vshrl.u32 v7, $0xE;
	v60 =	vshll.u32 v8, $0x2  }
0x1b1: {  	[tilespmem:$0xCF0] =	vst v6;
	v62 =	vand.u32 $0xFFFF0000, v8;
	v8 =	vshrl.u32 v8, $0xE;
	v57 =	vld [tilespmem:$0xA80];
	v5 =	vor.u32 v61, v5  }
0x1b2: {  	[tilespmem:$0xD40] =	vst v13;
	v6 =	vor.u32 v59, v9;
	v61 =	vld [tilespmem:$0xA60];
	v9 =	vand.u32 $0xFFFC, v60;
	v7 =	vand.u32 $0x3, v7  }
0x1b3: {  	[tilespmem:$0xDA0] =	vst v19;
	v8 =	vand.u32 $0x3, v8;
	v5 =	vor.u32 v63, v5;
	v9 =	vor.u32 v62, v9  }
0x1b4: {  	[tilespmem:$0xDB0] =	vst v18;
	v63 =	vld [tilespmem:$0xA70];
	v7 =	vor.u32 v7, v6;
	v6 =	vor.u32 v8, v9;
	v8 =	vand.u32 $0xFFFC, v15  }
0x1b5: {  	[tilespmem:$0xD90] =	vst v17;
	v17 =	vand.u32 $0x3, v10;
	v8 =	vor.u32 v16, v8;
	v16 =	vshrl.u32 v22, $0xE  }
0x1b6: {  	[tilespmem:$0xE30] =	vst v28;
	v8 =	vor.u32 v17, v8;
	v18 =	vshll.u32 v57, $0x2;
	v13 =	vshrl.u32 v57, $0xE  }
0x1b7: {  	v28 =	vld [tilespmem:$0xAD0];
	[tilespmem:$0xE60] =	vst v31;
	v31 =	vand.u32 $0x3, v16;
	v16 =	vand.u32 $0xFFFC, v32;
	v19 =	vshll.u32 v61, $0x2  }
0x1b8: {  	[tilespmem:$0xDC0] =	vst v20;
	v58 =	vand.u32 $0xFFFF0000, v61;
	v59 =	vshrl.u32 v61, $0xE;
	v20 =	vand.u32 $0x3, v13  }
0x1b9: {  	v10 =	vand.u32 $0xFFFC, v19;
	v60 =	vshll.u32 v63, $0x2;
	v62 =	vand.u32 $0xFFFF0000, v63  }
0x1ba: {  	[tilespmem:$0xD50] =	vst v12;
	v12 =	vshrl.u32 v63, $0xE;
	v19 =	vand.u32 $0xFFFF0000, v57;
	v9 =	vor.u32 v58, v10  }
0x1bb: {  	[tilespmem:$0xD30] =	vst v11;
	v61 =	vld [tilespmem:$0xA90];
	v11 =	vand.u32 $0xFFFC, v60;
	v10 =	vand.u32 $0x3, v59;
	v12 =	vand.u32 $0x3, v12  }
0x1bc: {  	v58 =	vand.u32 $0xFFFF0000, v26;
	v59 =	vshrl.u32 v26, $0xE;
	v60 =	vshll.u32 v28, $0x2  }
0x1bd: {  	v63 =	vld [tilespmem:$0xAA0];
	v11 =	vor.u32 v62, v11;
	v10 =	vor.u32 v10, v9;
	v62 =	vand.u32 $0xFFFF0000, v28  }
0x1be: {  	[tilespmem:$0xDE0] =	vst v21;
	v57 =	vld [tilespmem:$0xAE0];
	v17 =	vand.u32 $0xFFFC, v60;
	v9 =	vor.u32 v12, v11;
	v11 =	vand.u32 $0xFFFC, v18  }
0x1bf: {  	[tilespmem:$0xE10] =	vst v24;
	v18 =	vshrl.u32 v28, $0xE;
	v17 =	vor.u32 v62, v17;
	v11 =	vor.u32 v19, v11  }
0x1c0: {  	[tilespmem:$0xDF0] =	vst v23;
	v21 =	vshll.u32 v61, $0x2;
	v23 =	vand.u32 $0xFFFF0000, v61;
	v24 =	vshrl.u32 v61, $0xE  }
0x1c1: {  	[tilespmem:$0xE00] =	vst v25;
	v18 =	vand.u32 $0x3, v18;
	v11 =	vor.u32 v20, v11;
	v13 =	vand.u32 $0xFFFC, v21  }
0x1c2: {  	[tilespmem:$0xE40] =	vst v27;
	v25 =	vshll.u32 v63, $0x2;
	v27 =	vand.u32 $0xFFFF0000, v63;
	v15 =	vshrl.u32 v63, $0xE  }
0x1c3: {  	v26 =	vshll.u32 v57, $0x2;
	v19 =	vshrl.u32 v57, $0xE;
	v12 =	vor.u32 v23, v13  }
0x1c4: {  	[tilespmem:$0xD60] =	vst v14;
	v14 =	vand.u32 $0xFFFC, v25;
	v13 =	vand.u32 $0x3, v24;
	v15 =	vand.u32 $0x3, v15  }
0x1c5: {  	v28 =	vand.u32 $0x3, v19;
	v23 =	vand.u32 $0xFFFC, v44;
	v24 =	vshrl.u32 v36, $0xE  }
0x1c6: {  	v62 =	vld [tilespmem:$0xB90];
	v25 =	vshrl.u32 v41, $0xE;
	v14 =	vor.u32 v27, v14;
	v13 =	vor.u32 v13, v12  }
0x1c7: {  	[tilespmem:$0xFA0] =	vst v50;
	v61 =	vld [tilespmem:$0xAF0];
	v27 =	vand.u32 $0xFFFF0000, v57;
	v23 =	vor.u32 v46, v23;
	v24 =	vand.u32 $0x3, v24  }
0x1c8: {  	[tilespmem:$0x1000] =	vst v56;
	v56 =	vld [tilespmem:$0xBF0];
	v50 =	vand.u32 $0x3, v25;
	v25 =	vand.u32 $0xFFFC, v51;
	v46 =	vand.u32 $0xFFFF0000, v34  }
0x1c9: {  	v12 =	vor.u32 v15, v14;
	v14 =	vand.u32 $0xFFFC, v29;
	v15 =	vor.u32 v58, v16  }
0x1ca: {  	v63 =	vld [tilespmem:$0xB00];
	v16 =	vand.u32 $0x3, v59;
	v58 =	vand.u32 $0xFFFF0000, v47;
	v59 =	vand.u32 $0x3, v54  }
0x1cb: {  	v41 =	vshrl.u32 v62, $0xE;
	v14 =	vor.u32 v30, v14;
	v16 =	vor.u32 v16, v15  }
0x1cc: {  	[tilespmem:$0xFB0] =	vst v52;
	v52 =	vld [tilespmem:$0xB70];
	v15 =	vor.u32 v18, v17;
	v17 =	vand.u32 $0xFFFC, v26;
	v29 =	vshll.u32 v61, $0x2  }
0x1cd: {  	v32 =	vshrl.u32 v61, $0xE;
	v26 =	vand.u32 $0xFFFC, v55;
	[tilespmem:$0x10E0] =	vst v12;
	v12 =	vshrl.u32 v56, $0xE  }
0x1ce: {  	[tilespmem:$0xEA0] =	vst v33;
	v14 =	vor.u32 v31, v14;
	v17 =	vor.u32 v27, v17;
	v31 =	vand.u32 $0xFFFF0000, v61  }
0x1cf: {  	[tilespmem:$0xEB0] =	vst v35;
	v19 =	vand.u32 $0xFFFC, v29;
	v33 =	vshll.u32 v63, $0x2;
	v35 =	vand.u32 $0xFFFF0000, v63  }
0x1d0: {  	v57 =	vld [tilespmem:$0xB80];
	v21 =	vshrl.u32 v63, $0xE;
	v27 =	vshrl.u32 v47, $0xE;
	v60 =	vor.u32 v58, v26  }
0x1d1: {  	v54 =	vld [tilespmem:$0xBE0];
	v63 =	vshll.u32 v52, $0x2;
	v47 =	vshrl.u32 v34, $0xE;
	v12 =	vand.u32 $0x3, v12  }
0x1d2: {  	v30 =	vld [tilespmem:$0xB10];
	v17 =	vor.u32 v28, v17;
	v18 =	vor.u32 v31, v19;
	v20 =	vand.u32 $0xFFFC, v33  }
0x1d3: {  	v19 =	vand.u32 $0x3, v32;
	v21 =	vand.u32 $0x3, v21;
	v61 =	vand.u32 $0x3, v27  }
0x1d4: {  	[tilespmem:$0xEC0] =	vst v37;
	v31 =	vshrl.u32 v52, $0xE;
	v20 =	vor.u32 v35, v20;
	v19 =	vor.u32 v19, v18  }
0x1d5: {  	[tilespmem:$0x1010] =	vst v1;
	v1 =	vor.u32 v61, v60;
	v32 =	vand.u32 $0x3, v31;
	v33 =	vshll.u32 v57, $0x2  }
0x1d6: {  	[tilespmem:$0xF00] =	vst v39;
	v35 =	vand.u32 $0xFFFF0000, v57;
	v18 =	vor.u32 v21, v20;
	v36 =	vand.u32 $0xFFFC, v33  }
0x1d7: {  	[tilespmem:$0x1130] =	vst v19;
	v61 =	vand.u32 $0xFFFF0000, v54;
	v19 =	vand.u32 $0xFFFF0000, v56;
	v37 =	vshll.u32 v30, $0x2  }
0x1d8: {  	[tilespmem:$0xEE0] =	vst v38;
	v28 =	vld [tilespmem:$0xC30];
	v38 =	vand.u32 $0xFFFF0000, v30;
	v22 =	vshrl.u32 v30, $0xE;
	v30 =	vand.u32 $0xFFFF0000, v52  }
0x1d9: {  	[tilespmem:$0x1050] =	vst v3;
	v3 =	vor.u32 v35, v36;
	v20 =	vand.u32 $0xFFFC, v37;
	v39 =	vand.u32 $0x3, v22  }
0x1da: {  	v22 =	vand.u32 $0xFFFC, v40;
	v37 =	vshrl.u32 v57, $0xE;
	v40 =	vand.u32 $0xFFFF0000, v62  }
0x1db: {  	[tilespmem:$0x1020] =	vst v0;
	v60 =	vld [tilespmem:$0xC00];
	v20 =	vor.u32 v38, v20;
	v21 =	vor.u32 v42, v22;
	v22 =	vand.u32 $0x3, v43  }
0x1dc: {  	[tilespmem:$0x1040] =	vst v4;
	v38 =	vshll.u32 v62, $0x2;
	v4 =	vand.u32 $0x3, v37;
	v42 =	vand.u32 $0x3, v41  }
0x1dd: {  	[tilespmem:$0x1030] =	vst v2;
	v62 =	vshrl.u32 v54, $0xE;
	v41 =	vshrl.u32 v28, $0xE;
	v20 =	vor.u32 v39, v20  }
0x1de: {  	[tilespmem:$0x1060] =	vst v5;
	v21 =	vor.u32 v22, v21;
	v22 =	vor.u32 v24, v23;
	v23 =	vand.u32 $0xFFFC, v48  }
0x1df: {  	[tilespmem:$0x10D0] =	vst v13;
	v24 =	vor.u32 v53, v25;
	v5 =	vand.u32 $0xFFFC, v38;
	v3 =	vor.u32 v4, v3  }
0x1e0: {  	[tilespmem:$0x1140] =	vst v18;
	v18 =	vld [tilespmem:$0xC10];
	v48 =	vand.u32 $0x3, v47;
	v13 =	vshrl.u32 v60, $0xE;
	v23 =	vor.u32 v49, v23  }
0x1e1: {  	[tilespmem:$0x1070] =	vst v7;
	v0 =	vor.u32 v59, v24;
	v24 =	vand.u32 $0xFFFC, v63;
	v5 =	vor.u32 v40, v5  }
0x1e2: {  	v33 =	vld [tilespmem:$0xC40];
	v59 =	vshll.u32 v54, $0x2;
	v63 =	vshll.u32 v56, $0x2;
	[tilespmem:$0x1170] =	vst v22;
	v22 =	vshll.u32 v60, $0x2  }
0x1e3: {  	[tilespmem:$0x1080] =	vst v6;
	v26 =	vand.u32 $0x3, v13;
	v40 =	vand.u32 $0xFFFF0000, v28;
	v23 =	vor.u32 v50, v23  }
0x1e4: {  	[tilespmem:$0x1090] =	vst v8;
	v43 =	vld [tilespmem:$0xBC0];
	v2 =	vor.u32 v30, v24;
	v44 =	vor.u32 v42, v5;
	v5 =	vand.u32 $0xFFFC, v45  }
0x1e5: {  	[tilespmem:$0x10C0] =	vst v11;
	v11 =	vand.u32 $0xFFFC, v63;
	v24 =	vand.u32 $0xFFFF0000, v60;
	v27 =	vshll.u32 v18, $0x2  }
0x1e6: {  	[tilespmem:$0x10A0] =	vst v10;
	v37 =	vld [tilespmem:$0xC50];
	v29 =	vand.u32 $0xFFFF0000, v18;
	v31 =	vshrl.u32 v18, $0xE;
	v42 =	vand.u32 $0x3, v41  }
0x1e7: {  	[tilespmem:$0x10B0] =	vst v9;
	v39 =	vld [tilespmem:$0xBB0];
	v45 =	vand.u32 $0xFFFF0000, v33;
	v2 =	vor.u32 v32, v2;
	v5 =	vor.u32 v46, v5  }
0x1e8: {  	[tilespmem:$0x11A0] =	vst v1;
	v11 =	vor.u32 v19, v11;
	v30 =	vand.u32 $0xFFFC, v27;
	v46 =	vshrl.u32 v33, $0xE  }
0x1e9: {  	[tilespmem:$0x1150] =	vst v20;
	v5 =	vor.u32 v48, v5;
	v53 =	vshll.u32 v43, $0x2;
	v55 =	vand.u32 $0xFFFF0000, v43  }
0x1ea: {  	[tilespmem:$0x1160] =	vst v21;
	v7 =	vshrl.u32 v43, $0xE;
	v21 =	vor.u32 v12, v11;
	v11 =	vand.u32 $0xFFFC, v22  }
0x1eb: {  	v20 =	vld [tilespmem:$0xC20];
	[tilespmem:$0x11B0] =	vst v2;
	v1 =	vor.u32 v29, v30;
	v2 =	vand.u32 $0x3, v31;
	v43 =	vshll.u32 v33, $0x2  }
0x1ec: {  	[tilespmem:$0x1100] =	vst v16;
	v47 =	vshll.u32 v37, $0x2;
	v49 =	vshll.u32 v39, $0x2;
	v51 =	vand.u32 $0xFFFF0000, v39  }
0x1ed: {  	[tilespmem:$0x1110] =	vst v15;
	v52 =	vshrl.u32 v39, $0xE;
	v10 =	vand.u32 $0xFFFC, v53;
	v7 =	vand.u32 $0x3, v7  }
0x1ee: {  	[tilespmem:$0x10F0] =	vst v14;
	v50 =	vld [tilespmem:$0xBD0];
	v25 =	vor.u32 v24, v11;
	v1 =	vor.u32 v2, v1;
	v39 =	vshll.u32 v28, $0x2  }
0x1ef: {  	[tilespmem:$0x11E0] =	vst v5;
	v5 =	vand.u32 $0xFFFC, v43;
	v8 =	vand.u32 $0xFFFC, v49;
	v10 =	vor.u32 v55, v10  }
0x1f0: {  	[tilespmem:$0x1190] =	vst v0;
	v0 =	vor.u32 v26, v25;
	v32 =	vshll.u32 v20, $0x2;
	v34 =	vand.u32 $0xFFFF0000, v20  }
0x1f1: {  	[tilespmem:$0x1120] =	vst v17;
	v35 =	vshrl.u32 v20, $0xE;
	v4 =	vor.u32 v45, v5;
	v49 =	vand.u32 $0xFFFF0000, v37  }
0x1f2: {  	[tilespmem:$0x11C0] =	vst v3;
	v5 =	vand.u32 $0x3, v46;
	v6 =	vor.u32 v51, v8;
	v8 =	vand.u32 $0x3, v52  }
0x1f3: {  	[tilespmem:$0x11D0] =	vst v44;
	v44 =	vld [tilespmem:$0xC60];
	v7 =	vor.u32 v7, v10;
	v57 =	vshll.u32 v50, $0x2;
	v58 =	vand.u32 $0xFFFF0000, v50  }
0x1f4: {  	[tilespmem:$0x1180] =	vst v23;
	v9 =	vshrl.u32 v50, $0xE;
	v10 =	vand.u32 $0xFFFC, v59;
	v11 =	vand.u32 $0xFFFC, v32  }
0x1f5: {  	[tilespmem:$0x1230] =	vst v21;
	v36 =	vand.u32 $0x3, v35;
	v50 =	vshrl.u32 v37, $0xE;
	v53 =	vor.u32 v5, v4  }
0x1f6: {  	v48 =	vld [tilespmem:$0xC70];
	[tilespmem:$0x1250] =	vst v1;
	v6 =	vor.u32 v8, v6;
	v8 =	vand.u32 $0xFFFC, v57;
	v9 =	vand.u32 $0x3, v9  }
0x1f7: {  	v3 =	vor.u32 v34, v11;
	[tilespmem:$0x1200] =	vst v7;
	v7 =	vand.u32 $0xFFFC, v47;
	v52 =	vand.u32 $0x3, v50  }
0x1f8: {  	[tilespmem:$0x1240] =	vst v0;
	v54 =	vshll.u32 v44, $0x2;
	v55 =	vand.u32 $0xFFFF0000, v44;
	v56 =	vshrl.u32 v44, $0xE  }
0x1f9: {  	[tilespmem:$0x1280] =	vst v53;
	v8 =	vor.u32 v58, v8;
	v38 =	vor.u32 v36, v3;
	v3 =	vand.u32 $0xFFFC, v39  }
0x1fa: {  	[tilespmem:$0x11F0] =	vst v6;
	v51 =	vor.u32 v49, v7;
	v4 =	vand.u32 $0xFFFC, v54;
	v57 =	vand.u32 $0x3, v56  }
0x1fb: {  	v58 =	vshll.u32 v48, $0x2;
	v59 =	vand.u32 $0xFFFF0000, v48;
	v8 =	vor.u32 v9, v8;
	[tilespmem:$0x1260] =	vst v38  }
0x1fc: {  	v9 =	vor.u32 v61, v10;
	v10 =	vand.u32 $0x3, v62;
	v0 =	vor.u32 v52, v51;
	[tilespmem:$0x1210] =	vst v8  }
0x1fd: {  	v60 =	vshrl.u32 v48, $0xE;
	v3 =	vor.u32 v40, v3;
	v9 =	vor.u32 v10, v9;
	[tilespmem:$0x1290] =	vst v0  }
0x1fe: {  	v2 =	vor.u32 v55, v4;
	v4 =	vand.u32 $0xFFFC, v58;
	v3 =	vor.u32 v42, v3;
	[tilespmem:$0x1220] =	vst v9  }
0x1ff: {  	v62 =	vand.u32 $0x3, v60;
	v61 =	vor.u32 v57, v2;
	v1 =	vor.u32 v59, v4;
	[tilespmem:$0x1270] =	vst v3  }
0x200: {  	p0 =	sne.s32 s21, $0xE;
	[tilespmem:$0x12A0] =	vst v61;
	v63 =	vor.u32 v62, v1  }
.Ltmp0:
0x201: {  	[tilespmem:$0x12B0] =	vst v63;
	(pc) =	sbr.rel @p0 .LBB2_2-.Ltmp0, $4  }
0x202: {  	[hbm4b:s18+s3] =	stream.linear.scatter [tilespmem:s14], [sflag:$0x3], $0x640, $0x38;
	[tilespmem:$0x12C0] =	vst v63  }
0x203: {  	_ =	swait.ge [sflag:s15], $0x640  }
0x204: {  	s19 =	sadd.s32 $0x8, s19;
	s21 =	sadd.s32 $0x2, s21;
	[sflag:s15] =	ssyncset.done $0x0  }
0x205: {  	s20 =	sadd.s32 $0x190, s20;
	s18 =	sadd.s32 $0x190, s18;
	[sflag:s15] =	ssyncadd.s32 $0xFFFFF9C0  }
0x206: {  	s17 =	sadd.s32 $0x1, s17  }
0x207: {  	p0 =	sne.s32 s17, s6  }
.Ltmp1:
0x208: {  	_ = 	snop;
	(pc) =	sbr.rel @p0 .LBB2_1-.Ltmp1, $4  }
0x209: {  	_ = 	snop  }
0x20a: {  	_ =	swait.ge [sflag:s13], $0x640  }
0x20b: {  	[sflag:s13] =	ssyncset.done $0x0  }
0x20c: {  	[sflag:s13] =	ssyncadd.s32 $0xFFFFF9C0  }
0x20d: {  	_ =	sfence.sel $0x180000  }
0x20e: {  	[bflag:$0x0] =	sbarrier.arrive $0xFFFF  }
0x20f: {  	p0 =	sne.s32 s2, $0x0;
	_ =	strace $0x90000047  }
0x210: {  	s0 =	sadd.s32 @!p0 $0x100000, s0;
	[bflag:$0x2] =	sbarrier.arrive $0xFFFF  }
0x211: {  	[sflag:s0] =	ssyncadd.tile.s32 @!p0 $0x1;
	_ =	shalt  }
.Lfunc_end2:
_tile_overlayer_lowered:
.L_overlay_start_2:
0x212: {  	(tag) =	ssettag $0x2  }
0x213: {  	s0 =	rddreg [dreg:$0x0];
	s2 =	stileid.u32  }
0x214: {  	s1 =	rddreg [dreg:$0x1];
	p0 =	sne.s32 s2, $0x0  }
0x215: {  	s3 =	rddreg [dreg:$0x2];
	[bflag:$0x3] =	sbarrier.arrive $0xFFFF;
	s2 =	simm.s32 @!p0 $0x1C03  }
0x216: {  	[timem:s3], [sflag:s2] =	dma.local @!p0 [hbm:s0], s1  }
0x217: {  	s0 =	simm.s32 @!p0 $0x3  }
0x218: {  	_ =	swait.ge @!p0 [sflag:s0], s1  }
0x219: {  	s1 =	ssub.s32 @!p0 $0x0, s1;
	[sflag:s0] =	ssyncset.done @!p0 $0x0  }
0x21a: {  	[sflag:s0] =	ssyncadd.s32 @!p0 s1  }
0x21b: {  	[bflag:$0x3] =	sbarrier.arrive $0xFFFF  }
0x21c: {  	_ =	shalt  }

</sc_bundles>
